<compile_context>
chip_gen: v7x
topology: tpu7x:2x2x1
jax: 0.10.2.dev20260603
libtpu: 0.0.44.dev20260713+nightly
codegen_flags: <defaults>
</compile_context>

<pallas_src>
import functools
import jax
import jax.numpy as jnp
from jax import lax
from jax.experimental import pallas as pl
from jax.experimental.pallas import tpu as pltpu, tpu_sc as plsc

NUM_GRAPHS = 16
NW = 32

_SC_PARAMS = pltpu.CompilerParams(
    needs_layout_passes=False, use_tc_tiling_on_sc=False)
_SC_MESH = plsc.VectorSubcoreMesh(core_axis_name="c", subcore_axis_name="s")


def _leaky(x):
  return jnp.where(x >= 0, x, 0.1 * x)


def _place16(s):
  r = lax.broadcasted_iota(jnp.int32, (16, 128), 0)
  p = lax.broadcasted_iota(jnp.int32, (16, 128), 1)
  return (p == s * 16 + r).astype(jnp.float32)


def _sel16(s):
  p = lax.broadcasted_iota(jnp.int32, (128, 16), 0)
  c = lax.broadcasted_iota(jnp.int32, (128, 16), 1)
  return (p == s * 16 + c).astype(jnp.float32)


def _node_mlp_body(x3_ref, w1_ref, b1_ref, w2p_ref, b2_ref, o_ref):
  acc = None
  for s in range(8):
    h = jnp.dot(x3_ref[:, s, :], w1_ref[...],
                preferred_element_type=jnp.float32)
    h = _leaky(h + b1_ref[...])
    y = jnp.dot(h, w2p_ref[...], preferred_element_type=jnp.float32)
    y = jnp.dot(y, _place16(s), preferred_element_type=jnp.float32)
    acc = y if acc is None else acc + y
  o_ref[...] = acc + b2_ref[...]


def _node_mlp(x3, Wn1, bn1, Wn2p, bn2r, npad, blkg):
  ng = npad // 8
  grid = ng // blkg
  return pl.pallas_call(
      _node_mlp_body,
      grid=(grid,),
      in_specs=[
          pl.BlockSpec((blkg, 8, 128), lambda i: (i, 0, 0)),
          pl.BlockSpec((128, 128), lambda i: (0, 0)),
          pl.BlockSpec((1, 128), lambda i: (0, 0)),
          pl.BlockSpec((128, 16), lambda i: (0, 0)),
          pl.BlockSpec((1, 128), lambda i: (0, 0)),
      ],
      out_specs=pl.BlockSpec((blkg, 128), lambda i: (i, 0)),
      out_shape=jax.ShapeDtypeStruct((ng, 128), jnp.float32),
  )(x3, Wn1, bn1, Wn2p, bn2r)


def _make_first3_local(E, npad):
  ew = E // NW
  tcols = E // 128
  ntl = ew // 128 + 2

  def body(ei_hbm, cnt_hbm, slots_hbm, ei_v, cnt_v, slots_v):
    cid = lax.axis_index("c")
    sid = lax.axis_index("s")
    w = sid * 2 + cid
    a = w * ew
    ta = jnp.minimum(a // 128, tcols - ntl)
    pltpu.sync_copy(ei_hbm.at[pl.ds(ta * 256, ntl * 256)], ei_v)

    def zero_body(i, _):
      cnt_v[pl.ds(i * 16, 16)] = jnp.zeros((16,), jnp.int32)
      return 0
    lax.fori_loop(0, npad // 16, zero_body, 0)

    iota = lax.iota(jnp.int32, 16)

    def scan_body(kv, _):
      pos = kv * 16 + (kv // 8) * 128
      s = ei_v[pl.ds(pos, 16)]
      eid = ta * 128 + kv * 16 + iota
      valid = (eid >= a) & (eid < a + ew)
      cnt1, last = plsc.scan_count(s, mask=valid)
      prior = plsc.load_gather(cnt_v, [s])
      r = prior + cnt1 - 1
      slot = s * 3 + jnp.minimum(jnp.maximum(r, 0), 2)
      plsc.store_scatter(slots_v, [slot], eid, mask=valid & (r < 3))
      plsc.store_scatter(cnt_v, [s], prior + cnt1, mask=last & valid)
      return 0
    lax.fori_loop(0, ntl * 8, scan_body, 0)

    pltpu.sync_copy(cnt_v, cnt_hbm.at[w])
    pltpu.sync_copy(slots_v, slots_hbm.at[w])

  return pl.kernel(
      body,
      out_type=(jax.ShapeDtypeStruct((NW, npad), jnp.int32),
                jax.ShapeDtypeStruct((NW, 3 * npad), jnp.int32)),
      mesh=_SC_MESH,
      compiler_params=_SC_PARAMS,
      scratch_types=[
          pltpu.VMEM((ntl * 256,), jnp.int32),
          pltpu.VMEM((npad,), jnp.int32),
          pltpu.VMEM((3 * npad,), jnp.int32),
      ])


def _make_merge_gather(E, npad):
  npw = npad // NW
  tcols = E // 128

  def body(cnt_hbm, slots_hbm, eif_hbm, ea_hbm, nf_hbm,
           packed_out, cnt_out,
           loc_cnt, loc_slots, cm_v, m0_v, m1_v, m2_v, nb3_v, rows3_v,
           pk_v, idx_v, ev_v, sem, sem2):
    cid = lax.axis_index("c")
    sid = lax.axis_index("s")
    wid = sid * 2 + cid
    nbase = wid * npw

    c1 = pltpu.async_copy(cnt_hbm.at[:, pl.ds(nbase, npw)], loc_cnt, sem)
    c2 = pltpu.async_copy(slots_hbm.at[:, pl.ds(3 * nbase, 3 * npw)],
                          loc_slots, sem)
    c1.wait()
    c2.wait()

    iota = lax.iota(jnp.int32, 16)
    zero = jnp.zeros((16,), jnp.int32)

    def merge_body(nv, _):
      nloc3 = (nv * 16 + iota) * 3

      def m_cond(st):
        w, cnt = st[0], st[1]
        return (w < NW) & (jnp.min(cnt) < 3)

      def m_one(w, cnt, mm0, mm1, mm2):
        c = loc_cnt[w, pl.ds(nv * 16, 16)]
        wv = jnp.full((16,), 0, jnp.int32) + w
        b0 = plsc.load_gather(loc_slots, [wv, nloc3])
        b1 = plsc.load_gather(loc_slots, [wv, nloc3 + 1])
        b2 = plsc.load_gather(loc_slots, [wv, nloc3 + 2])
        ce = jnp.minimum(c, 3)
        f0 = cnt == 0
        f1 = cnt == 1
        f2 = cnt == 2
        mm0 = jnp.where(f0 & (ce >= 1), b0, mm0)
        mm1 = jnp.where(f0 & (ce >= 2), b1,
                        jnp.where(f1 & (ce >= 1), b0, mm1))
        mm2 = jnp.where(f0 & (ce >= 3), b2,
                        jnp.where(f1 & (ce >= 2), b1,
                                  jnp.where(f2 & (ce >= 1), b0, mm2)))
        return jnp.minimum(cnt + ce, 3), mm0, mm1, mm2

      def m_step(st):
        w, cnt, mm0, mm1, mm2 = st
        cnt, mm0, mm1, mm2 = m_one(w, cnt, mm0, mm1, mm2)
        cnt, mm0, mm1, mm2 = m_one(w + 1, cnt, mm0, mm1, mm2)
        return (w + 2, cnt, mm0, mm1, mm2)

      _, cnt, mm0, mm1, mm2 = lax.while_loop(
          m_cond, m_step, (jnp.int32(0), zero, zero, zero, zero))
      fb = nbase + nv * 16 + iota
      sl = pl.ds(nv * 16, 16)
      m0_v[sl] = jnp.where(cnt >= 1, mm0, fb)
      m1_v[sl] = jnp.where(cnt >= 2, mm1, fb)
      m2_v[sl] = jnp.where(cnt >= 3, mm2, fb)
      cm_v[sl] = cnt
      return 0
    lax.fori_loop(0, npw // 16, merge_body, 0)

    zeros16f = jnp.zeros((16,), jnp.float32)
    mvs = (m0_v, m1_v, m2_v)

    own = pltpu.async_copy(nf_hbm.at[pl.ds(nbase, npw)],
                           rows3_v.at[pl.ds(0, npw)], sem)

    for j, m_v in enumerate(mvs):
      def gidx_body(t, _):
        m = m_v[pl.ds(t * 16, 16)]
        g = lax.shift_right_logical(m, 7) * 1024 + (m & 127)
        for c in range(16):
          fc = (c // 8) * (tcols * 1024) + (c % 8) * 128
          idx_v[pl.ds((j * 16 + c) * npw + t * 16, 16)] = g + fc
        return 0
      lax.fori_loop(0, npw // 16, gidx_body, 0)
    ea_cp = pltpu.async_copy(ea_hbm.at[idx_v], ev_v, sem2)

    d_cps = []
    for j, m_v in enumerate(mvs):
      def didx_body(t, _):
        m = m_v[pl.ds(t * 16, 16)]
        m_v[pl.ds(t * 16, 16)] = (
            lax.shift_right_logical(m, 7) * 256 + 128 + (m & 127))
        return 0
      lax.fori_loop(0, npw // 16, didx_body, 0)
      d_cps.append(pltpu.async_copy(eif_hbm.at[m_v],
                                    nb3_v.at[pl.ds(j * npw, npw)], sem))

    own.wait()

    def own_body(t8, _):
      for u in range(8):
        t = t8 * 8 + u
        pk_v[t, pl.ds(96, 16)] = rows3_v[t, pl.ds(0, 16)]
        pk_v[t, pl.ds(112, 16)] = zeros16f
      return 0
    lax.fori_loop(0, npw // 8, own_body, 0)

    n_cps = []
    for j in range(3):
      d_cps[j].wait()
      n_cps.append(pltpu.async_copy(
          nf_hbm.at[nb3_v.at[pl.ds(j * npw, npw)]],
          rows3_v.at[pl.ds(j * npw, npw)], sem))

    ea_cp.wait()
    for j in range(3):
      def esc_body(t, _):
        rows = t * 16 + iota
        for c in range(16):
          v = ev_v[pl.ds((j * 16 + c) * npw + t * 16, 16)]
          plsc.store_scatter(pk_v, [rows, jnp.full((16,), j * 16 + c,
                                                   jnp.int32)], v)
        return 0
      lax.fori_loop(0, npw // 16, esc_body, 0)

    for j in range(3):
      n_cps[j].wait()

      def nfc_body(t8, _):
        for u in range(8):
          t = t8 * 8 + u
          pk_v[t, pl.ds(48 + j * 16, 16)] = rows3_v[j * npw + t, pl.ds(0, 16)]
        return 0
      lax.fori_loop(0, npw // 8, nfc_body, 0)

    pltpu.sync_copy(pk_v, packed_out.at[pl.ds(nbase, npw)])
    pltpu.sync_copy(cm_v, cnt_out.at[pl.ds(nbase, npw)])

  return pl.kernel(
      body,
      out_type=(jax.ShapeDtypeStruct((npad, 128), jnp.float32),
                jax.ShapeDtypeStruct((npad,), jnp.int32)),
      mesh=_SC_MESH,
      compiler_params=_SC_PARAMS,
      scratch_types=[
          pltpu.VMEM((NW, npw), jnp.int32),
          pltpu.VMEM((NW, 3 * npw), jnp.int32),
          pltpu.VMEM((npw,), jnp.int32),
          pltpu.VMEM((npw,), jnp.int32),
          pltpu.VMEM((npw,), jnp.int32),
          pltpu.VMEM((npw,), jnp.int32),
          pltpu.VMEM((3 * npw,), jnp.int32),
          pltpu.VMEM((3 * npw, 16), jnp.float32),
          pltpu.VMEM((npw, 128), jnp.float32),
          pltpu.VMEM((48 * npw,), jnp.int32),
          pltpu.VMEM((48 * npw,), jnp.float32),
          pltpu.SemaphoreType.DMA,
          pltpu.SemaphoreType.DMA,
      ])


def _tail_body(pk_ref, cnt_ref, bat_ref,
               We1_ref, be1_ref, We2p_ref, be2p_ref,
               Wm1ap_ref, Wm1bp_ref, bm1_ref, Wm2p_ref, bm2p3_ref,
               Wu1ap_ref, Wu1bp_ref, bu1_ref, Wu2p_ref, bu2p_ref,
               Wh1p_ref, bh1_ref, Wh2_ref, bh2_ref,
               o_ref, acc_ref):
  i = pl.program_id(0)
  n = pl.num_programs(0)

  pk = pk_ref[...]
  s_msg = None
  for j in range(3):
    e_j = jnp.dot(pk, _sel16(j), preferred_element_type=jnp.float32)
    nf_j = jnp.dot(pk, _sel16(3 + j), preferred_element_type=jnp.float32)
    he = _leaky(jnp.dot(e_j, We1_ref[...],
                        preferred_element_type=jnp.float32) + be1_ref[...])
    ef = jnp.dot(he, We2p_ref[...],
                 preferred_element_type=jnp.float32) + be2p_ref[...]
    pre = (jnp.dot(ef, Wm1ap_ref[...], preferred_element_type=jnp.float32)
           + jnp.dot(nf_j, Wm1bp_ref[...],
                     preferred_element_type=jnp.float32) + bm1_ref[...])
    lj = _leaky(pre)
    s_msg = lj if s_msg is None else s_msg + lj
  aggr = jnp.dot(s_msg, Wm2p_ref[...],
                 preferred_element_type=jnp.float32) + bm2p3_ref[...]

  nf0 = jnp.dot(pk, _sel16(6), preferred_element_type=jnp.float32)
  hu = _leaky(jnp.dot(nf0, Wu1ap_ref[...], preferred_element_type=jnp.float32)
              + jnp.dot(aggr, Wu1bp_ref[...],
                        preferred_element_type=jnp.float32) + bu1_ref[...])
  nc = jnp.dot(hu, Wu2p_ref[...],
               preferred_element_type=jnp.float32) + bu2p_ref[...]
  valid = cnt_ref[...] >= 3
  nf_final = nf0 + jnp.where(valid, nc, 0.0)

  gids = lax.broadcasted_iota(jnp.int32, (1, NUM_GRAPHS), 1)
  oh = (bat_ref[...] == gids).astype(jnp.float32)
  seg = lax.dot_general(oh, nf_final, (((0,), (0,)), ((), ())),
                        preferred_element_type=jnp.float32)

  @pl.when(i == 0)
  def _():
    acc_ref[...] = jnp.zeros_like(acc_ref)
  acc_ref[...] += seg

  @pl.when(i == n - 1)
  def _():
    hh = _leaky(jnp.dot(acc_ref[...], Wh1p_ref[...],
                        preferred_element_type=jnp.float32) + bh1_ref[...])
    o_ref[...] = jnp.dot(hh, Wh2_ref[...],
                         preferred_element_type=jnp.float32) + bh2_ref[...]


def _tail(packed, cnt2d, bat2d, weights, npad, blk):
  grid = npad // blk
  full = lambda shape: pl.BlockSpec(shape, lambda i: tuple(0 for _ in shape))
  in_specs = [
      pl.BlockSpec((blk, 128), lambda i: (i, 0)),
      pl.BlockSpec((blk, 1), lambda i: (i, 0)),
      pl.BlockSpec((blk, 1), lambda i: (i, 0)),
      full((16, 128)), full((1, 128)), full((128, 16)), full((1, 16)),
      full((16, 128)), full((16, 128)), full((1, 128)),
      full((128, 16)), full((1, 16)),
      full((16, 128)), full((16, 128)), full((1, 128)),
      full((128, 16)), full((1, 16)),
      full((16, 128)), full((1, 128)), full((128, 2)), full((1, 2)),
  ]
  return pl.pallas_call(
      _tail_body,
      grid=(grid,),
      in_specs=in_specs,
      out_specs=pl.BlockSpec((NUM_GRAPHS, 2), lambda i: (0, 0)),
      out_shape=jax.ShapeDtypeStruct((NUM_GRAPHS, 2), jnp.float32),
      scratch_shapes=[pltpu.VMEM((NUM_GRAPHS, 16), jnp.float32)],
  )(packed, cnt2d, bat2d, *weights)


def kernel(node_feat, edge_attr, edge_index, batch,
           Wn1, bn1, Wn2, bn2, We1, be1, We2, be2,
           Wm1, bm1, Wm2, bm2, Wu1, bu1, Wu2, bu2,
           Wh1, bh1, Wh2, bh2):
  N, DF = node_feat.shape
  E = edge_attr.shape[0]
  npad = ((N + NW * 16 - 1) // (NW * 16)) * (NW * 16)
  blk = 1024
  tcols = E // 128

  node_feat_pad = jnp.pad(node_feat.astype(jnp.float32),
                          ((0, npad - N), (0, 0)))
  x3 = node_feat_pad.reshape(npad // 8, 8, 128)
  bat2d = jnp.pad(batch.astype(jnp.int32), (0, npad - N),
                  constant_values=NUM_GRAPHS).reshape(npad, 1)

  ea_lin = (edge_attr.astype(jnp.float32).T
            .reshape(2, 8, tcols, 128)
            .transpose(0, 2, 1, 3)
            .reshape(E * 16))
  ei_flat = edge_index.reshape(2, tcols, 128).transpose(1, 0, 2).reshape(2 * E)

  f32 = jnp.float32
  Wn2p = jnp.zeros((128, 16), f32).at[:, :3].set(Wn2)
  bn2r = jnp.tile(jnp.zeros((16,), f32).at[:3].set(bn2), 8).reshape(1, 128)
  We2p = jnp.zeros((128, 16), f32).at[:, :3].set(We2)
  be2p = jnp.zeros((1, 16), f32).at[0, :3].set(be2)
  Wm1ap = jnp.zeros((16, 128), f32).at[:3].set(Wm1[:3])
  Wm1bp = jnp.zeros((16, 128), f32).at[:3].set(Wm1[3:6])
  Wm2p = jnp.zeros((128, 16), f32).at[:, :2].set(Wm2)
  bm2p3 = jnp.zeros((1, 16), f32).at[0, :2].set(3.0 * bm2)
  Wu1ap = jnp.zeros((16, 128), f32).at[:3].set(Wu1[:3])
  Wu1bp = jnp.zeros((16, 128), f32).at[:2].set(Wu1[3:5])
  Wu2p = jnp.zeros((128, 16), f32).at[:, :3].set(Wu2)
  bu2p = jnp.zeros((1, 16), f32).at[0, :3].set(bu2)
  Wh1p = jnp.zeros((16, 128), f32).at[:3].set(Wh1)

  nf128 = _node_mlp(x3, Wn1, bn1.reshape(1, 128), Wn2p, bn2r, npad,
                    npad // 8)
  nf_lin = nf128.reshape(npad, 16)

  cnt_loc, slots_loc = _make_first3_local(E, npad)(ei_flat)
  packed, cntm = _make_merge_gather(E, npad)(
      cnt_loc, slots_loc, ei_flat, ea_lin, nf_lin)

  weights = (We1, be1.reshape(1, 128), We2p, be2p,
             Wm1ap, Wm1bp, bm1.reshape(1, 128), Wm2p, bm2p3,
             Wu1ap, Wu1bp, bu1.reshape(1, 128), Wu2p, bu2p,
             Wh1p, bh1.reshape(1, 128), Wh2, bh2.reshape(1, 2))
  return _tail(packed, cntm.reshape(npad, 1), bat2d, weights, npad, blk)

# --- scband reference (transcript-rebuilt; emitter-appended) ---
"""Pipeline reference for scband-handcraft-gnn-44272522887299 (READ-ONLY COPY).

The authoritative reference and input builder live on the scoring server;
editing this copy changes nothing except your own understanding.
"""

import jax, jax.numpy as jnp
import numpy as np

G = 4  # graphlet_size
NUM_GRAPHS = 16

def _mlp(x, W1, b1, W2, b2):
    # MLP([in, hidden, out], act=LeakyReLU(0.1), norm=None, dropout=0.2) in eval mode
    h = jnp.dot(x, W1) + b1
    h = jax.nn.leaky_relu(h, negative_slope=0.1)
    return jnp.dot(h, W2) + b2

def _star_subgraph(src, dst, num_nodes, g):
    # deterministic star_subgraph: for each node with out-degree >= g-1,
    # take its first g-1 out-edges (edge order) -> sub = [center, n1, .., n_{g-1}]
    order = jnp.argsort(src, stable=True)
    src_s = src[order]
    dst_s = dst[order]
    counts = jnp.bincount(src_s, length=num_nodes)
    starts = jnp.cumsum(counts) - counts
    mask = counts >= (g - 1)
    num_edges = src.shape[0]
    pos = starts[:, None] + jnp.arange(g - 1)[None, :]
    pos = jnp.clip(pos, 0, num_edges - 1)
    neighbors = dst_s[pos]          # [N, g-1]
    edge_ids = order[pos]           # [N, g-1] index into original edge list (idx_dict lookup)
    return mask, neighbors, edge_ids

def setup_inputs(seed: int = 0):
    key = jax.random.key(seed)
    N, E, DF, DE = 10000, 320000, 128, 16
    def k(i):
        return jax.random.fold_in(key, i)
    def w(i, shape):
        return jax.random.normal(k(i), shape, dtype=jnp.float32) / np.sqrt(shape[0])
    inp = {
        'node_feat': jax.random.normal(k(0), (N, DF), dtype=jnp.float32),
        'edge_attr': jax.random.normal(k(1), (E, DE), dtype=jnp.float32),
        'edge_index': jax.random.randint(k(2), (2, E), 0, N, dtype=jnp.int32),
        'batch': jnp.sort(jax.random.randint(k(3), (N,), 0, NUM_GRAPHS, dtype=jnp.int32)),
        'Wn1': w(4, (DF, 128)), 'bn1': jnp.zeros((128,), jnp.float32),
        'Wn2': w(5, (128, 3)),  'bn2': jnp.zeros((3,), jnp.float32),
        'We1': w(6, (DE, 128)), 'be1': jnp.zeros((128,), jnp.float32),
        'We2': w(7, (128, 3)),  'be2': jnp.zeros((3,), jnp.float32),
        'Wm1': w(8, (6, 128)),  'bm1': jnp.zeros((128,), jnp.float32),
        'Wm2': w(9, (128, 2)),  'bm2': jnp.zeros((2,), jnp.float32),
        'Wu1': w(10, (5, 128)), 'bu1': jnp.zeros((128,), jnp.float32),
        'Wu2': w(11, (128, 3)), 'bu2': jnp.zeros((3,), jnp.float32),
        'Wh1': w(12, (3, 128)), 'bh1': jnp.zeros((128,), jnp.float32),
        'Wh2': w(13, (128, 2)), 'bh2': jnp.zeros((2,), jnp.float32),
    }
    return inp

def reference(node_feat, edge_attr, edge_index, batch,
              Wn1, bn1, Wn2, bn2, We1, be1, We2, be2,
              Wm1, bm1, Wm2, bm2, Wu1, bu1, Wu2, bu2,
              Wh1, bh1, Wh2, bh2):
    num_nodes = node_feat.shape[0]
    src = edge_index[0]
    dst = edge_index[1]
    center_mask, neighbors, edge_ids = _star_subgraph(src, dst, num_nodes, G)

    node_features = _mlp(node_feat.astype(jnp.float32), Wn1, bn1, Wn2, bn2)  # [N, 3]
    edge_features = _mlp(edge_attr.astype(jnp.float32), We1, be1, We2, be2)  # [E, 3]

    # hop_neighbor = 1 -> single message-passing layer (vectorized over subgraphs)
    n_feat = node_features[neighbors]                 # [N, g-1, 3] gather
    e_feat = edge_features[edge_ids]                  # [N, g-1, 3] gather
    inputs = jnp.concatenate([e_feat, n_feat], axis=-1)  # [N, g-1, 6]
    all_msg = _mlp(inputs, Wm1, bm1, Wm2, bm2)        # [N, g-1, 2]
    aggr = jnp.sum(all_msg, axis=1)                   # [N, 2]
    upd_in = jnp.concatenate([node_features, aggr], axis=-1)  # [N, 5]
    new_center = _mlp(upd_in, Wu1, bu1, Wu2, bu2)     # [N, 3]
    updates_node = jnp.where(center_mask[:, None], new_center,
                             jnp.zeros_like(new_center))
    node_features = updates_node + node_features

    graph_embedding = jax.ops.segment_sum(node_features, jnp.asarray(batch), num_segments=NUM_GRAPHS)
    return _mlp(graph_embedding, Wh1, bh1, Wh2, bh2)  # [16, 2]

if __name__ == "__main__":
    import jax
    _d = setup_inputs()
    print(jax.jit(kernel)(*tuple(_d.values())))

</pallas_src>

<mosaic_0001>
#map = affine_map<(d0, d1) -> (0, 0)>
#map1 = affine_map<(d0, d1) -> (0)>
module attributes {stable_mosaic.version = 14 : i64} {
  func.func @body(%arg0: i32, %arg1: i32, %arg2: memref<32x10240xi32, #tpu.memory_space<hbm>>, %arg3: memref<32x30720xi32, #tpu.memory_space<hbm>>, %arg4: memref<640000xi32, #tpu.memory_space<hbm>>, %arg5: memref<5120000xf32, #tpu.memory_space<hbm>>, %arg6: memref<10240x16xf32, #tpu.memory_space<hbm>>, %arg7: memref<10240x128xf32, #tpu.memory_space<hbm>>, %arg8: memref<10240xi32, #tpu.memory_space<hbm>>, %arg9: memref<32x320xi32, #tpu.memory_space<vmem>>, %arg10: memref<32x960xi32, #tpu.memory_space<vmem>>, %arg11: memref<320xi32, #tpu.memory_space<vmem>>, %arg12: memref<320xi32, #tpu.memory_space<vmem>>, %arg13: memref<320xi32, #tpu.memory_space<vmem>>, %arg14: memref<320xi32, #tpu.memory_space<vmem>>, %arg15: memref<960xi32, #tpu.memory_space<vmem>>, %arg16: memref<960x16xf32, #tpu.memory_space<vmem>>, %arg17: memref<320x128xf32, #tpu.memory_space<vmem>>, %arg18: memref<15360xi32, #tpu.memory_space<vmem>>, %arg19: memref<15360xf32, #tpu.memory_space<vmem>>, %arg20: memref<!tpu.dma_semaphore, #tpu.memory_space<semaphore_mem>>, %arg21: memref<!tpu.dma_semaphore, #tpu.memory_space<semaphore_mem>>) attributes {dimension_semantics = [#tpu.dimension_semantics<core_parallel>, #tpu.dimension_semantics<subcore_parallel>], iteration_bounds = array<i64: 2, 16>, scalar_prefetch = 0 : i64, scratch_operands = 13 : i64, tpu.core_type = #tpu.core_type<sc_vector_subcore>, window_params = [{transform_indices = #map}, {transform_indices = #map}, {transform_indices = #map1}, {transform_indices = #map1}, {transform_indices = #map}, {transform_indices = #map}, {transform_indices = #map1}]} {
    %mul3A = arith.constant 2 : i32
    %mul3A_0 = arith.muli %arg1, %mul3A : i32
    %add3A = arith.addi %mul3A_0, %arg0 : i32
    %mul3A_1 = arith.constant 320 : i32
    %mul3A_2 = arith.muli %add3A, %mul3A_1 : i32
    %dma_start3A = arith.constant 0 : i32
    %dma_start3A_3 = tpu.memref_slice %arg2[%dma_start3A, %mul3A_2] : memref<32x10240xi32, #tpu.memory_space<hbm>> -> memref<32x320xi32, #tpu.memory_space<hbm>>
    %dma_start3A_4 = arith.constant 0 : i32
    %dma_start3A_5 = tpu.memref_slice %arg2[%dma_start3A_4, %mul3A_2] : memref<32x10240xi32, #tpu.memory_space<hbm>> -> memref<32x320xi32, #tpu.memory_space<hbm>>
    tpu.enqueue_dma source(%dma_start3A_5 : memref<32x320xi32, #tpu.memory_space<hbm>>) target(%arg9 : memref<32x320xi32, #tpu.memory_space<vmem>>) target_semaphore(%arg20 : memref<!tpu.dma_semaphore, #tpu.memory_space<semaphore_mem>>)
    %mul3A_6 = arith.constant 3 : i32
    %mul3A_7 = arith.muli %mul3A_6, %mul3A_2 : i32
    %dma_start3A_8 = arith.constant 0 : i32
    %dma_start3A_9 = tpu.memref_slice %arg3[%dma_start3A_8, %mul3A_7] : memref<32x30720xi32, #tpu.memory_space<hbm>> -> memref<32x960xi32, #tpu.memory_space<hbm>>
    %dma_start3A_10 = arith.constant 0 : i32
    %dma_start3A_11 = tpu.memref_slice %arg3[%dma_start3A_10, %mul3A_7] : memref<32x30720xi32, #tpu.memory_space<hbm>> -> memref<32x960xi32, #tpu.memory_space<hbm>>
    tpu.enqueue_dma source(%dma_start3A_11 : memref<32x960xi32, #tpu.memory_space<hbm>>) target(%arg10 : memref<32x960xi32, #tpu.memory_space<vmem>>) target_semaphore(%arg20 : memref<!tpu.dma_semaphore, #tpu.memory_space<semaphore_mem>>)
    %dma_wait3A = arith.constant 0 : i32
    %dma_wait3A_12 = tpu.memref_slice %arg2[%dma_wait3A, %mul3A_2] : memref<32x10240xi32, #tpu.memory_space<hbm>> -> memref<32x320xi32, #tpu.memory_space<hbm>>
    %dma_wait3A_13 = arith.constant 0 : i32
    %dma_wait3A_14 = tpu.memref_slice %arg2[%dma_wait3A_13, %mul3A_2] : memref<32x10240xi32, #tpu.memory_space<hbm>> -> memref<32x320xi32, #tpu.memory_space<hbm>>
    tpu.wait_dma2 semaphore(%arg20 : memref<!tpu.dma_semaphore, #tpu.memory_space<semaphore_mem>>) src(%dma_wait3A_14 : memref<32x320xi32, #tpu.memory_space<hbm>>) dst(%arg9 : memref<32x320xi32, #tpu.memory_space<vmem>>)
    %dma_wait3A_15 = arith.constant 0 : i32
    %dma_wait3A_16 = tpu.memref_slice %arg3[%dma_wait3A_15, %mul3A_7] : memref<32x30720xi32, #tpu.memory_space<hbm>> -> memref<32x960xi32, #tpu.memory_space<hbm>>
    %dma_wait3A_17 = arith.constant 0 : i32
    %dma_wait3A_18 = tpu.memref_slice %arg3[%dma_wait3A_17, %mul3A_7] : memref<32x30720xi32, #tpu.memory_space<hbm>> -> memref<32x960xi32, #tpu.memory_space<hbm>>
    tpu.wait_dma2 semaphore(%arg20 : memref<!tpu.dma_semaphore, #tpu.memory_space<semaphore_mem>>) src(%dma_wait3A_18 : memref<32x960xi32, #tpu.memory_space<hbm>>) dst(%arg10 : memref<32x960xi32, #tpu.memory_space<vmem>>)
    %iota3A = tpu.iota {dimensions = array<i32: 0>} : vector<16xi32>
    %broadcast_in_dim3A = arith.constant 0 : i32
    %broadcast_in_dim3A_19 = vector.broadcast %broadcast_in_dim3A : i32 to vector<16xi32>
    %scan3A = arith.constant 0 : i32
    %scan3A_20 = arith.constant 0 : i32
    %scan3A_21 = arith.constant 20 : i32
    %scan3A_22 = arith.addi %scan3A_20, %scan3A_21 : i32
    %scan3A_23 = arith.constant 1 : i32
    %scan3A_24 = scf.for %scan3A_215 = %scan3A_20 to %scan3A_22 step %scan3A_23 iter_args(%scan3A_216 = %scan3A) -> (i32)  : i32 {
      %mul3A_217 = arith.constant 16 : i32
      %mul3A_218 = arith.muli %scan3A_215, %mul3A_217 : i32
      %add3A_219 = vector.broadcast %mul3A_218 : i32 to vector<16xi32>
      %add3A_220 = arith.addi %add3A_219, %iota3A : vector<16xi32>
      %mul3A_221 = arith.constant 3 : i32
      %mul3A_222 = vector.broadcast %mul3A_221 : i32 to vector<16xi32>
      %mul3A_223 = arith.muli %add3A_220, %mul3A_222 : vector<16xi32>
      %while3A = arith.constant 0 : i32
      %while3A_224:5 = scf.while (%while3A_250 = %while3A, %while3A_251 = %broadcast_in_dim3A_19, %while3A_252 = %broadcast_in_dim3A_19, %while3A_253 = %broadcast_in_dim3A_19, %while3A_254 = %broadcast_in_dim3A_19) : (i32, vector<16xi32>, vector<16xi32>, vector<16xi32>, vector<16xi32>) -> (i32, vector<16xi32>, vector<16xi32>, vector<16xi32>, vector<16xi32>) {
        %lt3A = arith.constant 32 : i32
        %lt3A_255 = arith.cmpi slt, %while3A_250, %lt3A : i32
        %reduce_min3A = arith.constant true
        %reduce_min3A_256 = vector.broadcast %reduce_min3A : i1 to vector<16xi1>
        %reduce_min3A_257 = arith.constant -2147483648 : i32
        %reduce_min3A_258 = vector.broadcast %reduce_min3A_257 : i32 to vector<16xi32>
        %reduce_min3A_259 = arith.xori %while3A_251, %reduce_min3A_258 : vector<16xi32>
        %reduce_min3A_260 = tpu.scan <min>, %reduce_min3A_259 masked %reduce_min3A_256 : vector<16xi32>, vector<16xi1> -> vector<16xi32>
        %reduce_min3A_261 = arith.xori %reduce_min3A_260, %reduce_min3A_258 : vector<16xi32>
        %reduce_min3A_262 = vector.extract %reduce_min3A_261[15] : i32 from vector<16xi32>
        %lt3A_263 = arith.constant 3 : i32
        %lt3A_264 = arith.cmpi slt, %reduce_min3A_262, %lt3A_263 : i32
        %and3A = arith.andi %lt3A_255, %lt3A_264 : i1
        scf.condition(%and3A) %while3A_250, %while3A_251, %while3A_252, %while3A_253, %while3A_254 : i32, vector<16xi32>, vector<16xi32>, vector<16xi32>, vector<16xi32>
      } do {
      ^bb0(%while3A_250: i32, %while3A_251: vector<16xi32>, %while3A_252: vector<16xi32>, %while3A_253: vector<16xi32>, %while3A_254: vector<16xi32>):
        %mul3A_255 = arith.constant 16 : i32
        %mul3A_256 = arith.muli %scan3A_215, %mul3A_255 : i32
        %get3A = arith.index_cast %while3A_250 : i32 to index
        %get3A_257 = arith.index_cast %mul3A_256 : i32 to index
        %get3A_258 = tpu.vector_load %arg9[%get3A, %get3A_257] {strides = array<i32>} : memref<32x320xi32, #tpu.memory_space<vmem>>, vector<16xi32>,
        %broadcast_in_dim3A_259 = arith.constant 0 : i32
        %broadcast_in_dim3A_260 = vector.broadcast %broadcast_in_dim3A_259 : i32 to vector<16xi32>
        %add3A_261 = vector.broadcast %while3A_250 : i32 to vector<16xi32>
        %add3A_262 = arith.addi %broadcast_in_dim3A_260, %add3A_261 : vector<16xi32>
        %gather3A = tpu.vector_load_idx %arg10[%add3A_262, %mul3A_223] : memref<32x960xi32, #tpu.memory_space<vmem>>[vector<16xi32>, vector<16xi32>], vector<16xi32>,
        %add3A_263 = arith.constant 1 : i32
        %add3A_264 = vector.broadcast %add3A_263 : i32 to vector<16xi32>
        %add3A_265 = arith.addi %mul3A_223, %add3A_264 : vector<16xi32>
        %gather3A_266 = tpu.vector_load_idx %arg10[%add3A_262, %add3A_265] : memref<32x960xi32, #tpu.memory_space<vmem>>[vector<16xi32>, vector<16xi32>], vector<16xi32>,
        %add3A_267 = arith.constant 2 : i32
        %add3A_268 = vector.broadcast %add3A_267 : i32 to vector<16xi32>
        %add3A_269 = arith.addi %mul3A_223, %add3A_268 : vector<16xi32>
        %gather3A_270 = tpu.vector_load_idx %arg10[%add3A_262, %add3A_269] : memref<32x960xi32, #tpu.memory_space<vmem>>[vector<16xi32>, vector<16xi32>], vector<16xi32>,
        %min3A = arith.constant 3 : i32
        %min3A_271 = vector.broadcast %min3A : i32 to vector<16xi32>
        %min3A_272 = arith.minsi %get3A_258, %min3A_271 : vector<16xi32>
        %eq3A = arith.constant 0 : i32
        %eq3A_273 = vector.broadcast %eq3A : i32 to vector<16xi32>
        %eq3A_274 = arith.cmpi eq, %while3A_251, %eq3A_273 : vector<16xi32>
        %eq3A_275 = arith.constant 1 : i32
        %eq3A_276 = vector.broadcast %eq3A_275 : i32 to vector<16xi32>
        %eq3A_277 = arith.cmpi eq, %while3A_251, %eq3A_276 : vector<16xi32>
        %eq3A_278 = arith.constant 2 : i32
        %eq3A_279 = vector.broadcast %eq3A_278 : i32 to vector<16xi32>
        %eq3A_280 = arith.cmpi eq, %while3A_251, %eq3A_279 : vector<16xi32>
        %ge3A_281 = arith.constant 1 : i32
        %ge3A_282 = vector.broadcast %ge3A_281 : i32 to vector<16xi32>
        %ge3A_283 = arith.cmpi sge, %min3A_272, %ge3A_282 : vector<16xi32>
        %and3A = arith.andi %eq3A_274, %ge3A_283 : vector<16xi1>
        %select_n3A_284 = arith.select %and3A, %gather3A, %while3A_252 : vector<16xi1>, vector<16xi32>
        %ge3A_285 = arith.constant 2 : i32
        %ge3A_286 = vector.broadcast %ge3A_285 : i32 to vector<16xi32>
        %ge3A_287 = arith.cmpi sge, %min3A_272, %ge3A_286 : vector<16xi32>
        %and3A_288 = arith.andi %eq3A_274, %ge3A_287 : vector<16xi1>
        %ge3A_289 = arith.constant 1 : i32
        %ge3A_290 = vector.broadcast %ge3A_289 : i32 to vector<16xi32>
        %ge3A_291 = arith.cmpi sge, %min3A_272, %ge3A_290 : vector<16xi32>
        %and3A_292 = arith.andi %eq3A_277, %ge3A_291 : vector<16xi1>
        %select_n3A_293 = arith.select %and3A_292, %gather3A, %while3A_253 : vector<16xi1>, vector<16xi32>
        %select_n3A_294 = arith.select %and3A_288, %gather3A_266, %select_n3A_293 : vector<16xi1>, vector<16xi32>
        %ge3A_295 = arith.constant 3 : i32
        %ge3A_296 = vector.broadcast %ge3A_295 : i32 to vector<16xi32>
        %ge3A_297 = arith.cmpi sge, %min3A_272, %ge3A_296 : vector<16xi32>
        %and3A_298 = arith.andi %eq3A_274, %ge3A_297 : vector<16xi1>
        %ge3A_299 = arith.constant 2 : i32
        %ge3A_300 = vector.broadcast %ge3A_299 : i32 to vector<16xi32>
        %ge3A_301 = arith.cmpi sge, %min3A_272, %ge3A_300 : vector<16xi32>
        %and3A_302 = arith.andi %eq3A_277, %ge3A_301 : vector<16xi1>
        %ge3A_303 = arith.constant 1 : i32
        %ge3A_304 = vector.broadcast %ge3A_303 : i32 to vector<16xi32>
        %ge3A_305 = arith.cmpi sge, %min3A_272, %ge3A_304 : vector<16xi32>
        %and3A_306 = arith.andi %eq3A_280, %ge3A_305 : vector<16xi1>
        %select_n3A_307 = arith.select %and3A_306, %gather3A, %while3A_254 : vector<16xi1>, vector<16xi32>
        %select_n3A_308 = arith.select %and3A_302, %gather3A_266, %select_n3A_307 : vector<16xi1>, vector<16xi32>
        %select_n3A_309 = arith.select %and3A_298, %gather3A_270, %select_n3A_308 : vector<16xi1>, vector<16xi32>
        %add3A_310 = arith.addi %while3A_251, %min3A_272 : vector<16xi32>
        %min3A_311 = arith.constant 3 : i32
        %min3A_312 = vector.broadcast %min3A_311 : i32 to vector<16xi32>
        %min3A_313 = arith.minsi %add3A_310, %min3A_312 : vector<16xi32>
        %add3A_314 = arith.constant 1 : i32
        %add3A_315 = arith.addi %while3A_250, %add3A_314 : i32
        %mul3A_316 = arith.constant 16 : i32
        %mul3A_317 = arith.muli %scan3A_215, %mul3A_316 : i32
        %get3A_318 = arith.index_cast %add3A_315 : i32 to index
        %get3A_319 = arith.index_cast %mul3A_317 : i32 to index
        %get3A_320 = tpu.vector_load %arg9[%get3A_318, %get3A_319] {strides = array<i32>} : memref<32x320xi32, #tpu.memory_space<vmem>>, vector<16xi32>,
        %broadcast_in_dim3A_321 = arith.constant 0 : i32
        %broadcast_in_dim3A_322 = vector.broadcast %broadcast_in_dim3A_321 : i32 to vector<16xi32>
        %add3A_323 = vector.broadcast %add3A_315 : i32 to vector<16xi32>
        %add3A_324 = arith.addi %broadcast_in_dim3A_322, %add3A_323 : vector<16xi32>
        %gather3A_325 = tpu.vector_load_idx %arg10[%add3A_324, %mul3A_223] : memref<32x960xi32, #tpu.memory_space<vmem>>[vector<16xi32>, vector<16xi32>], vector<16xi32>,
        %add3A_326 = arith.constant 1 : i32
        %add3A_327 = vector.broadcast %add3A_326 : i32 to vector<16xi32>
        %add3A_328 = arith.addi %mul3A_223, %add3A_327 : vector<16xi32>
        %gather3A_329 = tpu.vector_load_idx %arg10[%add3A_324, %add3A_328] : memref<32x960xi32, #tpu.memory_space<vmem>>[vector<16xi32>, vector<16xi32>], vector<16xi32>,
        %add3A_330 = arith.constant 2 : i32
        %add3A_331 = vector.broadcast %add3A_330 : i32 to vector<16xi32>
        %add3A_332 = arith.addi %mul3A_223, %add3A_331 : vector<16xi32>
        %gather3A_333 = tpu.vector_load_idx %arg10[%add3A_324, %add3A_332] : memref<32x960xi32, #tpu.memory_space<vmem>>[vector<16xi32>, vector<16xi32>], vector<16xi32>,
        %min3A_334 = arith.constant 3 : i32
        %min3A_335 = vector.broadcast %min3A_334 : i32 to vector<16xi32>
        %min3A_336 = arith.minsi %get3A_320, %min3A_335 : vector<16xi32>
        %eq3A_337 = arith.constant 0 : i32
        %eq3A_338 = vector.broadcast %eq3A_337 : i32 to vector<16xi32>
        %eq3A_339 = arith.cmpi eq, %min3A_313, %eq3A_338 : vector<16xi32>
        %eq3A_340 = arith.constant 1 : i32
        %eq3A_341 = vector.broadcast %eq3A_340 : i32 to vector<16xi32>
        %eq3A_342 = arith.cmpi eq, %min3A_313, %eq3A_341 : vector<16xi32>
        %eq3A_343 = arith.constant 2 : i32
        %eq3A_344 = vector.broadcast %eq3A_343 : i32 to vector<16xi32>
        %eq3A_345 = arith.cmpi eq, %min3A_313, %eq3A_344 : vector<16xi32>
        %ge3A_346 = arith.constant 1 : i32
        %ge3A_347 = vector.broadcast %ge3A_346 : i32 to vector<16xi32>
        %ge3A_348 = arith.cmpi sge, %min3A_336, %ge3A_347 : vector<16xi32>
        %and3A_349 = arith.andi %eq3A_339, %ge3A_348 : vector<16xi1>
        %select_n3A_350 = arith.select %and3A_349, %gather3A_325, %select_n3A_284 : vector<16xi1>, vector<16xi32>
        %ge3A_351 = arith.constant 2 : i32
        %ge3A_352 = vector.broadcast %ge3A_351 : i32 to vector<16xi32>
        %ge3A_353 = arith.cmpi sge, %min3A_336, %ge3A_352 : vector<16xi32>
        %and3A_354 = arith.andi %eq3A_339, %ge3A_353 : vector<16xi1>
        %ge3A_355 = arith.constant 1 : i32
        %ge3A_356 = vector.broadcast %ge3A_355 : i32 to vector<16xi32>
        %ge3A_357 = arith.cmpi sge, %min3A_336, %ge3A_356 : vector<16xi32>
        %and3A_358 = arith.andi %eq3A_342, %ge3A_357 : vector<16xi1>
        %select_n3A_359 = arith.select %and3A_358, %gather3A_325, %select_n3A_294 : vector<16xi1>, vector<16xi32>
        %select_n3A_360 = arith.select %and3A_354, %gather3A_329, %select_n3A_359 : vector<16xi1>, vector<16xi32>
        %ge3A_361 = arith.constant 3 : i32
        %ge3A_362 = vector.broadcast %ge3A_361 : i32 to vector<16xi32>
        %ge3A_363 = arith.cmpi sge, %min3A_336, %ge3A_362 : vector<16xi32>
        %and3A_364 = arith.andi %eq3A_339, %ge3A_363 : vector<16xi1>
        %ge3A_365 = arith.constant 2 : i32
        %ge3A_366 = vector.broadcast %ge3A_365 : i32 to vector<16xi32>
        %ge3A_367 = arith.cmpi sge, %min3A_336, %ge3A_366 : vector<16xi32>
        %and3A_368 = arith.andi %eq3A_342, %ge3A_367 : vector<16xi1>
        %ge3A_369 = arith.constant 1 : i32
        %ge3A_370 = vector.broadcast %ge3A_369 : i32 to vector<16xi32>
        %ge3A_371 = arith.cmpi sge, %min3A_336, %ge3A_370 : vector<16xi32>
        %and3A_372 = arith.andi %eq3A_345, %ge3A_371 : vector<16xi1>
        %select_n3A_373 = arith.select %and3A_372, %gather3A_325, %select_n3A_309 : vector<16xi1>, vector<16xi32>
        %select_n3A_374 = arith.select %and3A_368, %gather3A_329, %select_n3A_373 : vector<16xi1>, vector<16xi32>
        %select_n3A_375 = arith.select %and3A_364, %gather3A_333, %select_n3A_374 : vector<16xi1>, vector<16xi32>
        %add3A_376 = arith.addi %min3A_313, %min3A_336 : vector<16xi32>
        %min3A_377 = arith.constant 3 : i32
        %min3A_378 = vector.broadcast %min3A_377 : i32 to vector<16xi32>
        %min3A_379 = arith.minsi %add3A_376, %min3A_378 : vector<16xi32>
        %add3A_380 = arith.constant 2 : i32
        %add3A_381 = arith.addi %while3A_250, %add3A_380 : i32
        scf.yield %add3A_381, %min3A_379, %select_n3A_350, %select_n3A_360, %select_n3A_375 : i32, vector<16xi32>, vector<16xi32>, vector<16xi32>, vector<16xi32>
      }
      %mul3A_225 = arith.constant 16 : i32
      %mul3A_226 = arith.muli %scan3A_215, %mul3A_225 : i32
      %add3A_227 = arith.addi %mul3A_2, %mul3A_226 : i32
      %add3A_228 = vector.broadcast %add3A_227 : i32 to vector<16xi32>
      %add3A_229 = arith.addi %add3A_228, %iota3A : vector<16xi32>
      %mul3A_230 = arith.constant 16 : i32
      %mul3A_231 = arith.muli %scan3A_215, %mul3A_230 : i32
      %ge3A = arith.constant 1 : i32
      %ge3A_232 = vector.broadcast %ge3A : i32 to vector<16xi32>
      %ge3A_233 = arith.cmpi sge, %while3A_224#1, %ge3A_232 : vector<16xi32>
      %select_n3A = arith.select %ge3A_233, %while3A_224#2, %add3A_229 : vector<16xi1>, vector<16xi32>
      %swap3A = arith.index_cast %mul3A_231 : i32 to index
      %swap3A_234 = tpu.vector_load %arg12[%swap3A] {strides = array<i32>} : memref<320xi32, #tpu.memory_space<vmem>>, vector<16xi32>,
      tpu.vector_store %arg12[%swap3A], %select_n3A {strides = array<i32>} : memref<320xi32, #tpu.memory_space<vmem>>, vector<16xi32>,
      %ge3A_235 = arith.constant 2 : i32
      %ge3A_236 = vector.broadcast %ge3A_235 : i32 to vector<16xi32>
      %ge3A_237 = arith.cmpi sge, %while3A_224#1, %ge3A_236 : vector<16xi32>
      %select_n3A_238 = arith.select %ge3A_237, %while3A_224#3, %add3A_229 : vector<16xi1>, vector<16xi32>
      %swap3A_239 = arith.index_cast %mul3A_231 : i32 to index
      %swap3A_240 = tpu.vector_load %arg13[%swap3A_239] {strides = array<i32>} : memref<320xi32, #tpu.memory_space<vmem>>, vector<16xi32>,
      tpu.vector_store %arg13[%swap3A_239], %select_n3A_238 {strides = array<i32>} : memref<320xi32, #tpu.memory_space<vmem>>, vector<16xi32>,
      %ge3A_241 = arith.constant 3 : i32
      %ge3A_242 = vector.broadcast %ge3A_241 : i32 to vector<16xi32>
      %ge3A_243 = arith.cmpi sge, %while3A_224#1, %ge3A_242 : vector<16xi32>
      %select_n3A_244 = arith.select %ge3A_243, %while3A_224#4, %add3A_229 : vector<16xi1>, vector<16xi32>
      %swap3A_245 = arith.index_cast %mul3A_231 : i32 to index
      %swap3A_246 = tpu.vector_load %arg14[%swap3A_245] {strides = array<i32>} : memref<320xi32, #tpu.memory_space<vmem>>, vector<16xi32>,
      tpu.vector_store %arg14[%swap3A_245], %select_n3A_244 {strides = array<i32>} : memref<320xi32, #tpu.memory_space<vmem>>, vector<16xi32>,
      %swap3A_247 = arith.index_cast %mul3A_231 : i32 to index
      %swap3A_248 = tpu.vector_load %arg11[%swap3A_247] {strides = array<i32>} : memref<320xi32, #tpu.memory_space<vmem>>, vector<16xi32>,
      tpu.vector_store %arg11[%swap3A_247], %while3A_224#1 {strides = array<i32>} : memref<320xi32, #tpu.memory_space<vmem>>, vector<16xi32>,
      %scan3A_249 = arith.constant 0 : i32
      scf.yield %scan3A_249 : i32
    }
    %scan3A_25 = arith.constant 20 : i32
    %broadcast_in_dim3A_26 = arith.constant 0.000000e+00 : f32
    %broadcast_in_dim3A_27 = vector.broadcast %broadcast_in_dim3A_26 : f32 to vector<16xf32>
    %dma_start3A_28 = arith.constant 0 : i32
    %dma_start3A_29 = arith.constant 0 : i32
    %dma_start3A_30 = tpu.memref_slice %arg16[%dma_start3A_28, %dma_start3A_29] : memref<960x16xf32, #tpu.memory_space<vmem>> -> memref<320x16xf32, #tpu.memory_space<vmem>>
    %dma_start3A_31 = arith.constant 0 : i32
    %dma_start3A_32 = tpu.memref_slice %arg6[%mul3A_2, %dma_start3A_31] : memref<10240x16xf32, #tpu.memory_space<hbm>> -> memref<320x16xf32, #tpu.memory_space<hbm>>
    %dma_start3A_33 = arith.constant 0 : i32
    %dma_start3A_34 = arith.constant 0 : i32
    %dma_start3A_35 = tpu.memref_slice %arg16[%dma_start3A_33, %dma_start3A_34] : memref<960x16xf32, #tpu.memory_space<vmem>> -> memref<320x16xf32, #tpu.memory_space<vmem>>
    %dma_start3A_36 = arith.constant 0 : i32
    %dma_start3A_37 = tpu.memref_slice %arg6[%mul3A_2, %dma_start3A_36] : memref<10240x16xf32, #tpu.memory_space<hbm>> -> memref<320x16xf32, #tpu.memory_space<hbm>>
    tpu.enqueue_dma source(%dma_start3A_37 : memref<320x16xf32, #tpu.memory_space<hbm>>) target(%dma_start3A_35 : memref<320x16xf32, #tpu.memory_space<vmem>>) target_semaphore(%arg20 : memref<!tpu.dma_semaphore, #tpu.memory_space<semaphore_mem>>)
    %scan3A_38 = arith.constant 0 : i32
    %scan3A_39 = arith.constant 0 : i32
    %scan3A_40 = arith.constant 20 : i32
    %scan3A_41 = arith.addi %scan3A_39, %scan3A_40 : i32
    %scan3A_42 = arith.constant 1 : i32
    %scan3A_43 = scf.for %scan3A_215 = %scan3A_39 to %scan3A_41 step %scan3A_42 iter_args(%scan3A_216 = %scan3A_38) -> (i32)  : i32 {
      %mul3A_217 = arith.constant 16 : i32
      %mul3A_218 = arith.muli %scan3A_215, %mul3A_217 : i32
      %get3A = arith.index_cast %mul3A_218 : i32 to index
      %get3A_219 = tpu.vector_load %arg12[%get3A] {strides = array<i32>} : memref<320xi32, #tpu.memory_space<vmem>>, vector<16xi32>,
      %shift_right_logical3A = arith.constant 7 : i32
      %shift_right_logical3A_220 = vector.broadcast %shift_right_logical3A : i32 to vector<16xi32>
      %shift_right_logical3A_221 = arith.shrui %get3A_219, %shift_right_logical3A_220 : vector<16xi32>
      %mul3A_222 = arith.constant 1024 : i32
      %mul3A_223 = vector.broadcast %mul3A_222 : i32 to vector<16xi32>
      %mul3A_224 = arith.muli %shift_right_logical3A_221, %mul3A_223 : vector<16xi32>
      %and3A = arith.constant 127 : i32
      %and3A_225 = vector.broadcast %and3A : i32 to vector<16xi32>
      %and3A_226 = arith.andi %get3A_219, %and3A_225 : vector<16xi32>
      %add3A_227 = arith.addi %mul3A_224, %and3A_226 : vector<16xi32>
      %add3A_228 = arith.constant 0 : i32
      %add3A_229 = vector.broadcast %add3A_228 : i32 to vector<16xi32>
      %add3A_230 = arith.addi %add3A_227, %add3A_229 : vector<16xi32>
      %mul3A_231 = arith.constant 16 : i32
      %mul3A_232 = arith.muli %scan3A_215, %mul3A_231 : i32
      %add3A_233 = arith.constant 0 : i32
      %add3A_234 = arith.addi %add3A_233, %mul3A_232 : i32
      %swap3A = arith.index_cast %add3A_234 : i32 to index
      %swap3A_235 = tpu.vector_load %arg18[%swap3A] {strides = array<i32>} : memref<15360xi32, #tpu.memory_space<vmem>>, vector<16xi32>,
      tpu.vector_store %arg18[%swap3A], %add3A_230 {strides = array<i32>} : memref<15360xi32, #tpu.memory_space<vmem>>, vector<16xi32>,
      %add3A_236 = arith.constant 128 : i32
      %add3A_237 = vector.broadcast %add3A_236 : i32 to vector<16xi32>
      %add3A_238 = arith.addi %add3A_227, %add3A_237 : vector<16xi32>
      %mul3A_239 = arith.constant 16 : i32
      %mul3A_240 = arith.muli %scan3A_215, %mul3A_239 : i32
      %add3A_241 = arith.constant 320 : i32
      %add3A_242 = arith.addi %add3A_241, %mul3A_240 : i32
      %swap3A_243 = arith.index_cast %add3A_242 : i32 to index
      %swap3A_244 = tpu.vector_load %arg18[%swap3A_243] {strides = array<i32>} : memref<15360xi32, #tpu.memory_space<vmem>>, vector<16xi32>,
      tpu.vector_store %arg18[%swap3A_243], %add3A_238 {strides = array<i32>} : memref<15360xi32, #tpu.memory_space<vmem>>, vector<16xi32>,
      %add3A_245 = arith.constant 256 : i32
      %add3A_246 = vector.broadcast %add3A_245 : i32 to vector<16xi32>
      %add3A_247 = arith.addi %add3A_227, %add3A_246 : vector<16xi32>
      %mul3A_248 = arith.constant 16 : i32
      %mul3A_249 = arith.muli %scan3A_215, %mul3A_248 : i32
      %add3A_250 = arith.constant 640 : i32
      %add3A_251 = arith.addi %add3A_250, %mul3A_249 : i32
      %swap3A_252 = arith.index_cast %add3A_251 : i32 to index
      %swap3A_253 = tpu.vector_load %arg18[%swap3A_252] {strides = array<i32>} : memref<15360xi32, #tpu.memory_space<vmem>>, vector<16xi32>,
      tpu.vector_store %arg18[%swap3A_252], %add3A_247 {strides = array<i32>} : memref<15360xi32, #tpu.memory_space<vmem>>, vector<16xi32>,
      %add3A_254 = arith.constant 384 : i32
      %add3A_255 = vector.broadcast %add3A_254 : i32 to vector<16xi32>
      %add3A_256 = arith.addi %add3A_227, %add3A_255 : vector<16xi32>
      %mul3A_257 = arith.constant 16 : i32
      %mul3A_258 = arith.muli %scan3A_215, %mul3A_257 : i32
      %add3A_259 = arith.constant 960 : i32
      %add3A_260 = arith.addi %add3A_259, %mul3A_258 : i32
      %swap3A_261 = arith.index_cast %add3A_260 : i32 to index
      %swap3A_262 = tpu.vector_load %arg18[%swap3A_261] {strides = array<i32>} : memref<15360xi32, #tpu.memory_space<vmem>>, vector<16xi32>,
      tpu.vector_store %arg18[%swap3A_261], %add3A_256 {strides = array<i32>} : memref<15360xi32, #tpu.memory_space<vmem>>, vector<16xi32>,
      %add3A_263 = arith.constant 512 : i32
      %add3A_264 = vector.broadcast %add3A_263 : i32 to vector<16xi32>
      %add3A_265 = arith.addi %add3A_227, %add3A_264 : vector<16xi32>
      %mul3A_266 = arith.constant 16 : i32
      %mul3A_267 = arith.muli %scan3A_215, %mul3A_266 : i32
      %add3A_268 = arith.constant 1280 : i32
      %add3A_269 = arith.addi %add3A_268, %mul3A_267 : i32
      %swap3A_270 = arith.index_cast %add3A_269 : i32 to index
      %swap3A_271 = tpu.vector_load %arg18[%swap3A_270] {strides = array<i32>} : memref<15360xi32, #tpu.memory_space<vmem>>, vector<16xi32>,
      tpu.vector_store %arg18[%swap3A_270], %add3A_265 {strides = array<i32>} : memref<15360xi32, #tpu.memory_space<vmem>>, vector<16xi32>,
      %add3A_272 = arith.constant 640 : i32
      %add3A_273 = vector.broadcast %add3A_272 : i32 to vector<16xi32>
      %add3A_274 = arith.addi %add3A_227, %add3A_273 : vector<16xi32>
      %mul3A_275 = arith.constant 16 : i32
      %mul3A_276 = arith.muli %scan3A_215, %mul3A_275 : i32
      %add3A_277 = arith.constant 1600 : i32
      %add3A_278 = arith.addi %add3A_277, %mul3A_276 : i32
      %swap3A_279 = arith.index_cast %add3A_278 : i32 to index
      %swap3A_280 = tpu.vector_load %arg18[%swap3A_279] {strides = array<i32>} : memref<15360xi32, #tpu.memory_space<vmem>>, vector<16xi32>,
      tpu.vector_store %arg18[%swap3A_279], %add3A_274 {strides = array<i32>} : memref<15360xi32, #tpu.memory_space<vmem>>, vector<16xi32>,
      %add3A_281 = arith.constant 768 : i32
      %add3A_282 = vector.broadcast %add3A_281 : i32 to vector<16xi32>
      %add3A_283 = arith.addi %add3A_227, %add3A_282 : vector<16xi32>
      %mul3A_284 = arith.constant 16 : i32
      %mul3A_285 = arith.muli %scan3A_215, %mul3A_284 : i32
      %add3A_286 = arith.constant 1920 : i32
      %add3A_287 = arith.addi %add3A_286, %mul3A_285 : i32
      %swap3A_288 = arith.index_cast %add3A_287 : i32 to index
      %swap3A_289 = tpu.vector_load %arg18[%swap3A_288] {strides = array<i32>} : memref<15360xi32, #tpu.memory_space<vmem>>, vector<16xi32>,
      tpu.vector_store %arg18[%swap3A_288], %add3A_283 {strides = array<i32>} : memref<15360xi32, #tpu.memory_space<vmem>>, vector<16xi32>,
      %add3A_290 = arith.constant 896 : i32
      %add3A_291 = vector.broadcast %add3A_290 : i32 to vector<16xi32>
      %add3A_292 = arith.addi %add3A_227, %add3A_291 : vector<16xi32>
      %mul3A_293 = arith.constant 16 : i32
      %mul3A_294 = arith.muli %scan3A_215, %mul3A_293 : i32
      %add3A_295 = arith.constant 2240 : i32
      %add3A_296 = arith.addi %add3A_295, %mul3A_294 : i32
      %swap3A_297 = arith.index_cast %add3A_296 : i32 to index
      %swap3A_298 = tpu.vector_load %arg18[%swap3A_297] {strides = array<i32>} : memref<15360xi32, #tpu.memory_space<vmem>>, vector<16xi32>,
      tpu.vector_store %arg18[%swap3A_297], %add3A_292 {strides = array<i32>} : memref<15360xi32, #tpu.memory_space<vmem>>, vector<16xi32>,
      %add3A_299 = arith.constant 2560000 : i32
      %add3A_300 = vector.broadcast %add3A_299 : i32 to vector<16xi32>
      %add3A_301 = arith.addi %add3A_227, %add3A_300 : vector<16xi32>
      %mul3A_302 = arith.constant 16 : i32
      %mul3A_303 = arith.muli %scan3A_215, %mul3A_302 : i32
      %add3A_304 = arith.constant 2560 : i32
      %add3A_305 = arith.addi %add3A_304, %mul3A_303 : i32
      %swap3A_306 = arith.index_cast %add3A_305 : i32 to index
      %swap3A_307 = tpu.vector_load %arg18[%swap3A_306] {strides = array<i32>} : memref<15360xi32, #tpu.memory_space<vmem>>, vector<16xi32>,
      tpu.vector_store %arg18[%swap3A_306], %add3A_301 {strides = array<i32>} : memref<15360xi32, #tpu.memory_space<vmem>>, vector<16xi32>,
      %add3A_308 = arith.constant 2560128 : i32
      %add3A_309 = vector.broadcast %add3A_308 : i32 to vector<16xi32>
      %add3A_310 = arith.addi %add3A_227, %add3A_309 : vector<16xi32>
      %mul3A_311 = arith.constant 16 : i32
      %mul3A_312 = arith.muli %scan3A_215, %mul3A_311 : i32
      %add3A_313 = arith.constant 2880 : i32
      %add3A_314 = arith.addi %add3A_313, %mul3A_312 : i32
      %swap3A_315 = arith.index_cast %add3A_314 : i32 to index
      %swap3A_316 = tpu.vector_load %arg18[%swap3A_315] {strides = array<i32>} : memref<15360xi32, #tpu.memory_space<vmem>>, vector<16xi32>,
      tpu.vector_store %arg18[%swap3A_315], %add3A_310 {strides = array<i32>} : memref<15360xi32, #tpu.memory_space<vmem>>, vector<16xi32>,
      %add3A_317 = arith.constant 2560256 : i32
      %add3A_318 = vector.broadcast %add3A_317 : i32 to vector<16xi32>
      %add3A_319 = arith.addi %add3A_227, %add3A_318 : vector<16xi32>
      %mul3A_320 = arith.constant 16 : i32
      %mul3A_321 = arith.muli %scan3A_215, %mul3A_320 : i32
      %add3A_322 = arith.constant 3200 : i32
      %add3A_323 = arith.addi %add3A_322, %mul3A_321 : i32
      %swap3A_324 = arith.index_cast %add3A_323 : i32 to index
      %swap3A_325 = tpu.vector_load %arg18[%swap3A_324] {strides = array<i32>} : memref<15360xi32, #tpu.memory_space<vmem>>, vector<16xi32>,
      tpu.vector_store %arg18[%swap3A_324], %add3A_319 {strides = array<i32>} : memref<15360xi32, #tpu.memory_space<vmem>>, vector<16xi32>,
      %add3A_326 = arith.constant 2560384 : i32
      %add3A_327 = vector.broadcast %add3A_326 : i32 to vector<16xi32>
      %add3A_328 = arith.addi %add3A_227, %add3A_327 : vector<16xi32>
      %mul3A_329 = arith.constant 16 : i32
      %mul3A_330 = arith.muli %scan3A_215, %mul3A_329 : i32
      %add3A_331 = arith.constant 3520 : i32
      %add3A_332 = arith.addi %add3A_331, %mul3A_330 : i32
      %swap3A_333 = arith.index_cast %add3A_332 : i32 to index
      %swap3A_334 = tpu.vector_load %arg18[%swap3A_333] {strides = array<i32>} : memref<15360xi32, #tpu.memory_space<vmem>>, vector<16xi32>,
      tpu.vector_store %arg18[%swap3A_333], %add3A_328 {strides = array<i32>} : memref<15360xi32, #tpu.memory_space<vmem>>, vector<16xi32>,
      %add3A_335 = arith.constant 2560512 : i32
      %add3A_336 = vector.broadcast %add3A_335 : i32 to vector<16xi32>
      %add3A_337 = arith.addi %add3A_227, %add3A_336 : vector<16xi32>
      %mul3A_338 = arith.constant 16 : i32
      %mul3A_339 = arith.muli %scan3A_215, %mul3A_338 : i32
      %add3A_340 = arith.constant 3840 : i32
      %add3A_341 = arith.addi %add3A_340, %mul3A_339 : i32
      %swap3A_342 = arith.index_cast %add3A_341 : i32 to index
      %swap3A_343 = tpu.vector_load %arg18[%swap3A_342] {strides = array<i32>} : memref<15360xi32, #tpu.memory_space<vmem>>, vector<16xi32>,
      tpu.vector_store %arg18[%swap3A_342], %add3A_337 {strides = array<i32>} : memref<15360xi32, #tpu.memory_space<vmem>>, vector<16xi32>,
      %add3A_344 = arith.constant 2560640 : i32
      %add3A_345 = vector.broadcast %add3A_344 : i32 to vector<16xi32>
      %add3A_346 = arith.addi %add3A_227, %add3A_345 : vector<16xi32>
      %mul3A_347 = arith.constant 16 : i32
      %mul3A_348 = arith.muli %scan3A_215, %mul3A_347 : i32
      %add3A_349 = arith.constant 4160 : i32
      %add3A_350 = arith.addi %add3A_349, %mul3A_348 : i32
      %swap3A_351 = arith.index_cast %add3A_350 : i32 to index
      %swap3A_352 = tpu.vector_load %arg18[%swap3A_351] {strides = array<i32>} : memref<15360xi32, #tpu.memory_space<vmem>>, vector<16xi32>,
      tpu.vector_store %arg18[%swap3A_351], %add3A_346 {strides = array<i32>} : memref<15360xi32, #tpu.memory_space<vmem>>, vector<16xi32>,
      %add3A_353 = arith.constant 2560768 : i32
      %add3A_354 = vector.broadcast %add3A_353 : i32 to vector<16xi32>
      %add3A_355 = arith.addi %add3A_227, %add3A_354 : vector<16xi32>
      %mul3A_356 = arith.constant 16 : i32
      %mul3A_357 = arith.muli %scan3A_215, %mul3A_356 : i32
      %add3A_358 = arith.constant 4480 : i32
      %add3A_359 = arith.addi %add3A_358, %mul3A_357 : i32
      %swap3A_360 = arith.index_cast %add3A_359 : i32 to index
      %swap3A_361 = tpu.vector_load %arg18[%swap3A_360] {strides = array<i32>} : memref<15360xi32, #tpu.memory_space<vmem>>, vector<16xi32>,
      tpu.vector_store %arg18[%swap3A_360], %add3A_355 {strides = array<i32>} : memref<15360xi32, #tpu.memory_space<vmem>>, vector<16xi32>,
      %add3A_362 = arith.constant 2560896 : i32
      %add3A_363 = vector.broadcast %add3A_362 : i32 to vector<16xi32>
      %add3A_364 = arith.addi %add3A_227, %add3A_363 : vector<16xi32>
      %mul3A_365 = arith.constant 16 : i32
      %mul3A_366 = arith.muli %scan3A_215, %mul3A_365 : i32
      %add3A_367 = arith.constant 4800 : i32
      %add3A_368 = arith.addi %add3A_367, %mul3A_366 : i32
      %swap3A_369 = arith.index_cast %add3A_368 : i32 to index
      %swap3A_370 = tpu.vector_load %arg18[%swap3A_369] {strides = array<i32>} : memref<15360xi32, #tpu.memory_space<vmem>>, vector<16xi32>,
      tpu.vector_store %arg18[%swap3A_369], %add3A_364 {strides = array<i32>} : memref<15360xi32, #tpu.memory_space<vmem>>, vector<16xi32>,
      %scan3A_371 = arith.constant 0 : i32
      scf.yield %scan3A_371 : i32
    }
    %scan3A_44 = arith.constant 20 : i32
    %scan3A_45 = arith.constant 0 : i32
    %scan3A_46 = arith.constant 0 : i32
    %scan3A_47 = arith.constant 20 : i32
    %scan3A_48 = arith.addi %scan3A_46, %scan3A_47 : i32
    %scan3A_49 = arith.constant 1 : i32
    %scan3A_50 = scf.for %scan3A_215 = %scan3A_46 to %scan3A_48 step %scan3A_49 iter_args(%scan3A_216 = %scan3A_45) -> (i32)  : i32 {
      %mul3A_217 = arith.constant 16 : i32
      %mul3A_218 = arith.muli %scan3A_215, %mul3A_217 : i32
      %get3A = arith.index_cast %mul3A_218 : i32 to index
      %get3A_219 = tpu.vector_load %arg13[%get3A] {strides = array<i32>} : memref<320xi32, #tpu.memory_space<vmem>>, vector<16xi32>,
      %shift_right_logical3A = arith.constant 7 : i32
      %shift_right_logical3A_220 = vector.broadcast %shift_right_logical3A : i32 to vector<16xi32>
      %shift_right_logical3A_221 = arith.shrui %get3A_219, %shift_right_logical3A_220 : vector<16xi32>
      %mul3A_222 = arith.constant 1024 : i32
      %mul3A_223 = vector.broadcast %mul3A_222 : i32 to vector<16xi32>
      %mul3A_224 = arith.muli %shift_right_logical3A_221, %mul3A_223 : vector<16xi32>
      %and3A = arith.constant 127 : i32
      %and3A_225 = vector.broadcast %and3A : i32 to vector<16xi32>
      %and3A_226 = arith.andi %get3A_219, %and3A_225 : vector<16xi32>
      %add3A_227 = arith.addi %mul3A_224, %and3A_226 : vector<16xi32>
      %add3A_228 = arith.constant 0 : i32
      %add3A_229 = vector.broadcast %add3A_228 : i32 to vector<16xi32>
      %add3A_230 = arith.addi %add3A_227, %add3A_229 : vector<16xi32>
      %mul3A_231 = arith.constant 16 : i32
      %mul3A_232 = arith.muli %scan3A_215, %mul3A_231 : i32
      %add3A_233 = arith.constant 5120 : i32
      %add3A_234 = arith.addi %add3A_233, %mul3A_232 : i32
      %swap3A = arith.index_cast %add3A_234 : i32 to index
      %swap3A_235 = tpu.vector_load %arg18[%swap3A] {strides = array<i32>} : memref<15360xi32, #tpu.memory_space<vmem>>, vector<16xi32>,
      tpu.vector_store %arg18[%swap3A], %add3A_230 {strides = array<i32>} : memref<15360xi32, #tpu.memory_space<vmem>>, vector<16xi32>,
      %add3A_236 = arith.constant 128 : i32
      %add3A_237 = vector.broadcast %add3A_236 : i32 to vector<16xi32>
      %add3A_238 = arith.addi %add3A_227, %add3A_237 : vector<16xi32>
      %mul3A_239 = arith.constant 16 : i32
      %mul3A_240 = arith.muli %scan3A_215, %mul3A_239 : i32
      %add3A_241 = arith.constant 5440 : i32
      %add3A_242 = arith.addi %add3A_241, %mul3A_240 : i32
      %swap3A_243 = arith.index_cast %add3A_242 : i32 to index
      %swap3A_244 = tpu.vector_load %arg18[%swap3A_243] {strides = array<i32>} : memref<15360xi32, #tpu.memory_space<vmem>>, vector<16xi32>,
      tpu.vector_store %arg18[%swap3A_243], %add3A_238 {strides = array<i32>} : memref<15360xi32, #tpu.memory_space<vmem>>, vector<16xi32>,
      %add3A_245 = arith.constant 256 : i32
      %add3A_246 = vector.broadcast %add3A_245 : i32 to vector<16xi32>
      %add3A_247 = arith.addi %add3A_227, %add3A_246 : vector<16xi32>
      %mul3A_248 = arith.constant 16 : i32
      %mul3A_249 = arith.muli %scan3A_215, %mul3A_248 : i32
      %add3A_250 = arith.constant 5760 : i32
      %add3A_251 = arith.addi %add3A_250, %mul3A_249 : i32
      %swap3A_252 = arith.index_cast %add3A_251 : i32 to index
      %swap3A_253 = tpu.vector_load %arg18[%swap3A_252] {strides = array<i32>} : memref<15360xi32, #tpu.memory_space<vmem>>, vector<16xi32>,
      tpu.vector_store %arg18[%swap3A_252], %add3A_247 {strides = array<i32>} : memref<15360xi32, #tpu.memory_space<vmem>>, vector<16xi32>,
      %add3A_254 = arith.constant 384 : i32
      %add3A_255 = vector.broadcast %add3A_254 : i32 to vector<16xi32>
      %add3A_256 = arith.addi %add3A_227, %add3A_255 : vector<16xi32>
      %mul3A_257 = arith.constant 16 : i32
      %mul3A_258 = arith.muli %scan3A_215, %mul3A_257 : i32
      %add3A_259 = arith.constant 6080 : i32
      %add3A_260 = arith.addi %add3A_259, %mul3A_258 : i32
      %swap3A_261 = arith.index_cast %add3A_260 : i32 to index
      %swap3A_262 = tpu.vector_load %arg18[%swap3A_261] {strides = array<i32>} : memref<15360xi32, #tpu.memory_space<vmem>>, vector<16xi32>,
      tpu.vector_store %arg18[%swap3A_261], %add3A_256 {strides = array<i32>} : memref<15360xi32, #tpu.memory_space<vmem>>, vector<16xi32>,
      %add3A_263 = arith.constant 512 : i32
      %add3A_264 = vector.broadcast %add3A_263 : i32 to vector<16xi32>
      %add3A_265 = arith.addi %add3A_227, %add3A_264 : vector<16xi32>
      %mul3A_266 = arith.constant 16 : i32
      %mul3A_267 = arith.muli %scan3A_215, %mul3A_266 : i32
      %add3A_268 = arith.constant 6400 : i32
      %add3A_269 = arith.addi %add3A_268, %mul3A_267 : i32
      %swap3A_270 = arith.index_cast %add3A_269 : i32 to index
      %swap3A_271 = tpu.vector_load %arg18[%swap3A_270] {strides = array<i32>} : memref<15360xi32, #tpu.memory_space<vmem>>, vector<16xi32>,
      tpu.vector_store %arg18[%swap3A_270], %add3A_265 {strides = array<i32>} : memref<15360xi32, #tpu.memory_space<vmem>>, vector<16xi32>,
      %add3A_272 = arith.constant 640 : i32
      %add3A_273 = vector.broadcast %add3A_272 : i32 to vector<16xi32>
      %add3A_274 = arith.addi %add3A_227, %add3A_273 : vector<16xi32>
      %mul3A_275 = arith.constant 16 : i32
      %mul3A_276 = arith.muli %scan3A_215, %mul3A_275 : i32
      %add3A_277 = arith.constant 6720 : i32
      %add3A_278 = arith.addi %add3A_277, %mul3A_276 : i32
      %swap3A_279 = arith.index_cast %add3A_278 : i32 to index
      %swap3A_280 = tpu.vector_load %arg18[%swap3A_279] {strides = array<i32>} : memref<15360xi32, #tpu.memory_space<vmem>>, vector<16xi32>,
      tpu.vector_store %arg18[%swap3A_279], %add3A_274 {strides = array<i32>} : memref<15360xi32, #tpu.memory_space<vmem>>, vector<16xi32>,
      %add3A_281 = arith.constant 768 : i32
      %add3A_282 = vector.broadcast %add3A_281 : i32 to vector<16xi32>
      %add3A_283 = arith.addi %add3A_227, %add3A_282 : vector<16xi32>
      %mul3A_284 = arith.constant 16 : i32
      %mul3A_285 = arith.muli %scan3A_215, %mul3A_284 : i32
      %add3A_286 = arith.constant 7040 : i32
      %add3A_287 = arith.addi %add3A_286, %mul3A_285 : i32
      %swap3A_288 = arith.index_cast %add3A_287 : i32 to index
      %swap3A_289 = tpu.vector_load %arg18[%swap3A_288] {strides = array<i32>} : memref<15360xi32, #tpu.memory_space<vmem>>, vector<16xi32>,
      tpu.vector_store %arg18[%swap3A_288], %add3A_283 {strides = array<i32>} : memref<15360xi32, #tpu.memory_space<vmem>>, vector<16xi32>,
      %add3A_290 = arith.constant 896 : i32
      %add3A_291 = vector.broadcast %add3A_290 : i32 to vector<16xi32>
      %add3A_292 = arith.addi %add3A_227, %add3A_291 : vector<16xi32>
      %mul3A_293 = arith.constant 16 : i32
      %mul3A_294 = arith.muli %scan3A_215, %mul3A_293 : i32
      %add3A_295 = arith.constant 7360 : i32
      %add3A_296 = arith.addi %add3A_295, %mul3A_294 : i32
      %swap3A_297 = arith.index_cast %add3A_296 : i32 to index
      %swap3A_298 = tpu.vector_load %arg18[%swap3A_297] {strides = array<i32>} : memref<15360xi32, #tpu.memory_space<vmem>>, vector<16xi32>,
      tpu.vector_store %arg18[%swap3A_297], %add3A_292 {strides = array<i32>} : memref<15360xi32, #tpu.memory_space<vmem>>, vector<16xi32>,
      %add3A_299 = arith.constant 2560000 : i32
      %add3A_300 = vector.broadcast %add3A_299 : i32 to vector<16xi32>
      %add3A_301 = arith.addi %add3A_227, %add3A_300 : vector<16xi32>
      %mul3A_302 = arith.constant 16 : i32
      %mul3A_303 = arith.muli %scan3A_215, %mul3A_302 : i32
      %add3A_304 = arith.constant 7680 : i32
      %add3A_305 = arith.addi %add3A_304, %mul3A_303 : i32
      %swap3A_306 = arith.index_cast %add3A_305 : i32 to index
      %swap3A_307 = tpu.vector_load %arg18[%swap3A_306] {strides = array<i32>} : memref<15360xi32, #tpu.memory_space<vmem>>, vector<16xi32>,
      tpu.vector_store %arg18[%swap3A_306], %add3A_301 {strides = array<i32>} : memref<15360xi32, #tpu.memory_space<vmem>>, vector<16xi32>,
      %add3A_308 = arith.constant 2560128 : i32
      %add3A_309 = vector.broadcast %add3A_308 : i32 to vector<16xi32>
      %add3A_310 = arith.addi %add3A_227, %add3A_309 : vector<16xi32>
      %mul3A_311 = arith.constant 16 : i32
      %mul3A_312 = arith.muli %scan3A_215, %mul3A_311 : i32
      %add3A_313 = arith.constant 8000 : i32
      %add3A_314 = arith.addi %add3A_313, %mul3A_312 : i32
      %swap3A_315 = arith.index_cast %add3A_314 : i32 to index
      %swap3A_316 = tpu.vector_load %arg18[%swap3A_315] {strides = array<i32>} : memref<15360xi32, #tpu.memory_space<vmem>>, vector<16xi32>,
      tpu.vector_store %arg18[%swap3A_315], %add3A_310 {strides = array<i32>} : memref<15360xi32, #tpu.memory_space<vmem>>, vector<16xi32>,
      %add3A_317 = arith.constant 2560256 : i32
      %add3A_318 = vector.broadcast %add3A_317 : i32 to vector<16xi32>
      %add3A_319 = arith.addi %add3A_227, %add3A_318 : vector<16xi32>
      %mul3A_320 = arith.constant 16 : i32
      %mul3A_321 = arith.muli %scan3A_215, %mul3A_320 : i32
      %add3A_322 = arith.constant 8320 : i32
      %add3A_323 = arith.addi %add3A_322, %mul3A_321 : i32
      %swap3A_324 = arith.index_cast %add3A_323 : i32 to index
      %swap3A_325 = tpu.vector_load %arg18[%swap3A_324] {strides = array<i32>} : memref<15360xi32, #tpu.memory_space<vmem>>, vector<16xi32>,
      tpu.vector_store %arg18[%swap3A_324], %add3A_319 {strides = array<i32>} : memref<15360xi32, #tpu.memory_space<vmem>>, vector<16xi32>,
      %add3A_326 = arith.constant 2560384 : i32
      %add3A_327 = vector.broadcast %add3A_326 : i32 to vector<16xi32>
      %add3A_328 = arith.addi %add3A_227, %add3A_327 : vector<16xi32>
      %mul3A_329 = arith.constant 16 : i32
      %mul3A_330 = arith.muli %scan3A_215, %mul3A_329 : i32
      %add3A_331 = arith.constant 8640 : i32
      %add3A_332 = arith.addi %add3A_331, %mul3A_330 : i32
      %swap3A_333 = arith.index_cast %add3A_332 : i32 to index
      %swap3A_334 = tpu.vector_load %arg18[%swap3A_333] {strides = array<i32>} : memref<15360xi32, #tpu.memory_space<vmem>>, vector<16xi32>,
      tpu.vector_store %arg18[%swap3A_333], %add3A_328 {strides = array<i32>} : memref<15360xi32, #tpu.memory_space<vmem>>, vector<16xi32>,
      %add3A_335 = arith.constant 2560512 : i32
      %add3A_336 = vector.broadcast %add3A_335 : i32 to vector<16xi32>
      %add3A_337 = arith.addi %add3A_227, %add3A_336 : vector<16xi32>
      %mul3A_338 = arith.constant 16 : i32
      %mul3A_339 = arith.muli %scan3A_215, %mul3A_338 : i32
      %add3A_340 = arith.constant 8960 : i32
      %add3A_341 = arith.addi %add3A_340, %mul3A_339 : i32
      %swap3A_342 = arith.index_cast %add3A_341 : i32 to index
      %swap3A_343 = tpu.vector_load %arg18[%swap3A_342] {strides = array<i32>} : memref<15360xi32, #tpu.memory_space<vmem>>, vector<16xi32>,
      tpu.vector_store %arg18[%swap3A_342], %add3A_337 {strides = array<i32>} : memref<15360xi32, #tpu.memory_space<vmem>>, vector<16xi32>,
      %add3A_344 = arith.constant 2560640 : i32
      %add3A_345 = vector.broadcast %add3A_344 : i32 to vector<16xi32>
      %add3A_346 = arith.addi %add3A_227, %add3A_345 : vector<16xi32>
      %mul3A_347 = arith.constant 16 : i32
      %mul3A_348 = arith.muli %scan3A_215, %mul3A_347 : i32
      %add3A_349 = arith.constant 9280 : i32
      %add3A_350 = arith.addi %add3A_349, %mul3A_348 : i32
      %swap3A_351 = arith.index_cast %add3A_350 : i32 to index
      %swap3A_352 = tpu.vector_load %arg18[%swap3A_351] {strides = array<i32>} : memref<15360xi32, #tpu.memory_space<vmem>>, vector<16xi32>,
      tpu.vector_store %arg18[%swap3A_351], %add3A_346 {strides = array<i32>} : memref<15360xi32, #tpu.memory_space<vmem>>, vector<16xi32>,
      %add3A_353 = arith.constant 2560768 : i32
      %add3A_354 = vector.broadcast %add3A_353 : i32 to vector<16xi32>
      %add3A_355 = arith.addi %add3A_227, %add3A_354 : vector<16xi32>
      %mul3A_356 = arith.constant 16 : i32
      %mul3A_357 = arith.muli %scan3A_215, %mul3A_356 : i32
      %add3A_358 = arith.constant 9600 : i32
      %add3A_359 = arith.addi %add3A_358, %mul3A_357 : i32
      %swap3A_360 = arith.index_cast %add3A_359 : i32 to index
      %swap3A_361 = tpu.vector_load %arg18[%swap3A_360] {strides = array<i32>} : memref<15360xi32, #tpu.memory_space<vmem>>, vector<16xi32>,
      tpu.vector_store %arg18[%swap3A_360], %add3A_355 {strides = array<i32>} : memref<15360xi32, #tpu.memory_space<vmem>>, vector<16xi32>,
      %add3A_362 = arith.constant 2560896 : i32
      %add3A_363 = vector.broadcast %add3A_362 : i32 to vector<16xi32>
      %add3A_364 = arith.addi %add3A_227, %add3A_363 : vector<16xi32>
      %mul3A_365 = arith.constant 16 : i32
      %mul3A_366 = arith.muli %scan3A_215, %mul3A_365 : i32
      %add3A_367 = arith.constant 9920 : i32
      %add3A_368 = arith.addi %add3A_367, %mul3A_366 : i32
      %swap3A_369 = arith.index_cast %add3A_368 : i32 to index
      %swap3A_370 = tpu.vector_load %arg18[%swap3A_369] {strides = array<i32>} : memref<15360xi32, #tpu.memory_space<vmem>>, vector<16xi32>,
      tpu.vector_store %arg18[%swap3A_369], %add3A_364 {strides = array<i32>} : memref<15360xi32, #tpu.memory_space<vmem>>, vector<16xi32>,
      %scan3A_371 = arith.constant 0 : i32
      scf.yield %scan3A_371 : i32
    }
    %scan3A_51 = arith.constant 20 : i32
    %scan3A_52 = arith.constant 0 : i32
    %scan3A_53 = arith.constant 0 : i32
    %scan3A_54 = arith.constant 20 : i32
    %scan3A_55 = arith.addi %scan3A_53, %scan3A_54 : i32
    %scan3A_56 = arith.constant 1 : i32
    %scan3A_57 = scf.for %scan3A_215 = %scan3A_53 to %scan3A_55 step %scan3A_56 iter_args(%scan3A_216 = %scan3A_52) -> (i32)  : i32 {
      %mul3A_217 = arith.constant 16 : i32
      %mul3A_218 = arith.muli %scan3A_215, %mul3A_217 : i32
      %get3A = arith.index_cast %mul3A_218 : i32 to index
      %get3A_219 = tpu.vector_load %arg14[%get3A] {strides = array<i32>} : memref<320xi32, #tpu.memory_space<vmem>>, vector<16xi32>,
      %shift_right_logical3A = arith.constant 7 : i32
      %shift_right_logical3A_220 = vector.broadcast %shift_right_logical3A : i32 to vector<16xi32>
      %shift_right_logical3A_221 = arith.shrui %get3A_219, %shift_right_logical3A_220 : vector<16xi32>
      %mul3A_222 = arith.constant 1024 : i32
      %mul3A_223 = vector.broadcast %mul3A_222 : i32 to vector<16xi32>
      %mul3A_224 = arith.muli %shift_right_logical3A_221, %mul3A_223 : vector<16xi32>
      %and3A = arith.constant 127 : i32
      %and3A_225 = vector.broadcast %and3A : i32 to vector<16xi32>
      %and3A_226 = arith.andi %get3A_219, %and3A_225 : vector<16xi32>
      %add3A_227 = arith.addi %mul3A_224, %and3A_226 : vector<16xi32>
      %add3A_228 = arith.constant 0 : i32
      %add3A_229 = vector.broadcast %add3A_228 : i32 to vector<16xi32>
      %add3A_230 = arith.addi %add3A_227, %add3A_229 : vector<16xi32>
      %mul3A_231 = arith.constant 16 : i32
      %mul3A_232 = arith.muli %scan3A_215, %mul3A_231 : i32
      %add3A_233 = arith.constant 10240 : i32
      %add3A_234 = arith.addi %add3A_233, %mul3A_232 : i32
      %swap3A = arith.index_cast %add3A_234 : i32 to index
      %swap3A_235 = tpu.vector_load %arg18[%swap3A] {strides = array<i32>} : memref<15360xi32, #tpu.memory_space<vmem>>, vector<16xi32>,
      tpu.vector_store %arg18[%swap3A], %add3A_230 {strides = array<i32>} : memref<15360xi32, #tpu.memory_space<vmem>>, vector<16xi32>,
      %add3A_236 = arith.constant 128 : i32
      %add3A_237 = vector.broadcast %add3A_236 : i32 to vector<16xi32>
      %add3A_238 = arith.addi %add3A_227, %add3A_237 : vector<16xi32>
      %mul3A_239 = arith.constant 16 : i32
      %mul3A_240 = arith.muli %scan3A_215, %mul3A_239 : i32
      %add3A_241 = arith.constant 10560 : i32
      %add3A_242 = arith.addi %add3A_241, %mul3A_240 : i32
      %swap3A_243 = arith.index_cast %add3A_242 : i32 to index
      %swap3A_244 = tpu.vector_load %arg18[%swap3A_243] {strides = array<i32>} : memref<15360xi32, #tpu.memory_space<vmem>>, vector<16xi32>,
      tpu.vector_store %arg18[%swap3A_243], %add3A_238 {strides = array<i32>} : memref<15360xi32, #tpu.memory_space<vmem>>, vector<16xi32>,
      %add3A_245 = arith.constant 256 : i32
      %add3A_246 = vector.broadcast %add3A_245 : i32 to vector<16xi32>
      %add3A_247 = arith.addi %add3A_227, %add3A_246 : vector<16xi32>
      %mul3A_248 = arith.constant 16 : i32
      %mul3A_249 = arith.muli %scan3A_215, %mul3A_248 : i32
      %add3A_250 = arith.constant 10880 : i32
      %add3A_251 = arith.addi %add3A_250, %mul3A_249 : i32
      %swap3A_252 = arith.index_cast %add3A_251 : i32 to index
      %swap3A_253 = tpu.vector_load %arg18[%swap3A_252] {strides = array<i32>} : memref<15360xi32, #tpu.memory_space<vmem>>, vector<16xi32>,
      tpu.vector_store %arg18[%swap3A_252], %add3A_247 {strides = array<i32>} : memref<15360xi32, #tpu.memory_space<vmem>>, vector<16xi32>,
      %add3A_254 = arith.constant 384 : i32
      %add3A_255 = vector.broadcast %add3A_254 : i32 to vector<16xi32>
      %add3A_256 = arith.addi %add3A_227, %add3A_255 : vector<16xi32>
      %mul3A_257 = arith.constant 16 : i32
      %mul3A_258 = arith.muli %scan3A_215, %mul3A_257 : i32
      %add3A_259 = arith.constant 11200 : i32
      %add3A_260 = arith.addi %add3A_259, %mul3A_258 : i32
      %swap3A_261 = arith.index_cast %add3A_260 : i32 to index
      %swap3A_262 = tpu.vector_load %arg18[%swap3A_261] {strides = array<i32>} : memref<15360xi32, #tpu.memory_space<vmem>>, vector<16xi32>,
      tpu.vector_store %arg18[%swap3A_261], %add3A_256 {strides = array<i32>} : memref<15360xi32, #tpu.memory_space<vmem>>, vector<16xi32>,
      %add3A_263 = arith.constant 512 : i32
      %add3A_264 = vector.broadcast %add3A_263 : i32 to vector<16xi32>
      %add3A_265 = arith.addi %add3A_227, %add3A_264 : vector<16xi32>
      %mul3A_266 = arith.constant 16 : i32
      %mul3A_267 = arith.muli %scan3A_215, %mul3A_266 : i32
      %add3A_268 = arith.constant 11520 : i32
      %add3A_269 = arith.addi %add3A_268, %mul3A_267 : i32
      %swap3A_270 = arith.index_cast %add3A_269 : i32 to index
      %swap3A_271 = tpu.vector_load %arg18[%swap3A_270] {strides = array<i32>} : memref<15360xi32, #tpu.memory_space<vmem>>, vector<16xi32>,
      tpu.vector_store %arg18[%swap3A_270], %add3A_265 {strides = array<i32>} : memref<15360xi32, #tpu.memory_space<vmem>>, vector<16xi32>,
      %add3A_272 = arith.constant 640 : i32
      %add3A_273 = vector.broadcast %add3A_272 : i32 to vector<16xi32>
      %add3A_274 = arith.addi %add3A_227, %add3A_273 : vector<16xi32>
      %mul3A_275 = arith.constant 16 : i32
      %mul3A_276 = arith.muli %scan3A_215, %mul3A_275 : i32
      %add3A_277 = arith.constant 11840 : i32
      %add3A_278 = arith.addi %add3A_277, %mul3A_276 : i32
      %swap3A_279 = arith.index_cast %add3A_278 : i32 to index
      %swap3A_280 = tpu.vector_load %arg18[%swap3A_279] {strides = array<i32>} : memref<15360xi32, #tpu.memory_space<vmem>>, vector<16xi32>,
      tpu.vector_store %arg18[%swap3A_279], %add3A_274 {strides = array<i32>} : memref<15360xi32, #tpu.memory_space<vmem>>, vector<16xi32>,
      %add3A_281 = arith.constant 768 : i32
      %add3A_282 = vector.broadcast %add3A_281 : i32 to vector<16xi32>
      %add3A_283 = arith.addi %add3A_227, %add3A_282 : vector<16xi32>
      %mul3A_284 = arith.constant 16 : i32
      %mul3A_285 = arith.muli %scan3A_215, %mul3A_284 : i32
      %add3A_286 = arith.constant 12160 : i32
      %add3A_287 = arith.addi %add3A_286, %mul3A_285 : i32
      %swap3A_288 = arith.index_cast %add3A_287 : i32 to index
      %swap3A_289 = tpu.vector_load %arg18[%swap3A_288] {strides = array<i32>} : memref<15360xi32, #tpu.memory_space<vmem>>, vector<16xi32>,
      tpu.vector_store %arg18[%swap3A_288], %add3A_283 {strides = array<i32>} : memref<15360xi32, #tpu.memory_space<vmem>>, vector<16xi32>,
      %add3A_290 = arith.constant 896 : i32
      %add3A_291 = vector.broadcast %add3A_290 : i32 to vector<16xi32>
      %add3A_292 = arith.addi %add3A_227, %add3A_291 : vector<16xi32>
      %mul3A_293 = arith.constant 16 : i32
      %mul3A_294 = arith.muli %scan3A_215, %mul3A_293 : i32
      %add3A_295 = arith.constant 12480 : i32
      %add3A_296 = arith.addi %add3A_295, %mul3A_294 : i32
      %swap3A_297 = arith.index_cast %add3A_296 : i32 to index
      %swap3A_298 = tpu.vector_load %arg18[%swap3A_297] {strides = array<i32>} : memref<15360xi32, #tpu.memory_space<vmem>>, vector<16xi32>,
      tpu.vector_store %arg18[%swap3A_297], %add3A_292 {strides = array<i32>} : memref<15360xi32, #tpu.memory_space<vmem>>, vector<16xi32>,
      %add3A_299 = arith.constant 2560000 : i32
      %add3A_300 = vector.broadcast %add3A_299 : i32 to vector<16xi32>
      %add3A_301 = arith.addi %add3A_227, %add3A_300 : vector<16xi32>
      %mul3A_302 = arith.constant 16 : i32
      %mul3A_303 = arith.muli %scan3A_215, %mul3A_302 : i32
      %add3A_304 = arith.constant 12800 : i32
      %add3A_305 = arith.addi %add3A_304, %mul3A_303 : i32
      %swap3A_306 = arith.index_cast %add3A_305 : i32 to index
      %swap3A_307 = tpu.vector_load %arg18[%swap3A_306] {strides = array<i32>} : memref<15360xi32, #tpu.memory_space<vmem>>, vector<16xi32>,
      tpu.vector_store %arg18[%swap3A_306], %add3A_301 {strides = array<i32>} : memref<15360xi32, #tpu.memory_space<vmem>>, vector<16xi32>,
      %add3A_308 = arith.constant 2560128 : i32
      %add3A_309 = vector.broadcast %add3A_308 : i32 to vector<16xi32>
      %add3A_310 = arith.addi %add3A_227, %add3A_309 : vector<16xi32>
      %mul3A_311 = arith.constant 16 : i32
      %mul3A_312 = arith.muli %scan3A_215, %mul3A_311 : i32
      %add3A_313 = arith.constant 13120 : i32
      %add3A_314 = arith.addi %add3A_313, %mul3A_312 : i32
      %swap3A_315 = arith.index_cast %add3A_314 : i32 to index
      %swap3A_316 = tpu.vector_load %arg18[%swap3A_315] {strides = array<i32>} : memref<15360xi32, #tpu.memory_space<vmem>>, vector<16xi32>,
      tpu.vector_store %arg18[%swap3A_315], %add3A_310 {strides = array<i32>} : memref<15360xi32, #tpu.memory_space<vmem>>, vector<16xi32>,
      %add3A_317 = arith.constant 2560256 : i32
      %add3A_318 = vector.broadcast %add3A_317 : i32 to vector<16xi32>
      %add3A_319 = arith.addi %add3A_227, %add3A_318 : vector<16xi32>
      %mul3A_320 = arith.constant 16 : i32
      %mul3A_321 = arith.muli %scan3A_215, %mul3A_320 : i32
      %add3A_322 = arith.constant 13440 : i32
      %add3A_323 = arith.addi %add3A_322, %mul3A_321 : i32
      %swap3A_324 = arith.index_cast %add3A_323 : i32 to index
      %swap3A_325 = tpu.vector_load %arg18[%swap3A_324] {strides = array<i32>} : memref<15360xi32, #tpu.memory_space<vmem>>, vector<16xi32>,
      tpu.vector_store %arg18[%swap3A_324], %add3A_319 {strides = array<i32>} : memref<15360xi32, #tpu.memory_space<vmem>>, vector<16xi32>,
      %add3A_326 = arith.constant 2560384 : i32
      %add3A_327 = vector.broadcast %add3A_326 : i32 to vector<16xi32>
      %add3A_328 = arith.addi %add3A_227, %add3A_327 : vector<16xi32>
      %mul3A_329 = arith.constant 16 : i32
      %mul3A_330 = arith.muli %scan3A_215, %mul3A_329 : i32
      %add3A_331 = arith.constant 13760 : i32
      %add3A_332 = arith.addi %add3A_331, %mul3A_330 : i32
      %swap3A_333 = arith.index_cast %add3A_332 : i32 to index
      %swap3A_334 = tpu.vector_load %arg18[%swap3A_333] {strides = array<i32>} : memref<15360xi32, #tpu.memory_space<vmem>>, vector<16xi32>,
      tpu.vector_store %arg18[%swap3A_333], %add3A_328 {strides = array<i32>} : memref<15360xi32, #tpu.memory_space<vmem>>, vector<16xi32>,
      %add3A_335 = arith.constant 2560512 : i32
      %add3A_336 = vector.broadcast %add3A_335 : i32 to vector<16xi32>
      %add3A_337 = arith.addi %add3A_227, %add3A_336 : vector<16xi32>
      %mul3A_338 = arith.constant 16 : i32
      %mul3A_339 = arith.muli %scan3A_215, %mul3A_338 : i32
      %add3A_340 = arith.constant 14080 : i32
      %add3A_341 = arith.addi %add3A_340, %mul3A_339 : i32
      %swap3A_342 = arith.index_cast %add3A_341 : i32 to index
      %swap3A_343 = tpu.vector_load %arg18[%swap3A_342] {strides = array<i32>} : memref<15360xi32, #tpu.memory_space<vmem>>, vector<16xi32>,
      tpu.vector_store %arg18[%swap3A_342], %add3A_337 {strides = array<i32>} : memref<15360xi32, #tpu.memory_space<vmem>>, vector<16xi32>,
      %add3A_344 = arith.constant 2560640 : i32
      %add3A_345 = vector.broadcast %add3A_344 : i32 to vector<16xi32>
      %add3A_346 = arith.addi %add3A_227, %add3A_345 : vector<16xi32>
      %mul3A_347 = arith.constant 16 : i32
      %mul3A_348 = arith.muli %scan3A_215, %mul3A_347 : i32
      %add3A_349 = arith.constant 14400 : i32
      %add3A_350 = arith.addi %add3A_349, %mul3A_348 : i32
      %swap3A_351 = arith.index_cast %add3A_350 : i32 to index
      %swap3A_352 = tpu.vector_load %arg18[%swap3A_351] {strides = array<i32>} : memref<15360xi32, #tpu.memory_space<vmem>>, vector<16xi32>,
      tpu.vector_store %arg18[%swap3A_351], %add3A_346 {strides = array<i32>} : memref<15360xi32, #tpu.memory_space<vmem>>, vector<16xi32>,
      %add3A_353 = arith.constant 2560768 : i32
      %add3A_354 = vector.broadcast %add3A_353 : i32 to vector<16xi32>
      %add3A_355 = arith.addi %add3A_227, %add3A_354 : vector<16xi32>
      %mul3A_356 = arith.constant 16 : i32
      %mul3A_357 = arith.muli %scan3A_215, %mul3A_356 : i32
      %add3A_358 = arith.constant 14720 : i32
      %add3A_359 = arith.addi %add3A_358, %mul3A_357 : i32
      %swap3A_360 = arith.index_cast %add3A_359 : i32 to index
      %swap3A_361 = tpu.vector_load %arg18[%swap3A_360] {strides = array<i32>} : memref<15360xi32, #tpu.memory_space<vmem>>, vector<16xi32>,
      tpu.vector_store %arg18[%swap3A_360], %add3A_355 {strides = array<i32>} : memref<15360xi32, #tpu.memory_space<vmem>>, vector<16xi32>,
      %add3A_362 = arith.constant 2560896 : i32
      %add3A_363 = vector.broadcast %add3A_362 : i32 to vector<16xi32>
      %add3A_364 = arith.addi %add3A_227, %add3A_363 : vector<16xi32>
      %mul3A_365 = arith.constant 16 : i32
      %mul3A_366 = arith.muli %scan3A_215, %mul3A_365 : i32
      %add3A_367 = arith.constant 15040 : i32
      %add3A_368 = arith.addi %add3A_367, %mul3A_366 : i32
      %swap3A_369 = arith.index_cast %add3A_368 : i32 to index
      %swap3A_370 = tpu.vector_load %arg18[%swap3A_369] {strides = array<i32>} : memref<15360xi32, #tpu.memory_space<vmem>>, vector<16xi32>,
      tpu.vector_store %arg18[%swap3A_369], %add3A_364 {strides = array<i32>} : memref<15360xi32, #tpu.memory_space<vmem>>, vector<16xi32>,
      %scan3A_371 = arith.constant 0 : i32
      scf.yield %scan3A_371 : i32
    }
    %scan3A_58 = arith.constant 20 : i32
    %dma_start3A_59 = arith.constant 0 : i32
    %dma_start3A_60 = tpu.memref_slice %arg5[%dma_start3A_59] : memref<5120000xf32, #tpu.memory_space<hbm>> -> memref<5120000xf32, #tpu.memory_space<hbm>>
    tpu.enqueue_indirect_dma source(%dma_start3A_60 : memref<5120000xf32, #tpu.memory_space<hbm>>) target(%arg19 : memref<15360xf32, #tpu.memory_space<vmem>>) offsets(%arg18 : memref<15360xi32, #tpu.memory_space<vmem>>) semaphore(%arg21 : memref<!tpu.dma_semaphore, #tpu.memory_space<semaphore_mem>>)
    %scan3A_61 = arith.constant 0 : i32
    %scan3A_62 = arith.constant 0 : i32
    %scan3A_63 = arith.constant 20 : i32
    %scan3A_64 = arith.addi %scan3A_62, %scan3A_63 : i32
    %scan3A_65 = arith.constant 1 : i32
    %scan3A_66 = scf.for %scan3A_215 = %scan3A_62 to %scan3A_64 step %scan3A_65 iter_args(%scan3A_216 = %scan3A_61) -> (i32)  : i32 {
      %mul3A_217 = arith.constant 16 : i32
      %mul3A_218 = arith.muli %scan3A_215, %mul3A_217 : i32
      %get3A = arith.index_cast %mul3A_218 : i32 to index
      %get3A_219 = tpu.vector_load %arg12[%get3A] {strides = array<i32>} : memref<320xi32, #tpu.memory_space<vmem>>, vector<16xi32>,
      %shift_right_logical3A = arith.constant 7 : i32
      %shift_right_logical3A_220 = vector.broadcast %shift_right_logical3A : i32 to vector<16xi32>
      %shift_right_logical3A_221 = arith.shrui %get3A_219, %shift_right_logical3A_220 : vector<16xi32>
      %mul3A_222 = arith.constant 256 : i32
      %mul3A_223 = vector.broadcast %mul3A_222 : i32 to vector<16xi32>
      %mul3A_224 = arith.muli %shift_right_logical3A_221, %mul3A_223 : vector<16xi32>
      %add3A_225 = arith.constant 128 : i32
      %add3A_226 = vector.broadcast %add3A_225 : i32 to vector<16xi32>
      %add3A_227 = arith.addi %mul3A_224, %add3A_226 : vector<16xi32>
      %and3A = arith.constant 127 : i32
      %and3A_228 = vector.broadcast %and3A : i32 to vector<16xi32>
      %and3A_229 = arith.andi %get3A_219, %and3A_228 : vector<16xi32>
      %add3A_230 = arith.addi %add3A_227, %and3A_229 : vector<16xi32>
      %mul3A_231 = arith.constant 16 : i32
      %mul3A_232 = arith.muli %scan3A_215, %mul3A_231 : i32
      %swap3A = arith.index_cast %mul3A_232 : i32 to index
      %swap3A_233 = tpu.vector_load %arg12[%swap3A] {strides = array<i32>} : memref<320xi32, #tpu.memory_space<vmem>>, vector<16xi32>,
      tpu.vector_store %arg12[%swap3A], %add3A_230 {strides = array<i32>} : memref<320xi32, #tpu.memory_space<vmem>>, vector<16xi32>,
      %scan3A_234 = arith.constant 0 : i32
      scf.yield %scan3A_234 : i32
    }
    %scan3A_67 = arith.constant 20 : i32
    %dma_start3A_68 = arith.constant 0 : i32
    %dma_start3A_69 = tpu.memref_slice %arg15[%dma_start3A_68] : memref<960xi32, #tpu.memory_space<vmem>> -> memref<320xi32, #tpu.memory_space<vmem>>
    %dma_start3A_70 = arith.constant 0 : i32
    %dma_start3A_71 = tpu.memref_slice %arg4[%dma_start3A_70] : memref<640000xi32, #tpu.memory_space<hbm>> -> memref<640000xi32, #tpu.memory_space<hbm>>
    tpu.enqueue_indirect_dma source(%dma_start3A_71 : memref<640000xi32, #tpu.memory_space<hbm>>) target(%dma_start3A_69 : memref<320xi32, #tpu.memory_space<vmem>>) offsets(%arg12 : memref<320xi32, #tpu.memory_space<vmem>>) semaphore(%arg20 : memref<!tpu.dma_semaphore, #tpu.memory_space<semaphore_mem>>)
    %scan3A_72 = arith.constant 0 : i32
    %scan3A_73 = arith.constant 0 : i32
    %scan3A_74 = arith.constant 20 : i32
    %scan3A_75 = arith.addi %scan3A_73, %scan3A_74 : i32
    %scan3A_76 = arith.constant 1 : i32
    %scan3A_77 = scf.for %scan3A_215 = %scan3A_73 to %scan3A_75 step %scan3A_76 iter_args(%scan3A_216 = %scan3A_72) -> (i32)  : i32 {
      %mul3A_217 = arith.constant 16 : i32
      %mul3A_218 = arith.muli %scan3A_215, %mul3A_217 : i32
      %get3A = arith.index_cast %mul3A_218 : i32 to index
      %get3A_219 = tpu.vector_load %arg13[%get3A] {strides = array<i32>} : memref<320xi32, #tpu.memory_space<vmem>>, vector<16xi32>,
      %shift_right_logical3A = arith.constant 7 : i32
      %shift_right_logical3A_220 = vector.broadcast %shift_right_logical3A : i32 to vector<16xi32>
      %shift_right_logical3A_221 = arith.shrui %get3A_219, %shift_right_logical3A_220 : vector<16xi32>
      %mul3A_222 = arith.constant 256 : i32
      %mul3A_223 = vector.broadcast %mul3A_222 : i32 to vector<16xi32>
      %mul3A_224 = arith.muli %shift_right_logical3A_221, %mul3A_223 : vector<16xi32>
      %add3A_225 = arith.constant 128 : i32
      %add3A_226 = vector.broadcast %add3A_225 : i32 to vector<16xi32>
      %add3A_227 = arith.addi %mul3A_224, %add3A_226 : vector<16xi32>
      %and3A = arith.constant 127 : i32
      %and3A_228 = vector.broadcast %and3A : i32 to vector<16xi32>
      %and3A_229 = arith.andi %get3A_219, %and3A_228 : vector<16xi32>
      %add3A_230 = arith.addi %add3A_227, %and3A_229 : vector<16xi32>
      %mul3A_231 = arith.constant 16 : i32
      %mul3A_232 = arith.muli %scan3A_215, %mul3A_231 : i32
      %swap3A = arith.index_cast %mul3A_232 : i32 to index
      %swap3A_233 = tpu.vector_load %arg13[%swap3A] {strides = array<i32>} : memref<320xi32, #tpu.memory_space<vmem>>, vector<16xi32>,
      tpu.vector_store %arg13[%swap3A], %add3A_230 {strides = array<i32>} : memref<320xi32, #tpu.memory_space<vmem>>, vector<16xi32>,
      %scan3A_234 = arith.constant 0 : i32
      scf.yield %scan3A_234 : i32
    }
    %scan3A_78 = arith.constant 20 : i32
    %dma_start3A_79 = arith.constant 320 : i32
    %dma_start3A_80 = tpu.memref_slice %arg15[%dma_start3A_79] : memref<960xi32, #tpu.memory_space<vmem>> -> memref<320xi32, #tpu.memory_space<vmem>>
    %dma_start3A_81 = arith.constant 0 : i32
    %dma_start3A_82 = tpu.memref_slice %arg4[%dma_start3A_81] : memref<640000xi32, #tpu.memory_space<hbm>> -> memref<640000xi32, #tpu.memory_space<hbm>>
    tpu.enqueue_indirect_dma source(%dma_start3A_82 : memref<640000xi32, #tpu.memory_space<hbm>>) target(%dma_start3A_80 : memref<320xi32, #tpu.memory_space<vmem>>) offsets(%arg13 : memref<320xi32, #tpu.memory_space<vmem>>) semaphore(%arg20 : memref<!tpu.dma_semaphore, #tpu.memory_space<semaphore_mem>>)
    %scan3A_83 = arith.constant 0 : i32
    %scan3A_84 = arith.constant 0 : i32
    %scan3A_85 = arith.constant 20 : i32
    %scan3A_86 = arith.addi %scan3A_84, %scan3A_85 : i32
    %scan3A_87 = arith.constant 1 : i32
    %scan3A_88 = scf.for %scan3A_215 = %scan3A_84 to %scan3A_86 step %scan3A_87 iter_args(%scan3A_216 = %scan3A_83) -> (i32)  : i32 {
      %mul3A_217 = arith.constant 16 : i32
      %mul3A_218 = arith.muli %scan3A_215, %mul3A_217 : i32
      %get3A = arith.index_cast %mul3A_218 : i32 to index
      %get3A_219 = tpu.vector_load %arg14[%get3A] {strides = array<i32>} : memref<320xi32, #tpu.memory_space<vmem>>, vector<16xi32>,
      %shift_right_logical3A = arith.constant 7 : i32
      %shift_right_logical3A_220 = vector.broadcast %shift_right_logical3A : i32 to vector<16xi32>
      %shift_right_logical3A_221 = arith.shrui %get3A_219, %shift_right_logical3A_220 : vector<16xi32>
      %mul3A_222 = arith.constant 256 : i32
      %mul3A_223 = vector.broadcast %mul3A_222 : i32 to vector<16xi32>
      %mul3A_224 = arith.muli %shift_right_logical3A_221, %mul3A_223 : vector<16xi32>
      %add3A_225 = arith.constant 128 : i32
      %add3A_226 = vector.broadcast %add3A_225 : i32 to vector<16xi32>
      %add3A_227 = arith.addi %mul3A_224, %add3A_226 : vector<16xi32>
      %and3A = arith.constant 127 : i32
      %and3A_228 = vector.broadcast %and3A : i32 to vector<16xi32>
      %and3A_229 = arith.andi %get3A_219, %and3A_228 : vector<16xi32>
      %add3A_230 = arith.addi %add3A_227, %and3A_229 : vector<16xi32>
      %mul3A_231 = arith.constant 16 : i32
      %mul3A_232 = arith.muli %scan3A_215, %mul3A_231 : i32
      %swap3A = arith.index_cast %mul3A_232 : i32 to index
      %swap3A_233 = tpu.vector_load %arg14[%swap3A] {strides = array<i32>} : memref<320xi32, #tpu.memory_space<vmem>>, vector<16xi32>,
      tpu.vector_store %arg14[%swap3A], %add3A_230 {strides = array<i32>} : memref<320xi32, #tpu.memory_space<vmem>>, vector<16xi32>,
      %scan3A_234 = arith.constant 0 : i32
      scf.yield %scan3A_234 : i32
    }
    %scan3A_89 = arith.constant 20 : i32
    %dma_start3A_90 = arith.constant 640 : i32
    %dma_start3A_91 = tpu.memref_slice %arg15[%dma_start3A_90] : memref<960xi32, #tpu.memory_space<vmem>> -> memref<320xi32, #tpu.memory_space<vmem>>
    %dma_start3A_92 = arith.constant 0 : i32
    %dma_start3A_93 = tpu.memref_slice %arg4[%dma_start3A_92] : memref<640000xi32, #tpu.memory_space<hbm>> -> memref<640000xi32, #tpu.memory_space<hbm>>
    tpu.enqueue_indirect_dma source(%dma_start3A_93 : memref<640000xi32, #tpu.memory_space<hbm>>) target(%dma_start3A_91 : memref<320xi32, #tpu.memory_space<vmem>>) offsets(%arg14 : memref<320xi32, #tpu.memory_space<vmem>>) semaphore(%arg20 : memref<!tpu.dma_semaphore, #tpu.memory_space<semaphore_mem>>)
    %dma_wait3A_94 = arith.constant 0 : i32
    %dma_wait3A_95 = arith.constant 0 : i32
    %dma_wait3A_96 = tpu.memref_slice %arg16[%dma_wait3A_94, %dma_wait3A_95] : memref<960x16xf32, #tpu.memory_space<vmem>> -> memref<320x16xf32, #tpu.memory_space<vmem>>
    %dma_wait3A_97 = arith.constant 0 : i32
    %dma_wait3A_98 = tpu.memref_slice %arg6[%mul3A_2, %dma_wait3A_97] : memref<10240x16xf32, #tpu.memory_space<hbm>> -> memref<320x16xf32, #tpu.memory_space<hbm>>
    %dma_wait3A_99 = arith.constant 0 : i32
    %dma_wait3A_100 = arith.constant 0 : i32
    %dma_wait3A_101 = tpu.memref_slice %arg16[%dma_wait3A_99, %dma_wait3A_100] : memref<960x16xf32, #tpu.memory_space<vmem>> -> memref<320x16xf32, #tpu.memory_space<vmem>>
    %dma_wait3A_102 = arith.constant 0 : i32
    %dma_wait3A_103 = tpu.memref_slice %arg6[%mul3A_2, %dma_wait3A_102] : memref<10240x16xf32, #tpu.memory_space<hbm>> -> memref<320x16xf32, #tpu.memory_space<hbm>>
    tpu.wait_dma2 semaphore(%arg20 : memref<!tpu.dma_semaphore, #tpu.memory_space<semaphore_mem>>) src(%dma_wait3A_103 : memref<320x16xf32, #tpu.memory_space<hbm>>) dst(%dma_wait3A_101 : memref<320x16xf32, #tpu.memory_space<vmem>>)
    %scan3A_104 = arith.constant 0 : i32
    %scan3A_105 = arith.constant 0 : i32
    %scan3A_106 = arith.constant 40 : i32
    %scan3A_107 = arith.addi %scan3A_105, %scan3A_106 : i32
    %scan3A_108 = arith.constant 1 : i32
    %scan3A_109 = scf.for %scan3A_215 = %scan3A_105 to %scan3A_107 step %scan3A_108 iter_args(%scan3A_216 = %scan3A_104) -> (i32)  : i32 {
      %mul3A_217 = arith.constant 8 : i32
      %mul3A_218 = arith.muli %scan3A_215, %mul3A_217 : i32
      %add3A_219 = arith.constant 0 : i32
      %add3A_220 = arith.addi %mul3A_218, %add3A_219 : i32
      %get3A = arith.index_cast %add3A_220 : i32 to index
      %get3A_221 = arith.constant 0 : index
      %get3A_222 = tpu.vector_load %arg16[%get3A, %get3A_221] {strides = array<i32>} : memref<960x16xf32, #tpu.memory_space<vmem>>, vector<16xf32>,
      %swap3A = arith.index_cast %add3A_220 : i32 to index
      %swap3A_223 = arith.constant 96 : index
      %swap3A_224 = tpu.vector_load %arg17[%swap3A, %swap3A_223] {strides = array<i32>} : memref<320x128xf32, #tpu.memory_space<vmem>>, vector<16xf32>,
      tpu.vector_store %arg17[%swap3A, %swap3A_223], %get3A_222 {strides = array<i32>} : memref<320x128xf32, #tpu.memory_space<vmem>>, vector<16xf32>,
      %swap3A_225 = arith.index_cast %add3A_220 : i32 to index
      %swap3A_226 = arith.constant 112 : index
      %swap3A_227 = tpu.vector_load %arg17[%swap3A_225, %swap3A_226] {strides = array<i32>} : memref<320x128xf32, #tpu.memory_space<vmem>>, vector<16xf32>,
      tpu.vector_store %arg17[%swap3A_225, %swap3A_226], %broadcast_in_dim3A_27 {strides = array<i32>} : memref<320x128xf32, #tpu.memory_space<vmem>>, vector<16xf32>,
      %mul3A_228 = arith.constant 8 : i32
      %mul3A_229 = arith.muli %scan3A_215, %mul3A_228 : i32
      %add3A_230 = arith.constant 1 : i32
      %add3A_231 = arith.addi %mul3A_229, %add3A_230 : i32
      %get3A_232 = arith.index_cast %add3A_231 : i32 to index
      %get3A_233 = arith.constant 0 : index
      %get3A_234 = tpu.vector_load %arg16[%get3A_232, %get3A_233] {strides = array<i32>} : memref<960x16xf32, #tpu.memory_space<vmem>>, vector<16xf32>,
      %swap3A_235 = arith.index_cast %add3A_231 : i32 to index
      %swap3A_236 = arith.constant 96 : index
      %swap3A_237 = tpu.vector_load %arg17[%swap3A_235, %swap3A_236] {strides = array<i32>} : memref<320x128xf32, #tpu.memory_space<vmem>>, vector<16xf32>,
      tpu.vector_store %arg17[%swap3A_235, %swap3A_236], %get3A_234 {strides = array<i32>} : memref<320x128xf32, #tpu.memory_space<vmem>>, vector<16xf32>,
      %swap3A_238 = arith.index_cast %add3A_231 : i32 to index
      %swap3A_239 = arith.constant 112 : index
      %swap3A_240 = tpu.vector_load %arg17[%swap3A_238, %swap3A_239] {strides = array<i32>} : memref<320x128xf32, #tpu.memory_space<vmem>>, vector<16xf32>,
      tpu.vector_store %arg17[%swap3A_238, %swap3A_239], %broadcast_in_dim3A_27 {strides = array<i32>} : memref<320x128xf32, #tpu.memory_space<vmem>>, vector<16xf32>,
      %mul3A_241 = arith.constant 8 : i32
      %mul3A_242 = arith.muli %scan3A_215, %mul3A_241 : i32
      %add3A_243 = arith.constant 2 : i32
      %add3A_244 = arith.addi %mul3A_242, %add3A_243 : i32
      %get3A_245 = arith.index_cast %add3A_244 : i32 to index
      %get3A_246 = arith.constant 0 : index
      %get3A_247 = tpu.vector_load %arg16[%get3A_245, %get3A_246] {strides = array<i32>} : memref<960x16xf32, #tpu.memory_space<vmem>>, vector<16xf32>,
      %swap3A_248 = arith.index_cast %add3A_244 : i32 to index
      %swap3A_249 = arith.constant 96 : index
      %swap3A_250 = tpu.vector_load %arg17[%swap3A_248, %swap3A_249] {strides = array<i32>} : memref<320x128xf32, #tpu.memory_space<vmem>>, vector<16xf32>,
      tpu.vector_store %arg17[%swap3A_248, %swap3A_249], %get3A_247 {strides = array<i32>} : memref<320x128xf32, #tpu.memory_space<vmem>>, vector<16xf32>,
      %swap3A_251 = arith.index_cast %add3A_244 : i32 to index
      %swap3A_252 = arith.constant 112 : index
      %swap3A_253 = tpu.vector_load %arg17[%swap3A_251, %swap3A_252] {strides = array<i32>} : memref<320x128xf32, #tpu.memory_space<vmem>>, vector<16xf32>,
      tpu.vector_store %arg17[%swap3A_251, %swap3A_252], %broadcast_in_dim3A_27 {strides = array<i32>} : memref<320x128xf32, #tpu.memory_space<vmem>>, vector<16xf32>,
      %mul3A_254 = arith.constant 8 : i32
      %mul3A_255 = arith.muli %scan3A_215, %mul3A_254 : i32
      %add3A_256 = arith.constant 3 : i32
      %add3A_257 = arith.addi %mul3A_255, %add3A_256 : i32
      %get3A_258 = arith.index_cast %add3A_257 : i32 to index
      %get3A_259 = arith.constant 0 : index
      %get3A_260 = tpu.vector_load %arg16[%get3A_258, %get3A_259] {strides = array<i32>} : memref<960x16xf32, #tpu.memory_space<vmem>>, vector<16xf32>,
      %swap3A_261 = arith.index_cast %add3A_257 : i32 to index
      %swap3A_262 = arith.constant 96 : index
      %swap3A_263 = tpu.vector_load %arg17[%swap3A_261, %swap3A_262] {strides = array<i32>} : memref<320x128xf32, #tpu.memory_space<vmem>>, vector<16xf32>,
      tpu.vector_store %arg17[%swap3A_261, %swap3A_262], %get3A_260 {strides = array<i32>} : memref<320x128xf32, #tpu.memory_space<vmem>>, vector<16xf32>,
      %swap3A_264 = arith.index_cast %add3A_257 : i32 to index
      %swap3A_265 = arith.constant 112 : index
      %swap3A_266 = tpu.vector_load %arg17[%swap3A_264, %swap3A_265] {strides = array<i32>} : memref<320x128xf32, #tpu.memory_space<vmem>>, vector<16xf32>,
      tpu.vector_store %arg17[%swap3A_264, %swap3A_265], %broadcast_in_dim3A_27 {strides = array<i32>} : memref<320x128xf32, #tpu.memory_space<vmem>>, vector<16xf32>,
      %mul3A_267 = arith.constant 8 : i32
      %mul3A_268 = arith.muli %scan3A_215, %mul3A_267 : i32
      %add3A_269 = arith.constant 4 : i32
      %add3A_270 = arith.addi %mul3A_268, %add3A_269 : i32
      %get3A_271 = arith.index_cast %add3A_270 : i32 to index
      %get3A_272 = arith.constant 0 : index
      %get3A_273 = tpu.vector_load %arg16[%get3A_271, %get3A_272] {strides = array<i32>} : memref<960x16xf32, #tpu.memory_space<vmem>>, vector<16xf32>,
      %swap3A_274 = arith.index_cast %add3A_270 : i32 to index
      %swap3A_275 = arith.constant 96 : index
      %swap3A_276 = tpu.vector_load %arg17[%swap3A_274, %swap3A_275] {strides = array<i32>} : memref<320x128xf32, #tpu.memory_space<vmem>>, vector<16xf32>,
      tpu.vector_store %arg17[%swap3A_274, %swap3A_275], %get3A_273 {strides = array<i32>} : memref<320x128xf32, #tpu.memory_space<vmem>>, vector<16xf32>,
      %swap3A_277 = arith.index_cast %add3A_270 : i32 to index
      %swap3A_278 = arith.constant 112 : index
      %swap3A_279 = tpu.vector_load %arg17[%swap3A_277, %swap3A_278] {strides = array<i32>} : memref<320x128xf32, #tpu.memory_space<vmem>>, vector<16xf32>,
      tpu.vector_store %arg17[%swap3A_277, %swap3A_278], %broadcast_in_dim3A_27 {strides = array<i32>} : memref<320x128xf32, #tpu.memory_space<vmem>>, vector<16xf32>,
      %mul3A_280 = arith.constant 8 : i32
      %mul3A_281 = arith.muli %scan3A_215, %mul3A_280 : i32
      %add3A_282 = arith.constant 5 : i32
      %add3A_283 = arith.addi %mul3A_281, %add3A_282 : i32
      %get3A_284 = arith.index_cast %add3A_283 : i32 to index
      %get3A_285 = arith.constant 0 : index
      %get3A_286 = tpu.vector_load %arg16[%get3A_284, %get3A_285] {strides = array<i32>} : memref<960x16xf32, #tpu.memory_space<vmem>>, vector<16xf32>,
      %swap3A_287 = arith.index_cast %add3A_283 : i32 to index
      %swap3A_288 = arith.constant 96 : index
      %swap3A_289 = tpu.vector_load %arg17[%swap3A_287, %swap3A_288] {strides = array<i32>} : memref<320x128xf32, #tpu.memory_space<vmem>>, vector<16xf32>,
      tpu.vector_store %arg17[%swap3A_287, %swap3A_288], %get3A_286 {strides = array<i32>} : memref<320x128xf32, #tpu.memory_space<vmem>>, vector<16xf32>,
      %swap3A_290 = arith.index_cast %add3A_283 : i32 to index
      %swap3A_291 = arith.constant 112 : index
      %swap3A_292 = tpu.vector_load %arg17[%swap3A_290, %swap3A_291] {strides = array<i32>} : memref<320x128xf32, #tpu.memory_space<vmem>>, vector<16xf32>,
      tpu.vector_store %arg17[%swap3A_290, %swap3A_291], %broadcast_in_dim3A_27 {strides = array<i32>} : memref<320x128xf32, #tpu.memory_space<vmem>>, vector<16xf32>,
      %mul3A_293 = arith.constant 8 : i32
      %mul3A_294 = arith.muli %scan3A_215, %mul3A_293 : i32
      %add3A_295 = arith.constant 6 : i32
      %add3A_296 = arith.addi %mul3A_294, %add3A_295 : i32
      %get3A_297 = arith.index_cast %add3A_296 : i32 to index
      %get3A_298 = arith.constant 0 : index
      %get3A_299 = tpu.vector_load %arg16[%get3A_297, %get3A_298] {strides = array<i32>} : memref<960x16xf32, #tpu.memory_space<vmem>>, vector<16xf32>,
      %swap3A_300 = arith.index_cast %add3A_296 : i32 to index
      %swap3A_301 = arith.constant 96 : index
      %swap3A_302 = tpu.vector_load %arg17[%swap3A_300, %swap3A_301] {strides = array<i32>} : memref<320x128xf32, #tpu.memory_space<vmem>>, vector<16xf32>,
      tpu.vector_store %arg17[%swap3A_300, %swap3A_301], %get3A_299 {strides = array<i32>} : memref<320x128xf32, #tpu.memory_space<vmem>>, vector<16xf32>,
      %swap3A_303 = arith.index_cast %add3A_296 : i32 to index
      %swap3A_304 = arith.constant 112 : index
      %swap3A_305 = tpu.vector_load %arg17[%swap3A_303, %swap3A_304] {strides = array<i32>} : memref<320x128xf32, #tpu.memory_space<vmem>>, vector<16xf32>,
      tpu.vector_store %arg17[%swap3A_303, %swap3A_304], %broadcast_in_dim3A_27 {strides = array<i32>} : memref<320x128xf32, #tpu.memory_space<vmem>>, vector<16xf32>,
      %mul3A_306 = arith.constant 8 : i32
      %mul3A_307 = arith.muli %scan3A_215, %mul3A_306 : i32
      %add3A_308 = arith.constant 7 : i32
      %add3A_309 = arith.addi %mul3A_307, %add3A_308 : i32
      %get3A_310 = arith.index_cast %add3A_309 : i32 to index
      %get3A_311 = arith.constant 0 : index
      %get3A_312 = tpu.vector_load %arg16[%get3A_310, %get3A_311] {strides = array<i32>} : memref<960x16xf32, #tpu.memory_space<vmem>>, vector<16xf32>,
      %swap3A_313 = arith.index_cast %add3A_309 : i32 to index
      %swap3A_314 = arith.constant 96 : index
      %swap3A_315 = tpu.vector_load %arg17[%swap3A_313, %swap3A_314] {strides = array<i32>} : memref<320x128xf32, #tpu.memory_space<vmem>>, vector<16xf32>,
      tpu.vector_store %arg17[%swap3A_313, %swap3A_314], %get3A_312 {strides = array<i32>} : memref<320x128xf32, #tpu.memory_space<vmem>>, vector<16xf32>,
      %swap3A_316 = arith.index_cast %add3A_309 : i32 to index
      %swap3A_317 = arith.constant 112 : index
      %swap3A_318 = tpu.vector_load %arg17[%swap3A_316, %swap3A_317] {strides = array<i32>} : memref<320x128xf32, #tpu.memory_space<vmem>>, vector<16xf32>,
      tpu.vector_store %arg17[%swap3A_316, %swap3A_317], %broadcast_in_dim3A_27 {strides = array<i32>} : memref<320x128xf32, #tpu.memory_space<vmem>>, vector<16xf32>,
      %scan3A_319 = arith.constant 0 : i32
      scf.yield %scan3A_319 : i32
    }
    %scan3A_110 = arith.constant 40 : i32
    %dma_wait3A_111 = arith.constant 0 : i32
    %dma_wait3A_112 = tpu.memref_slice %arg15[%dma_wait3A_111] : memref<960xi32, #tpu.memory_space<vmem>> -> memref<320xi32, #tpu.memory_space<vmem>>
    %dma_wait3A_113 = arith.constant 0 : i32
    %dma_wait3A_114 = tpu.memref_slice %arg4[%dma_wait3A_113] : memref<640000xi32, #tpu.memory_space<hbm>> -> memref<640000xi32, #tpu.memory_space<hbm>>
    tpu.wait_indirect_dma semaphore(%arg20 : memref<!tpu.dma_semaphore, #tpu.memory_space<semaphore_mem>>) src(%dma_wait3A_114 : memref<640000xi32, #tpu.memory_space<hbm>>) dst(%dma_wait3A_112 : memref<320xi32, #tpu.memory_space<vmem>>)
    %dma_start3A_115 = arith.constant 0 : i32
    %dma_start3A_116 = arith.constant 0 : i32
    %dma_start3A_117 = tpu.memref_slice %arg16[%dma_start3A_115, %dma_start3A_116] : memref<960x16xf32, #tpu.memory_space<vmem>> -> memref<320x16xf32, #tpu.memory_space<vmem>>
    %dma_start3A_118 = arith.constant 0 : i32
    %dma_start3A_119 = tpu.memref_slice %arg15[%dma_start3A_118] : memref<960xi32, #tpu.memory_space<vmem>> -> memref<320xi32, #tpu.memory_space<vmem>>
    %dma_start3A_120 = arith.constant 0 : i32
    %dma_start3A_121 = arith.constant 0 : i32
    %dma_start3A_122 = tpu.memref_slice %arg6[%dma_start3A_120, %dma_start3A_121] : memref<10240x16xf32, #tpu.memory_space<hbm>> -> memref<10240x16xf32, #tpu.memory_space<hbm>>
    tpu.enqueue_indirect_dma source(%dma_start3A_122 : memref<10240x16xf32, #tpu.memory_space<hbm>>) target(%dma_start3A_117 : memref<320x16xf32, #tpu.memory_space<vmem>>) offsets(%dma_start3A_119 : memref<320xi32, #tpu.memory_space<vmem>>) semaphore(%arg20 : memref<!tpu.dma_semaphore, #tpu.memory_space<semaphore_mem>>)
    %dma_wait3A_123 = arith.constant 320 : i32
    %dma_wait3A_124 = tpu.memref_slice %arg15[%dma_wait3A_123] : memref<960xi32, #tpu.memory_space<vmem>> -> memref<320xi32, #tpu.memory_space<vmem>>
    %dma_wait3A_125 = arith.constant 0 : i32
    %dma_wait3A_126 = tpu.memref_slice %arg4[%dma_wait3A_125] : memref<640000xi32, #tpu.memory_space<hbm>> -> memref<640000xi32, #tpu.memory_space<hbm>>
    tpu.wait_indirect_dma semaphore(%arg20 : memref<!tpu.dma_semaphore, #tpu.memory_space<semaphore_mem>>) src(%dma_wait3A_126 : memref<640000xi32, #tpu.memory_space<hbm>>) dst(%dma_wait3A_124 : memref<320xi32, #tpu.memory_space<vmem>>)
    %dma_start3A_127 = arith.constant 320 : i32
    %dma_start3A_128 = arith.constant 0 : i32
    %dma_start3A_129 = tpu.memref_slice %arg16[%dma_start3A_127, %dma_start3A_128] : memref<960x16xf32, #tpu.memory_space<vmem>> -> memref<320x16xf32, #tpu.memory_space<vmem>>
    %dma_start3A_130 = arith.constant 320 : i32
    %dma_start3A_131 = tpu.memref_slice %arg15[%dma_start3A_130] : memref<960xi32, #tpu.memory_space<vmem>> -> memref<320xi32, #tpu.memory_space<vmem>>
    %dma_start3A_132 = arith.constant 0 : i32
    %dma_start3A_133 = arith.constant 0 : i32
    %dma_start3A_134 = tpu.memref_slice %arg6[%dma_start3A_132, %dma_start3A_133] : memref<10240x16xf32, #tpu.memory_space<hbm>> -> memref<10240x16xf32, #tpu.memory_space<hbm>>
    tpu.enqueue_indirect_dma source(%dma_start3A_134 : memref<10240x16xf32, #tpu.memory_space<hbm>>) target(%dma_start3A_129 : memref<320x16xf32, #tpu.memory_space<vmem>>) offsets(%dma_start3A_131 : memref<320xi32, #tpu.memory_space<vmem>>) semaphore(%arg20 : memref<!tpu.dma_semaphore, #tpu.memory_space<semaphore_mem>>)
    %dma_wait3A_135 = arith.constant 640 : i32
    %dma_wait3A_136 = tpu.memref_slice %arg15[%dma_wait3A_135] : memref<960xi32, #tpu.memory_space<vmem>> -> memref<320xi32, #tpu.memory_space<vmem>>
    %dma_wait3A_137 = arith.constant 0 : i32
    %dma_wait3A_138 = tpu.memref_slice %arg4[%dma_wait3A_137] : memref<640000xi32, #tpu.memory_space<hbm>> -> memref<640000xi32, #tpu.memory_space<hbm>>
    tpu.wait_indirect_dma semaphore(%arg20 : memref<!tpu.dma_semaphore, #tpu.memory_space<semaphore_mem>>) src(%dma_wait3A_138 : memref<640000xi32, #tpu.memory_space<hbm>>) dst(%dma_wait3A_136 : memref<320xi32, #tpu.memory_space<vmem>>)
    %dma_start3A_139 = arith.constant 640 : i32
    %dma_start3A_140 = arith.constant 0 : i32
    %dma_start3A_141 = tpu.memref_slice %arg16[%dma_start3A_139, %dma_start3A_140] : memref<960x16xf32, #tpu.memory_space<vmem>> -> memref<320x16xf32, #tpu.memory_space<vmem>>
    %dma_start3A_142 = arith.constant 640 : i32
    %dma_start3A_143 = tpu.memref_slice %arg15[%dma_start3A_142] : memref<960xi32, #tpu.memory_space<vmem>> -> memref<320xi32, #tpu.memory_space<vmem>>
    %dma_start3A_144 = arith.constant 0 : i32
    %dma_start3A_145 = arith.constant 0 : i32
    %dma_start3A_146 = tpu.memref_slice %arg6[%dma_start3A_144, %dma_start3A_145] : memref<10240x16xf32, #tpu.memory_space<hbm>> -> memref<10240x16xf32, #tpu.memory_space<hbm>>
    tpu.enqueue_indirect_dma source(%dma_start3A_146 : memref<10240x16xf32, #tpu.memory_space<hbm>>) target(%dma_start3A_141 : memref<320x16xf32, #tpu.memory_space<vmem>>) offsets(%dma_start3A_143 : memref<320xi32, #tpu.memory_space<vmem>>) semaphore(%arg20 : memref<!tpu.dma_semaphore, #tpu.memory_space<semaphore_mem>>)
    %dma_wait3A_147 = arith.constant 0 : i32
    %dma_wait3A_148 = tpu.memref_slice %arg5[%dma_wait3A_147] : memref<5120000xf32, #tpu.memory_space<hbm>> -> memref<5120000xf32, #tpu.memory_space<hbm>>
    tpu.wait_indirect_dma semaphore(%arg21 : memref<!tpu.dma_semaphore, #tpu.memory_space<semaphore_mem>>) src(%dma_wait3A_148 : memref<5120000xf32, #tpu.memory_space<hbm>>) dst(%arg19 : memref<15360xf32, #tpu.memory_space<vmem>>)
    %scan3A_149 = arith.constant 0 : i32
    %scan3A_150 = arith.constant 0 : i32
    %scan3A_151 = arith.constant 20 : i32
    %scan3A_152 = arith.addi %scan3A_150, %scan3A_151 : i32
    %scan3A_153 = arith.constant 1 : i32
    %scan3A_154 = scf.for %scan3A_215 = %scan3A_150 to %scan3A_152 step %scan3A_153 iter_args(%scan3A_216 = %scan3A_149) -> (i32)  : i32 {
      %mul3A_217 = arith.constant 16 : i32
      %mul3A_218 = arith.muli %scan3A_215, %mul3A_217 : i32
      %add3A_219 = vector.broadcast %mul3A_218 : i32 to vector<16xi32>
      %add3A_220 = arith.addi %add3A_219, %iota3A : vector<16xi32>
      %mul3A_221 = arith.constant 16 : i32
      %mul3A_222 = arith.muli %scan3A_215, %mul3A_221 : i32
      %add3A_223 = arith.constant 0 : i32
      %add3A_224 = arith.addi %add3A_223, %mul3A_222 : i32
      %get3A = arith.index_cast %add3A_224 : i32 to index
      %get3A_225 = tpu.vector_load %arg19[%get3A] {strides = array<i32>} : memref<15360xf32, #tpu.memory_space<vmem>>, vector<16xf32>,
      %broadcast_in_dim3A_226 = arith.constant 0 : i32
      %broadcast_in_dim3A_227 = vector.broadcast %broadcast_in_dim3A_226 : i32 to vector<16xi32>
      tpu.vector_store_idx %arg17[%add3A_220, %broadcast_in_dim3A_227], %get3A_225 : memref<320x128xf32, #tpu.memory_space<vmem>>[vector<16xi32>, vector<16xi32>], vector<16xf32>,
      %mul3A_228 = arith.constant 16 : i32
      %mul3A_229 = arith.muli %scan3A_215, %mul3A_228 : i32
      %add3A_230 = arith.constant 320 : i32
      %add3A_231 = arith.addi %add3A_230, %mul3A_229 : i32
      %get3A_232 = arith.index_cast %add3A_231 : i32 to index
      %get3A_233 = tpu.vector_load %arg19[%get3A_232] {strides = array<i32>} : memref<15360xf32, #tpu.memory_space<vmem>>, vector<16xf32>,
      %broadcast_in_dim3A_234 = arith.constant 1 : i32
      %broadcast_in_dim3A_235 = vector.broadcast %broadcast_in_dim3A_234 : i32 to vector<16xi32>
      tpu.vector_store_idx %arg17[%add3A_220, %broadcast_in_dim3A_235], %get3A_233 : memref<320x128xf32, #tpu.memory_space<vmem>>[vector<16xi32>, vector<16xi32>], vector<16xf32>,
      %mul3A_236 = arith.constant 16 : i32
      %mul3A_237 = arith.muli %scan3A_215, %mul3A_236 : i32
      %add3A_238 = arith.constant 640 : i32
      %add3A_239 = arith.addi %add3A_238, %mul3A_237 : i32
      %get3A_240 = arith.index_cast %add3A_239 : i32 to index
      %get3A_241 = tpu.vector_load %arg19[%get3A_240] {strides = array<i32>} : memref<15360xf32, #tpu.memory_space<vmem>>, vector<16xf32>,
      %broadcast_in_dim3A_242 = arith.constant 2 : i32
      %broadcast_in_dim3A_243 = vector.broadcast %broadcast_in_dim3A_242 : i32 to vector<16xi32>
      tpu.vector_store_idx %arg17[%add3A_220, %broadcast_in_dim3A_243], %get3A_241 : memref<320x128xf32, #tpu.memory_space<vmem>>[vector<16xi32>, vector<16xi32>], vector<16xf32>,
      %mul3A_244 = arith.constant 16 : i32
      %mul3A_245 = arith.muli %scan3A_215, %mul3A_244 : i32
      %add3A_246 = arith.constant 960 : i32
      %add3A_247 = arith.addi %add3A_246, %mul3A_245 : i32
      %get3A_248 = arith.index_cast %add3A_247 : i32 to index
      %get3A_249 = tpu.vector_load %arg19[%get3A_248] {strides = array<i32>} : memref<15360xf32, #tpu.memory_space<vmem>>, vector<16xf32>,
      %broadcast_in_dim3A_250 = arith.constant 3 : i32
      %broadcast_in_dim3A_251 = vector.broadcast %broadcast_in_dim3A_250 : i32 to vector<16xi32>
      tpu.vector_store_idx %arg17[%add3A_220, %broadcast_in_dim3A_251], %get3A_249 : memref<320x128xf32, #tpu.memory_space<vmem>>[vector<16xi32>, vector<16xi32>], vector<16xf32>,
      %mul3A_252 = arith.constant 16 : i32
      %mul3A_253 = arith.muli %scan3A_215, %mul3A_252 : i32
      %add3A_254 = arith.constant 1280 : i32
      %add3A_255 = arith.addi %add3A_254, %mul3A_253 : i32
      %get3A_256 = arith.index_cast %add3A_255 : i32 to index
      %get3A_257 = tpu.vector_load %arg19[%get3A_256] {strides = array<i32>} : memref<15360xf32, #tpu.memory_space<vmem>>, vector<16xf32>,
      %broadcast_in_dim3A_258 = arith.constant 4 : i32
      %broadcast_in_dim3A_259 = vector.broadcast %broadcast_in_dim3A_258 : i32 to vector<16xi32>
      tpu.vector_store_idx %arg17[%add3A_220, %broadcast_in_dim3A_259], %get3A_257 : memref<320x128xf32, #tpu.memory_space<vmem>>[vector<16xi32>, vector<16xi32>], vector<16xf32>,
      %mul3A_260 = arith.constant 16 : i32
      %mul3A_261 = arith.muli %scan3A_215, %mul3A_260 : i32
      %add3A_262 = arith.constant 1600 : i32
      %add3A_263 = arith.addi %add3A_262, %mul3A_261 : i32
      %get3A_264 = arith.index_cast %add3A_263 : i32 to index
      %get3A_265 = tpu.vector_load %arg19[%get3A_264] {strides = array<i32>} : memref<15360xf32, #tpu.memory_space<vmem>>, vector<16xf32>,
      %broadcast_in_dim3A_266 = arith.constant 5 : i32
      %broadcast_in_dim3A_267 = vector.broadcast %broadcast_in_dim3A_266 : i32 to vector<16xi32>
      tpu.vector_store_idx %arg17[%add3A_220, %broadcast_in_dim3A_267], %get3A_265 : memref<320x128xf32, #tpu.memory_space<vmem>>[vector<16xi32>, vector<16xi32>], vector<16xf32>,
      %mul3A_268 = arith.constant 16 : i32
      %mul3A_269 = arith.muli %scan3A_215, %mul3A_268 : i32
      %add3A_270 = arith.constant 1920 : i32
      %add3A_271 = arith.addi %add3A_270, %mul3A_269 : i32
      %get3A_272 = arith.index_cast %add3A_271 : i32 to index
      %get3A_273 = tpu.vector_load %arg19[%get3A_272] {strides = array<i32>} : memref<15360xf32, #tpu.memory_space<vmem>>, vector<16xf32>,
      %broadcast_in_dim3A_274 = arith.constant 6 : i32
      %broadcast_in_dim3A_275 = vector.broadcast %broadcast_in_dim3A_274 : i32 to vector<16xi32>
      tpu.vector_store_idx %arg17[%add3A_220, %broadcast_in_dim3A_275], %get3A_273 : memref<320x128xf32, #tpu.memory_space<vmem>>[vector<16xi32>, vector<16xi32>], vector<16xf32>,
      %mul3A_276 = arith.constant 16 : i32
      %mul3A_277 = arith.muli %scan3A_215, %mul3A_276 : i32
      %add3A_278 = arith.constant 2240 : i32
      %add3A_279 = arith.addi %add3A_278, %mul3A_277 : i32
      %get3A_280 = arith.index_cast %add3A_279 : i32 to index
      %get3A_281 = tpu.vector_load %arg19[%get3A_280] {strides = array<i32>} : memref<15360xf32, #tpu.memory_space<vmem>>, vector<16xf32>,
      %broadcast_in_dim3A_282 = arith.constant 7 : i32
      %broadcast_in_dim3A_283 = vector.broadcast %broadcast_in_dim3A_282 : i32 to vector<16xi32>
      tpu.vector_store_idx %arg17[%add3A_220, %broadcast_in_dim3A_283], %get3A_281 : memref<320x128xf32, #tpu.memory_space<vmem>>[vector<16xi32>, vector<16xi32>], vector<16xf32>,
      %mul3A_284 = arith.constant 16 : i32
      %mul3A_285 = arith.muli %scan3A_215, %mul3A_284 : i32
      %add3A_286 = arith.constant 2560 : i32
      %add3A_287 = arith.addi %add3A_286, %mul3A_285 : i32
      %get3A_288 = arith.index_cast %add3A_287 : i32 to index
      %get3A_289 = tpu.vector_load %arg19[%get3A_288] {strides = array<i32>} : memref<15360xf32, #tpu.memory_space<vmem>>, vector<16xf32>,
      %broadcast_in_dim3A_290 = arith.constant 8 : i32
      %broadcast_in_dim3A_291 = vector.broadcast %broadcast_in_dim3A_290 : i32 to vector<16xi32>
      tpu.vector_store_idx %arg17[%add3A_220, %broadcast_in_dim3A_291], %get3A_289 : memref<320x128xf32, #tpu.memory_space<vmem>>[vector<16xi32>, vector<16xi32>], vector<16xf32>,
      %mul3A_292 = arith.constant 16 : i32
      %mul3A_293 = arith.muli %scan3A_215, %mul3A_292 : i32
      %add3A_294 = arith.constant 2880 : i32
      %add3A_295 = arith.addi %add3A_294, %mul3A_293 : i32
      %get3A_296 = arith.index_cast %add3A_295 : i32 to index
      %get3A_297 = tpu.vector_load %arg19[%get3A_296] {strides = array<i32>} : memref<15360xf32, #tpu.memory_space<vmem>>, vector<16xf32>,
      %broadcast_in_dim3A_298 = arith.constant 9 : i32
      %broadcast_in_dim3A_299 = vector.broadcast %broadcast_in_dim3A_298 : i32 to vector<16xi32>
      tpu.vector_store_idx %arg17[%add3A_220, %broadcast_in_dim3A_299], %get3A_297 : memref<320x128xf32, #tpu.memory_space<vmem>>[vector<16xi32>, vector<16xi32>], vector<16xf32>,
      %mul3A_300 = arith.constant 16 : i32
      %mul3A_301 = arith.muli %scan3A_215, %mul3A_300 : i32
      %add3A_302 = arith.constant 3200 : i32
      %add3A_303 = arith.addi %add3A_302, %mul3A_301 : i32
      %get3A_304 = arith.index_cast %add3A_303 : i32 to index
      %get3A_305 = tpu.vector_load %arg19[%get3A_304] {strides = array<i32>} : memref<15360xf32, #tpu.memory_space<vmem>>, vector<16xf32>,
      %broadcast_in_dim3A_306 = arith.constant 10 : i32
      %broadcast_in_dim3A_307 = vector.broadcast %broadcast_in_dim3A_306 : i32 to vector<16xi32>
      tpu.vector_store_idx %arg17[%add3A_220, %broadcast_in_dim3A_307], %get3A_305 : memref<320x128xf32, #tpu.memory_space<vmem>>[vector<16xi32>, vector<16xi32>], vector<16xf32>,
      %mul3A_308 = arith.constant 16 : i32
      %mul3A_309 = arith.muli %scan3A_215, %mul3A_308 : i32
      %add3A_310 = arith.constant 3520 : i32
      %add3A_311 = arith.addi %add3A_310, %mul3A_309 : i32
      %get3A_312 = arith.index_cast %add3A_311 : i32 to index
      %get3A_313 = tpu.vector_load %arg19[%get3A_312] {strides = array<i32>} : memref<15360xf32, #tpu.memory_space<vmem>>, vector<16xf32>,
      %broadcast_in_dim3A_314 = arith.constant 11 : i32
      %broadcast_in_dim3A_315 = vector.broadcast %broadcast_in_dim3A_314 : i32 to vector<16xi32>
      tpu.vector_store_idx %arg17[%add3A_220, %broadcast_in_dim3A_315], %get3A_313 : memref<320x128xf32, #tpu.memory_space<vmem>>[vector<16xi32>, vector<16xi32>], vector<16xf32>,
      %mul3A_316 = arith.constant 16 : i32
      %mul3A_317 = arith.muli %scan3A_215, %mul3A_316 : i32
      %add3A_318 = arith.constant 3840 : i32
      %add3A_319 = arith.addi %add3A_318, %mul3A_317 : i32
      %get3A_320 = arith.index_cast %add3A_319 : i32 to index
      %get3A_321 = tpu.vector_load %arg19[%get3A_320] {strides = array<i32>} : memref<15360xf32, #tpu.memory_space<vmem>>, vector<16xf32>,
      %broadcast_in_dim3A_322 = arith.constant 12 : i32
      %broadcast_in_dim3A_323 = vector.broadcast %broadcast_in_dim3A_322 : i32 to vector<16xi32>
      tpu.vector_store_idx %arg17[%add3A_220, %broadcast_in_dim3A_323], %get3A_321 : memref<320x128xf32, #tpu.memory_space<vmem>>[vector<16xi32>, vector<16xi32>], vector<16xf32>,
      %mul3A_324 = arith.constant 16 : i32
      %mul3A_325 = arith.muli %scan3A_215, %mul3A_324 : i32
      %add3A_326 = arith.constant 4160 : i32
      %add3A_327 = arith.addi %add3A_326, %mul3A_325 : i32
      %get3A_328 = arith.index_cast %add3A_327 : i32 to index
      %get3A_329 = tpu.vector_load %arg19[%get3A_328] {strides = array<i32>} : memref<15360xf32, #tpu.memory_space<vmem>>, vector<16xf32>,
      %broadcast_in_dim3A_330 = arith.constant 13 : i32
      %broadcast_in_dim3A_331 = vector.broadcast %broadcast_in_dim3A_330 : i32 to vector<16xi32>
      tpu.vector_store_idx %arg17[%add3A_220, %broadcast_in_dim3A_331], %get3A_329 : memref<320x128xf32, #tpu.memory_space<vmem>>[vector<16xi32>, vector<16xi32>], vector<16xf32>,
      %mul3A_332 = arith.constant 16 : i32
      %mul3A_333 = arith.muli %scan3A_215, %mul3A_332 : i32
      %add3A_334 = arith.constant 4480 : i32
      %add3A_335 = arith.addi %add3A_334, %mul3A_333 : i32
      %get3A_336 = arith.index_cast %add3A_335 : i32 to index
      %get3A_337 = tpu.vector_load %arg19[%get3A_336] {strides = array<i32>} : memref<15360xf32, #tpu.memory_space<vmem>>, vector<16xf32>,
      %broadcast_in_dim3A_338 = arith.constant 14 : i32
      %broadcast_in_dim3A_339 = vector.broadcast %broadcast_in_dim3A_338 : i32 to vector<16xi32>
      tpu.vector_store_idx %arg17[%add3A_220, %broadcast_in_dim3A_339], %get3A_337 : memref<320x128xf32, #tpu.memory_space<vmem>>[vector<16xi32>, vector<16xi32>], vector<16xf32>,
      %mul3A_340 = arith.constant 16 : i32
      %mul3A_341 = arith.muli %scan3A_215, %mul3A_340 : i32
      %add3A_342 = arith.constant 4800 : i32
      %add3A_343 = arith.addi %add3A_342, %mul3A_341 : i32
      %get3A_344 = arith.index_cast %add3A_343 : i32 to index
      %get3A_345 = tpu.vector_load %arg19[%get3A_344] {strides = array<i32>} : memref<15360xf32, #tpu.memory_space<vmem>>, vector<16xf32>,
      %broadcast_in_dim3A_346 = arith.constant 15 : i32
      %broadcast_in_dim3A_347 = vector.broadcast %broadcast_in_dim3A_346 : i32 to vector<16xi32>
      tpu.vector_store_idx %arg17[%add3A_220, %broadcast_in_dim3A_347], %get3A_345 : memref<320x128xf32, #tpu.memory_space<vmem>>[vector<16xi32>, vector<16xi32>], vector<16xf32>,
      %scan3A_348 = arith.constant 0 : i32
      scf.yield %scan3A_348 : i32
    }
    %scan3A_155 = arith.constant 20 : i32
    %scan3A_156 = arith.constant 0 : i32
    %scan3A_157 = arith.constant 0 : i32
    %scan3A_158 = arith.constant 20 : i32
    %scan3A_159 = arith.addi %scan3A_157, %scan3A_158 : i32
    %scan3A_160 = arith.constant 1 : i32
    %scan3A_161 = scf.for %scan3A_215 = %scan3A_157 to %scan3A_159 step %scan3A_160 iter_args(%scan3A_216 = %scan3A_156) -> (i32)  : i32 {
      %mul3A_217 = arith.constant 16 : i32
      %mul3A_218 = arith.muli %scan3A_215, %mul3A_217 : i32
      %add3A_219 = vector.broadcast %mul3A_218 : i32 to vector<16xi32>
      %add3A_220 = arith.addi %add3A_219, %iota3A : vector<16xi32>
      %mul3A_221 = arith.constant 16 : i32
      %mul3A_222 = arith.muli %scan3A_215, %mul3A_221 : i32
      %add3A_223 = arith.constant 5120 : i32
      %add3A_224 = arith.addi %add3A_223, %mul3A_222 : i32
      %get3A = arith.index_cast %add3A_224 : i32 to index
      %get3A_225 = tpu.vector_load %arg19[%get3A] {strides = array<i32>} : memref<15360xf32, #tpu.memory_space<vmem>>, vector<16xf32>,
      %broadcast_in_dim3A_226 = arith.constant 16 : i32
      %broadcast_in_dim3A_227 = vector.broadcast %broadcast_in_dim3A_226 : i32 to vector<16xi32>
      tpu.vector_store_idx %arg17[%add3A_220, %broadcast_in_dim3A_227], %get3A_225 : memref<320x128xf32, #tpu.memory_space<vmem>>[vector<16xi32>, vector<16xi32>], vector<16xf32>,
      %mul3A_228 = arith.constant 16 : i32
      %mul3A_229 = arith.muli %scan3A_215, %mul3A_228 : i32
      %add3A_230 = arith.constant 5440 : i32
      %add3A_231 = arith.addi %add3A_230, %mul3A_229 : i32
      %get3A_232 = arith.index_cast %add3A_231 : i32 to index
      %get3A_233 = tpu.vector_load %arg19[%get3A_232] {strides = array<i32>} : memref<15360xf32, #tpu.memory_space<vmem>>, vector<16xf32>,
      %broadcast_in_dim3A_234 = arith.constant 17 : i32
      %broadcast_in_dim3A_235 = vector.broadcast %broadcast_in_dim3A_234 : i32 to vector<16xi32>
      tpu.vector_store_idx %arg17[%add3A_220, %broadcast_in_dim3A_235], %get3A_233 : memref<320x128xf32, #tpu.memory_space<vmem>>[vector<16xi32>, vector<16xi32>], vector<16xf32>,
      %mul3A_236 = arith.constant 16 : i32
      %mul3A_237 = arith.muli %scan3A_215, %mul3A_236 : i32
      %add3A_238 = arith.constant 5760 : i32
      %add3A_239 = arith.addi %add3A_238, %mul3A_237 : i32
      %get3A_240 = arith.index_cast %add3A_239 : i32 to index
      %get3A_241 = tpu.vector_load %arg19[%get3A_240] {strides = array<i32>} : memref<15360xf32, #tpu.memory_space<vmem>>, vector<16xf32>,
      %broadcast_in_dim3A_242 = arith.constant 18 : i32
      %broadcast_in_dim3A_243 = vector.broadcast %broadcast_in_dim3A_242 : i32 to vector<16xi32>
      tpu.vector_store_idx %arg17[%add3A_220, %broadcast_in_dim3A_243], %get3A_241 : memref<320x128xf32, #tpu.memory_space<vmem>>[vector<16xi32>, vector<16xi32>], vector<16xf32>,
      %mul3A_244 = arith.constant 16 : i32
      %mul3A_245 = arith.muli %scan3A_215, %mul3A_244 : i32
      %add3A_246 = arith.constant 6080 : i32
      %add3A_247 = arith.addi %add3A_246, %mul3A_245 : i32
      %get3A_248 = arith.index_cast %add3A_247 : i32 to index
      %get3A_249 = tpu.vector_load %arg19[%get3A_248] {strides = array<i32>} : memref<15360xf32, #tpu.memory_space<vmem>>, vector<16xf32>,
      %broadcast_in_dim3A_250 = arith.constant 19 : i32
      %broadcast_in_dim3A_251 = vector.broadcast %broadcast_in_dim3A_250 : i32 to vector<16xi32>
      tpu.vector_store_idx %arg17[%add3A_220, %broadcast_in_dim3A_251], %get3A_249 : memref<320x128xf32, #tpu.memory_space<vmem>>[vector<16xi32>, vector<16xi32>], vector<16xf32>,
      %mul3A_252 = arith.constant 16 : i32
      %mul3A_253 = arith.muli %scan3A_215, %mul3A_252 : i32
      %add3A_254 = arith.constant 6400 : i32
      %add3A_255 = arith.addi %add3A_254, %mul3A_253 : i32
      %get3A_256 = arith.index_cast %add3A_255 : i32 to index
      %get3A_257 = tpu.vector_load %arg19[%get3A_256] {strides = array<i32>} : memref<15360xf32, #tpu.memory_space<vmem>>, vector<16xf32>,
      %broadcast_in_dim3A_258 = arith.constant 20 : i32
      %broadcast_in_dim3A_259 = vector.broadcast %broadcast_in_dim3A_258 : i32 to vector<16xi32>
      tpu.vector_store_idx %arg17[%add3A_220, %broadcast_in_dim3A_259], %get3A_257 : memref<320x128xf32, #tpu.memory_space<vmem>>[vector<16xi32>, vector<16xi32>], vector<16xf32>,
      %mul3A_260 = arith.constant 16 : i32
      %mul3A_261 = arith.muli %scan3A_215, %mul3A_260 : i32
      %add3A_262 = arith.constant 6720 : i32
      %add3A_263 = arith.addi %add3A_262, %mul3A_261 : i32
      %get3A_264 = arith.index_cast %add3A_263 : i32 to index
      %get3A_265 = tpu.vector_load %arg19[%get3A_264] {strides = array<i32>} : memref<15360xf32, #tpu.memory_space<vmem>>, vector<16xf32>,
      %broadcast_in_dim3A_266 = arith.constant 21 : i32
      %broadcast_in_dim3A_267 = vector.broadcast %broadcast_in_dim3A_266 : i32 to vector<16xi32>
      tpu.vector_store_idx %arg17[%add3A_220, %broadcast_in_dim3A_267], %get3A_265 : memref<320x128xf32, #tpu.memory_space<vmem>>[vector<16xi32>, vector<16xi32>], vector<16xf32>,
      %mul3A_268 = arith.constant 16 : i32
      %mul3A_269 = arith.muli %scan3A_215, %mul3A_268 : i32
      %add3A_270 = arith.constant 7040 : i32
      %add3A_271 = arith.addi %add3A_270, %mul3A_269 : i32
      %get3A_272 = arith.index_cast %add3A_271 : i32 to index
      %get3A_273 = tpu.vector_load %arg19[%get3A_272] {strides = array<i32>} : memref<15360xf32, #tpu.memory_space<vmem>>, vector<16xf32>,
      %broadcast_in_dim3A_274 = arith.constant 22 : i32
      %broadcast_in_dim3A_275 = vector.broadcast %broadcast_in_dim3A_274 : i32 to vector<16xi32>
      tpu.vector_store_idx %arg17[%add3A_220, %broadcast_in_dim3A_275], %get3A_273 : memref<320x128xf32, #tpu.memory_space<vmem>>[vector<16xi32>, vector<16xi32>], vector<16xf32>,
      %mul3A_276 = arith.constant 16 : i32
      %mul3A_277 = arith.muli %scan3A_215, %mul3A_276 : i32
      %add3A_278 = arith.constant 7360 : i32
      %add3A_279 = arith.addi %add3A_278, %mul3A_277 : i32
      %get3A_280 = arith.index_cast %add3A_279 : i32 to index
      %get3A_281 = tpu.vector_load %arg19[%get3A_280] {strides = array<i32>} : memref<15360xf32, #tpu.memory_space<vmem>>, vector<16xf32>,
      %broadcast_in_dim3A_282 = arith.constant 23 : i32
      %broadcast_in_dim3A_283 = vector.broadcast %broadcast_in_dim3A_282 : i32 to vector<16xi32>
      tpu.vector_store_idx %arg17[%add3A_220, %broadcast_in_dim3A_283], %get3A_281 : memref<320x128xf32, #tpu.memory_space<vmem>>[vector<16xi32>, vector<16xi32>], vector<16xf32>,
      %mul3A_284 = arith.constant 16 : i32
      %mul3A_285 = arith.muli %scan3A_215, %mul3A_284 : i32
      %add3A_286 = arith.constant 7680 : i32
      %add3A_287 = arith.addi %add3A_286, %mul3A_285 : i32
      %get3A_288 = arith.index_cast %add3A_287 : i32 to index
      %get3A_289 = tpu.vector_load %arg19[%get3A_288] {strides = array<i32>} : memref<15360xf32, #tpu.memory_space<vmem>>, vector<16xf32>,
      %broadcast_in_dim3A_290 = arith.constant 24 : i32
      %broadcast_in_dim3A_291 = vector.broadcast %broadcast_in_dim3A_290 : i32 to vector<16xi32>
      tpu.vector_store_idx %arg17[%add3A_220, %broadcast_in_dim3A_291], %get3A_289 : memref<320x128xf32, #tpu.memory_space<vmem>>[vector<16xi32>, vector<16xi32>], vector<16xf32>,
      %mul3A_292 = arith.constant 16 : i32
      %mul3A_293 = arith.muli %scan3A_215, %mul3A_292 : i32
      %add3A_294 = arith.constant 8000 : i32
      %add3A_295 = arith.addi %add3A_294, %mul3A_293 : i32
      %get3A_296 = arith.index_cast %add3A_295 : i32 to index
      %get3A_297 = tpu.vector_load %arg19[%get3A_296] {strides = array<i32>} : memref<15360xf32, #tpu.memory_space<vmem>>, vector<16xf32>,
      %broadcast_in_dim3A_298 = arith.constant 25 : i32
      %broadcast_in_dim3A_299 = vector.broadcast %broadcast_in_dim3A_298 : i32 to vector<16xi32>
      tpu.vector_store_idx %arg17[%add3A_220, %broadcast_in_dim3A_299], %get3A_297 : memref<320x128xf32, #tpu.memory_space<vmem>>[vector<16xi32>, vector<16xi32>], vector<16xf32>,
      %mul3A_300 = arith.constant 16 : i32
      %mul3A_301 = arith.muli %scan3A_215, %mul3A_300 : i32
      %add3A_302 = arith.constant 8320 : i32
      %add3A_303 = arith.addi %add3A_302, %mul3A_301 : i32
      %get3A_304 = arith.index_cast %add3A_303 : i32 to index
      %get3A_305 = tpu.vector_load %arg19[%get3A_304] {strides = array<i32>} : memref<15360xf32, #tpu.memory_space<vmem>>, vector<16xf32>,
      %broadcast_in_dim3A_306 = arith.constant 26 : i32
      %broadcast_in_dim3A_307 = vector.broadcast %broadcast_in_dim3A_306 : i32 to vector<16xi32>
      tpu.vector_store_idx %arg17[%add3A_220, %broadcast_in_dim3A_307], %get3A_305 : memref<320x128xf32, #tpu.memory_space<vmem>>[vector<16xi32>, vector<16xi32>], vector<16xf32>,
      %mul3A_308 = arith.constant 16 : i32
      %mul3A_309 = arith.muli %scan3A_215, %mul3A_308 : i32
      %add3A_310 = arith.constant 8640 : i32
      %add3A_311 = arith.addi %add3A_310, %mul3A_309 : i32
      %get3A_312 = arith.index_cast %add3A_311 : i32 to index
      %get3A_313 = tpu.vector_load %arg19[%get3A_312] {strides = array<i32>} : memref<15360xf32, #tpu.memory_space<vmem>>, vector<16xf32>,
      %broadcast_in_dim3A_314 = arith.constant 27 : i32
      %broadcast_in_dim3A_315 = vector.broadcast %broadcast_in_dim3A_314 : i32 to vector<16xi32>
      tpu.vector_store_idx %arg17[%add3A_220, %broadcast_in_dim3A_315], %get3A_313 : memref<320x128xf32, #tpu.memory_space<vmem>>[vector<16xi32>, vector<16xi32>], vector<16xf32>,
      %mul3A_316 = arith.constant 16 : i32
      %mul3A_317 = arith.muli %scan3A_215, %mul3A_316 : i32
      %add3A_318 = arith.constant 8960 : i32
      %add3A_319 = arith.addi %add3A_318, %mul3A_317 : i32
      %get3A_320 = arith.index_cast %add3A_319 : i32 to index
      %get3A_321 = tpu.vector_load %arg19[%get3A_320] {strides = array<i32>} : memref<15360xf32, #tpu.memory_space<vmem>>, vector<16xf32>,
      %broadcast_in_dim3A_322 = arith.constant 28 : i32
      %broadcast_in_dim3A_323 = vector.broadcast %broadcast_in_dim3A_322 : i32 to vector<16xi32>
      tpu.vector_store_idx %arg17[%add3A_220, %broadcast_in_dim3A_323], %get3A_321 : memref<320x128xf32, #tpu.memory_space<vmem>>[vector<16xi32>, vector<16xi32>], vector<16xf32>,
      %mul3A_324 = arith.constant 16 : i32
      %mul3A_325 = arith.muli %scan3A_215, %mul3A_324 : i32
      %add3A_326 = arith.constant 9280 : i32
      %add3A_327 = arith.addi %add3A_326, %mul3A_325 : i32
      %get3A_328 = arith.index_cast %add3A_327 : i32 to index
      %get3A_329 = tpu.vector_load %arg19[%get3A_328] {strides = array<i32>} : memref<15360xf32, #tpu.memory_space<vmem>>, vector<16xf32>,
      %broadcast_in_dim3A_330 = arith.constant 29 : i32
      %broadcast_in_dim3A_331 = vector.broadcast %broadcast_in_dim3A_330 : i32 to vector<16xi32>
      tpu.vector_store_idx %arg17[%add3A_220, %broadcast_in_dim3A_331], %get3A_329 : memref<320x128xf32, #tpu.memory_space<vmem>>[vector<16xi32>, vector<16xi32>], vector<16xf32>,
      %mul3A_332 = arith.constant 16 : i32
      %mul3A_333 = arith.muli %scan3A_215, %mul3A_332 : i32
      %add3A_334 = arith.constant 9600 : i32
      %add3A_335 = arith.addi %add3A_334, %mul3A_333 : i32
      %get3A_336 = arith.index_cast %add3A_335 : i32 to index
      %get3A_337 = tpu.vector_load %arg19[%get3A_336] {strides = array<i32>} : memref<15360xf32, #tpu.memory_space<vmem>>, vector<16xf32>,
      %broadcast_in_dim3A_338 = arith.constant 30 : i32
      %broadcast_in_dim3A_339 = vector.broadcast %broadcast_in_dim3A_338 : i32 to vector<16xi32>
      tpu.vector_store_idx %arg17[%add3A_220, %broadcast_in_dim3A_339], %get3A_337 : memref<320x128xf32, #tpu.memory_space<vmem>>[vector<16xi32>, vector<16xi32>], vector<16xf32>,
      %mul3A_340 = arith.constant 16 : i32
      %mul3A_341 = arith.muli %scan3A_215, %mul3A_340 : i32
      %add3A_342 = arith.constant 9920 : i32
      %add3A_343 = arith.addi %add3A_342, %mul3A_341 : i32
      %get3A_344 = arith.index_cast %add3A_343 : i32 to index
      %get3A_345 = tpu.vector_load %arg19[%get3A_344] {strides = array<i32>} : memref<15360xf32, #tpu.memory_space<vmem>>, vector<16xf32>,
      %broadcast_in_dim3A_346 = arith.constant 31 : i32
      %broadcast_in_dim3A_347 = vector.broadcast %broadcast_in_dim3A_346 : i32 to vector<16xi32>
      tpu.vector_store_idx %arg17[%add3A_220, %broadcast_in_dim3A_347], %get3A_345 : memref<320x128xf32, #tpu.memory_space<vmem>>[vector<16xi32>, vector<16xi32>], vector<16xf32>,
      %scan3A_348 = arith.constant 0 : i32
      scf.yield %scan3A_348 : i32
    }
    %scan3A_162 = arith.constant 20 : i32
    %scan3A_163 = arith.constant 0 : i32
    %scan3A_164 = arith.constant 0 : i32
    %scan3A_165 = arith.constant 20 : i32
    %scan3A_166 = arith.addi %scan3A_164, %scan3A_165 : i32
    %scan3A_167 = arith.constant 1 : i32
    %scan3A_168 = scf.for %scan3A_215 = %scan3A_164 to %scan3A_166 step %scan3A_167 iter_args(%scan3A_216 = %scan3A_163) -> (i32)  : i32 {
      %mul3A_217 = arith.constant 16 : i32
      %mul3A_218 = arith.muli %scan3A_215, %mul3A_217 : i32
      %add3A_219 = vector.broadcast %mul3A_218 : i32 to vector<16xi32>
      %add3A_220 = arith.addi %add3A_219, %iota3A : vector<16xi32>
      %mul3A_221 = arith.constant 16 : i32
      %mul3A_222 = arith.muli %scan3A_215, %mul3A_221 : i32
      %add3A_223 = arith.constant 10240 : i32
      %add3A_224 = arith.addi %add3A_223, %mul3A_222 : i32
      %get3A = arith.index_cast %add3A_224 : i32 to index
      %get3A_225 = tpu.vector_load %arg19[%get3A] {strides = array<i32>} : memref<15360xf32, #tpu.memory_space<vmem>>, vector<16xf32>,
      %broadcast_in_dim3A_226 = arith.constant 32 : i32
      %broadcast_in_dim3A_227 = vector.broadcast %broadcast_in_dim3A_226 : i32 to vector<16xi32>
      tpu.vector_store_idx %arg17[%add3A_220, %broadcast_in_dim3A_227], %get3A_225 : memref<320x128xf32, #tpu.memory_space<vmem>>[vector<16xi32>, vector<16xi32>], vector<16xf32>,
      %mul3A_228 = arith.constant 16 : i32
      %mul3A_229 = arith.muli %scan3A_215, %mul3A_228 : i32
      %add3A_230 = arith.constant 10560 : i32
      %add3A_231 = arith.addi %add3A_230, %mul3A_229 : i32
      %get3A_232 = arith.index_cast %add3A_231 : i32 to index
      %get3A_233 = tpu.vector_load %arg19[%get3A_232] {strides = array<i32>} : memref<15360xf32, #tpu.memory_space<vmem>>, vector<16xf32>,
      %broadcast_in_dim3A_234 = arith.constant 33 : i32
      %broadcast_in_dim3A_235 = vector.broadcast %broadcast_in_dim3A_234 : i32 to vector<16xi32>
      tpu.vector_store_idx %arg17[%add3A_220, %broadcast_in_dim3A_235], %get3A_233 : memref<320x128xf32, #tpu.memory_space<vmem>>[vector<16xi32>, vector<16xi32>], vector<16xf32>,
      %mul3A_236 = arith.constant 16 : i32
      %mul3A_237 = arith.muli %scan3A_215, %mul3A_236 : i32
      %add3A_238 = arith.constant 10880 : i32
      %add3A_239 = arith.addi %add3A_238, %mul3A_237 : i32
      %get3A_240 = arith.index_cast %add3A_239 : i32 to index
      %get3A_241 = tpu.vector_load %arg19[%get3A_240] {strides = array<i32>} : memref<15360xf32, #tpu.memory_space<vmem>>, vector<16xf32>,
      %broadcast_in_dim3A_242 = arith.constant 34 : i32
      %broadcast_in_dim3A_243 = vector.broadcast %broadcast_in_dim3A_242 : i32 to vector<16xi32>
      tpu.vector_store_idx %arg17[%add3A_220, %broadcast_in_dim3A_243], %get3A_241 : memref<320x128xf32, #tpu.memory_space<vmem>>[vector<16xi32>, vector<16xi32>], vector<16xf32>,
      %mul3A_244 = arith.constant 16 : i32
      %mul3A_245 = arith.muli %scan3A_215, %mul3A_244 : i32
      %add3A_246 = arith.constant 11200 : i32
      %add3A_247 = arith.addi %add3A_246, %mul3A_245 : i32
      %get3A_248 = arith.index_cast %add3A_247 : i32 to index
      %get3A_249 = tpu.vector_load %arg19[%get3A_248] {strides = array<i32>} : memref<15360xf32, #tpu.memory_space<vmem>>, vector<16xf32>,
      %broadcast_in_dim3A_250 = arith.constant 35 : i32
      %broadcast_in_dim3A_251 = vector.broadcast %broadcast_in_dim3A_250 : i32 to vector<16xi32>
      tpu.vector_store_idx %arg17[%add3A_220, %broadcast_in_dim3A_251], %get3A_249 : memref<320x128xf32, #tpu.memory_space<vmem>>[vector<16xi32>, vector<16xi32>], vector<16xf32>,
      %mul3A_252 = arith.constant 16 : i32
      %mul3A_253 = arith.muli %scan3A_215, %mul3A_252 : i32
      %add3A_254 = arith.constant 11520 : i32
      %add3A_255 = arith.addi %add3A_254, %mul3A_253 : i32
      %get3A_256 = arith.index_cast %add3A_255 : i32 to index
      %get3A_257 = tpu.vector_load %arg19[%get3A_256] {strides = array<i32>} : memref<15360xf32, #tpu.memory_space<vmem>>, vector<16xf32>,
      %broadcast_in_dim3A_258 = arith.constant 36 : i32
      %broadcast_in_dim3A_259 = vector.broadcast %broadcast_in_dim3A_258 : i32 to vector<16xi32>
      tpu.vector_store_idx %arg17[%add3A_220, %broadcast_in_dim3A_259], %get3A_257 : memref<320x128xf32, #tpu.memory_space<vmem>>[vector<16xi32>, vector<16xi32>], vector<16xf32>,
      %mul3A_260 = arith.constant 16 : i32
      %mul3A_261 = arith.muli %scan3A_215, %mul3A_260 : i32
      %add3A_262 = arith.constant 11840 : i32
      %add3A_263 = arith.addi %add3A_262, %mul3A_261 : i32
      %get3A_264 = arith.index_cast %add3A_263 : i32 to index
      %get3A_265 = tpu.vector_load %arg19[%get3A_264] {strides = array<i32>} : memref<15360xf32, #tpu.memory_space<vmem>>, vector<16xf32>,
      %broadcast_in_dim3A_266 = arith.constant 37 : i32
      %broadcast_in_dim3A_267 = vector.broadcast %broadcast_in_dim3A_266 : i32 to vector<16xi32>
      tpu.vector_store_idx %arg17[%add3A_220, %broadcast_in_dim3A_267], %get3A_265 : memref<320x128xf32, #tpu.memory_space<vmem>>[vector<16xi32>, vector<16xi32>], vector<16xf32>,
      %mul3A_268 = arith.constant 16 : i32
      %mul3A_269 = arith.muli %scan3A_215, %mul3A_268 : i32
      %add3A_270 = arith.constant 12160 : i32
      %add3A_271 = arith.addi %add3A_270, %mul3A_269 : i32
      %get3A_272 = arith.index_cast %add3A_271 : i32 to index
      %get3A_273 = tpu.vector_load %arg19[%get3A_272] {strides = array<i32>} : memref<15360xf32, #tpu.memory_space<vmem>>, vector<16xf32>,
      %broadcast_in_dim3A_274 = arith.constant 38 : i32
      %broadcast_in_dim3A_275 = vector.broadcast %broadcast_in_dim3A_274 : i32 to vector<16xi32>
      tpu.vector_store_idx %arg17[%add3A_220, %broadcast_in_dim3A_275], %get3A_273 : memref<320x128xf32, #tpu.memory_space<vmem>>[vector<16xi32>, vector<16xi32>], vector<16xf32>,
      %mul3A_276 = arith.constant 16 : i32
      %mul3A_277 = arith.muli %scan3A_215, %mul3A_276 : i32
      %add3A_278 = arith.constant 12480 : i32
      %add3A_279 = arith.addi %add3A_278, %mul3A_277 : i32
      %get3A_280 = arith.index_cast %add3A_279 : i32 to index
      %get3A_281 = tpu.vector_load %arg19[%get3A_280] {strides = array<i32>} : memref<15360xf32, #tpu.memory_space<vmem>>, vector<16xf32>,
      %broadcast_in_dim3A_282 = arith.constant 39 : i32
      %broadcast_in_dim3A_283 = vector.broadcast %broadcast_in_dim3A_282 : i32 to vector<16xi32>
      tpu.vector_store_idx %arg17[%add3A_220, %broadcast_in_dim3A_283], %get3A_281 : memref<320x128xf32, #tpu.memory_space<vmem>>[vector<16xi32>, vector<16xi32>], vector<16xf32>,
      %mul3A_284 = arith.constant 16 : i32
      %mul3A_285 = arith.muli %scan3A_215, %mul3A_284 : i32
      %add3A_286 = arith.constant 12800 : i32
      %add3A_287 = arith.addi %add3A_286, %mul3A_285 : i32
      %get3A_288 = arith.index_cast %add3A_287 : i32 to index
      %get3A_289 = tpu.vector_load %arg19[%get3A_288] {strides = array<i32>} : memref<15360xf32, #tpu.memory_space<vmem>>, vector<16xf32>,
      %broadcast_in_dim3A_290 = arith.constant 40 : i32
      %broadcast_in_dim3A_291 = vector.broadcast %broadcast_in_dim3A_290 : i32 to vector<16xi32>
      tpu.vector_store_idx %arg17[%add3A_220, %broadcast_in_dim3A_291], %get3A_289 : memref<320x128xf32, #tpu.memory_space<vmem>>[vector<16xi32>, vector<16xi32>], vector<16xf32>,
      %mul3A_292 = arith.constant 16 : i32
      %mul3A_293 = arith.muli %scan3A_215, %mul3A_292 : i32
      %add3A_294 = arith.constant 13120 : i32
      %add3A_295 = arith.addi %add3A_294, %mul3A_293 : i32
      %get3A_296 = arith.index_cast %add3A_295 : i32 to index
      %get3A_297 = tpu.vector_load %arg19[%get3A_296] {strides = array<i32>} : memref<15360xf32, #tpu.memory_space<vmem>>, vector<16xf32>,
      %broadcast_in_dim3A_298 = arith.constant 41 : i32
      %broadcast_in_dim3A_299 = vector.broadcast %broadcast_in_dim3A_298 : i32 to vector<16xi32>
      tpu.vector_store_idx %arg17[%add3A_220, %broadcast_in_dim3A_299], %get3A_297 : memref<320x128xf32, #tpu.memory_space<vmem>>[vector<16xi32>, vector<16xi32>], vector<16xf32>,
      %mul3A_300 = arith.constant 16 : i32
      %mul3A_301 = arith.muli %scan3A_215, %mul3A_300 : i32
      %add3A_302 = arith.constant 13440 : i32
      %add3A_303 = arith.addi %add3A_302, %mul3A_301 : i32
      %get3A_304 = arith.index_cast %add3A_303 : i32 to index
      %get3A_305 = tpu.vector_load %arg19[%get3A_304] {strides = array<i32>} : memref<15360xf32, #tpu.memory_space<vmem>>, vector<16xf32>,
      %broadcast_in_dim3A_306 = arith.constant 42 : i32
      %broadcast_in_dim3A_307 = vector.broadcast %broadcast_in_dim3A_306 : i32 to vector<16xi32>
      tpu.vector_store_idx %arg17[%add3A_220, %broadcast_in_dim3A_307], %get3A_305 : memref<320x128xf32, #tpu.memory_space<vmem>>[vector<16xi32>, vector<16xi32>], vector<16xf32>,
      %mul3A_308 = arith.constant 16 : i32
      %mul3A_309 = arith.muli %scan3A_215, %mul3A_308 : i32
      %add3A_310 = arith.constant 13760 : i32
      %add3A_311 = arith.addi %add3A_310, %mul3A_309 : i32
      %get3A_312 = arith.index_cast %add3A_311 : i32 to index
      %get3A_313 = tpu.vector_load %arg19[%get3A_312] {strides = array<i32>} : memref<15360xf32, #tpu.memory_space<vmem>>, vector<16xf32>,
      %broadcast_in_dim3A_314 = arith.constant 43 : i32
      %broadcast_in_dim3A_315 = vector.broadcast %broadcast_in_dim3A_314 : i32 to vector<16xi32>
      tpu.vector_store_idx %arg17[%add3A_220, %broadcast_in_dim3A_315], %get3A_313 : memref<320x128xf32, #tpu.memory_space<vmem>>[vector<16xi32>, vector<16xi32>], vector<16xf32>,
      %mul3A_316 = arith.constant 16 : i32
      %mul3A_317 = arith.muli %scan3A_215, %mul3A_316 : i32
      %add3A_318 = arith.constant 14080 : i32
      %add3A_319 = arith.addi %add3A_318, %mul3A_317 : i32
      %get3A_320 = arith.index_cast %add3A_319 : i32 to index
      %get3A_321 = tpu.vector_load %arg19[%get3A_320] {strides = array<i32>} : memref<15360xf32, #tpu.memory_space<vmem>>, vector<16xf32>,
      %broadcast_in_dim3A_322 = arith.constant 44 : i32
      %broadcast_in_dim3A_323 = vector.broadcast %broadcast_in_dim3A_322 : i32 to vector<16xi32>
      tpu.vector_store_idx %arg17[%add3A_220, %broadcast_in_dim3A_323], %get3A_321 : memref<320x128xf32, #tpu.memory_space<vmem>>[vector<16xi32>, vector<16xi32>], vector<16xf32>,
      %mul3A_324 = arith.constant 16 : i32
      %mul3A_325 = arith.muli %scan3A_215, %mul3A_324 : i32
      %add3A_326 = arith.constant 14400 : i32
      %add3A_327 = arith.addi %add3A_326, %mul3A_325 : i32
      %get3A_328 = arith.index_cast %add3A_327 : i32 to index
      %get3A_329 = tpu.vector_load %arg19[%get3A_328] {strides = array<i32>} : memref<15360xf32, #tpu.memory_space<vmem>>, vector<16xf32>,
      %broadcast_in_dim3A_330 = arith.constant 45 : i32
      %broadcast_in_dim3A_331 = vector.broadcast %broadcast_in_dim3A_330 : i32 to vector<16xi32>
      tpu.vector_store_idx %arg17[%add3A_220, %broadcast_in_dim3A_331], %get3A_329 : memref<320x128xf32, #tpu.memory_space<vmem>>[vector<16xi32>, vector<16xi32>], vector<16xf32>,
      %mul3A_332 = arith.constant 16 : i32
      %mul3A_333 = arith.muli %scan3A_215, %mul3A_332 : i32
      %add3A_334 = arith.constant 14720 : i32
      %add3A_335 = arith.addi %add3A_334, %mul3A_333 : i32
      %get3A_336 = arith.index_cast %add3A_335 : i32 to index
      %get3A_337 = tpu.vector_load %arg19[%get3A_336] {strides = array<i32>} : memref<15360xf32, #tpu.memory_space<vmem>>, vector<16xf32>,
      %broadcast_in_dim3A_338 = arith.constant 46 : i32
      %broadcast_in_dim3A_339 = vector.broadcast %broadcast_in_dim3A_338 : i32 to vector<16xi32>
      tpu.vector_store_idx %arg17[%add3A_220, %broadcast_in_dim3A_339], %get3A_337 : memref<320x128xf32, #tpu.memory_space<vmem>>[vector<16xi32>, vector<16xi32>], vector<16xf32>,
      %mul3A_340 = arith.constant 16 : i32
      %mul3A_341 = arith.muli %scan3A_215, %mul3A_340 : i32
      %add3A_342 = arith.constant 15040 : i32
      %add3A_343 = arith.addi %add3A_342, %mul3A_341 : i32
      %get3A_344 = arith.index_cast %add3A_343 : i32 to index
      %get3A_345 = tpu.vector_load %arg19[%get3A_344] {strides = array<i32>} : memref<15360xf32, #tpu.memory_space<vmem>>, vector<16xf32>,
      %broadcast_in_dim3A_346 = arith.constant 47 : i32
      %broadcast_in_dim3A_347 = vector.broadcast %broadcast_in_dim3A_346 : i32 to vector<16xi32>
      tpu.vector_store_idx %arg17[%add3A_220, %broadcast_in_dim3A_347], %get3A_345 : memref<320x128xf32, #tpu.memory_space<vmem>>[vector<16xi32>, vector<16xi32>], vector<16xf32>,
      %scan3A_348 = arith.constant 0 : i32
      scf.yield %scan3A_348 : i32
    }
    %scan3A_169 = arith.constant 20 : i32
    %dma_wait3A_170 = arith.constant 0 : i32
    %dma_wait3A_171 = arith.constant 0 : i32
    %dma_wait3A_172 = tpu.memref_slice %arg16[%dma_wait3A_170, %dma_wait3A_171] : memref<960x16xf32, #tpu.memory_space<vmem>> -> memref<320x16xf32, #tpu.memory_space<vmem>>
    %dma_wait3A_173 = arith.constant 0 : i32
    %dma_wait3A_174 = tpu.memref_slice %arg15[%dma_wait3A_173] : memref<960xi32, #tpu.memory_space<vmem>> -> memref<320xi32, #tpu.memory_space<vmem>>
    %dma_wait3A_175 = arith.constant 0 : i32
    %dma_wait3A_176 = arith.constant 0 : i32
    %dma_wait3A_177 = tpu.memref_slice %arg6[%dma_wait3A_175, %dma_wait3A_176] : memref<10240x16xf32, #tpu.memory_space<hbm>> -> memref<10240x16xf32, #tpu.memory_space<hbm>>
    tpu.wait_indirect_dma semaphore(%arg20 : memref<!tpu.dma_semaphore, #tpu.memory_space<semaphore_mem>>) src(%dma_wait3A_177 : memref<10240x16xf32, #tpu.memory_space<hbm>>) dst(%dma_wait3A_172 : memref<320x16xf32, #tpu.memory_space<vmem>>)
    %scan3A_178 = arith.constant 0 : i32
    %scan3A_179 = arith.constant 0 : i32
    %scan3A_180 = arith.constant 40 : i32
    %scan3A_181 = arith.addi %scan3A_179, %scan3A_180 : i32
    %scan3A_182 = arith.constant 1 : i32
    %scan3A_183 = scf.for %scan3A_215 = %scan3A_179 to %scan3A_181 step %scan3A_182 iter_args(%scan3A_216 = %scan3A_178) -> (i32)  : i32 {
      %mul3A_217 = arith.constant 8 : i32
      %mul3A_218 = arith.muli %scan3A_215, %mul3A_217 : i32
      %add3A_219 = arith.constant 0 : i32
      %add3A_220 = arith.addi %mul3A_218, %add3A_219 : i32
      %add3A_221 = arith.constant 0 : i32
      %add3A_222 = arith.addi %add3A_221, %add3A_220 : i32
      %get3A = arith.index_cast %add3A_222 : i32 to index
      %get3A_223 = arith.constant 0 : index
      %get3A_224 = tpu.vector_load %arg16[%get3A, %get3A_223] {strides = array<i32>} : memref<960x16xf32, #tpu.memory_space<vmem>>, vector<16xf32>,
      %swap3A = arith.index_cast %add3A_220 : i32 to index
      %swap3A_225 = arith.constant 48 : index
      %swap3A_226 = tpu.vector_load %arg17[%swap3A, %swap3A_225] {strides = array<i32>} : memref<320x128xf32, #tpu.memory_space<vmem>>, vector<16xf32>,
      tpu.vector_store %arg17[%swap3A, %swap3A_225], %get3A_224 {strides = array<i32>} : memref<320x128xf32, #tpu.memory_space<vmem>>, vector<16xf32>,
      %mul3A_227 = arith.constant 8 : i32
      %mul3A_228 = arith.muli %scan3A_215, %mul3A_227 : i32
      %add3A_229 = arith.constant 1 : i32
      %add3A_230 = arith.addi %mul3A_228, %add3A_229 : i32
      %add3A_231 = arith.constant 0 : i32
      %add3A_232 = arith.addi %add3A_231, %add3A_230 : i32
      %get3A_233 = arith.index_cast %add3A_232 : i32 to index
      %get3A_234 = arith.constant 0 : index
      %get3A_235 = tpu.vector_load %arg16[%get3A_233, %get3A_234] {strides = array<i32>} : memref<960x16xf32, #tpu.memory_space<vmem>>, vector<16xf32>,
      %swap3A_236 = arith.index_cast %add3A_230 : i32 to index
      %swap3A_237 = arith.constant 48 : index
      %swap3A_238 = tpu.vector_load %arg17[%swap3A_236, %swap3A_237] {strides = array<i32>} : memref<320x128xf32, #tpu.memory_space<vmem>>, vector<16xf32>,
      tpu.vector_store %arg17[%swap3A_236, %swap3A_237], %get3A_235 {strides = array<i32>} : memref<320x128xf32, #tpu.memory_space<vmem>>, vector<16xf32>,
      %mul3A_239 = arith.constant 8 : i32
      %mul3A_240 = arith.muli %scan3A_215, %mul3A_239 : i32
      %add3A_241 = arith.constant 2 : i32
      %add3A_242 = arith.addi %mul3A_240, %add3A_241 : i32
      %add3A_243 = arith.constant 0 : i32
      %add3A_244 = arith.addi %add3A_243, %add3A_242 : i32
      %get3A_245 = arith.index_cast %add3A_244 : i32 to index
      %get3A_246 = arith.constant 0 : index
      %get3A_247 = tpu.vector_load %arg16[%get3A_245, %get3A_246] {strides = array<i32>} : memref<960x16xf32, #tpu.memory_space<vmem>>, vector<16xf32>,
      %swap3A_248 = arith.index_cast %add3A_242 : i32 to index
      %swap3A_249 = arith.constant 48 : index
      %swap3A_250 = tpu.vector_load %arg17[%swap3A_248, %swap3A_249] {strides = array<i32>} : memref<320x128xf32, #tpu.memory_space<vmem>>, vector<16xf32>,
      tpu.vector_store %arg17[%swap3A_248, %swap3A_249], %get3A_247 {strides = array<i32>} : memref<320x128xf32, #tpu.memory_space<vmem>>, vector<16xf32>,
      %mul3A_251 = arith.constant 8 : i32
      %mul3A_252 = arith.muli %scan3A_215, %mul3A_251 : i32
      %add3A_253 = arith.constant 3 : i32
      %add3A_254 = arith.addi %mul3A_252, %add3A_253 : i32
      %add3A_255 = arith.constant 0 : i32
      %add3A_256 = arith.addi %add3A_255, %add3A_254 : i32
      %get3A_257 = arith.index_cast %add3A_256 : i32 to index
      %get3A_258 = arith.constant 0 : index
      %get3A_259 = tpu.vector_load %arg16[%get3A_257, %get3A_258] {strides = array<i32>} : memref<960x16xf32, #tpu.memory_space<vmem>>, vector<16xf32>,
      %swap3A_260 = arith.index_cast %add3A_254 : i32 to index
      %swap3A_261 = arith.constant 48 : index
      %swap3A_262 = tpu.vector_load %arg17[%swap3A_260, %swap3A_261] {strides = array<i32>} : memref<320x128xf32, #tpu.memory_space<vmem>>, vector<16xf32>,
      tpu.vector_store %arg17[%swap3A_260, %swap3A_261], %get3A_259 {strides = array<i32>} : memref<320x128xf32, #tpu.memory_space<vmem>>, vector<16xf32>,
      %mul3A_263 = arith.constant 8 : i32
      %mul3A_264 = arith.muli %scan3A_215, %mul3A_263 : i32
      %add3A_265 = arith.constant 4 : i32
      %add3A_266 = arith.addi %mul3A_264, %add3A_265 : i32
      %add3A_267 = arith.constant 0 : i32
      %add3A_268 = arith.addi %add3A_267, %add3A_266 : i32
      %get3A_269 = arith.index_cast %add3A_268 : i32 to index
      %get3A_270 = arith.constant 0 : index
      %get3A_271 = tpu.vector_load %arg16[%get3A_269, %get3A_270] {strides = array<i32>} : memref<960x16xf32, #tpu.memory_space<vmem>>, vector<16xf32>,
      %swap3A_272 = arith.index_cast %add3A_266 : i32 to index
      %swap3A_273 = arith.constant 48 : index
      %swap3A_274 = tpu.vector_load %arg17[%swap3A_272, %swap3A_273] {strides = array<i32>} : memref<320x128xf32, #tpu.memory_space<vmem>>, vector<16xf32>,
      tpu.vector_store %arg17[%swap3A_272, %swap3A_273], %get3A_271 {strides = array<i32>} : memref<320x128xf32, #tpu.memory_space<vmem>>, vector<16xf32>,
      %mul3A_275 = arith.constant 8 : i32
      %mul3A_276 = arith.muli %scan3A_215, %mul3A_275 : i32
      %add3A_277 = arith.constant 5 : i32
      %add3A_278 = arith.addi %mul3A_276, %add3A_277 : i32
      %add3A_279 = arith.constant 0 : i32
      %add3A_280 = arith.addi %add3A_279, %add3A_278 : i32
      %get3A_281 = arith.index_cast %add3A_280 : i32 to index
      %get3A_282 = arith.constant 0 : index
      %get3A_283 = tpu.vector_load %arg16[%get3A_281, %get3A_282] {strides = array<i32>} : memref<960x16xf32, #tpu.memory_space<vmem>>, vector<16xf32>,
      %swap3A_284 = arith.index_cast %add3A_278 : i32 to index
      %swap3A_285 = arith.constant 48 : index
      %swap3A_286 = tpu.vector_load %arg17[%swap3A_284, %swap3A_285] {strides = array<i32>} : memref<320x128xf32, #tpu.memory_space<vmem>>, vector<16xf32>,
      tpu.vector_store %arg17[%swap3A_284, %swap3A_285], %get3A_283 {strides = array<i32>} : memref<320x128xf32, #tpu.memory_space<vmem>>, vector<16xf32>,
      %mul3A_287 = arith.constant 8 : i32
      %mul3A_288 = arith.muli %scan3A_215, %mul3A_287 : i32
      %add3A_289 = arith.constant 6 : i32
      %add3A_290 = arith.addi %mul3A_288, %add3A_289 : i32
      %add3A_291 = arith.constant 0 : i32
      %add3A_292 = arith.addi %add3A_291, %add3A_290 : i32
      %get3A_293 = arith.index_cast %add3A_292 : i32 to index
      %get3A_294 = arith.constant 0 : index
      %get3A_295 = tpu.vector_load %arg16[%get3A_293, %get3A_294] {strides = array<i32>} : memref<960x16xf32, #tpu.memory_space<vmem>>, vector<16xf32>,
      %swap3A_296 = arith.index_cast %add3A_290 : i32 to index
      %swap3A_297 = arith.constant 48 : index
      %swap3A_298 = tpu.vector_load %arg17[%swap3A_296, %swap3A_297] {strides = array<i32>} : memref<320x128xf32, #tpu.memory_space<vmem>>, vector<16xf32>,
      tpu.vector_store %arg17[%swap3A_296, %swap3A_297], %get3A_295 {strides = array<i32>} : memref<320x128xf32, #tpu.memory_space<vmem>>, vector<16xf32>,
      %mul3A_299 = arith.constant 8 : i32
      %mul3A_300 = arith.muli %scan3A_215, %mul3A_299 : i32
      %add3A_301 = arith.constant 7 : i32
      %add3A_302 = arith.addi %mul3A_300, %add3A_301 : i32
      %add3A_303 = arith.constant 0 : i32
      %add3A_304 = arith.addi %add3A_303, %add3A_302 : i32
      %get3A_305 = arith.index_cast %add3A_304 : i32 to index
      %get3A_306 = arith.constant 0 : index
      %get3A_307 = tpu.vector_load %arg16[%get3A_305, %get3A_306] {strides = array<i32>} : memref<960x16xf32, #tpu.memory_space<vmem>>, vector<16xf32>,
      %swap3A_308 = arith.index_cast %add3A_302 : i32 to index
      %swap3A_309 = arith.constant 48 : index
      %swap3A_310 = tpu.vector_load %arg17[%swap3A_308, %swap3A_309] {strides = array<i32>} : memref<320x128xf32, #tpu.memory_space<vmem>>, vector<16xf32>,
      tpu.vector_store %arg17[%swap3A_308, %swap3A_309], %get3A_307 {strides = array<i32>} : memref<320x128xf32, #tpu.memory_space<vmem>>, vector<16xf32>,
      %scan3A_311 = arith.constant 0 : i32
      scf.yield %scan3A_311 : i32
    }
    %scan3A_184 = arith.constant 40 : i32
    %dma_wait3A_185 = arith.constant 320 : i32
    %dma_wait3A_186 = arith.constant 0 : i32
    %dma_wait3A_187 = tpu.memref_slice %arg16[%dma_wait3A_185, %dma_wait3A_186] : memref<960x16xf32, #tpu.memory_space<vmem>> -> memref<320x16xf32, #tpu.memory_space<vmem>>
    %dma_wait3A_188 = arith.constant 320 : i32
    %dma_wait3A_189 = tpu.memref_slice %arg15[%dma_wait3A_188] : memref<960xi32, #tpu.memory_space<vmem>> -> memref<320xi32, #tpu.memory_space<vmem>>
    %dma_wait3A_190 = arith.constant 0 : i32
    %dma_wait3A_191 = arith.constant 0 : i32
    %dma_wait3A_192 = tpu.memref_slice %arg6[%dma_wait3A_190, %dma_wait3A_191] : memref<10240x16xf32, #tpu.memory_space<hbm>> -> memref<10240x16xf32, #tpu.memory_space<hbm>>
    tpu.wait_indirect_dma semaphore(%arg20 : memref<!tpu.dma_semaphore, #tpu.memory_space<semaphore_mem>>) src(%dma_wait3A_192 : memref<10240x16xf32, #tpu.memory_space<hbm>>) dst(%dma_wait3A_187 : memref<320x16xf32, #tpu.memory_space<vmem>>)
    %scan3A_193 = arith.constant 0 : i32
    %scan3A_194 = arith.constant 0 : i32
    %scan3A_195 = arith.constant 40 : i32
    %scan3A_196 = arith.addi %scan3A_194, %scan3A_195 : i32
    %scan3A_197 = arith.constant 1 : i32
    %scan3A_198 = scf.for %scan3A_215 = %scan3A_194 to %scan3A_196 step %scan3A_197 iter_args(%scan3A_216 = %scan3A_193) -> (i32)  : i32 {
      %mul3A_217 = arith.constant 8 : i32
      %mul3A_218 = arith.muli %scan3A_215, %mul3A_217 : i32
      %add3A_219 = arith.constant 0 : i32
      %add3A_220 = arith.addi %mul3A_218, %add3A_219 : i32
      %add3A_221 = arith.constant 320 : i32
      %add3A_222 = arith.addi %add3A_221, %add3A_220 : i32
      %get3A = arith.index_cast %add3A_222 : i32 to index
      %get3A_223 = arith.constant 0 : index
      %get3A_224 = tpu.vector_load %arg16[%get3A, %get3A_223] {strides = array<i32>} : memref<960x16xf32, #tpu.memory_space<vmem>>, vector<16xf32>,
      %swap3A = arith.index_cast %add3A_220 : i32 to index
      %swap3A_225 = arith.constant 64 : index
      %swap3A_226 = tpu.vector_load %arg17[%swap3A, %swap3A_225] {strides = array<i32>} : memref<320x128xf32, #tpu.memory_space<vmem>>, vector<16xf32>,
      tpu.vector_store %arg17[%swap3A, %swap3A_225], %get3A_224 {strides = array<i32>} : memref<320x128xf32, #tpu.memory_space<vmem>>, vector<16xf32>,
      %mul3A_227 = arith.constant 8 : i32
      %mul3A_228 = arith.muli %scan3A_215, %mul3A_227 : i32
      %add3A_229 = arith.constant 1 : i32
      %add3A_230 = arith.addi %mul3A_228, %add3A_229 : i32
      %add3A_231 = arith.constant 320 : i32
      %add3A_232 = arith.addi %add3A_231, %add3A_230 : i32
      %get3A_233 = arith.index_cast %add3A_232 : i32 to index
      %get3A_234 = arith.constant 0 : index
      %get3A_235 = tpu.vector_load %arg16[%get3A_233, %get3A_234] {strides = array<i32>} : memref<960x16xf32, #tpu.memory_space<vmem>>, vector<16xf32>,
      %swap3A_236 = arith.index_cast %add3A_230 : i32 to index
      %swap3A_237 = arith.constant 64 : index
      %swap3A_238 = tpu.vector_load %arg17[%swap3A_236, %swap3A_237] {strides = array<i32>} : memref<320x128xf32, #tpu.memory_space<vmem>>, vector<16xf32>,
      tpu.vector_store %arg17[%swap3A_236, %swap3A_237], %get3A_235 {strides = array<i32>} : memref<320x128xf32, #tpu.memory_space<vmem>>, vector<16xf32>,
      %mul3A_239 = arith.constant 8 : i32
      %mul3A_240 = arith.muli %scan3A_215, %mul3A_239 : i32
      %add3A_241 = arith.constant 2 : i32
      %add3A_242 = arith.addi %mul3A_240, %add3A_241 : i32
      %add3A_243 = arith.constant 320 : i32
      %add3A_244 = arith.addi %add3A_243, %add3A_242 : i32
      %get3A_245 = arith.index_cast %add3A_244 : i32 to index
      %get3A_246 = arith.constant 0 : index
      %get3A_247 = tpu.vector_load %arg16[%get3A_245, %get3A_246] {strides = array<i32>} : memref<960x16xf32, #tpu.memory_space<vmem>>, vector<16xf32>,
      %swap3A_248 = arith.index_cast %add3A_242 : i32 to index
      %swap3A_249 = arith.constant 64 : index
      %swap3A_250 = tpu.vector_load %arg17[%swap3A_248, %swap3A_249] {strides = array<i32>} : memref<320x128xf32, #tpu.memory_space<vmem>>, vector<16xf32>,
      tpu.vector_store %arg17[%swap3A_248, %swap3A_249], %get3A_247 {strides = array<i32>} : memref<320x128xf32, #tpu.memory_space<vmem>>, vector<16xf32>,
      %mul3A_251 = arith.constant 8 : i32
      %mul3A_252 = arith.muli %scan3A_215, %mul3A_251 : i32
      %add3A_253 = arith.constant 3 : i32
      %add3A_254 = arith.addi %mul3A_252, %add3A_253 : i32
      %add3A_255 = arith.constant 320 : i32
      %add3A_256 = arith.addi %add3A_255, %add3A_254 : i32
      %get3A_257 = arith.index_cast %add3A_256 : i32 to index
      %get3A_258 = arith.constant 0 : index
      %get3A_259 = tpu.vector_load %arg16[%get3A_257, %get3A_258] {strides = array<i32>} : memref<960x16xf32, #tpu.memory_space<vmem>>, vector<16xf32>,
      %swap3A_260 = arith.index_cast %add3A_254 : i32 to index
      %swap3A_261 = arith.constant 64 : index
      %swap3A_262 = tpu.vector_load %arg17[%swap3A_260, %swap3A_261] {strides = array<i32>} : memref<320x128xf32, #tpu.memory_space<vmem>>, vector<16xf32>,
      tpu.vector_store %arg17[%swap3A_260, %swap3A_261], %get3A_259 {strides = array<i32>} : memref<320x128xf32, #tpu.memory_space<vmem>>, vector<16xf32>,
      %mul3A_263 = arith.constant 8 : i32
      %mul3A_264 = arith.muli %scan3A_215, %mul3A_263 : i32
      %add3A_265 = arith.constant 4 : i32
      %add3A_266 = arith.addi %mul3A_264, %add3A_265 : i32
      %add3A_267 = arith.constant 320 : i32
      %add3A_268 = arith.addi %add3A_267, %add3A_266 : i32
      %get3A_269 = arith.index_cast %add3A_268 : i32 to index
      %get3A_270 = arith.constant 0 : index
      %get3A_271 = tpu.vector_load %arg16[%get3A_269, %get3A_270] {strides = array<i32>} : memref<960x16xf32, #tpu.memory_space<vmem>>, vector<16xf32>,
      %swap3A_272 = arith.index_cast %add3A_266 : i32 to index
      %swap3A_273 = arith.constant 64 : index
      %swap3A_274 = tpu.vector_load %arg17[%swap3A_272, %swap3A_273] {strides = array<i32>} : memref<320x128xf32, #tpu.memory_space<vmem>>, vector<16xf32>,
      tpu.vector_store %arg17[%swap3A_272, %swap3A_273], %get3A_271 {strides = array<i32>} : memref<320x128xf32, #tpu.memory_space<vmem>>, vector<16xf32>,
      %mul3A_275 = arith.constant 8 : i32
      %mul3A_276 = arith.muli %scan3A_215, %mul3A_275 : i32
      %add3A_277 = arith.constant 5 : i32
      %add3A_278 = arith.addi %mul3A_276, %add3A_277 : i32
      %add3A_279 = arith.constant 320 : i32
      %add3A_280 = arith.addi %add3A_279, %add3A_278 : i32
      %get3A_281 = arith.index_cast %add3A_280 : i32 to index
      %get3A_282 = arith.constant 0 : index
      %get3A_283 = tpu.vector_load %arg16[%get3A_281, %get3A_282] {strides = array<i32>} : memref<960x16xf32, #tpu.memory_space<vmem>>, vector<16xf32>,
      %swap3A_284 = arith.index_cast %add3A_278 : i32 to index
      %swap3A_285 = arith.constant 64 : index
      %swap3A_286 = tpu.vector_load %arg17[%swap3A_284, %swap3A_285] {strides = array<i32>} : memref<320x128xf32, #tpu.memory_space<vmem>>, vector<16xf32>,
      tpu.vector_store %arg17[%swap3A_284, %swap3A_285], %get3A_283 {strides = array<i32>} : memref<320x128xf32, #tpu.memory_space<vmem>>, vector<16xf32>,
      %mul3A_287 = arith.constant 8 : i32
      %mul3A_288 = arith.muli %scan3A_215, %mul3A_287 : i32
      %add3A_289 = arith.constant 6 : i32
      %add3A_290 = arith.addi %mul3A_288, %add3A_289 : i32
      %add3A_291 = arith.constant 320 : i32
      %add3A_292 = arith.addi %add3A_291, %add3A_290 : i32
      %get3A_293 = arith.index_cast %add3A_292 : i32 to index
      %get3A_294 = arith.constant 0 : index
      %get3A_295 = tpu.vector_load %arg16[%get3A_293, %get3A_294] {strides = array<i32>} : memref<960x16xf32, #tpu.memory_space<vmem>>, vector<16xf32>,
      %swap3A_296 = arith.index_cast %add3A_290 : i32 to index
      %swap3A_297 = arith.constant 64 : index
      %swap3A_298 = tpu.vector_load %arg17[%swap3A_296, %swap3A_297] {strides = array<i32>} : memref<320x128xf32, #tpu.memory_space<vmem>>, vector<16xf32>,
      tpu.vector_store %arg17[%swap3A_296, %swap3A_297], %get3A_295 {strides = array<i32>} : memref<320x128xf32, #tpu.memory_space<vmem>>, vector<16xf32>,
      %mul3A_299 = arith.constant 8 : i32
      %mul3A_300 = arith.muli %scan3A_215, %mul3A_299 : i32
      %add3A_301 = arith.constant 7 : i32
      %add3A_302 = arith.addi %mul3A_300, %add3A_301 : i32
      %add3A_303 = arith.constant 320 : i32
      %add3A_304 = arith.addi %add3A_303, %add3A_302 : i32
      %get3A_305 = arith.index_cast %add3A_304 : i32 to index
      %get3A_306 = arith.constant 0 : index
      %get3A_307 = tpu.vector_load %arg16[%get3A_305, %get3A_306] {strides = array<i32>} : memref<960x16xf32, #tpu.memory_space<vmem>>, vector<16xf32>,
      %swap3A_308 = arith.index_cast %add3A_302 : i32 to index
      %swap3A_309 = arith.constant 64 : index
      %swap3A_310 = tpu.vector_load %arg17[%swap3A_308, %swap3A_309] {strides = array<i32>} : memref<320x128xf32, #tpu.memory_space<vmem>>, vector<16xf32>,
      tpu.vector_store %arg17[%swap3A_308, %swap3A_309], %get3A_307 {strides = array<i32>} : memref<320x128xf32, #tpu.memory_space<vmem>>, vector<16xf32>,
      %scan3A_311 = arith.constant 0 : i32
      scf.yield %scan3A_311 : i32
    }
    %scan3A_199 = arith.constant 40 : i32
    %dma_wait3A_200 = arith.constant 640 : i32
    %dma_wait3A_201 = arith.constant 0 : i32
    %dma_wait3A_202 = tpu.memref_slice %arg16[%dma_wait3A_200, %dma_wait3A_201] : memref<960x16xf32, #tpu.memory_space<vmem>> -> memref<320x16xf32, #tpu.memory_space<vmem>>
    %dma_wait3A_203 = arith.constant 640 : i32
    %dma_wait3A_204 = tpu.memref_slice %arg15[%dma_wait3A_203] : memref<960xi32, #tpu.memory_space<vmem>> -> memref<320xi32, #tpu.memory_space<vmem>>
    %dma_wait3A_205 = arith.constant 0 : i32
    %dma_wait3A_206 = arith.constant 0 : i32
    %dma_wait3A_207 = tpu.memref_slice %arg6[%dma_wait3A_205, %dma_wait3A_206] : memref<10240x16xf32, #tpu.memory_space<hbm>> -> memref<10240x16xf32, #tpu.memory_space<hbm>>
    tpu.wait_indirect_dma semaphore(%arg20 : memref<!tpu.dma_semaphore, #tpu.memory_space<semaphore_mem>>) src(%dma_wait3A_207 : memref<10240x16xf32, #tpu.memory_space<hbm>>) dst(%dma_wait3A_202 : memref<320x16xf32, #tpu.memory_space<vmem>>)
    %scan3A_208 = arith.constant 0 : i32
    %scan3A_209 = arith.constant 0 : i32
    %scan3A_210 = arith.constant 40 : i32
    %scan3A_211 = arith.addi %scan3A_209, %scan3A_210 : i32
    %scan3A_212 = arith.constant 1 : i32
    %scan3A_213 = scf.for %scan3A_215 = %scan3A_209 to %scan3A_211 step %scan3A_212 iter_args(%scan3A_216 = %scan3A_208) -> (i32)  : i32 {
      %mul3A_217 = arith.constant 8 : i32
      %mul3A_218 = arith.muli %scan3A_215, %mul3A_217 : i32
      %add3A_219 = arith.constant 0 : i32
      %add3A_220 = arith.addi %mul3A_218, %add3A_219 : i32
      %add3A_221 = arith.constant 640 : i32
      %add3A_222 = arith.addi %add3A_221, %add3A_220 : i32
      %get3A = arith.index_cast %add3A_222 : i32 to index
      %get3A_223 = arith.constant 0 : index
      %get3A_224 = tpu.vector_load %arg16[%get3A, %get3A_223] {strides = array<i32>} : memref<960x16xf32, #tpu.memory_space<vmem>>, vector<16xf32>,
      %swap3A = arith.index_cast %add3A_220 : i32 to index
      %swap3A_225 = arith.constant 80 : index
      %swap3A_226 = tpu.vector_load %arg17[%swap3A, %swap3A_225] {strides = array<i32>} : memref<320x128xf32, #tpu.memory_space<vmem>>, vector<16xf32>,
      tpu.vector_store %arg17[%swap3A, %swap3A_225], %get3A_224 {strides = array<i32>} : memref<320x128xf32, #tpu.memory_space<vmem>>, vector<16xf32>,
      %mul3A_227 = arith.constant 8 : i32
      %mul3A_228 = arith.muli %scan3A_215, %mul3A_227 : i32
      %add3A_229 = arith.constant 1 : i32
      %add3A_230 = arith.addi %mul3A_228, %add3A_229 : i32
      %add3A_231 = arith.constant 640 : i32
      %add3A_232 = arith.addi %add3A_231, %add3A_230 : i32
      %get3A_233 = arith.index_cast %add3A_232 : i32 to index
      %get3A_234 = arith.constant 0 : index
      %get3A_235 = tpu.vector_load %arg16[%get3A_233, %get3A_234] {strides = array<i32>} : memref<960x16xf32, #tpu.memory_space<vmem>>, vector<16xf32>,
      %swap3A_236 = arith.index_cast %add3A_230 : i32 to index
      %swap3A_237 = arith.constant 80 : index
      %swap3A_238 = tpu.vector_load %arg17[%swap3A_236, %swap3A_237] {strides = array<i32>} : memref<320x128xf32, #tpu.memory_space<vmem>>, vector<16xf32>,
      tpu.vector_store %arg17[%swap3A_236, %swap3A_237], %get3A_235 {strides = array<i32>} : memref<320x128xf32, #tpu.memory_space<vmem>>, vector<16xf32>,
      %mul3A_239 = arith.constant 8 : i32
      %mul3A_240 = arith.muli %scan3A_215, %mul3A_239 : i32
      %add3A_241 = arith.constant 2 : i32
      %add3A_242 = arith.addi %mul3A_240, %add3A_241 : i32
      %add3A_243 = arith.constant 640 : i32
      %add3A_244 = arith.addi %add3A_243, %add3A_242 : i32
      %get3A_245 = arith.index_cast %add3A_244 : i32 to index
      %get3A_246 = arith.constant 0 : index
      %get3A_247 = tpu.vector_load %arg16[%get3A_245, %get3A_246] {strides = array<i32>} : memref<960x16xf32, #tpu.memory_space<vmem>>, vector<16xf32>,
      %swap3A_248 = arith.index_cast %add3A_242 : i32 to index
      %swap3A_249 = arith.constant 80 : index
      %swap3A_250 = tpu.vector_load %arg17[%swap3A_248, %swap3A_249] {strides = array<i32>} : memref<320x128xf32, #tpu.memory_space<vmem>>, vector<16xf32>,
      tpu.vector_store %arg17[%swap3A_248, %swap3A_249], %get3A_247 {strides = array<i32>} : memref<320x128xf32, #tpu.memory_space<vmem>>, vector<16xf32>,
      %mul3A_251 = arith.constant 8 : i32
      %mul3A_252 = arith.muli %scan3A_215, %mul3A_251 : i32
      %add3A_253 = arith.constant 3 : i32
      %add3A_254 = arith.addi %mul3A_252, %add3A_253 : i32
      %add3A_255 = arith.constant 640 : i32
      %add3A_256 = arith.addi %add3A_255, %add3A_254 : i32
      %get3A_257 = arith.index_cast %add3A_256 : i32 to index
      %get3A_258 = arith.constant 0 : index
      %get3A_259 = tpu.vector_load %arg16[%get3A_257, %get3A_258] {strides = array<i32>} : memref<960x16xf32, #tpu.memory_space<vmem>>, vector<16xf32>,
      %swap3A_260 = arith.index_cast %add3A_254 : i32 to index
      %swap3A_261 = arith.constant 80 : index
      %swap3A_262 = tpu.vector_load %arg17[%swap3A_260, %swap3A_261] {strides = array<i32>} : memref<320x128xf32, #tpu.memory_space<vmem>>, vector<16xf32>,
      tpu.vector_store %arg17[%swap3A_260, %swap3A_261], %get3A_259 {strides = array<i32>} : memref<320x128xf32, #tpu.memory_space<vmem>>, vector<16xf32>,
      %mul3A_263 = arith.constant 8 : i32
      %mul3A_264 = arith.muli %scan3A_215, %mul3A_263 : i32
      %add3A_265 = arith.constant 4 : i32
      %add3A_266 = arith.addi %mul3A_264, %add3A_265 : i32
      %add3A_267 = arith.constant 640 : i32
      %add3A_268 = arith.addi %add3A_267, %add3A_266 : i32
      %get3A_269 = arith.index_cast %add3A_268 : i32 to index
      %get3A_270 = arith.constant 0 : index
      %get3A_271 = tpu.vector_load %arg16[%get3A_269, %get3A_270] {strides = array<i32>} : memref<960x16xf32, #tpu.memory_space<vmem>>, vector<16xf32>,
      %swap3A_272 = arith.index_cast %add3A_266 : i32 to index
      %swap3A_273 = arith.constant 80 : index
      %swap3A_274 = tpu.vector_load %arg17[%swap3A_272, %swap3A_273] {strides = array<i32>} : memref<320x128xf32, #tpu.memory_space<vmem>>, vector<16xf32>,
      tpu.vector_store %arg17[%swap3A_272, %swap3A_273], %get3A_271 {strides = array<i32>} : memref<320x128xf32, #tpu.memory_space<vmem>>, vector<16xf32>,
      %mul3A_275 = arith.constant 8 : i32
      %mul3A_276 = arith.muli %scan3A_215, %mul3A_275 : i32
      %add3A_277 = arith.constant 5 : i32
      %add3A_278 = arith.addi %mul3A_276, %add3A_277 : i32
      %add3A_279 = arith.constant 640 : i32
      %add3A_280 = arith.addi %add3A_279, %add3A_278 : i32
      %get3A_281 = arith.index_cast %add3A_280 : i32 to index
      %get3A_282 = arith.constant 0 : index
      %get3A_283 = tpu.vector_load %arg16[%get3A_281, %get3A_282] {strides = array<i32>} : memref<960x16xf32, #tpu.memory_space<vmem>>, vector<16xf32>,
      %swap3A_284 = arith.index_cast %add3A_278 : i32 to index
      %swap3A_285 = arith.constant 80 : index
      %swap3A_286 = tpu.vector_load %arg17[%swap3A_284, %swap3A_285] {strides = array<i32>} : memref<320x128xf32, #tpu.memory_space<vmem>>, vector<16xf32>,
      tpu.vector_store %arg17[%swap3A_284, %swap3A_285], %get3A_283 {strides = array<i32>} : memref<320x128xf32, #tpu.memory_space<vmem>>, vector<16xf32>,
      %mul3A_287 = arith.constant 8 : i32
      %mul3A_288 = arith.muli %scan3A_215, %mul3A_287 : i32
      %add3A_289 = arith.constant 6 : i32
      %add3A_290 = arith.addi %mul3A_288, %add3A_289 : i32
      %add3A_291 = arith.constant 640 : i32
      %add3A_292 = arith.addi %add3A_291, %add3A_290 : i32
      %get3A_293 = arith.index_cast %add3A_292 : i32 to index
      %get3A_294 = arith.constant 0 : index
      %get3A_295 = tpu.vector_load %arg16[%get3A_293, %get3A_294] {strides = array<i32>} : memref<960x16xf32, #tpu.memory_space<vmem>>, vector<16xf32>,
      %swap3A_296 = arith.index_cast %add3A_290 : i32 to index
      %swap3A_297 = arith.constant 80 : index
      %swap3A_298 = tpu.vector_load %arg17[%swap3A_296, %swap3A_297] {strides = array<i32>} : memref<320x128xf32, #tpu.memory_space<vmem>>, vector<16xf32>,
      tpu.vector_store %arg17[%swap3A_296, %swap3A_297], %get3A_295 {strides = array<i32>} : memref<320x128xf32, #tpu.memory_space<vmem>>, vector<16xf32>,
      %mul3A_299 = arith.constant 8 : i32
      %mul3A_300 = arith.muli %scan3A_215, %mul3A_299 : i32
      %add3A_301 = arith.constant 7 : i32
      %add3A_302 = arith.addi %mul3A_300, %add3A_301 : i32
      %add3A_303 = arith.constant 640 : i32
      %add3A_304 = arith.addi %add3A_303, %add3A_302 : i32
      %get3A_305 = arith.index_cast %add3A_304 : i32 to index
      %get3A_306 = arith.constant 0 : index
      %get3A_307 = tpu.vector_load %arg16[%get3A_305, %get3A_306] {strides = array<i32>} : memref<960x16xf32, #tpu.memory_space<vmem>>, vector<16xf32>,
      %swap3A_308 = arith.index_cast %add3A_302 : i32 to index
      %swap3A_309 = arith.constant 80 : index
      %swap3A_310 = tpu.vector_load %arg17[%swap3A_308, %swap3A_309] {strides = array<i32>} : memref<320x128xf32, #tpu.memory_space<vmem>>, vector<16xf32>,
      tpu.vector_store %arg17[%swap3A_308, %swap3A_309], %get3A_307 {strides = array<i32>} : memref<320x128xf32, #tpu.memory_space<vmem>>, vector<16xf32>,
      %scan3A_311 = arith.constant 0 : i32
      scf.yield %scan3A_311 : i32
    }
    %scan3A_214 = arith.constant 40 : i32
    "tpu.region"() ({
      %run_scoped3A = tpu.sem_alloc : memref<!tpu.dma_semaphore, #tpu.memory_space<semaphore_mem>>
      %dma_start3A_215 = arith.constant 0 : i32
      %dma_start3A_216 = tpu.memref_slice %arg7[%mul3A_2, %dma_start3A_215] : memref<10240x128xf32, #tpu.memory_space<hbm>> -> memref<320x128xf32, #tpu.memory_space<hbm>>
      %dma_start3A_217 = arith.constant 0 : i32
      %dma_start3A_218 = tpu.memref_slice %arg7[%mul3A_2, %dma_start3A_217] : memref<10240x128xf32, #tpu.memory_space<hbm>> -> memref<320x128xf32, #tpu.memory_space<hbm>>
      tpu.enqueue_dma source(%arg17 : memref<320x128xf32, #tpu.memory_space<vmem>>) target(%dma_start3A_218 : memref<320x128xf32, #tpu.memory_space<hbm>>) target_semaphore(%run_scoped3A : memref<!tpu.dma_semaphore, #tpu.memory_space<semaphore_mem>>)
      %dma_wait3A_219 = arith.constant 0 : i32
      %dma_wait3A_220 = tpu.memref_slice %arg7[%mul3A_2, %dma_wait3A_219] : memref<10240x128xf32, #tpu.memory_space<hbm>> -> memref<320x128xf32, #tpu.memory_space<hbm>>
      %dma_wait3A_221 = arith.constant 0 : i32
      %dma_wait3A_222 = tpu.memref_slice %arg7[%mul3A_2, %dma_wait3A_221] : memref<10240x128xf32, #tpu.memory_space<hbm>> -> memref<320x128xf32, #tpu.memory_space<hbm>>
      tpu.wait_dma2 semaphore(%run_scoped3A : memref<!tpu.dma_semaphore, #tpu.memory_space<semaphore_mem>>) src(%arg17 : memref<320x128xf32, #tpu.memory_space<vmem>>) dst(%dma_wait3A_222 : memref<320x128xf32, #tpu.memory_space<hbm>>)
      tpu.yield
    }) : () -> ()
    "tpu.region"() ({
      %run_scoped3A = tpu.sem_alloc : memref<!tpu.dma_semaphore, #tpu.memory_space<semaphore_mem>>
      %dma_start3A_215 = tpu.memref_slice %arg8[%mul3A_2] : memref<10240xi32, #tpu.memory_space<hbm>> -> memref<320xi32, #tpu.memory_space<hbm>>
      %dma_start3A_216 = tpu.memref_slice %arg8[%mul3A_2] : memref<10240xi32, #tpu.memory_space<hbm>> -> memref<320xi32, #tpu.memory_space<hbm>>
      tpu.enqueue_dma source(%arg11 : memref<320xi32, #tpu.memory_space<vmem>>) target(%dma_start3A_216 : memref<320xi32, #tpu.memory_space<hbm>>) target_semaphore(%run_scoped3A : memref<!tpu.dma_semaphore, #tpu.memory_space<semaphore_mem>>)
      %dma_wait3A_217 = tpu.memref_slice %arg8[%mul3A_2] : memref<10240xi32, #tpu.memory_space<hbm>> -> memref<320xi32, #tpu.memory_space<hbm>>
      %dma_wait3A_218 = tpu.memref_slice %arg8[%mul3A_2] : memref<10240xi32, #tpu.memory_space<hbm>> -> memref<320xi32, #tpu.memory_space<hbm>>
      tpu.wait_dma2 semaphore(%run_scoped3A : memref<!tpu.dma_semaphore, #tpu.memory_space<semaphore_mem>>) src(%arg11 : memref<320xi32, #tpu.memory_space<vmem>>) dst(%dma_wait3A_218 : memref<320xi32, #tpu.memory_space<hbm>>)
      tpu.yield
    }) : () -> ()
    return
  }
}

#map = affine_map<(d0, d1) -> (0)>
#map1 = affine_map<(d0, d1) -> (0, 0)>
module attributes {stable_mosaic.version = 14 : i64} {
  func.func @body(%arg0: i32, %arg1: i32, %arg2: memref<640000xi32, #tpu.memory_space<hbm>>, %arg3: memref<32x10240xi32, #tpu.memory_space<hbm>>, %arg4: memref<32x30720xi32, #tpu.memory_space<hbm>>, %arg5: memref<20480xi32, #tpu.memory_space<vmem>>, %arg6: memref<10240xi32, #tpu.memory_space<vmem>>, %arg7: memref<30720xi32, #tpu.memory_space<vmem>>) attributes {dimension_semantics = [#tpu.dimension_semantics<core_parallel>, #tpu.dimension_semantics<subcore_parallel>], iteration_bounds = array<i64: 2, 16>, scalar_prefetch = 0 : i64, scratch_operands = 3 : i64, tpu.core_type = #tpu.core_type<sc_vector_subcore>, window_params = [{transform_indices = #map}, {transform_indices = #map1}, {transform_indices = #map1}]} {
    %mul3A = arith.constant 2 : i32
    %mul3A_0 = arith.muli %arg1, %mul3A : i32
    %add3A = arith.addi %mul3A_0, %arg0 : i32
    %mul3A_1 = arith.constant 10000 : i32
    %mul3A_2 = arith.muli %add3A, %mul3A_1 : i32
    %jit3A = arith.constant 128 : i32
    %div3A = arith.divsi %mul3A_2, %jit3A : i32
    %sign3A = arith.constant 0 : i32
    %sign3A_3 = arith.cmpi sgt, %mul3A_2, %sign3A : i32
    %sign3A_4 = arith.extui %sign3A_3 : i1 to i32
    %sign3A_5 = arith.constant 0 : i32
    %sign3A_6 = arith.cmpi slt, %mul3A_2, %sign3A_5 : i32
    %sign3A_7 = arith.extui %sign3A_6 : i1 to i32
    %sign3A_8 = arith.subi %sign3A_4, %sign3A_7 : i32
    %sign3A_9 = arith.constant 0 : i32
    %sign3A_10 = arith.cmpi sgt, %jit3A, %sign3A_9 : i32
    %sign3A_11 = arith.extui %sign3A_10 : i1 to i32
    %sign3A_12 = arith.constant 0 : i32
    %sign3A_13 = arith.cmpi slt, %jit3A, %sign3A_12 : i32
    %sign3A_14 = arith.extui %sign3A_13 : i1 to i32
    %sign3A_15 = arith.subi %sign3A_11, %sign3A_14 : i32
    %ne3A = arith.cmpi ne, %sign3A_8, %sign3A_15 : i32
    %rem3A = arith.remsi %mul3A_2, %jit3A : i32
    %ne3A_16 = arith.constant 0 : i32
    %ne3A_17 = arith.cmpi ne, %rem3A, %ne3A_16 : i32
    %and3A = arith.andi %ne3A, %ne3A_17 : i1
    %sub3A = arith.constant 1 : i32
    %sub3A_18 = arith.subi %div3A, %sub3A : i32
    %select_n3A = arith.select %and3A, %sub3A_18, %div3A : i32
    %min3A = arith.constant 2420 : i32
    %min3A_19 = arith.minsi %select_n3A, %min3A : i32
    %mul3A_20 = arith.constant 256 : i32
    %mul3A_21 = arith.muli %min3A_19, %mul3A_20 : i32
    "tpu.region"() ({
      %run_scoped3A = tpu.sem_alloc : memref<!tpu.dma_semaphore, #tpu.memory_space<semaphore_mem>>
      %dma_start3A = tpu.memref_slice %arg2[%mul3A_21] : memref<640000xi32, #tpu.memory_space<hbm>> -> memref<20480xi32, #tpu.memory_space<hbm>>
      %dma_start3A_35 = tpu.memref_slice %arg2[%mul3A_21] : memref<640000xi32, #tpu.memory_space<hbm>> -> memref<20480xi32, #tpu.memory_space<hbm>>
      tpu.enqueue_dma source(%dma_start3A_35 : memref<20480xi32, #tpu.memory_space<hbm>>) target(%arg5 : memref<20480xi32, #tpu.memory_space<vmem>>) target_semaphore(%run_scoped3A : memref<!tpu.dma_semaphore, #tpu.memory_space<semaphore_mem>>)
      %dma_wait3A = tpu.memref_slice %arg2[%mul3A_21] : memref<640000xi32, #tpu.memory_space<hbm>> -> memref<20480xi32, #tpu.memory_space<hbm>>
      %dma_wait3A_36 = tpu.memref_slice %arg2[%mul3A_21] : memref<640000xi32, #tpu.memory_space<hbm>> -> memref<20480xi32, #tpu.memory_space<hbm>>
      tpu.wait_dma2 semaphore(%run_scoped3A : memref<!tpu.dma_semaphore, #tpu.memory_space<semaphore_mem>>) src(%dma_wait3A_36 : memref<20480xi32, #tpu.memory_space<hbm>>) dst(%arg5 : memref<20480xi32, #tpu.memory_space<vmem>>)
      tpu.yield
    }) : () -> ()
    %scan3A = arith.constant 0 : i32
    %scan3A_22 = arith.constant 0 : i32
    %scan3A_23 = arith.constant 640 : i32
    %scan3A_24 = arith.addi %scan3A_22, %scan3A_23 : i32
    %scan3A_25 = arith.constant 1 : i32
    %scan3A_26 = scf.for %scan3A_35 = %scan3A_22 to %scan3A_24 step %scan3A_25 iter_args(%scan3A_36 = %scan3A) -> (i32)  : i32 {
      %broadcast_in_dim3A = arith.constant 0 : i32
      %broadcast_in_dim3A_37 = vector.broadcast %broadcast_in_dim3A : i32 to vector<16xi32>
      %mul3A_38 = arith.constant 16 : i32
      %mul3A_39 = arith.muli %scan3A_35, %mul3A_38 : i32
      %swap3A = arith.index_cast %mul3A_39 : i32 to index
      %swap3A_40 = tpu.vector_load %arg6[%swap3A] {strides = array<i32>} : memref<10240xi32, #tpu.memory_space<vmem>>, vector<16xi32>,
      tpu.vector_store %arg6[%swap3A], %broadcast_in_dim3A_37 {strides = array<i32>} : memref<10240xi32, #tpu.memory_space<vmem>>, vector<16xi32>,
      %scan3A_41 = arith.constant 0 : i32
      scf.yield %scan3A_41 : i32
    }
    %scan3A_27 = arith.constant 640 : i32
    %iota3A = tpu.iota {dimensions = array<i32: 0>} : vector<16xi32>
    %scan3A_28 = arith.constant 0 : i32
    %scan3A_29 = arith.constant 0 : i32
    %scan3A_30 = arith.constant 640 : i32
    %scan3A_31 = arith.addi %scan3A_29, %scan3A_30 : i32
    %scan3A_32 = arith.constant 1 : i32
    %scan3A_33 = scf.for %scan3A_35 = %scan3A_29 to %scan3A_31 step %scan3A_32 iter_args(%scan3A_36 = %scan3A_28) -> (i32)  : i32 {
      %mul3A_37 = arith.constant 16 : i32
      %mul3A_38 = arith.muli %scan3A_35, %mul3A_37 : i32
      %jit3A_39 = arith.constant 8 : i32
      %div3A_40 = arith.divsi %scan3A_35, %jit3A_39 : i32
      %sign3A_41 = arith.constant 0 : i32
      %sign3A_42 = arith.cmpi sgt, %scan3A_35, %sign3A_41 : i32
      %sign3A_43 = arith.extui %sign3A_42 : i1 to i32
      %sign3A_44 = arith.constant 0 : i32
      %sign3A_45 = arith.cmpi slt, %scan3A_35, %sign3A_44 : i32
      %sign3A_46 = arith.extui %sign3A_45 : i1 to i32
      %sign3A_47 = arith.subi %sign3A_43, %sign3A_46 : i32
      %sign3A_48 = arith.constant 0 : i32
      %sign3A_49 = arith.cmpi sgt, %jit3A_39, %sign3A_48 : i32
      %sign3A_50 = arith.extui %sign3A_49 : i1 to i32
      %sign3A_51 = arith.constant 0 : i32
      %sign3A_52 = arith.cmpi slt, %jit3A_39, %sign3A_51 : i32
      %sign3A_53 = arith.extui %sign3A_52 : i1 to i32
      %sign3A_54 = arith.subi %sign3A_50, %sign3A_53 : i32
      %ne3A_55 = arith.cmpi ne, %sign3A_47, %sign3A_54 : i32
      %rem3A_56 = arith.remsi %scan3A_35, %jit3A_39 : i32
      %ne3A_57 = arith.constant 0 : i32
      %ne3A_58 = arith.cmpi ne, %rem3A_56, %ne3A_57 : i32
      %and3A_59 = arith.andi %ne3A_55, %ne3A_58 : i1
      %sub3A_60 = arith.constant 1 : i32
      %sub3A_61 = arith.subi %div3A_40, %sub3A_60 : i32
      %select_n3A_62 = arith.select %and3A_59, %sub3A_61, %div3A_40 : i32
      %mul3A_63 = arith.constant 128 : i32
      %mul3A_64 = arith.muli %select_n3A_62, %mul3A_63 : i32
      %add3A_65 = arith.addi %mul3A_38, %mul3A_64 : i32
      %get3A = arith.index_cast %add3A_65 : i32 to index
      %get3A_66 = tpu.vector_load %arg5[%get3A] {strides = array<i32>} : memref<20480xi32, #tpu.memory_space<vmem>>, vector<16xi32>,
      %mul3A_67 = arith.constant 128 : i32
      %mul3A_68 = arith.muli %min3A_19, %mul3A_67 : i32
      %mul3A_69 = arith.constant 16 : i32
      %mul3A_70 = arith.muli %scan3A_35, %mul3A_69 : i32
      %add3A_71 = arith.addi %mul3A_68, %mul3A_70 : i32
      %add3A_72 = vector.broadcast %add3A_71 : i32 to vector<16xi32>
      %add3A_73 = arith.addi %add3A_72, %iota3A : vector<16xi32>
      %ge3A = vector.broadcast %mul3A_2 : i32 to vector<16xi32>
      %ge3A_74 = arith.cmpi sge, %add3A_73, %ge3A : vector<16xi32>
      %add3A_75 = arith.constant 10000 : i32
      %add3A_76 = arith.addi %mul3A_2, %add3A_75 : i32
      %lt3A = vector.broadcast %add3A_76 : i32 to vector<16xi32>
      %lt3A_77 = arith.cmpi slt, %add3A_73, %lt3A : vector<16xi32>
      %and3A_78 = arith.andi %ge3A_74, %lt3A_77 : vector<16xi1>
      %unique3A, %unique3A_79 = tpu.scan_count mask(%and3A_78 : vector<16xi1>) value(%get3A_66 : vector<16xi32>) : vector<16xi1>, vector<16xi32>
      %gather3A = tpu.vector_load_idx %arg6[%get3A_66] : memref<10240xi32, #tpu.memory_space<vmem>>[vector<16xi32>], vector<16xi32>,
      %add3A_80 = arith.addi %gather3A, %unique3A_79 : vector<16xi32>
      %sub3A_81 = arith.constant 1 : i32
      %sub3A_82 = vector.broadcast %sub3A_81 : i32 to vector<16xi32>
      %sub3A_83 = arith.subi %add3A_80, %sub3A_82 : vector<16xi32>
      %mul3A_84 = arith.constant 3 : i32
      %mul3A_85 = vector.broadcast %mul3A_84 : i32 to vector<16xi32>
      %mul3A_86 = arith.muli %get3A_66, %mul3A_85 : vector<16xi32>
      %max3A = arith.constant 0 : i32
      %max3A_87 = vector.broadcast %max3A : i32 to vector<16xi32>
      %max3A_88 = arith.maxsi %sub3A_83, %max3A_87 : vector<16xi32>
      %min3A_89 = arith.constant 2 : i32
      %min3A_90 = vector.broadcast %min3A_89 : i32 to vector<16xi32>
      %min3A_91 = arith.minsi %max3A_88, %min3A_90 : vector<16xi32>
      %add3A_92 = arith.addi %mul3A_86, %min3A_91 : vector<16xi32>
      %lt3A_93 = arith.constant 3 : i32
      %lt3A_94 = vector.broadcast %lt3A_93 : i32 to vector<16xi32>
      %lt3A_95 = arith.cmpi slt, %sub3A_83, %lt3A_94 : vector<16xi32>
      %and3A_96 = arith.andi %and3A_78, %lt3A_95 : vector<16xi1>
      tpu.vector_store_idx %arg7[%add3A_92], %add3A_73 masked %and3A_96 : memref<30720xi32, #tpu.memory_space<vmem>>[vector<16xi32>], vector<16xi32>, vector<16xi1>
      %add3A_97 = arith.addi %gather3A, %unique3A_79 : vector<16xi32>
      %and3A_98 = arith.andi %unique3A, %and3A_78 : vector<16xi1>
      tpu.vector_store_idx %arg6[%get3A_66], %add3A_97 masked %and3A_98 : memref<10240xi32, #tpu.memory_space<vmem>>[vector<16xi32>], vector<16xi32>, vector<16xi1>
      %scan3A_99 = arith.constant 0 : i32
      scf.yield %scan3A_99 : i32
    }
    %scan3A_34 = arith.constant 640 : i32
    "tpu.region"() ({
      %run_scoped3A = tpu.sem_alloc : memref<!tpu.dma_semaphore, #tpu.memory_space<semaphore_mem>>
      %dma_start3A = arith.constant 0 : i32
      %dma_start3A_35 = tpu.memref_slice %arg3[%add3A, %dma_start3A] : memref<32x10240xi32, #tpu.memory_space<hbm>> -> memref<1x10240xi32, #tpu.memory_space<hbm>>
      %dma_start3A_36 = tpu.memref_squeeze %dma_start3A_35 : memref<1x10240xi32, #tpu.memory_space<hbm>> -> memref<10240xi32, #tpu.memory_space<hbm>>
      %dma_start3A_37 = arith.constant 0 : i32
      %dma_start3A_38 = tpu.memref_slice %arg3[%add3A, %dma_start3A_37] : memref<32x10240xi32, #tpu.memory_space<hbm>> -> memref<1x10240xi32, #tpu.memory_space<hbm>>
      %dma_start3A_39 = tpu.memref_squeeze %dma_start3A_38 : memref<1x10240xi32, #tpu.memory_space<hbm>> -> memref<10240xi32, #tpu.memory_space<hbm>>
      tpu.enqueue_dma source(%arg6 : memref<10240xi32, #tpu.memory_space<vmem>>) target(%dma_start3A_39 : memref<10240xi32, #tpu.memory_space<hbm>>) target_semaphore(%run_scoped3A : memref<!tpu.dma_semaphore, #tpu.memory_space<semaphore_mem>>)
      %dma_wait3A = arith.constant 0 : i32
      %dma_wait3A_40 = tpu.memref_slice %arg3[%add3A, %dma_wait3A] : memref<32x10240xi32, #tpu.memory_space<hbm>> -> memref<1x10240xi32, #tpu.memory_space<hbm>>
      %dma_wait3A_41 = tpu.memref_squeeze %dma_wait3A_40 : memref<1x10240xi32, #tpu.memory_space<hbm>> -> memref<10240xi32, #tpu.memory_space<hbm>>
      %dma_wait3A_42 = arith.constant 0 : i32
      %dma_wait3A_43 = tpu.memref_slice %arg3[%add3A, %dma_wait3A_42] : memref<32x10240xi32, #tpu.memory_space<hbm>> -> memref<1x10240xi32, #tpu.memory_space<hbm>>
      %dma_wait3A_44 = tpu.memref_squeeze %dma_wait3A_43 : memref<1x10240xi32, #tpu.memory_space<hbm>> -> memref<10240xi32, #tpu.memory_space<hbm>>
      tpu.wait_dma2 semaphore(%run_scoped3A : memref<!tpu.dma_semaphore, #tpu.memory_space<semaphore_mem>>) src(%arg6 : memref<10240xi32, #tpu.memory_space<vmem>>) dst(%dma_wait3A_44 : memref<10240xi32, #tpu.memory_space<hbm>>)
      tpu.yield
    }) : () -> ()
    "tpu.region"() ({
      %run_scoped3A = tpu.sem_alloc : memref<!tpu.dma_semaphore, #tpu.memory_space<semaphore_mem>>
      %dma_start3A = arith.constant 0 : i32
      %dma_start3A_35 = tpu.memref_slice %arg4[%add3A, %dma_start3A] : memref<32x30720xi32, #tpu.memory_space<hbm>> -> memref<1x30720xi32, #tpu.memory_space<hbm>>
      %dma_start3A_36 = tpu.memref_squeeze %dma_start3A_35 : memref<1x30720xi32, #tpu.memory_space<hbm>> -> memref<30720xi32, #tpu.memory_space<hbm>>
      %dma_start3A_37 = arith.constant 0 : i32
      %dma_start3A_38 = tpu.memref_slice %arg4[%add3A, %dma_start3A_37] : memref<32x30720xi32, #tpu.memory_space<hbm>> -> memref<1x30720xi32, #tpu.memory_space<hbm>>
      %dma_start3A_39 = tpu.memref_squeeze %dma_start3A_38 : memref<1x30720xi32, #tpu.memory_space<hbm>> -> memref<30720xi32, #tpu.memory_space<hbm>>
      tpu.enqueue_dma source(%arg7 : memref<30720xi32, #tpu.memory_space<vmem>>) target(%dma_start3A_39 : memref<30720xi32, #tpu.memory_space<hbm>>) target_semaphore(%run_scoped3A : memref<!tpu.dma_semaphore, #tpu.memory_space<semaphore_mem>>)
      %dma_wait3A = arith.constant 0 : i32
      %dma_wait3A_40 = tpu.memref_slice %arg4[%add3A, %dma_wait3A] : memref<32x30720xi32, #tpu.memory_space<hbm>> -> memref<1x30720xi32, #tpu.memory_space<hbm>>
      %dma_wait3A_41 = tpu.memref_squeeze %dma_wait3A_40 : memref<1x30720xi32, #tpu.memory_space<hbm>> -> memref<30720xi32, #tpu.memory_space<hbm>>
      %dma_wait3A_42 = arith.constant 0 : i32
      %dma_wait3A_43 = tpu.memref_slice %arg4[%add3A, %dma_wait3A_42] : memref<32x30720xi32, #tpu.memory_space<hbm>> -> memref<1x30720xi32, #tpu.memory_space<hbm>>
      %dma_wait3A_44 = tpu.memref_squeeze %dma_wait3A_43 : memref<1x30720xi32, #tpu.memory_space<hbm>> -> memref<30720xi32, #tpu.memory_space<hbm>>
      tpu.wait_dma2 semaphore(%run_scoped3A : memref<!tpu.dma_semaphore, #tpu.memory_space<semaphore_mem>>) src(%arg7 : memref<30720xi32, #tpu.memory_space<vmem>>) dst(%dma_wait3A_44 : memref<30720xi32, #tpu.memory_space<hbm>>)
      tpu.yield
    }) : () -> ()
    return
  }
}

module attributes {stable_mosaic.version = 14 : i64} {
  func.func @_node_mlp_body(%arg0: i32, %arg1: memref<1280x8x128xf32, #tpu.memory_space<vmem>>, %arg2: memref<128x128xf32, #tpu.memory_space<vmem>>, %arg3: memref<1x128xf32, #tpu.memory_space<vmem>>, %arg4: memref<128x16xf32, #tpu.memory_space<vmem>>, %arg5: memref<1x128xf32, #tpu.memory_space<vmem>>, %arg6: memref<1280x128xf32, #tpu.memory_space<vmem>>) attributes {dimension_semantics = [#tpu.dimension_semantics<arbitrary>], iteration_bounds = array<i64: 1>, scalar_prefetch = 0 : i64, scratch_operands = 0 : i64, tpu.core_type = #tpu.core_type<tc>, window_params = [{transform_indices = @transform_0, window_bounds = array<i64: 1280, 8, 128>}, {pipeline_mode = #tpu.pipeline_mode<synchronous>, transform_indices = @transform_1, window_bounds = array<i64: 128, 128>}, {pipeline_mode = #tpu.pipeline_mode<synchronous>, transform_indices = @transform_2, window_bounds = array<i64: 1, 128>}, {pipeline_mode = #tpu.pipeline_mode<synchronous>, transform_indices = @transform_3, window_bounds = array<i64: 128, 16>}, {pipeline_mode = #tpu.pipeline_mode<synchronous>, transform_indices = @transform_4, window_bounds = array<i64: 1, 128>}, {transform_indices = @transform_5, window_bounds = array<i64: 1280, 128>}]} {
    %get3A = arith.constant 0 : index
    %get3A_0 = arith.constant 0 : index
    %get3A_1 = arith.constant 0 : index
    %get3A_2 = vector.load %arg1[%get3A, %get3A_0, %get3A_1] : memref<1280x8x128xf32, #tpu.memory_space<vmem>>, vector<1280x1x128xf32>
    %get3A_3 = vector.shape_cast %get3A_2 : vector<1280x1x128xf32> to vector<1280x128xf32>
    %get3A_4 = arith.constant 0 : index
    %get3A_5 = arith.constant 0 : index
    %get3A_6 = vector.load %arg2[%get3A_4, %get3A_5] : memref<128x128xf32, #tpu.memory_space<vmem>>, vector<128x128xf32>
    %dot_general3A = arith.constant dense<0.000000e+00> : vector<1280x128xf32>
    %dot_general3A_7 = tpu.matmul %get3A_3, %get3A_6, %dot_general3A {dimension_numbers = #tpu.dot_dimension_numbers<[1], [0], [0], [1], [0, 0, 1, 1], [], []>, transpose_lhs_hint = false} : vector<1280x128xf32>, vector<128x128xf32>, vector<1280x128xf32> -> vector<1280x128xf32>
    %get3A_8 = arith.constant 0 : index
    %get3A_9 = arith.constant 0 : index
    %get3A_10 = vector.load %arg3[%get3A_8, %get3A_9] : memref<1x128xf32, #tpu.memory_space<vmem>>, vector<1x128xf32>
    %add3A = vector.broadcast %get3A_10 : vector<1x128xf32> to vector<1280x128xf32>
    %add3A_11 = arith.addf %dot_general3A_7, %add3A : vector<1280x128xf32>
    %ge3A = arith.constant 0.000000e+00 : f32
    %ge3A_12 = vector.broadcast %ge3A : f32 to vector<1280x128xf32>
    %ge3A_13 = arith.cmpf oge, %add3A_11, %ge3A_12 : vector<1280x128xf32>
    %mul3A = arith.constant 1.000000e-01 : f32
    %mul3A_14 = vector.broadcast %mul3A : f32 to vector<1280x128xf32>
    %mul3A_15 = arith.mulf %mul3A_14, %add3A_11 : vector<1280x128xf32>
    %select_n3A = arith.select %ge3A_13, %add3A_11, %mul3A_15 : vector<1280x128xi1>, vector<1280x128xf32>
    %get3A_16 = arith.constant 0 : index
    %get3A_17 = arith.constant 0 : index
    %get3A_18 = vector.load %arg4[%get3A_16, %get3A_17] : memref<128x16xf32, #tpu.memory_space<vmem>>, vector<128x16xf32>
    %dot_general3A_19 = arith.constant dense<0.000000e+00> : vector<1280x16xf32>
    %dot_general3A_20 = tpu.matmul %select_n3A, %get3A_18, %dot_general3A_19 {dimension_numbers = #tpu.dot_dimension_numbers<[1], [0], [0], [1], [0, 0, 1, 1], [], []>, transpose_lhs_hint = false} : vector<1280x128xf32>, vector<128x16xf32>, vector<1280x16xf32> -> vector<1280x16xf32>
    %iota3A = tpu.iota {dimensions = array<i32: 0>} : vector<16x128xi32>
    %iota3A_21 = tpu.iota {dimensions = array<i32: 1>} : vector<16x128xi32>
    %add3A_22 = arith.constant 0 : i32
    %add3A_23 = vector.broadcast %add3A_22 : i32 to vector<16x128xi32>
    %add3A_24 = arith.addi %add3A_23, %iota3A : vector<16x128xi32>
    %eq3A = arith.cmpi eq, %iota3A_21, %add3A_24 : vector<16x128xi32>
    %convert_element_type3A = arith.extui %eq3A : vector<16x128xi1> to vector<16x128xi32>
    %convert_element_type3A_25 = arith.sitofp %convert_element_type3A : vector<16x128xi32> to vector<16x128xf32>
    %dot_general3A_26 = arith.constant dense<0.000000e+00> : vector<1280x128xf32>
    %dot_general3A_27 = tpu.matmul %dot_general3A_20, %convert_element_type3A_25, %dot_general3A_26 {dimension_numbers = #tpu.dot_dimension_numbers<[1], [0], [0], [1], [0, 0, 1, 1], [], []>, transpose_lhs_hint = false} : vector<1280x16xf32>, vector<16x128xf32>, vector<1280x128xf32> -> vector<1280x128xf32>
    %get3A_28 = arith.constant 0 : index
    %get3A_29 = arith.constant 1 : index
    %get3A_30 = arith.constant 0 : index
    %get3A_31 = vector.load %arg1[%get3A_28, %get3A_29, %get3A_30] : memref<1280x8x128xf32, #tpu.memory_space<vmem>>, vector<1280x1x128xf32>
    %get3A_32 = vector.shape_cast %get3A_31 : vector<1280x1x128xf32> to vector<1280x128xf32>
    %get3A_33 = arith.constant 0 : index
    %get3A_34 = arith.constant 0 : index
    %get3A_35 = vector.load %arg2[%get3A_33, %get3A_34] : memref<128x128xf32, #tpu.memory_space<vmem>>, vector<128x128xf32>
    %dot_general3A_36 = arith.constant dense<0.000000e+00> : vector<1280x128xf32>
    %dot_general3A_37 = tpu.matmul %get3A_32, %get3A_35, %dot_general3A_36 {dimension_numbers = #tpu.dot_dimension_numbers<[1], [0], [0], [1], [0, 0, 1, 1], [], []>, transpose_lhs_hint = false} : vector<1280x128xf32>, vector<128x128xf32>, vector<1280x128xf32> -> vector<1280x128xf32>
    %get3A_38 = arith.constant 0 : index
    %get3A_39 = arith.constant 0 : index
    %get3A_40 = vector.load %arg3[%get3A_38, %get3A_39] : memref<1x128xf32, #tpu.memory_space<vmem>>, vector<1x128xf32>
    %add3A_41 = vector.broadcast %get3A_40 : vector<1x128xf32> to vector<1280x128xf32>
    %add3A_42 = arith.addf %dot_general3A_37, %add3A_41 : vector<1280x128xf32>
    %ge3A_43 = arith.constant 0.000000e+00 : f32
    %ge3A_44 = vector.broadcast %ge3A_43 : f32 to vector<1280x128xf32>
    %ge3A_45 = arith.cmpf oge, %add3A_42, %ge3A_44 : vector<1280x128xf32>
    %mul3A_46 = arith.constant 1.000000e-01 : f32
    %mul3A_47 = vector.broadcast %mul3A_46 : f32 to vector<1280x128xf32>
    %mul3A_48 = arith.mulf %mul3A_47, %add3A_42 : vector<1280x128xf32>
    %select_n3A_49 = arith.select %ge3A_45, %add3A_42, %mul3A_48 : vector<1280x128xi1>, vector<1280x128xf32>
    %get3A_50 = arith.constant 0 : index
    %get3A_51 = arith.constant 0 : index
    %get3A_52 = vector.load %arg4[%get3A_50, %get3A_51] : memref<128x16xf32, #tpu.memory_space<vmem>>, vector<128x16xf32>
    %dot_general3A_53 = arith.constant dense<0.000000e+00> : vector<1280x16xf32>
    %dot_general3A_54 = tpu.matmul %select_n3A_49, %get3A_52, %dot_general3A_53 {dimension_numbers = #tpu.dot_dimension_numbers<[1], [0], [0], [1], [0, 0, 1, 1], [], []>, transpose_lhs_hint = false} : vector<1280x128xf32>, vector<128x16xf32>, vector<1280x16xf32> -> vector<1280x16xf32>
    %iota3A_55 = tpu.iota {dimensions = array<i32: 0>} : vector<16x128xi32>
    %iota3A_56 = tpu.iota {dimensions = array<i32: 1>} : vector<16x128xi32>
    %add3A_57 = arith.constant 16 : i32
    %add3A_58 = vector.broadcast %add3A_57 : i32 to vector<16x128xi32>
    %add3A_59 = arith.addi %add3A_58, %iota3A_55 : vector<16x128xi32>
    %eq3A_60 = arith.cmpi eq, %iota3A_56, %add3A_59 : vector<16x128xi32>
    %convert_element_type3A_61 = arith.extui %eq3A_60 : vector<16x128xi1> to vector<16x128xi32>
    %convert_element_type3A_62 = arith.sitofp %convert_element_type3A_61 : vector<16x128xi32> to vector<16x128xf32>
    %dot_general3A_63 = arith.constant dense<0.000000e+00> : vector<1280x128xf32>
    %dot_general3A_64 = tpu.matmul %dot_general3A_54, %convert_element_type3A_62, %dot_general3A_63 {dimension_numbers = #tpu.dot_dimension_numbers<[1], [0], [0], [1], [0, 0, 1, 1], [], []>, transpose_lhs_hint = false} : vector<1280x16xf32>, vector<16x128xf32>, vector<1280x128xf32> -> vector<1280x128xf32>
    %add3A_65 = arith.addf %dot_general3A_27, %dot_general3A_64 : vector<1280x128xf32>
    %get3A_66 = arith.constant 0 : index
    %get3A_67 = arith.constant 2 : index
    %get3A_68 = arith.constant 0 : index
    %get3A_69 = vector.load %arg1[%get3A_66, %get3A_67, %get3A_68] : memref<1280x8x128xf32, #tpu.memory_space<vmem>>, vector<1280x1x128xf32>
    %get3A_70 = vector.shape_cast %get3A_69 : vector<1280x1x128xf32> to vector<1280x128xf32>
    %get3A_71 = arith.constant 0 : index
    %get3A_72 = arith.constant 0 : index
    %get3A_73 = vector.load %arg2[%get3A_71, %get3A_72] : memref<128x128xf32, #tpu.memory_space<vmem>>, vector<128x128xf32>
    %dot_general3A_74 = arith.constant dense<0.000000e+00> : vector<1280x128xf32>
    %dot_general3A_75 = tpu.matmul %get3A_70, %get3A_73, %dot_general3A_74 {dimension_numbers = #tpu.dot_dimension_numbers<[1], [0], [0], [1], [0, 0, 1, 1], [], []>, transpose_lhs_hint = false} : vector<1280x128xf32>, vector<128x128xf32>, vector<1280x128xf32> -> vector<1280x128xf32>
    %get3A_76 = arith.constant 0 : index
    %get3A_77 = arith.constant 0 : index
    %get3A_78 = vector.load %arg3[%get3A_76, %get3A_77] : memref<1x128xf32, #tpu.memory_space<vmem>>, vector<1x128xf32>
    %add3A_79 = vector.broadcast %get3A_78 : vector<1x128xf32> to vector<1280x128xf32>
    %add3A_80 = arith.addf %dot_general3A_75, %add3A_79 : vector<1280x128xf32>
    %ge3A_81 = arith.constant 0.000000e+00 : f32
    %ge3A_82 = vector.broadcast %ge3A_81 : f32 to vector<1280x128xf32>
    %ge3A_83 = arith.cmpf oge, %add3A_80, %ge3A_82 : vector<1280x128xf32>
    %mul3A_84 = arith.constant 1.000000e-01 : f32
    %mul3A_85 = vector.broadcast %mul3A_84 : f32 to vector<1280x128xf32>
    %mul3A_86 = arith.mulf %mul3A_85, %add3A_80 : vector<1280x128xf32>
    %select_n3A_87 = arith.select %ge3A_83, %add3A_80, %mul3A_86 : vector<1280x128xi1>, vector<1280x128xf32>
    %get3A_88 = arith.constant 0 : index
    %get3A_89 = arith.constant 0 : index
    %get3A_90 = vector.load %arg4[%get3A_88, %get3A_89] : memref<128x16xf32, #tpu.memory_space<vmem>>, vector<128x16xf32>
    %dot_general3A_91 = arith.constant dense<0.000000e+00> : vector<1280x16xf32>
    %dot_general3A_92 = tpu.matmul %select_n3A_87, %get3A_90, %dot_general3A_91 {dimension_numbers = #tpu.dot_dimension_numbers<[1], [0], [0], [1], [0, 0, 1, 1], [], []>, transpose_lhs_hint = false} : vector<1280x128xf32>, vector<128x16xf32>, vector<1280x16xf32> -> vector<1280x16xf32>
    %iota3A_93 = tpu.iota {dimensions = array<i32: 0>} : vector<16x128xi32>
    %iota3A_94 = tpu.iota {dimensions = array<i32: 1>} : vector<16x128xi32>
    %add3A_95 = arith.constant 32 : i32
    %add3A_96 = vector.broadcast %add3A_95 : i32 to vector<16x128xi32>
    %add3A_97 = arith.addi %add3A_96, %iota3A_93 : vector<16x128xi32>
    %eq3A_98 = arith.cmpi eq, %iota3A_94, %add3A_97 : vector<16x128xi32>
    %convert_element_type3A_99 = arith.extui %eq3A_98 : vector<16x128xi1> to vector<16x128xi32>
    %convert_element_type3A_100 = arith.sitofp %convert_element_type3A_99 : vector<16x128xi32> to vector<16x128xf32>
    %dot_general3A_101 = arith.constant dense<0.000000e+00> : vector<1280x128xf32>
    %dot_general3A_102 = tpu.matmul %dot_general3A_92, %convert_element_type3A_100, %dot_general3A_101 {dimension_numbers = #tpu.dot_dimension_numbers<[1], [0], [0], [1], [0, 0, 1, 1], [], []>, transpose_lhs_hint = false} : vector<1280x16xf32>, vector<16x128xf32>, vector<1280x128xf32> -> vector<1280x128xf32>
    %add3A_103 = arith.addf %add3A_65, %dot_general3A_102 : vector<1280x128xf32>
    %get3A_104 = arith.constant 0 : index
    %get3A_105 = arith.constant 3 : index
    %get3A_106 = arith.constant 0 : index
    %get3A_107 = vector.load %arg1[%get3A_104, %get3A_105, %get3A_106] : memref<1280x8x128xf32, #tpu.memory_space<vmem>>, vector<1280x1x128xf32>
    %get3A_108 = vector.shape_cast %get3A_107 : vector<1280x1x128xf32> to vector<1280x128xf32>
    %get3A_109 = arith.constant 0 : index
    %get3A_110 = arith.constant 0 : index
    %get3A_111 = vector.load %arg2[%get3A_109, %get3A_110] : memref<128x128xf32, #tpu.memory_space<vmem>>, vector<128x128xf32>
    %dot_general3A_112 = arith.constant dense<0.000000e+00> : vector<1280x128xf32>
    %dot_general3A_113 = tpu.matmul %get3A_108, %get3A_111, %dot_general3A_112 {dimension_numbers = #tpu.dot_dimension_numbers<[1], [0], [0], [1], [0, 0, 1, 1], [], []>, transpose_lhs_hint = false} : vector<1280x128xf32>, vector<128x128xf32>, vector<1280x128xf32> -> vector<1280x128xf32>
    %get3A_114 = arith.constant 0 : index
    %get3A_115 = arith.constant 0 : index
    %get3A_116 = vector.load %arg3[%get3A_114, %get3A_115] : memref<1x128xf32, #tpu.memory_space<vmem>>, vector<1x128xf32>
    %add3A_117 = vector.broadcast %get3A_116 : vector<1x128xf32> to vector<1280x128xf32>
    %add3A_118 = arith.addf %dot_general3A_113, %add3A_117 : vector<1280x128xf32>
    %ge3A_119 = arith.constant 0.000000e+00 : f32
    %ge3A_120 = vector.broadcast %ge3A_119 : f32 to vector<1280x128xf32>
    %ge3A_121 = arith.cmpf oge, %add3A_118, %ge3A_120 : vector<1280x128xf32>
    %mul3A_122 = arith.constant 1.000000e-01 : f32
    %mul3A_123 = vector.broadcast %mul3A_122 : f32 to vector<1280x128xf32>
    %mul3A_124 = arith.mulf %mul3A_123, %add3A_118 : vector<1280x128xf32>
    %select_n3A_125 = arith.select %ge3A_121, %add3A_118, %mul3A_124 : vector<1280x128xi1>, vector<1280x128xf32>
    %get3A_126 = arith.constant 0 : index
    %get3A_127 = arith.constant 0 : index
    %get3A_128 = vector.load %arg4[%get3A_126, %get3A_127] : memref<128x16xf32, #tpu.memory_space<vmem>>, vector<128x16xf32>
    %dot_general3A_129 = arith.constant dense<0.000000e+00> : vector<1280x16xf32>
    %dot_general3A_130 = tpu.matmul %select_n3A_125, %get3A_128, %dot_general3A_129 {dimension_numbers = #tpu.dot_dimension_numbers<[1], [0], [0], [1], [0, 0, 1, 1], [], []>, transpose_lhs_hint = false} : vector<1280x128xf32>, vector<128x16xf32>, vector<1280x16xf32> -> vector<1280x16xf32>
    %iota3A_131 = tpu.iota {dimensions = array<i32: 0>} : vector<16x128xi32>
    %iota3A_132 = tpu.iota {dimensions = array<i32: 1>} : vector<16x128xi32>
    %add3A_133 = arith.constant 48 : i32
    %add3A_134 = vector.broadcast %add3A_133 : i32 to vector<16x128xi32>
    %add3A_135 = arith.addi %add3A_134, %iota3A_131 : vector<16x128xi32>
    %eq3A_136 = arith.cmpi eq, %iota3A_132, %add3A_135 : vector<16x128xi32>
    %convert_element_type3A_137 = arith.extui %eq3A_136 : vector<16x128xi1> to vector<16x128xi32>
    %convert_element_type3A_138 = arith.sitofp %convert_element_type3A_137 : vector<16x128xi32> to vector<16x128xf32>
    %dot_general3A_139 = arith.constant dense<0.000000e+00> : vector<1280x128xf32>
    %dot_general3A_140 = tpu.matmul %dot_general3A_130, %convert_element_type3A_138, %dot_general3A_139 {dimension_numbers = #tpu.dot_dimension_numbers<[1], [0], [0], [1], [0, 0, 1, 1], [], []>, transpose_lhs_hint = false} : vector<1280x16xf32>, vector<16x128xf32>, vector<1280x128xf32> -> vector<1280x128xf32>
    %add3A_141 = arith.addf %add3A_103, %dot_general3A_140 : vector<1280x128xf32>
    %get3A_142 = arith.constant 0 : index
    %get3A_143 = arith.constant 4 : index
    %get3A_144 = arith.constant 0 : index
    %get3A_145 = vector.load %arg1[%get3A_142, %get3A_143, %get3A_144] : memref<1280x8x128xf32, #tpu.memory_space<vmem>>, vector<1280x1x128xf32>
    %get3A_146 = vector.shape_cast %get3A_145 : vector<1280x1x128xf32> to vector<1280x128xf32>
    %get3A_147 = arith.constant 0 : index
    %get3A_148 = arith.constant 0 : index
    %get3A_149 = vector.load %arg2[%get3A_147, %get3A_148] : memref<128x128xf32, #tpu.memory_space<vmem>>, vector<128x128xf32>
    %dot_general3A_150 = arith.constant dense<0.000000e+00> : vector<1280x128xf32>
    %dot_general3A_151 = tpu.matmul %get3A_146, %get3A_149, %dot_general3A_150 {dimension_numbers = #tpu.dot_dimension_numbers<[1], [0], [0], [1], [0, 0, 1, 1], [], []>, transpose_lhs_hint = false} : vector<1280x128xf32>, vector<128x128xf32>, vector<1280x128xf32> -> vector<1280x128xf32>
    %get3A_152 = arith.constant 0 : index
    %get3A_153 = arith.constant 0 : index
    %get3A_154 = vector.load %arg3[%get3A_152, %get3A_153] : memref<1x128xf32, #tpu.memory_space<vmem>>, vector<1x128xf32>
    %add3A_155 = vector.broadcast %get3A_154 : vector<1x128xf32> to vector<1280x128xf32>
    %add3A_156 = arith.addf %dot_general3A_151, %add3A_155 : vector<1280x128xf32>
    %ge3A_157 = arith.constant 0.000000e+00 : f32
    %ge3A_158 = vector.broadcast %ge3A_157 : f32 to vector<1280x128xf32>
    %ge3A_159 = arith.cmpf oge, %add3A_156, %ge3A_158 : vector<1280x128xf32>
    %mul3A_160 = arith.constant 1.000000e-01 : f32
    %mul3A_161 = vector.broadcast %mul3A_160 : f32 to vector<1280x128xf32>
    %mul3A_162 = arith.mulf %mul3A_161, %add3A_156 : vector<1280x128xf32>
    %select_n3A_163 = arith.select %ge3A_159, %add3A_156, %mul3A_162 : vector<1280x128xi1>, vector<1280x128xf32>
    %get3A_164 = arith.constant 0 : index
    %get3A_165 = arith.constant 0 : index
    %get3A_166 = vector.load %arg4[%get3A_164, %get3A_165] : memref<128x16xf32, #tpu.memory_space<vmem>>, vector<128x16xf32>
    %dot_general3A_167 = arith.constant dense<0.000000e+00> : vector<1280x16xf32>
    %dot_general3A_168 = tpu.matmul %select_n3A_163, %get3A_166, %dot_general3A_167 {dimension_numbers = #tpu.dot_dimension_numbers<[1], [0], [0], [1], [0, 0, 1, 1], [], []>, transpose_lhs_hint = false} : vector<1280x128xf32>, vector<128x16xf32>, vector<1280x16xf32> -> vector<1280x16xf32>
    %iota3A_169 = tpu.iota {dimensions = array<i32: 0>} : vector<16x128xi32>
    %iota3A_170 = tpu.iota {dimensions = array<i32: 1>} : vector<16x128xi32>
    %add3A_171 = arith.constant 64 : i32
    %add3A_172 = vector.broadcast %add3A_171 : i32 to vector<16x128xi32>
    %add3A_173 = arith.addi %add3A_172, %iota3A_169 : vector<16x128xi32>
    %eq3A_174 = arith.cmpi eq, %iota3A_170, %add3A_173 : vector<16x128xi32>
    %convert_element_type3A_175 = arith.extui %eq3A_174 : vector<16x128xi1> to vector<16x128xi32>
    %convert_element_type3A_176 = arith.sitofp %convert_element_type3A_175 : vector<16x128xi32> to vector<16x128xf32>
    %dot_general3A_177 = arith.constant dense<0.000000e+00> : vector<1280x128xf32>
    %dot_general3A_178 = tpu.matmul %dot_general3A_168, %convert_element_type3A_176, %dot_general3A_177 {dimension_numbers = #tpu.dot_dimension_numbers<[1], [0], [0], [1], [0, 0, 1, 1], [], []>, transpose_lhs_hint = false} : vector<1280x16xf32>, vector<16x128xf32>, vector<1280x128xf32> -> vector<1280x128xf32>
    %add3A_179 = arith.addf %add3A_141, %dot_general3A_178 : vector<1280x128xf32>
    %get3A_180 = arith.constant 0 : index
    %get3A_181 = arith.constant 5 : index
    %get3A_182 = arith.constant 0 : index
    %get3A_183 = vector.load %arg1[%get3A_180, %get3A_181, %get3A_182] : memref<1280x8x128xf32, #tpu.memory_space<vmem>>, vector<1280x1x128xf32>
    %get3A_184 = vector.shape_cast %get3A_183 : vector<1280x1x128xf32> to vector<1280x128xf32>
    %get3A_185 = arith.constant 0 : index
    %get3A_186 = arith.constant 0 : index
    %get3A_187 = vector.load %arg2[%get3A_185, %get3A_186] : memref<128x128xf32, #tpu.memory_space<vmem>>, vector<128x128xf32>
    %dot_general3A_188 = arith.constant dense<0.000000e+00> : vector<1280x128xf32>
    %dot_general3A_189 = tpu.matmul %get3A_184, %get3A_187, %dot_general3A_188 {dimension_numbers = #tpu.dot_dimension_numbers<[1], [0], [0], [1], [0, 0, 1, 1], [], []>, transpose_lhs_hint = false} : vector<1280x128xf32>, vector<128x128xf32>, vector<1280x128xf32> -> vector<1280x128xf32>
    %get3A_190 = arith.constant 0 : index
    %get3A_191 = arith.constant 0 : index
    %get3A_192 = vector.load %arg3[%get3A_190, %get3A_191] : memref<1x128xf32, #tpu.memory_space<vmem>>, vector<1x128xf32>
    %add3A_193 = vector.broadcast %get3A_192 : vector<1x128xf32> to vector<1280x128xf32>
    %add3A_194 = arith.addf %dot_general3A_189, %add3A_193 : vector<1280x128xf32>
    %ge3A_195 = arith.constant 0.000000e+00 : f32
    %ge3A_196 = vector.broadcast %ge3A_195 : f32 to vector<1280x128xf32>
    %ge3A_197 = arith.cmpf oge, %add3A_194, %ge3A_196 : vector<1280x128xf32>
    %mul3A_198 = arith.constant 1.000000e-01 : f32
    %mul3A_199 = vector.broadcast %mul3A_198 : f32 to vector<1280x128xf32>
    %mul3A_200 = arith.mulf %mul3A_199, %add3A_194 : vector<1280x128xf32>
    %select_n3A_201 = arith.select %ge3A_197, %add3A_194, %mul3A_200 : vector<1280x128xi1>, vector<1280x128xf32>
    %get3A_202 = arith.constant 0 : index
    %get3A_203 = arith.constant 0 : index
    %get3A_204 = vector.load %arg4[%get3A_202, %get3A_203] : memref<128x16xf32, #tpu.memory_space<vmem>>, vector<128x16xf32>
    %dot_general3A_205 = arith.constant dense<0.000000e+00> : vector<1280x16xf32>
    %dot_general3A_206 = tpu.matmul %select_n3A_201, %get3A_204, %dot_general3A_205 {dimension_numbers = #tpu.dot_dimension_numbers<[1], [0], [0], [1], [0, 0, 1, 1], [], []>, transpose_lhs_hint = false} : vector<1280x128xf32>, vector<128x16xf32>, vector<1280x16xf32> -> vector<1280x16xf32>
    %iota3A_207 = tpu.iota {dimensions = array<i32: 0>} : vector<16x128xi32>
    %iota3A_208 = tpu.iota {dimensions = array<i32: 1>} : vector<16x128xi32>
    %add3A_209 = arith.constant 80 : i32
    %add3A_210 = vector.broadcast %add3A_209 : i32 to vector<16x128xi32>
    %add3A_211 = arith.addi %add3A_210, %iota3A_207 : vector<16x128xi32>
    %eq3A_212 = arith.cmpi eq, %iota3A_208, %add3A_211 : vector<16x128xi32>
    %convert_element_type3A_213 = arith.extui %eq3A_212 : vector<16x128xi1> to vector<16x128xi32>
    %convert_element_type3A_214 = arith.sitofp %convert_element_type3A_213 : vector<16x128xi32> to vector<16x128xf32>
    %dot_general3A_215 = arith.constant dense<0.000000e+00> : vector<1280x128xf32>
    %dot_general3A_216 = tpu.matmul %dot_general3A_206, %convert_element_type3A_214, %dot_general3A_215 {dimension_numbers = #tpu.dot_dimension_numbers<[1], [0], [0], [1], [0, 0, 1, 1], [], []>, transpose_lhs_hint = false} : vector<1280x16xf32>, vector<16x128xf32>, vector<1280x128xf32> -> vector<1280x128xf32>
    %add3A_217 = arith.addf %add3A_179, %dot_general3A_216 : vector<1280x128xf32>
    %get3A_218 = arith.constant 0 : index
    %get3A_219 = arith.constant 6 : index
    %get3A_220 = arith.constant 0 : index
    %get3A_221 = vector.load %arg1[%get3A_218, %get3A_219, %get3A_220] : memref<1280x8x128xf32, #tpu.memory_space<vmem>>, vector<1280x1x128xf32>
    %get3A_222 = vector.shape_cast %get3A_221 : vector<1280x1x128xf32> to vector<1280x128xf32>
    %get3A_223 = arith.constant 0 : index
    %get3A_224 = arith.constant 0 : index
    %get3A_225 = vector.load %arg2[%get3A_223, %get3A_224] : memref<128x128xf32, #tpu.memory_space<vmem>>, vector<128x128xf32>
    %dot_general3A_226 = arith.constant dense<0.000000e+00> : vector<1280x128xf32>
    %dot_general3A_227 = tpu.matmul %get3A_222, %get3A_225, %dot_general3A_226 {dimension_numbers = #tpu.dot_dimension_numbers<[1], [0], [0], [1], [0, 0, 1, 1], [], []>, transpose_lhs_hint = false} : vector<1280x128xf32>, vector<128x128xf32>, vector<1280x128xf32> -> vector<1280x128xf32>
    %get3A_228 = arith.constant 0 : index
    %get3A_229 = arith.constant 0 : index
    %get3A_230 = vector.load %arg3[%get3A_228, %get3A_229] : memref<1x128xf32, #tpu.memory_space<vmem>>, vector<1x128xf32>
    %add3A_231 = vector.broadcast %get3A_230 : vector<1x128xf32> to vector<1280x128xf32>
    %add3A_232 = arith.addf %dot_general3A_227, %add3A_231 : vector<1280x128xf32>
    %ge3A_233 = arith.constant 0.000000e+00 : f32
    %ge3A_234 = vector.broadcast %ge3A_233 : f32 to vector<1280x128xf32>
    %ge3A_235 = arith.cmpf oge, %add3A_232, %ge3A_234 : vector<1280x128xf32>
    %mul3A_236 = arith.constant 1.000000e-01 : f32
    %mul3A_237 = vector.broadcast %mul3A_236 : f32 to vector<1280x128xf32>
    %mul3A_238 = arith.mulf %mul3A_237, %add3A_232 : vector<1280x128xf32>
    %select_n3A_239 = arith.select %ge3A_235, %add3A_232, %mul3A_238 : vector<1280x128xi1>, vector<1280x128xf32>
    %get3A_240 = arith.constant 0 : index
    %get3A_241 = arith.constant 0 : index
    %get3A_242 = vector.load %arg4[%get3A_240, %get3A_241] : memref<128x16xf32, #tpu.memory_space<vmem>>, vector<128x16xf32>
    %dot_general3A_243 = arith.constant dense<0.000000e+00> : vector<1280x16xf32>
    %dot_general3A_244 = tpu.matmul %select_n3A_239, %get3A_242, %dot_general3A_243 {dimension_numbers = #tpu.dot_dimension_numbers<[1], [0], [0], [1], [0, 0, 1, 1], [], []>, transpose_lhs_hint = false} : vector<1280x128xf32>, vector<128x16xf32>, vector<1280x16xf32> -> vector<1280x16xf32>
    %iota3A_245 = tpu.iota {dimensions = array<i32: 0>} : vector<16x128xi32>
    %iota3A_246 = tpu.iota {dimensions = array<i32: 1>} : vector<16x128xi32>
    %add3A_247 = arith.constant 96 : i32
    %add3A_248 = vector.broadcast %add3A_247 : i32 to vector<16x128xi32>
    %add3A_249 = arith.addi %add3A_248, %iota3A_245 : vector<16x128xi32>
    %eq3A_250 = arith.cmpi eq, %iota3A_246, %add3A_249 : vector<16x128xi32>
    %convert_element_type3A_251 = arith.extui %eq3A_250 : vector<16x128xi1> to vector<16x128xi32>
    %convert_element_type3A_252 = arith.sitofp %convert_element_type3A_251 : vector<16x128xi32> to vector<16x128xf32>
    %dot_general3A_253 = arith.constant dense<0.000000e+00> : vector<1280x128xf32>
    %dot_general3A_254 = tpu.matmul %dot_general3A_244, %convert_element_type3A_252, %dot_general3A_253 {dimension_numbers = #tpu.dot_dimension_numbers<[1], [0], [0], [1], [0, 0, 1, 1], [], []>, transpose_lhs_hint = false} : vector<1280x16xf32>, vector<16x128xf32>, vector<1280x128xf32> -> vector<1280x128xf32>
    %add3A_255 = arith.addf %add3A_217, %dot_general3A_254 : vector<1280x128xf32>
    %get3A_256 = arith.constant 0 : index
    %get3A_257 = arith.constant 7 : index
    %get3A_258 = arith.constant 0 : index
    %get3A_259 = vector.load %arg1[%get3A_256, %get3A_257, %get3A_258] : memref<1280x8x128xf32, #tpu.memory_space<vmem>>, vector<1280x1x128xf32>
    %get3A_260 = vector.shape_cast %get3A_259 : vector<1280x1x128xf32> to vector<1280x128xf32>
    %get3A_261 = arith.constant 0 : index
    %get3A_262 = arith.constant 0 : index
    %get3A_263 = vector.load %arg2[%get3A_261, %get3A_262] : memref<128x128xf32, #tpu.memory_space<vmem>>, vector<128x128xf32>
    %dot_general3A_264 = arith.constant dense<0.000000e+00> : vector<1280x128xf32>
    %dot_general3A_265 = tpu.matmul %get3A_260, %get3A_263, %dot_general3A_264 {dimension_numbers = #tpu.dot_dimension_numbers<[1], [0], [0], [1], [0, 0, 1, 1], [], []>, transpose_lhs_hint = false} : vector<1280x128xf32>, vector<128x128xf32>, vector<1280x128xf32> -> vector<1280x128xf32>
    %get3A_266 = arith.constant 0 : index
    %get3A_267 = arith.constant 0 : index
    %get3A_268 = vector.load %arg3[%get3A_266, %get3A_267] : memref<1x128xf32, #tpu.memory_space<vmem>>, vector<1x128xf32>
    %add3A_269 = vector.broadcast %get3A_268 : vector<1x128xf32> to vector<1280x128xf32>
    %add3A_270 = arith.addf %dot_general3A_265, %add3A_269 : vector<1280x128xf32>
    %ge3A_271 = arith.constant 0.000000e+00 : f32
    %ge3A_272 = vector.broadcast %ge3A_271 : f32 to vector<1280x128xf32>
    %ge3A_273 = arith.cmpf oge, %add3A_270, %ge3A_272 : vector<1280x128xf32>
    %mul3A_274 = arith.constant 1.000000e-01 : f32
    %mul3A_275 = vector.broadcast %mul3A_274 : f32 to vector<1280x128xf32>
    %mul3A_276 = arith.mulf %mul3A_275, %add3A_270 : vector<1280x128xf32>
    %select_n3A_277 = arith.select %ge3A_273, %add3A_270, %mul3A_276 : vector<1280x128xi1>, vector<1280x128xf32>
    %get3A_278 = arith.constant 0 : index
    %get3A_279 = arith.constant 0 : index
    %get3A_280 = vector.load %arg4[%get3A_278, %get3A_279] : memref<128x16xf32, #tpu.memory_space<vmem>>, vector<128x16xf32>
    %dot_general3A_281 = arith.constant dense<0.000000e+00> : vector<1280x16xf32>
    %dot_general3A_282 = tpu.matmul %select_n3A_277, %get3A_280, %dot_general3A_281 {dimension_numbers = #tpu.dot_dimension_numbers<[1], [0], [0], [1], [0, 0, 1, 1], [], []>, transpose_lhs_hint = false} : vector<1280x128xf32>, vector<128x16xf32>, vector<1280x16xf32> -> vector<1280x16xf32>
    %iota3A_283 = tpu.iota {dimensions = array<i32: 0>} : vector<16x128xi32>
    %iota3A_284 = tpu.iota {dimensions = array<i32: 1>} : vector<16x128xi32>
    %add3A_285 = arith.constant 112 : i32
    %add3A_286 = vector.broadcast %add3A_285 : i32 to vector<16x128xi32>
    %add3A_287 = arith.addi %add3A_286, %iota3A_283 : vector<16x128xi32>
    %eq3A_288 = arith.cmpi eq, %iota3A_284, %add3A_287 : vector<16x128xi32>
    %convert_element_type3A_289 = arith.extui %eq3A_288 : vector<16x128xi1> to vector<16x128xi32>
    %convert_element_type3A_290 = arith.sitofp %convert_element_type3A_289 : vector<16x128xi32> to vector<16x128xf32>
    %dot_general3A_291 = arith.constant dense<0.000000e+00> : vector<1280x128xf32>
    %dot_general3A_292 = tpu.matmul %dot_general3A_282, %convert_element_type3A_290, %dot_general3A_291 {dimension_numbers = #tpu.dot_dimension_numbers<[1], [0], [0], [1], [0, 0, 1, 1], [], []>, transpose_lhs_hint = false} : vector<1280x16xf32>, vector<16x128xf32>, vector<1280x128xf32> -> vector<1280x128xf32>
    %add3A_293 = arith.addf %add3A_255, %dot_general3A_292 : vector<1280x128xf32>
    %get3A_294 = arith.constant 0 : index
    %get3A_295 = arith.constant 0 : index
    %get3A_296 = vector.load %arg5[%get3A_294, %get3A_295] : memref<1x128xf32, #tpu.memory_space<vmem>>, vector<1x128xf32>
    %add3A_297 = vector.broadcast %get3A_296 : vector<1x128xf32> to vector<1280x128xf32>
    %add3A_298 = arith.addf %add3A_293, %add3A_297 : vector<1280x128xf32>
    %swap3A = arith.constant 0 : index
    %swap3A_299 = arith.constant 0 : index
    %swap3A_300 = vector.load %arg6[%swap3A, %swap3A_299] : memref<1280x128xf32, #tpu.memory_space<vmem>>, vector<1280x128xf32>
    tpu.vector_store %arg6[%swap3A, %swap3A_299], %add3A_298 {strides = array<i32>} : memref<1280x128xf32, #tpu.memory_space<vmem>>, vector<1280x128xf32>,
    return
  }
  func.func @transform_0(%arg0: i32) -> (i32, i32, i32) {
    %c0_i32 = arith.constant 0 : i32
    %c0_i32_0 = arith.constant 0 : i32
    %c0_i32_1 = arith.constant 0 : i32
    return %arg0, %c0_i32, %c0_i32_0 : i32, i32, i32
  }
  func.func @transform_1(%arg0: i32) -> (i32, i32) {
    %c0_i32 = arith.constant 0 : i32
    %c0_i32_0 = arith.constant 0 : i32
    %c0_i32_1 = arith.constant 0 : i32
    return %c0_i32, %c0_i32_0 : i32, i32
  }
  func.func @transform_2(%arg0: i32) -> (i32, i32) {
    %c0_i32 = arith.constant 0 : i32
    %c0_i32_0 = arith.constant 0 : i32
    %c0_i32_1 = arith.constant 0 : i32
    return %c0_i32, %c0_i32_0 : i32, i32
  }
  func.func @transform_3(%arg0: i32) -> (i32, i32) {
    %c0_i32 = arith.constant 0 : i32
    %c0_i32_0 = arith.constant 0 : i32
    %c0_i32_1 = arith.constant 0 : i32
    return %c0_i32, %c0_i32_0 : i32, i32
  }
  func.func @transform_4(%arg0: i32) -> (i32, i32) {
    %c0_i32 = arith.constant 0 : i32
    %c0_i32_0 = arith.constant 0 : i32
    %c0_i32_1 = arith.constant 0 : i32
    return %c0_i32, %c0_i32_0 : i32, i32
  }
  func.func @transform_5(%arg0: i32) -> (i32, i32) {
    %c0_i32 = arith.constant 0 : i32
    %c0_i32_0 = arith.constant 0 : i32
    return %arg0, %c0_i32 : i32, i32
  }
}

module attributes {stable_mosaic.version = 14 : i64} {
  func.func @_tail_body(%arg0: i32, %arg1: memref<1024x128xf32, #tpu.memory_space<vmem>>, %arg2: memref<1024x1xi32, #tpu.memory_space<vmem>>, %arg3: memref<1024x1xi32, #tpu.memory_space<vmem>>, %arg4: memref<16x128xf32, #tpu.memory_space<vmem>>, %arg5: memref<1x128xf32, #tpu.memory_space<vmem>>, %arg6: memref<128x16xf32, #tpu.memory_space<vmem>>, %arg7: memref<1x16xf32, #tpu.memory_space<vmem>>, %arg8: memref<16x128xf32, #tpu.memory_space<vmem>>, %arg9: memref<16x128xf32, #tpu.memory_space<vmem>>, %arg10: memref<1x128xf32, #tpu.memory_space<vmem>>, %arg11: memref<128x16xf32, #tpu.memory_space<vmem>>, %arg12: memref<1x16xf32, #tpu.memory_space<vmem>>, %arg13: memref<16x128xf32, #tpu.memory_space<vmem>>, %arg14: memref<16x128xf32, #tpu.memory_space<vmem>>, %arg15: memref<1x128xf32, #tpu.memory_space<vmem>>, %arg16: memref<128x16xf32, #tpu.memory_space<vmem>>, %arg17: memref<1x16xf32, #tpu.memory_space<vmem>>, %arg18: memref<16x128xf32, #tpu.memory_space<vmem>>, %arg19: memref<1x128xf32, #tpu.memory_space<vmem>>, %arg20: memref<128x2xf32, #tpu.memory_space<vmem>>, %arg21: memref<1x2xf32, #tpu.memory_space<vmem>>, %arg22: memref<16x2xf32, #tpu.memory_space<vmem>>, %arg23: memref<16x16xf32, #tpu.memory_space<vmem>>) attributes {dimension_semantics = [#tpu.dimension_semantics<arbitrary>], iteration_bounds = array<i64: 10>, scalar_prefetch = 0 : i64, scratch_operands = 1 : i64, tpu.core_type = #tpu.core_type<tc>, window_params = [{transform_indices = @transform_0, window_bounds = array<i64: 1024, 128>}, {transform_indices = @transform_1, window_bounds = array<i64: 1024, 1>}, {transform_indices = @transform_2, window_bounds = array<i64: 1024, 1>}, {pipeline_mode = #tpu.pipeline_mode<synchronous>, transform_indices = @transform_3, window_bounds = array<i64: 16, 128>}, {pipeline_mode = #tpu.pipeline_mode<synchronous>, transform_indices = @transform_4, window_bounds = array<i64: 1, 128>}, {pipeline_mode = #tpu.pipeline_mode<synchronous>, transform_indices = @transform_5, window_bounds = array<i64: 128, 16>}, {pipeline_mode = #tpu.pipeline_mode<synchronous>, transform_indices = @transform_6, window_bounds = array<i64: 1, 16>}, {pipeline_mode = #tpu.pipeline_mode<synchronous>, transform_indices = @transform_7, window_bounds = array<i64: 16, 128>}, {pipeline_mode = #tpu.pipeline_mode<synchronous>, transform_indices = @transform_8, window_bounds = array<i64: 16, 128>}, {pipeline_mode = #tpu.pipeline_mode<synchronous>, transform_indices = @transform_9, window_bounds = array<i64: 1, 128>}, {pipeline_mode = #tpu.pipeline_mode<synchronous>, transform_indices = @transform_10, window_bounds = array<i64: 128, 16>}, {pipeline_mode = #tpu.pipeline_mode<synchronous>, transform_indices = @transform_11, window_bounds = array<i64: 1, 16>}, {pipeline_mode = #tpu.pipeline_mode<synchronous>, transform_indices = @transform_12, window_bounds = array<i64: 16, 128>}, {pipeline_mode = #tpu.pipeline_mode<synchronous>, transform_indices = @transform_13, window_bounds = array<i64: 16, 128>}, {pipeline_mode = #tpu.pipeline_mode<synchronous>, transform_indices = @transform_14, window_bounds = array<i64: 1, 128>}, {pipeline_mode = #tpu.pipeline_mode<synchronous>, transform_indices = @transform_15, window_bounds = array<i64: 128, 16>}, {pipeline_mode = #tpu.pipeline_mode<synchronous>, transform_indices = @transform_16, window_bounds = array<i64: 1, 16>}, {pipeline_mode = #tpu.pipeline_mode<synchronous>, transform_indices = @transform_17, window_bounds = array<i64: 16, 128>}, {pipeline_mode = #tpu.pipeline_mode<synchronous>, transform_indices = @transform_18, window_bounds = array<i64: 1, 128>}, {pipeline_mode = #tpu.pipeline_mode<synchronous>, transform_indices = @transform_19, window_bounds = array<i64: 128, 2>}, {pipeline_mode = #tpu.pipeline_mode<synchronous>, transform_indices = @transform_20, window_bounds = array<i64: 1, 2>}, {pipeline_mode = #tpu.pipeline_mode<synchronous>, transform_indices = @transform_21, window_bounds = array<i64: 16, 2>}]} {
    %get3A = arith.constant 0 : index
    %get3A_0 = arith.constant 0 : index
    %get3A_1 = vector.load %arg1[%get3A, %get3A_0] : memref<1024x128xf32, #tpu.memory_space<vmem>>, vector<1024x128xf32>
    %iota3A = tpu.iota {dimensions = array<i32: 0>} : vector<128x16xi32>
    %iota3A_2 = tpu.iota {dimensions = array<i32: 1>} : vector<128x16xi32>
    %add3A = arith.constant 0 : i32
    %add3A_3 = vector.broadcast %add3A : i32 to vector<128x16xi32>
    %add3A_4 = arith.addi %add3A_3, %iota3A_2 : vector<128x16xi32>
    %eq3A = arith.cmpi eq, %iota3A, %add3A_4 : vector<128x16xi32>
    %convert_element_type3A = arith.extui %eq3A : vector<128x16xi1> to vector<128x16xi32>
    %convert_element_type3A_5 = arith.sitofp %convert_element_type3A : vector<128x16xi32> to vector<128x16xf32>
    %dot_general3A = arith.constant dense<0.000000e+00> : vector<1024x16xf32>
    %dot_general3A_6 = tpu.matmul %get3A_1, %convert_element_type3A_5, %dot_general3A {dimension_numbers = #tpu.dot_dimension_numbers<[1], [0], [0], [1], [0, 0, 1, 1], [], []>, transpose_lhs_hint = false} : vector<1024x128xf32>, vector<128x16xf32>, vector<1024x16xf32> -> vector<1024x16xf32>
    %iota3A_7 = tpu.iota {dimensions = array<i32: 0>} : vector<128x16xi32>
    %iota3A_8 = tpu.iota {dimensions = array<i32: 1>} : vector<128x16xi32>
    %add3A_9 = arith.constant 48 : i32
    %add3A_10 = vector.broadcast %add3A_9 : i32 to vector<128x16xi32>
    %add3A_11 = arith.addi %add3A_10, %iota3A_8 : vector<128x16xi32>
    %eq3A_12 = arith.cmpi eq, %iota3A_7, %add3A_11 : vector<128x16xi32>
    %convert_element_type3A_13 = arith.extui %eq3A_12 : vector<128x16xi1> to vector<128x16xi32>
    %convert_element_type3A_14 = arith.sitofp %convert_element_type3A_13 : vector<128x16xi32> to vector<128x16xf32>
    %dot_general3A_15 = arith.constant dense<0.000000e+00> : vector<1024x16xf32>
    %dot_general3A_16 = tpu.matmul %get3A_1, %convert_element_type3A_14, %dot_general3A_15 {dimension_numbers = #tpu.dot_dimension_numbers<[1], [0], [0], [1], [0, 0, 1, 1], [], []>, transpose_lhs_hint = false} : vector<1024x128xf32>, vector<128x16xf32>, vector<1024x16xf32> -> vector<1024x16xf32>
    %get3A_17 = arith.constant 0 : index
    %get3A_18 = arith.constant 0 : index
    %get3A_19 = vector.load %arg4[%get3A_17, %get3A_18] : memref<16x128xf32, #tpu.memory_space<vmem>>, vector<16x128xf32>
    %dot_general3A_20 = arith.constant dense<0.000000e+00> : vector<1024x128xf32>
    %dot_general3A_21 = tpu.matmul %dot_general3A_6, %get3A_19, %dot_general3A_20 {dimension_numbers = #tpu.dot_dimension_numbers<[1], [0], [0], [1], [0, 0, 1, 1], [], []>, transpose_lhs_hint = false} : vector<1024x16xf32>, vector<16x128xf32>, vector<1024x128xf32> -> vector<1024x128xf32>
    %get3A_22 = arith.constant 0 : index
    %get3A_23 = arith.constant 0 : index
    %get3A_24 = vector.load %arg5[%get3A_22, %get3A_23] : memref<1x128xf32, #tpu.memory_space<vmem>>, vector<1x128xf32>
    %add3A_25 = vector.broadcast %get3A_24 : vector<1x128xf32> to vector<1024x128xf32>
    %add3A_26 = arith.addf %dot_general3A_21, %add3A_25 : vector<1024x128xf32>
    %ge3A = arith.constant 0.000000e+00 : f32
    %ge3A_27 = vector.broadcast %ge3A : f32 to vector<1024x128xf32>
    %ge3A_28 = arith.cmpf oge, %add3A_26, %ge3A_27 : vector<1024x128xf32>
    %mul3A = arith.constant 1.000000e-01 : f32
    %mul3A_29 = vector.broadcast %mul3A : f32 to vector<1024x128xf32>
    %mul3A_30 = arith.mulf %mul3A_29, %add3A_26 : vector<1024x128xf32>
    %select_n3A = arith.select %ge3A_28, %add3A_26, %mul3A_30 : vector<1024x128xi1>, vector<1024x128xf32>
    %get3A_31 = arith.constant 0 : index
    %get3A_32 = arith.constant 0 : index
    %get3A_33 = vector.load %arg6[%get3A_31, %get3A_32] : memref<128x16xf32, #tpu.memory_space<vmem>>, vector<128x16xf32>
    %dot_general3A_34 = arith.constant dense<0.000000e+00> : vector<1024x16xf32>
    %dot_general3A_35 = tpu.matmul %select_n3A, %get3A_33, %dot_general3A_34 {dimension_numbers = #tpu.dot_dimension_numbers<[1], [0], [0], [1], [0, 0, 1, 1], [], []>, transpose_lhs_hint = false} : vector<1024x128xf32>, vector<128x16xf32>, vector<1024x16xf32> -> vector<1024x16xf32>
    %get3A_36 = arith.constant 0 : index
    %get3A_37 = arith.constant 0 : index
    %get3A_38 = vector.load %arg7[%get3A_36, %get3A_37] : memref<1x16xf32, #tpu.memory_space<vmem>>, vector<1x16xf32>
    %add3A_39 = vector.broadcast %get3A_38 : vector<1x16xf32> to vector<1024x16xf32>
    %add3A_40 = arith.addf %dot_general3A_35, %add3A_39 : vector<1024x16xf32>
    %get3A_41 = arith.constant 0 : index
    %get3A_42 = arith.constant 0 : index
    %get3A_43 = vector.load %arg8[%get3A_41, %get3A_42] : memref<16x128xf32, #tpu.memory_space<vmem>>, vector<16x128xf32>
    %dot_general3A_44 = arith.constant dense<0.000000e+00> : vector<1024x128xf32>
    %dot_general3A_45 = tpu.matmul %add3A_40, %get3A_43, %dot_general3A_44 {dimension_numbers = #tpu.dot_dimension_numbers<[1], [0], [0], [1], [0, 0, 1, 1], [], []>, transpose_lhs_hint = false} : vector<1024x16xf32>, vector<16x128xf32>, vector<1024x128xf32> -> vector<1024x128xf32>
    %get3A_46 = arith.constant 0 : index
    %get3A_47 = arith.constant 0 : index
    %get3A_48 = vector.load %arg9[%get3A_46, %get3A_47] : memref<16x128xf32, #tpu.memory_space<vmem>>, vector<16x128xf32>
    %dot_general3A_49 = arith.constant dense<0.000000e+00> : vector<1024x128xf32>
    %dot_general3A_50 = tpu.matmul %dot_general3A_16, %get3A_48, %dot_general3A_49 {dimension_numbers = #tpu.dot_dimension_numbers<[1], [0], [0], [1], [0, 0, 1, 1], [], []>, transpose_lhs_hint = false} : vector<1024x16xf32>, vector<16x128xf32>, vector<1024x128xf32> -> vector<1024x128xf32>
    %add3A_51 = arith.addf %dot_general3A_45, %dot_general3A_50 : vector<1024x128xf32>
    %get3A_52 = arith.constant 0 : index
    %get3A_53 = arith.constant 0 : index
    %get3A_54 = vector.load %arg10[%get3A_52, %get3A_53] : memref<1x128xf32, #tpu.memory_space<vmem>>, vector<1x128xf32>
    %add3A_55 = vector.broadcast %get3A_54 : vector<1x128xf32> to vector<1024x128xf32>
    %add3A_56 = arith.addf %add3A_51, %add3A_55 : vector<1024x128xf32>
    %ge3A_57 = arith.constant 0.000000e+00 : f32
    %ge3A_58 = vector.broadcast %ge3A_57 : f32 to vector<1024x128xf32>
    %ge3A_59 = arith.cmpf oge, %add3A_56, %ge3A_58 : vector<1024x128xf32>
    %mul3A_60 = arith.constant 1.000000e-01 : f32
    %mul3A_61 = vector.broadcast %mul3A_60 : f32 to vector<1024x128xf32>
    %mul3A_62 = arith.mulf %mul3A_61, %add3A_56 : vector<1024x128xf32>
    %select_n3A_63 = arith.select %ge3A_59, %add3A_56, %mul3A_62 : vector<1024x128xi1>, vector<1024x128xf32>
    %iota3A_64 = tpu.iota {dimensions = array<i32: 0>} : vector<128x16xi32>
    %iota3A_65 = tpu.iota {dimensions = array<i32: 1>} : vector<128x16xi32>
    %add3A_66 = arith.constant 16 : i32
    %add3A_67 = vector.broadcast %add3A_66 : i32 to vector<128x16xi32>
    %add3A_68 = arith.addi %add3A_67, %iota3A_65 : vector<128x16xi32>
    %eq3A_69 = arith.cmpi eq, %iota3A_64, %add3A_68 : vector<128x16xi32>
    %convert_element_type3A_70 = arith.extui %eq3A_69 : vector<128x16xi1> to vector<128x16xi32>
    %convert_element_type3A_71 = arith.sitofp %convert_element_type3A_70 : vector<128x16xi32> to vector<128x16xf32>
    %dot_general3A_72 = arith.constant dense<0.000000e+00> : vector<1024x16xf32>
    %dot_general3A_73 = tpu.matmul %get3A_1, %convert_element_type3A_71, %dot_general3A_72 {dimension_numbers = #tpu.dot_dimension_numbers<[1], [0], [0], [1], [0, 0, 1, 1], [], []>, transpose_lhs_hint = false} : vector<1024x128xf32>, vector<128x16xf32>, vector<1024x16xf32> -> vector<1024x16xf32>
    %iota3A_74 = tpu.iota {dimensions = array<i32: 0>} : vector<128x16xi32>
    %iota3A_75 = tpu.iota {dimensions = array<i32: 1>} : vector<128x16xi32>
    %add3A_76 = arith.constant 64 : i32
    %add3A_77 = vector.broadcast %add3A_76 : i32 to vector<128x16xi32>
    %add3A_78 = arith.addi %add3A_77, %iota3A_75 : vector<128x16xi32>
    %eq3A_79 = arith.cmpi eq, %iota3A_74, %add3A_78 : vector<128x16xi32>
    %convert_element_type3A_80 = arith.extui %eq3A_79 : vector<128x16xi1> to vector<128x16xi32>
    %convert_element_type3A_81 = arith.sitofp %convert_element_type3A_80 : vector<128x16xi32> to vector<128x16xf32>
    %dot_general3A_82 = arith.constant dense<0.000000e+00> : vector<1024x16xf32>
    %dot_general3A_83 = tpu.matmul %get3A_1, %convert_element_type3A_81, %dot_general3A_82 {dimension_numbers = #tpu.dot_dimension_numbers<[1], [0], [0], [1], [0, 0, 1, 1], [], []>, transpose_lhs_hint = false} : vector<1024x128xf32>, vector<128x16xf32>, vector<1024x16xf32> -> vector<1024x16xf32>
    %get3A_84 = arith.constant 0 : index
    %get3A_85 = arith.constant 0 : index
    %get3A_86 = vector.load %arg4[%get3A_84, %get3A_85] : memref<16x128xf32, #tpu.memory_space<vmem>>, vector<16x128xf32>
    %dot_general3A_87 = arith.constant dense<0.000000e+00> : vector<1024x128xf32>
    %dot_general3A_88 = tpu.matmul %dot_general3A_73, %get3A_86, %dot_general3A_87 {dimension_numbers = #tpu.dot_dimension_numbers<[1], [0], [0], [1], [0, 0, 1, 1], [], []>, transpose_lhs_hint = false} : vector<1024x16xf32>, vector<16x128xf32>, vector<1024x128xf32> -> vector<1024x128xf32>
    %get3A_89 = arith.constant 0 : index
    %get3A_90 = arith.constant 0 : index
    %get3A_91 = vector.load %arg5[%get3A_89, %get3A_90] : memref<1x128xf32, #tpu.memory_space<vmem>>, vector<1x128xf32>
    %add3A_92 = vector.broadcast %get3A_91 : vector<1x128xf32> to vector<1024x128xf32>
    %add3A_93 = arith.addf %dot_general3A_88, %add3A_92 : vector<1024x128xf32>
    %ge3A_94 = arith.constant 0.000000e+00 : f32
    %ge3A_95 = vector.broadcast %ge3A_94 : f32 to vector<1024x128xf32>
    %ge3A_96 = arith.cmpf oge, %add3A_93, %ge3A_95 : vector<1024x128xf32>
    %mul3A_97 = arith.constant 1.000000e-01 : f32
    %mul3A_98 = vector.broadcast %mul3A_97 : f32 to vector<1024x128xf32>
    %mul3A_99 = arith.mulf %mul3A_98, %add3A_93 : vector<1024x128xf32>
    %select_n3A_100 = arith.select %ge3A_96, %add3A_93, %mul3A_99 : vector<1024x128xi1>, vector<1024x128xf32>
    %get3A_101 = arith.constant 0 : index
    %get3A_102 = arith.constant 0 : index
    %get3A_103 = vector.load %arg6[%get3A_101, %get3A_102] : memref<128x16xf32, #tpu.memory_space<vmem>>, vector<128x16xf32>
    %dot_general3A_104 = arith.constant dense<0.000000e+00> : vector<1024x16xf32>
    %dot_general3A_105 = tpu.matmul %select_n3A_100, %get3A_103, %dot_general3A_104 {dimension_numbers = #tpu.dot_dimension_numbers<[1], [0], [0], [1], [0, 0, 1, 1], [], []>, transpose_lhs_hint = false} : vector<1024x128xf32>, vector<128x16xf32>, vector<1024x16xf32> -> vector<1024x16xf32>
    %get3A_106 = arith.constant 0 : index
    %get3A_107 = arith.constant 0 : index
    %get3A_108 = vector.load %arg7[%get3A_106, %get3A_107] : memref<1x16xf32, #tpu.memory_space<vmem>>, vector<1x16xf32>
    %add3A_109 = vector.broadcast %get3A_108 : vector<1x16xf32> to vector<1024x16xf32>
    %add3A_110 = arith.addf %dot_general3A_105, %add3A_109 : vector<1024x16xf32>
    %get3A_111 = arith.constant 0 : index
    %get3A_112 = arith.constant 0 : index
    %get3A_113 = vector.load %arg8[%get3A_111, %get3A_112] : memref<16x128xf32, #tpu.memory_space<vmem>>, vector<16x128xf32>
    %dot_general3A_114 = arith.constant dense<0.000000e+00> : vector<1024x128xf32>
    %dot_general3A_115 = tpu.matmul %add3A_110, %get3A_113, %dot_general3A_114 {dimension_numbers = #tpu.dot_dimension_numbers<[1], [0], [0], [1], [0, 0, 1, 1], [], []>, transpose_lhs_hint = false} : vector<1024x16xf32>, vector<16x128xf32>, vector<1024x128xf32> -> vector<1024x128xf32>
    %get3A_116 = arith.constant 0 : index
    %get3A_117 = arith.constant 0 : index
    %get3A_118 = vector.load %arg9[%get3A_116, %get3A_117] : memref<16x128xf32, #tpu.memory_space<vmem>>, vector<16x128xf32>
    %dot_general3A_119 = arith.constant dense<0.000000e+00> : vector<1024x128xf32>
    %dot_general3A_120 = tpu.matmul %dot_general3A_83, %get3A_118, %dot_general3A_119 {dimension_numbers = #tpu.dot_dimension_numbers<[1], [0], [0], [1], [0, 0, 1, 1], [], []>, transpose_lhs_hint = false} : vector<1024x16xf32>, vector<16x128xf32>, vector<1024x128xf32> -> vector<1024x128xf32>
    %add3A_121 = arith.addf %dot_general3A_115, %dot_general3A_120 : vector<1024x128xf32>
    %get3A_122 = arith.constant 0 : index
    %get3A_123 = arith.constant 0 : index
    %get3A_124 = vector.load %arg10[%get3A_122, %get3A_123] : memref<1x128xf32, #tpu.memory_space<vmem>>, vector<1x128xf32>
    %add3A_125 = vector.broadcast %get3A_124 : vector<1x128xf32> to vector<1024x128xf32>
    %add3A_126 = arith.addf %add3A_121, %add3A_125 : vector<1024x128xf32>
    %ge3A_127 = arith.constant 0.000000e+00 : f32
    %ge3A_128 = vector.broadcast %ge3A_127 : f32 to vector<1024x128xf32>
    %ge3A_129 = arith.cmpf oge, %add3A_126, %ge3A_128 : vector<1024x128xf32>
    %mul3A_130 = arith.constant 1.000000e-01 : f32
    %mul3A_131 = vector.broadcast %mul3A_130 : f32 to vector<1024x128xf32>
    %mul3A_132 = arith.mulf %mul3A_131, %add3A_126 : vector<1024x128xf32>
    %select_n3A_133 = arith.select %ge3A_129, %add3A_126, %mul3A_132 : vector<1024x128xi1>, vector<1024x128xf32>
    %add3A_134 = arith.addf %select_n3A_63, %select_n3A_133 : vector<1024x128xf32>
    %iota3A_135 = tpu.iota {dimensions = array<i32: 0>} : vector<128x16xi32>
    %iota3A_136 = tpu.iota {dimensions = array<i32: 1>} : vector<128x16xi32>
    %add3A_137 = arith.constant 32 : i32
    %add3A_138 = vector.broadcast %add3A_137 : i32 to vector<128x16xi32>
    %add3A_139 = arith.addi %add3A_138, %iota3A_136 : vector<128x16xi32>
    %eq3A_140 = arith.cmpi eq, %iota3A_135, %add3A_139 : vector<128x16xi32>
    %convert_element_type3A_141 = arith.extui %eq3A_140 : vector<128x16xi1> to vector<128x16xi32>
    %convert_element_type3A_142 = arith.sitofp %convert_element_type3A_141 : vector<128x16xi32> to vector<128x16xf32>
    %dot_general3A_143 = arith.constant dense<0.000000e+00> : vector<1024x16xf32>
    %dot_general3A_144 = tpu.matmul %get3A_1, %convert_element_type3A_142, %dot_general3A_143 {dimension_numbers = #tpu.dot_dimension_numbers<[1], [0], [0], [1], [0, 0, 1, 1], [], []>, transpose_lhs_hint = false} : vector<1024x128xf32>, vector<128x16xf32>, vector<1024x16xf32> -> vector<1024x16xf32>
    %iota3A_145 = tpu.iota {dimensions = array<i32: 0>} : vector<128x16xi32>
    %iota3A_146 = tpu.iota {dimensions = array<i32: 1>} : vector<128x16xi32>
    %add3A_147 = arith.constant 80 : i32
    %add3A_148 = vector.broadcast %add3A_147 : i32 to vector<128x16xi32>
    %add3A_149 = arith.addi %add3A_148, %iota3A_146 : vector<128x16xi32>
    %eq3A_150 = arith.cmpi eq, %iota3A_145, %add3A_149 : vector<128x16xi32>
    %convert_element_type3A_151 = arith.extui %eq3A_150 : vector<128x16xi1> to vector<128x16xi32>
    %convert_element_type3A_152 = arith.sitofp %convert_element_type3A_151 : vector<128x16xi32> to vector<128x16xf32>
    %dot_general3A_153 = arith.constant dense<0.000000e+00> : vector<1024x16xf32>
    %dot_general3A_154 = tpu.matmul %get3A_1, %convert_element_type3A_152, %dot_general3A_153 {dimension_numbers = #tpu.dot_dimension_numbers<[1], [0], [0], [1], [0, 0, 1, 1], [], []>, transpose_lhs_hint = false} : vector<1024x128xf32>, vector<128x16xf32>, vector<1024x16xf32> -> vector<1024x16xf32>
    %get3A_155 = arith.constant 0 : index
    %get3A_156 = arith.constant 0 : index
    %get3A_157 = vector.load %arg4[%get3A_155, %get3A_156] : memref<16x128xf32, #tpu.memory_space<vmem>>, vector<16x128xf32>
    %dot_general3A_158 = arith.constant dense<0.000000e+00> : vector<1024x128xf32>
    %dot_general3A_159 = tpu.matmul %dot_general3A_144, %get3A_157, %dot_general3A_158 {dimension_numbers = #tpu.dot_dimension_numbers<[1], [0], [0], [1], [0, 0, 1, 1], [], []>, transpose_lhs_hint = false} : vector<1024x16xf32>, vector<16x128xf32>, vector<1024x128xf32> -> vector<1024x128xf32>
    %get3A_160 = arith.constant 0 : index
    %get3A_161 = arith.constant 0 : index
    %get3A_162 = vector.load %arg5[%get3A_160, %get3A_161] : memref<1x128xf32, #tpu.memory_space<vmem>>, vector<1x128xf32>
    %add3A_163 = vector.broadcast %get3A_162 : vector<1x128xf32> to vector<1024x128xf32>
    %add3A_164 = arith.addf %dot_general3A_159, %add3A_163 : vector<1024x128xf32>
    %ge3A_165 = arith.constant 0.000000e+00 : f32
    %ge3A_166 = vector.broadcast %ge3A_165 : f32 to vector<1024x128xf32>
    %ge3A_167 = arith.cmpf oge, %add3A_164, %ge3A_166 : vector<1024x128xf32>
    %mul3A_168 = arith.constant 1.000000e-01 : f32
    %mul3A_169 = vector.broadcast %mul3A_168 : f32 to vector<1024x128xf32>
    %mul3A_170 = arith.mulf %mul3A_169, %add3A_164 : vector<1024x128xf32>
    %select_n3A_171 = arith.select %ge3A_167, %add3A_164, %mul3A_170 : vector<1024x128xi1>, vector<1024x128xf32>
    %get3A_172 = arith.constant 0 : index
    %get3A_173 = arith.constant 0 : index
    %get3A_174 = vector.load %arg6[%get3A_172, %get3A_173] : memref<128x16xf32, #tpu.memory_space<vmem>>, vector<128x16xf32>
    %dot_general3A_175 = arith.constant dense<0.000000e+00> : vector<1024x16xf32>
    %dot_general3A_176 = tpu.matmul %select_n3A_171, %get3A_174, %dot_general3A_175 {dimension_numbers = #tpu.dot_dimension_numbers<[1], [0], [0], [1], [0, 0, 1, 1], [], []>, transpose_lhs_hint = false} : vector<1024x128xf32>, vector<128x16xf32>, vector<1024x16xf32> -> vector<1024x16xf32>
    %get3A_177 = arith.constant 0 : index
    %get3A_178 = arith.constant 0 : index
    %get3A_179 = vector.load %arg7[%get3A_177, %get3A_178] : memref<1x16xf32, #tpu.memory_space<vmem>>, vector<1x16xf32>
    %add3A_180 = vector.broadcast %get3A_179 : vector<1x16xf32> to vector<1024x16xf32>
    %add3A_181 = arith.addf %dot_general3A_176, %add3A_180 : vector<1024x16xf32>
    %get3A_182 = arith.constant 0 : index
    %get3A_183 = arith.constant 0 : index
    %get3A_184 = vector.load %arg8[%get3A_182, %get3A_183] : memref<16x128xf32, #tpu.memory_space<vmem>>, vector<16x128xf32>
    %dot_general3A_185 = arith.constant dense<0.000000e+00> : vector<1024x128xf32>
    %dot_general3A_186 = tpu.matmul %add3A_181, %get3A_184, %dot_general3A_185 {dimension_numbers = #tpu.dot_dimension_numbers<[1], [0], [0], [1], [0, 0, 1, 1], [], []>, transpose_lhs_hint = false} : vector<1024x16xf32>, vector<16x128xf32>, vector<1024x128xf32> -> vector<1024x128xf32>
    %get3A_187 = arith.constant 0 : index
    %get3A_188 = arith.constant 0 : index
    %get3A_189 = vector.load %arg9[%get3A_187, %get3A_188] : memref<16x128xf32, #tpu.memory_space<vmem>>, vector<16x128xf32>
    %dot_general3A_190 = arith.constant dense<0.000000e+00> : vector<1024x128xf32>
    %dot_general3A_191 = tpu.matmul %dot_general3A_154, %get3A_189, %dot_general3A_190 {dimension_numbers = #tpu.dot_dimension_numbers<[1], [0], [0], [1], [0, 0, 1, 1], [], []>, transpose_lhs_hint = false} : vector<1024x16xf32>, vector<16x128xf32>, vector<1024x128xf32> -> vector<1024x128xf32>
    %add3A_192 = arith.addf %dot_general3A_186, %dot_general3A_191 : vector<1024x128xf32>
    %get3A_193 = arith.constant 0 : index
    %get3A_194 = arith.constant 0 : index
    %get3A_195 = vector.load %arg10[%get3A_193, %get3A_194] : memref<1x128xf32, #tpu.memory_space<vmem>>, vector<1x128xf32>
    %add3A_196 = vector.broadcast %get3A_195 : vector<1x128xf32> to vector<1024x128xf32>
    %add3A_197 = arith.addf %add3A_192, %add3A_196 : vector<1024x128xf32>
    %ge3A_198 = arith.constant 0.000000e+00 : f32
    %ge3A_199 = vector.broadcast %ge3A_198 : f32 to vector<1024x128xf32>
    %ge3A_200 = arith.cmpf oge, %add3A_197, %ge3A_199 : vector<1024x128xf32>
    %mul3A_201 = arith.constant 1.000000e-01 : f32
    %mul3A_202 = vector.broadcast %mul3A_201 : f32 to vector<1024x128xf32>
    %mul3A_203 = arith.mulf %mul3A_202, %add3A_197 : vector<1024x128xf32>
    %select_n3A_204 = arith.select %ge3A_200, %add3A_197, %mul3A_203 : vector<1024x128xi1>, vector<1024x128xf32>
    %add3A_205 = arith.addf %add3A_134, %select_n3A_204 : vector<1024x128xf32>
    %get3A_206 = arith.constant 0 : index
    %get3A_207 = arith.constant 0 : index
    %get3A_208 = vector.load %arg11[%get3A_206, %get3A_207] : memref<128x16xf32, #tpu.memory_space<vmem>>, vector<128x16xf32>
    %dot_general3A_209 = arith.constant dense<0.000000e+00> : vector<1024x16xf32>
    %dot_general3A_210 = tpu.matmul %add3A_205, %get3A_208, %dot_general3A_209 {dimension_numbers = #tpu.dot_dimension_numbers<[1], [0], [0], [1], [0, 0, 1, 1], [], []>, transpose_lhs_hint = false} : vector<1024x128xf32>, vector<128x16xf32>, vector<1024x16xf32> -> vector<1024x16xf32>
    %get3A_211 = arith.constant 0 : index
    %get3A_212 = arith.constant 0 : index
    %get3A_213 = vector.load %arg12[%get3A_211, %get3A_212] : memref<1x16xf32, #tpu.memory_space<vmem>>, vector<1x16xf32>
    %add3A_214 = vector.broadcast %get3A_213 : vector<1x16xf32> to vector<1024x16xf32>
    %add3A_215 = arith.addf %dot_general3A_210, %add3A_214 : vector<1024x16xf32>
    %iota3A_216 = tpu.iota {dimensions = array<i32: 0>} : vector<128x16xi32>
    %iota3A_217 = tpu.iota {dimensions = array<i32: 1>} : vector<128x16xi32>
    %add3A_218 = arith.constant 96 : i32
    %add3A_219 = vector.broadcast %add3A_218 : i32 to vector<128x16xi32>
    %add3A_220 = arith.addi %add3A_219, %iota3A_217 : vector<128x16xi32>
    %eq3A_221 = arith.cmpi eq, %iota3A_216, %add3A_220 : vector<128x16xi32>
    %convert_element_type3A_222 = arith.extui %eq3A_221 : vector<128x16xi1> to vector<128x16xi32>
    %convert_element_type3A_223 = arith.sitofp %convert_element_type3A_222 : vector<128x16xi32> to vector<128x16xf32>
    %dot_general3A_224 = arith.constant dense<0.000000e+00> : vector<1024x16xf32>
    %dot_general3A_225 = tpu.matmul %get3A_1, %convert_element_type3A_223, %dot_general3A_224 {dimension_numbers = #tpu.dot_dimension_numbers<[1], [0], [0], [1], [0, 0, 1, 1], [], []>, transpose_lhs_hint = false} : vector<1024x128xf32>, vector<128x16xf32>, vector<1024x16xf32> -> vector<1024x16xf32>
    %get3A_226 = arith.constant 0 : index
    %get3A_227 = arith.constant 0 : index
    %get3A_228 = vector.load %arg13[%get3A_226, %get3A_227] : memref<16x128xf32, #tpu.memory_space<vmem>>, vector<16x128xf32>
    %dot_general3A_229 = arith.constant dense<0.000000e+00> : vector<1024x128xf32>
    %dot_general3A_230 = tpu.matmul %dot_general3A_225, %get3A_228, %dot_general3A_229 {dimension_numbers = #tpu.dot_dimension_numbers<[1], [0], [0], [1], [0, 0, 1, 1], [], []>, transpose_lhs_hint = false} : vector<1024x16xf32>, vector<16x128xf32>, vector<1024x128xf32> -> vector<1024x128xf32>
    %get3A_231 = arith.constant 0 : index
    %get3A_232 = arith.constant 0 : index
    %get3A_233 = vector.load %arg14[%get3A_231, %get3A_232] : memref<16x128xf32, #tpu.memory_space<vmem>>, vector<16x128xf32>
    %dot_general3A_234 = arith.constant dense<0.000000e+00> : vector<1024x128xf32>
    %dot_general3A_235 = tpu.matmul %add3A_215, %get3A_233, %dot_general3A_234 {dimension_numbers = #tpu.dot_dimension_numbers<[1], [0], [0], [1], [0, 0, 1, 1], [], []>, transpose_lhs_hint = false} : vector<1024x16xf32>, vector<16x128xf32>, vector<1024x128xf32> -> vector<1024x128xf32>
    %add3A_236 = arith.addf %dot_general3A_230, %dot_general3A_235 : vector<1024x128xf32>
    %get3A_237 = arith.constant 0 : index
    %get3A_238 = arith.constant 0 : index
    %get3A_239 = vector.load %arg15[%get3A_237, %get3A_238] : memref<1x128xf32, #tpu.memory_space<vmem>>, vector<1x128xf32>
    %add3A_240 = vector.broadcast %get3A_239 : vector<1x128xf32> to vector<1024x128xf32>
    %add3A_241 = arith.addf %add3A_236, %add3A_240 : vector<1024x128xf32>
    %ge3A_242 = arith.constant 0.000000e+00 : f32
    %ge3A_243 = vector.broadcast %ge3A_242 : f32 to vector<1024x128xf32>
    %ge3A_244 = arith.cmpf oge, %add3A_241, %ge3A_243 : vector<1024x128xf32>
    %mul3A_245 = arith.constant 1.000000e-01 : f32
    %mul3A_246 = vector.broadcast %mul3A_245 : f32 to vector<1024x128xf32>
    %mul3A_247 = arith.mulf %mul3A_246, %add3A_241 : vector<1024x128xf32>
    %select_n3A_248 = arith.select %ge3A_244, %add3A_241, %mul3A_247 : vector<1024x128xi1>, vector<1024x128xf32>
    %get3A_249 = arith.constant 0 : index
    %get3A_250 = arith.constant 0 : index
    %get3A_251 = vector.load %arg16[%get3A_249, %get3A_250] : memref<128x16xf32, #tpu.memory_space<vmem>>, vector<128x16xf32>
    %dot_general3A_252 = arith.constant dense<0.000000e+00> : vector<1024x16xf32>
    %dot_general3A_253 = tpu.matmul %select_n3A_248, %get3A_251, %dot_general3A_252 {dimension_numbers = #tpu.dot_dimension_numbers<[1], [0], [0], [1], [0, 0, 1, 1], [], []>, transpose_lhs_hint = false} : vector<1024x128xf32>, vector<128x16xf32>, vector<1024x16xf32> -> vector<1024x16xf32>
    %get3A_254 = arith.constant 0 : index
    %get3A_255 = arith.constant 0 : index
    %get3A_256 = vector.load %arg17[%get3A_254, %get3A_255] : memref<1x16xf32, #tpu.memory_space<vmem>>, vector<1x16xf32>
    %add3A_257 = vector.broadcast %get3A_256 : vector<1x16xf32> to vector<1024x16xf32>
    %add3A_258 = arith.addf %dot_general3A_253, %add3A_257 : vector<1024x16xf32>
    %get3A_259 = arith.constant 0 : index
    %get3A_260 = arith.constant 0 : index
    %get3A_261 = vector.load %arg2[%get3A_259, %get3A_260] : memref<1024x1xi32, #tpu.memory_space<vmem>>, vector<1024x1xi32>
    %ge3A_262 = arith.constant 3 : i32
    %ge3A_263 = vector.broadcast %ge3A_262 : i32 to vector<1024x1xi32>
    %ge3A_264 = arith.cmpi sge, %get3A_261, %ge3A_263 : vector<1024x1xi32>
    %jit3A = arith.constant 0.000000e+00 : f32
    %broadcast_in_dim3A = vector.shape_cast %ge3A_264 : vector<1024x1xi1> to vector<1024x1xi1>
    %broadcast_in_dim3A_265 = vector.broadcast %broadcast_in_dim3A : vector<1024x1xi1> to vector<1024x16xi1>
    %broadcast_in_dim3A_266 = vector.broadcast %jit3A : f32 to vector<1024x16xf32>
    %select_n3A_267 = arith.select %broadcast_in_dim3A_265, %add3A_258, %broadcast_in_dim3A_266 : vector<1024x16xi1>, vector<1024x16xf32>
    %add3A_268 = arith.addf %dot_general3A_225, %select_n3A_267 : vector<1024x16xf32>
    %iota3A_269 = tpu.iota {dimensions = array<i32: 1>} : vector<1x16xi32>
    %get3A_270 = arith.constant 0 : index
    %get3A_271 = arith.constant 0 : index
    %get3A_272 = vector.load %arg3[%get3A_270, %get3A_271] : memref<1024x1xi32, #tpu.memory_space<vmem>>, vector<1024x1xi32>
    %eq3A_273 = vector.broadcast %get3A_272 : vector<1024x1xi32> to vector<1024x16xi32>
    %eq3A_274 = vector.broadcast %iota3A_269 : vector<1x16xi32> to vector<1024x16xi32>
    %eq3A_275 = arith.cmpi eq, %eq3A_273, %eq3A_274 : vector<1024x16xi32>
    %convert_element_type3A_276 = arith.extui %eq3A_275 : vector<1024x16xi1> to vector<1024x16xi32>
    %convert_element_type3A_277 = arith.sitofp %convert_element_type3A_276 : vector<1024x16xi32> to vector<1024x16xf32>
    %dot_general3A_278 = arith.constant dense<0.000000e+00> : vector<16x16xf32>
    %dot_general3A_279 = tpu.matmul %convert_element_type3A_277, %add3A_268, %dot_general3A_278 {dimension_numbers = #tpu.dot_dimension_numbers<[0], [0], [1], [1], [0, 1, 1, 1], [], []>, transpose_lhs_hint = false} : vector<1024x16xf32>, vector<1024x16xf32>, vector<16x16xf32> -> vector<16x16xf32>
    %eq3A_280 = arith.constant 0 : i32
    %eq3A_281 = arith.cmpi eq, %arg0, %eq3A_280 : i32
    %convert_element_type3A_282 = arith.extui %eq3A_281 : i1 to i32
    %cond3A = arith.constant 0 : i32
    %cond3A_283 = arith.cmpi ne, %convert_element_type3A_282, %cond3A : i32
    scf.if %cond3A_283 {
      %broadcast_in_dim3A_295 = arith.constant 0.000000e+00 : f32
      %broadcast_in_dim3A_296 = vector.broadcast %broadcast_in_dim3A_295 : f32 to vector<16x16xf32>
      %swap3A_297 = arith.constant 0 : index
      %swap3A_298 = arith.constant 0 : index
      %swap3A_299 = vector.load %arg23[%swap3A_297, %swap3A_298] : memref<16x16xf32, #tpu.memory_space<vmem>>, vector<16x16xf32>
      tpu.vector_store %arg23[%swap3A_297, %swap3A_298], %broadcast_in_dim3A_296 {strides = array<i32>} : memref<16x16xf32, #tpu.memory_space<vmem>>, vector<16x16xf32>,
    } else {
    }
    %get3A_284 = arith.constant 0 : index
    %get3A_285 = arith.constant 0 : index
    %get3A_286 = vector.load %arg23[%get3A_284, %get3A_285] : memref<16x16xf32, #tpu.memory_space<vmem>>, vector<16x16xf32>
    %add3A_287 = arith.addf %get3A_286, %dot_general3A_279 : vector<16x16xf32>
    %swap3A = arith.constant 0 : index
    %swap3A_288 = arith.constant 0 : index
    %swap3A_289 = vector.load %arg23[%swap3A, %swap3A_288] : memref<16x16xf32, #tpu.memory_space<vmem>>, vector<16x16xf32>
    tpu.vector_store %arg23[%swap3A, %swap3A_288], %add3A_287 {strides = array<i32>} : memref<16x16xf32, #tpu.memory_space<vmem>>, vector<16x16xf32>,
    %eq3A_290 = arith.constant 9 : i32
    %eq3A_291 = arith.cmpi eq, %arg0, %eq3A_290 : i32
    %convert_element_type3A_292 = arith.extui %eq3A_291 : i1 to i32
    %cond3A_293 = arith.constant 0 : i32
    %cond3A_294 = arith.cmpi ne, %convert_element_type3A_292, %cond3A_293 : i32
    scf.if %cond3A_294 {
      %get3A_295 = arith.constant 0 : index
      %get3A_296 = arith.constant 0 : index
      %get3A_297 = vector.load %arg23[%get3A_295, %get3A_296] : memref<16x16xf32, #tpu.memory_space<vmem>>, vector<16x16xf32>
      %get3A_298 = arith.constant 0 : index
      %get3A_299 = arith.constant 0 : index
      %get3A_300 = vector.load %arg18[%get3A_298, %get3A_299] : memref<16x128xf32, #tpu.memory_space<vmem>>, vector<16x128xf32>
      %dot_general3A_301 = arith.constant dense<0.000000e+00> : vector<16x128xf32>
      %dot_general3A_302 = tpu.matmul %get3A_297, %get3A_300, %dot_general3A_301 {dimension_numbers = #tpu.dot_dimension_numbers<[1], [0], [0], [1], [0, 0, 1, 1], [], []>, transpose_lhs_hint = false} : vector<16x16xf32>, vector<16x128xf32>, vector<16x128xf32> -> vector<16x128xf32>
      %get3A_303 = arith.constant 0 : index
      %get3A_304 = arith.constant 0 : index
      %get3A_305 = vector.load %arg19[%get3A_303, %get3A_304] : memref<1x128xf32, #tpu.memory_space<vmem>>, vector<1x128xf32>
      %add3A_306 = vector.broadcast %get3A_305 : vector<1x128xf32> to vector<16x128xf32>
      %add3A_307 = arith.addf %dot_general3A_302, %add3A_306 : vector<16x128xf32>
      %ge3A_308 = arith.constant 0.000000e+00 : f32
      %ge3A_309 = vector.broadcast %ge3A_308 : f32 to vector<16x128xf32>
      %ge3A_310 = arith.cmpf oge, %add3A_307, %ge3A_309 : vector<16x128xf32>
      %mul3A_311 = arith.constant 1.000000e-01 : f32
      %mul3A_312 = vector.broadcast %mul3A_311 : f32 to vector<16x128xf32>
      %mul3A_313 = arith.mulf %mul3A_312, %add3A_307 : vector<16x128xf32>
      %select_n3A_314 = arith.select %ge3A_310, %add3A_307, %mul3A_313 : vector<16x128xi1>, vector<16x128xf32>
      %get3A_315 = arith.constant 0 : index
      %get3A_316 = arith.constant 0 : index
      %get3A_317 = vector.load %arg20[%get3A_315, %get3A_316] : memref<128x2xf32, #tpu.memory_space<vmem>>, vector<128x2xf32>
      %dot_general3A_318 = arith.constant dense<0.000000e+00> : vector<16x2xf32>
      %dot_general3A_319 = tpu.matmul %select_n3A_314, %get3A_317, %dot_general3A_318 {dimension_numbers = #tpu.dot_dimension_numbers<[1], [0], [0], [1], [0, 0, 1, 1], [], []>, transpose_lhs_hint = false} : vector<16x128xf32>, vector<128x2xf32>, vector<16x2xf32> -> vector<16x2xf32>
      %get3A_320 = arith.constant 0 : index
      %get3A_321 = arith.constant 0 : index
      %get3A_322 = vector.load %arg21[%get3A_320, %get3A_321] : memref<1x2xf32, #tpu.memory_space<vmem>>, vector<1x2xf32>
      %add3A_323 = vector.broadcast %get3A_322 : vector<1x2xf32> to vector<16x2xf32>
      %add3A_324 = arith.addf %dot_general3A_319, %add3A_323 : vector<16x2xf32>
      %swap3A_325 = arith.constant 0 : index
      %swap3A_326 = arith.constant 0 : index
      %swap3A_327 = vector.load %arg22[%swap3A_325, %swap3A_326] : memref<16x2xf32, #tpu.memory_space<vmem>>, vector<16x2xf32>
      tpu.vector_store %arg22[%swap3A_325, %swap3A_326], %add3A_324 {strides = array<i32>} : memref<16x2xf32, #tpu.memory_space<vmem>>, vector<16x2xf32>,
    } else {
    }
    return
  }
  func.func @transform_0(%arg0: i32) -> (i32, i32) {
    %c0_i32 = arith.constant 0 : i32
    %c0_i32_0 = arith.constant 0 : i32
    return %arg0, %c0_i32 : i32, i32
  }
  func.func @transform_1(%arg0: i32) -> (i32, i32) {
    %c0_i32 = arith.constant 0 : i32
    %c0_i32_0 = arith.constant 0 : i32
    return %arg0, %c0_i32 : i32, i32
  }
  func.func @transform_2(%arg0: i32) -> (i32, i32) {
    %c0_i32 = arith.constant 0 : i32
    %c0_i32_0 = arith.constant 0 : i32
    return %arg0, %c0_i32 : i32, i32
  }
  func.func @transform_3(%arg0: i32) -> (i32, i32) {
    %c0_i32 = arith.constant 0 : i32
    %c0_i32_0 = arith.constant 0 : i32
    %c0_i32_1 = arith.constant 0 : i32
    return %c0_i32, %c0_i32_0 : i32, i32
  }
  func.func @transform_4(%arg0: i32) -> (i32, i32) {
    %c0_i32 = arith.constant 0 : i32
    %c0_i32_0 = arith.constant 0 : i32
    %c0_i32_1 = arith.constant 0 : i32
    return %c0_i32, %c0_i32_0 : i32, i32
  }
  func.func @transform_5(%arg0: i32) -> (i32, i32) {
    %c0_i32 = arith.constant 0 : i32
    %c0_i32_0 = arith.constant 0 : i32
    %c0_i32_1 = arith.constant 0 : i32
    return %c0_i32, %c0_i32_0 : i32, i32
  }
  func.func @transform_6(%arg0: i32) -> (i32, i32) {
    %c0_i32 = arith.constant 0 : i32
    %c0_i32_0 = arith.constant 0 : i32
    %c0_i32_1 = arith.constant 0 : i32
    return %c0_i32, %c0_i32_0 : i32, i32
  }
  func.func @transform_7(%arg0: i32) -> (i32, i32) {
    %c0_i32 = arith.constant 0 : i32
    %c0_i32_0 = arith.constant 0 : i32
    %c0_i32_1 = arith.constant 0 : i32
    return %c0_i32, %c0_i32_0 : i32, i32
  }
  func.func @transform_8(%arg0: i32) -> (i32, i32) {
    %c0_i32 = arith.constant 0 : i32
    %c0_i32_0 = arith.constant 0 : i32
    %c0_i32_1 = arith.constant 0 : i32
    return %c0_i32, %c0_i32_0 : i32, i32
  }
  func.func @transform_9(%arg0: i32) -> (i32, i32) {
    %c0_i32 = arith.constant 0 : i32
    %c0_i32_0 = arith.constant 0 : i32
    %c0_i32_1 = arith.constant 0 : i32
    return %c0_i32, %c0_i32_0 : i32, i32
  }
  func.func @transform_10(%arg0: i32) -> (i32, i32) {
    %c0_i32 = arith.constant 0 : i32
    %c0_i32_0 = arith.constant 0 : i32
    %c0_i32_1 = arith.constant 0 : i32
    return %c0_i32, %c0_i32_0 : i32, i32
  }
  func.func @transform_11(%arg0: i32) -> (i32, i32) {
    %c0_i32 = arith.constant 0 : i32
    %c0_i32_0 = arith.constant 0 : i32
    %c0_i32_1 = arith.constant 0 : i32
    return %c0_i32, %c0_i32_0 : i32, i32
  }
  func.func @transform_12(%arg0: i32) -> (i32, i32) {
    %c0_i32 = arith.constant 0 : i32
    %c0_i32_0 = arith.constant 0 : i32
    %c0_i32_1 = arith.constant 0 : i32
    return %c0_i32, %c0_i32_0 : i32, i32
  }
  func.func @transform_13(%arg0: i32) -> (i32, i32) {
    %c0_i32 = arith.constant 0 : i32
    %c0_i32_0 = arith.constant 0 : i32
    %c0_i32_1 = arith.constant 0 : i32
    return %c0_i32, %c0_i32_0 : i32, i32
  }
  func.func @transform_14(%arg0: i32) -> (i32, i32) {
    %c0_i32 = arith.constant 0 : i32
    %c0_i32_0 = arith.constant 0 : i32
    %c0_i32_1 = arith.constant 0 : i32
    return %c0_i32, %c0_i32_0 : i32, i32
  }
  func.func @transform_15(%arg0: i32) -> (i32, i32) {
    %c0_i32 = arith.constant 0 : i32
    %c0_i32_0 = arith.constant 0 : i32
    %c0_i32_1 = arith.constant 0 : i32
    return %c0_i32, %c0_i32_0 : i32, i32
  }
  func.func @transform_16(%arg0: i32) -> (i32, i32) {
    %c0_i32 = arith.constant 0 : i32
    %c0_i32_0 = arith.constant 0 : i32
    %c0_i32_1 = arith.constant 0 : i32
    return %c0_i32, %c0_i32_0 : i32, i32
  }
  func.func @transform_17(%arg0: i32) -> (i32, i32) {
    %c0_i32 = arith.constant 0 : i32
    %c0_i32_0 = arith.constant 0 : i32
    %c0_i32_1 = arith.constant 0 : i32
    return %c0_i32, %c0_i32_0 : i32, i32
  }
  func.func @transform_18(%arg0: i32) -> (i32, i32) {
    %c0_i32 = arith.constant 0 : i32
    %c0_i32_0 = arith.constant 0 : i32
    %c0_i32_1 = arith.constant 0 : i32
    return %c0_i32, %c0_i32_0 : i32, i32
  }
  func.func @transform_19(%arg0: i32) -> (i32, i32) {
    %c0_i32 = arith.constant 0 : i32
    %c0_i32_0 = arith.constant 0 : i32
    %c0_i32_1 = arith.constant 0 : i32
    return %c0_i32, %c0_i32_0 : i32, i32
  }
  func.func @transform_20(%arg0: i32) -> (i32, i32) {
    %c0_i32 = arith.constant 0 : i32
    %c0_i32_0 = arith.constant 0 : i32
    %c0_i32_1 = arith.constant 0 : i32
    return %c0_i32, %c0_i32_0 : i32, i32
  }
  func.func @transform_21(%arg0: i32) -> (i32, i32) {
    %c0_i32 = arith.constant 0 : i32
    %c0_i32_0 = arith.constant 0 : i32
    %c0_i32_1 = arith.constant 0 : i32
    return %c0_i32, %c0_i32_0 : i32, i32
  }
}

</mosaic_0001>

<sc_bundles>
// kernel: kernel.6.cloned.1.call-start
scs
__scs_entry_jumppad:
0x0: {  	(pc) =	sbr.rel $0x88, $3  }
0x1: {  	(tag) =	ssettag $0x0;
	lr =	simm.s32 $0x1  }
0x2: {  	[smem:$0x3F89] =	sst lr;
	_ =	strace $0xD0000000  }
0x3: {  	_ = 	snop  }
0x4: {  	_ = 	snop  }
0x5: {  	_ = 	snop  }
0x6: {  	_ = 	snop  }
0x7: {  	_ = 	snop  }
__scs_overlays_trampoline_lowered:
0x8: {  	[smem:$0x3F98] =	sst s0  }
0x9: {  	[smem:$0x3F99] =	sst s1  }
0xa: {  	[smem:$0x3F9A] =	sst s2  }
0xb: {  	[smem:$0x3F9B] =	sst s3  }
0xc: {  	[smem:$0x3F9C] =	sst s4  }
0xd: {  	[smem:$0x3F9D] =	sst s5  }
0xe: {  	[smem:$0x3F9E] =	sst s6  }
0xf: {  	[smem:$0x3F9F] =	sst s7  }
0x10: {  	[smem:$0x3FA0] =	sst s8  }
0x11: {  	[smem:$0x3FA1] =	sst s9;
	s0 =	simm.s32 @!p0 $0x0  }
0x12: {  	s1 =	sld [smem:$0x3F87];
	s0 =	simm.s32 @p0 $0x1  }
0x13: {  	[smem:$0x3FA2] =	sst s0;
	s0 =	simm.s32 @!p1 $0x0  }
0x14: {  	s2 =	sld [smem:$0x3F86];
	s0 =	simm.s32 @p1 $0x1  }
0x15: {  	[smem:$0x3FA3] =	sst s0;
	s0 =	simm.s32 @!p2 $0x0  }
0x16: {  	s3 =	sld [smem:$0x3FDB];
	s0 =	simm.s32 @p2 $0x1  }
0x17: {  	s4 =	simm.s32 $0x1BF5;
	[smem:$0x3FA5] =	sst s0  }
0x18: {  	s0 =	sld [smem:$0x3F88];
	_ =	swait.ge [sflag:s4], $0x0  }
0x19: {  	s7 =	sld [smem:$0x3F89]  }
0x1a: {  	s8 =	sadd.s32 $0xFFFFE003, lr  }
0x1b: {  	s9 =	sadd.s32 $0xFFFFFEF7, lr;
	s5 =	simm.s32 $0xFFFFFFFF;
	p2 =	slt.u32 s8, $0xFFFFF086  }
0x1c: {  	p1 =	slt.u32 s9, $0xF7A;
	s5 =	simm.s32 @!p2 $0x0  }
0x1d: {  	s5 =	simm.s32 @p1 $0x1;
	p0 =	seq.s32 s7, s2  }
0x1e: {  	s7 =	smul.u32 @!p0 $0xF7A, s2;
	p2 =	seq.s32 @!p0 s5, $0x0  }
0x1f: {  	s9 =	smul.u32 $0xF7A, s1;
	s8 =	simm.s32 @!p0 $0x1BF5;
	p2 =	por !p2, p0  }
0x20: {  	[sflag:s8] =	ssyncset.s32 @!p0 $0xFFFFF086;
	s6 =	sadd.s32 @!p0 s3, s7;
	s7 =	simm.s32 @!p0 $0x108  }
0x21: {  	s3 =	sadd.s32 s3, s9;
	s6 =	sadd.s32 @!p0 $0x88, s6;
	s7 =	simm.s32 @p2 $0x1082  }
0x22: {  	[simem:s7], [sflag:s8] =	dma.local @!p0 [hbm:s6], $0xF7A  }
0x23: {  	s9 =	sor.u32 $0xD0000000, s2;
	s6 =	simm.s32 $0x108;
	_ =	swait.ge @!p0 [sflag:s8], $0x0  }
0x24: {  	s3 =	sadd.s32 $0x88, s3;
	s6 =	simm.s32 @!p1 $0x1082;
	[sflag:s4] =	ssyncset.s32 $0xFFFFF086  }
0x25: {  	[simem:s6], [sflag:s4] =	dma.local [hbm:s3], $0xF7A  }
0x26: {  	[smem:$0x3F89] =	sst s1;
	(tag) =	ssettag s2;
	_ =	strace s9  }
0x27: {  	s1 =	sld [smem:$0x3F99]  }
0x28: {  	s2 =	sld [smem:$0x3F9A]  }
0x29: {  	s4 =	sld [smem:$0x3F9C]  }
0x2a: {  	p0 =	seq.s32 s5, $0x0;
	s5 =	sld [smem:$0x3F9D]  }
0x2b: {  	s6 =	sld [smem:$0x3F9E]  }
0x2c: {  	s7 =	sld [smem:$0x3F9F]  }
0x2d: {  	s3 =	simm.s32 $0x108;
	s8 =	sld [smem:$0x3FA0]  }
0x2e: {  	s3 =	simm.s32 @!p0 $0x1082;
	s9 =	sld [smem:$0x3FA1]  }
0x2f: {  	lr =	sadd.s32 s0, s3;
	s0 =	sld [smem:$0x3F98]  }
0x30: {  	s3 =	sld [smem:$0x3F9B]  }
0x31: {  	[smem:$0x3FA4] =	sst s10  }
0x32: {  	s10 =	sld [smem:$0x3FA2];
	_ =	sdelay $0x3  }
0x33: {  	p0 =	seq.s32 s10, $0x1;
	s10 =	sld [smem:$0x3FA4];
	_ =	sdelay $0x3  }
0x34: {  	[smem:$0x3FA4] =	sst s10  }
0x35: {  	s10 =	sld [smem:$0x3FA3];
	_ =	sdelay $0x3  }
0x36: {  	p1 =	seq.s32 s10, $0x1;
	s10 =	sld [smem:$0x3FA4];
	_ =	sdelay $0x3  }
0x37: {  	[smem:$0x3FA4] =	sst s10  }
0x38: {  	s10 =	sld [smem:$0x3FA5]  }
0x39: {  	_ = 	snop;
	(pc) =	sbr.ind lr, $3  }
0x3a: {  	_ = 	snop  }
0x3b: {  	_ = 	snop  }
0x3c: {  	p2 =	seq.s32 s10, $0x1;
	s10 =	sld [smem:$0x3FA4]  }
0x3d: {  	_ =	shalt  }
0x3e: {  	_ =	shalt  }
0x3f: {  	_ =	shalt  }
0x40: {  	_ =	shalt  }
0x41: {  	_ =	shalt  }
0x42: {  	_ =	shalt  }
0x43: {  	_ =	shalt  }
0x44: {  	_ =	shalt  }
0x45: {  	_ =	shalt  }
0x46: {  	_ =	shalt  }
0x47: {  	_ =	shalt  }
0x48: {  	_ =	shalt  }
0x49: {  	_ =	shalt  }
0x4a: {  	_ =	shalt  }
0x4b: {  	_ =	shalt  }
0x4c: {  	_ =	shalt  }
0x4d: {  	_ =	shalt  }
0x4e: {  	_ =	shalt  }
0x4f: {  	_ =	shalt  }
0x50: {  	_ =	shalt  }
0x51: {  	_ =	shalt  }
0x52: {  	_ =	shalt  }
0x53: {  	_ =	shalt  }
0x54: {  	_ =	shalt  }
0x55: {  	_ =	shalt  }
0x56: {  	_ =	shalt  }
0x57: {  	_ =	shalt  }
0x58: {  	_ =	shalt  }
0x59: {  	_ =	shalt  }
0x5a: {  	_ =	shalt  }
0x5b: {  	_ =	shalt  }
0x5c: {  	_ =	shalt  }
0x5d: {  	_ =	shalt  }
0x5e: {  	_ =	shalt  }
0x5f: {  	_ =	shalt  }
0x60: {  	_ =	shalt  }
0x61: {  	_ =	shalt  }
0x62: {  	_ =	shalt  }
0x63: {  	_ =	shalt  }
0x64: {  	_ =	shalt  }
0x65: {  	_ =	shalt  }
0x66: {  	_ =	shalt  }
0x67: {  	_ =	shalt  }
0x68: {  	_ =	shalt  }
0x69: {  	_ =	shalt  }
0x6a: {  	_ =	shalt  }
0x6b: {  	_ =	shalt  }
0x6c: {  	_ =	shalt  }
0x6d: {  	_ =	shalt  }
0x6e: {  	_ =	shalt  }
0x6f: {  	_ =	shalt  }
0x70: {  	_ =	shalt  }
0x71: {  	_ =	shalt  }
0x72: {  	_ =	shalt  }
0x73: {  	_ =	shalt  }
0x74: {  	_ =	shalt  }
0x75: {  	_ =	shalt  }
0x76: {  	_ =	shalt  }
0x77: {  	_ =	shalt  }
0x78: {  	_ =	shalt  }
0x79: {  	_ =	shalt  }
0x7a: {  	_ =	shalt  }
0x7b: {  	_ =	shalt  }
0x7c: {  	_ =	shalt  }
0x7d: {  	_ =	shalt  }
0x7e: {  	_ =	shalt  }
0x7f: {  	_ =	shalt  }
0x80: {  	_ =	shalt  }
0x81: {  	_ =	shalt  }
0x82: {  	_ =	shalt  }
0x83: {  	_ =	shalt  }
0x84: {  	_ =	shalt  }
0x85: {  	_ =	shalt  }
0x86: {  	_ =	shalt  }
0x87: {  	_ =	shalt  }
.Lfunc_end0:
.L_simem_size_0:
called_computation_lowered:
.L_overlay_start_0:
0x88: {  	s2 =	sld [smem:$0x3FD9]  }
0x89: {  	s3 =	sld [smem:$0x3FFE];
	_ =	sdelay $0x1  }
0x8a: {  	s1 =	srdreg.scid  }
0x8b: {  	s0 =	sand.u32 $0x1, s1  }
0x8c: {  	s16 =	sshll.u32 s0, $0xA;
	s2 =	sadd.s32 s3, s2  }
0x8d: {  	s2 =	sadd.s32 s2, s16  }
0x8e: {  	[smem:$0x3FB0] =	sst s2  }
0x8f: {  	_ = 	snop  }
0x90: {  	(tm) =	ssettm $0x1  }
0x91: {  	s17 =	sld [smem:$0x3FFB];
	_ =	sdelay $0x3  }
0x92: {  	_ =	strace s17  }
0x93: {  	s2 =	sld [smem:$0x3FFC];
	_ =	sdelay $0x3  }
0x94: {  	_ =	strace s2  }
0x95: {  	s2 =	sld [smem:$0x3FFD];
	_ =	sdelay $0x3  }
0x96: {  	_ =	strace s2  }
0x97: {  	_ =	strace $0x8FFFFFFF  }
0x98: {  	s18 =	sld [smem:$0x3FDB];
	_ =	sdelay $0x1  }
0x99: {  	s19 =	simm.s32 $_scs_section_size  }
0x9a: {  	s4 =	simm.s32 $_size__tile_overlayer_lowered;
	s5 =	simm.s32 $_tile_overlayer_lowered  }
0x9b: {  	s22 =	simm.s32 $0x1BFF;
	s21 =	sshll.u32 s5, $0x1;
	s2 =	sadd.s32 s19, s18  }
0x9c: {  	s6 =	simm.s32 $0x0;
	s20 =	sshll.u32 s4, $0x1;
	s4 =	sadd.s32 s21, s2  }
0x9d: {  	[timem:s6], [sflag:s22] =	dma.local [hbm:s4], s20  }
0x9e: {  	_ =	swait.ge [sflag:s22], s20  }
0x9f: {  	s3 =	ssub.s32 $0x0, s20;
	[sflag:s22] =	ssyncset.done $0x0  }
0xa0: {  	[sflag:s22] =	ssyncadd.s32 s3;
	_ =	sdelay $0x1  }
0xa1: {  	s23 =	simm.s32 $0x1B8B  }
0xa2: {  	_ =	swait.ge [sflag:s23], $0x1  }
0xa3: {  	[sflag:s23] =	ssyncset.done $0x0  }
0xa4: {  	s25 =	simm.s32 $0x1B8E;
	s24 =	sld [smem:$0x3FFE];
	[sflag:s23] =	ssyncadd.s32 $0xFFFFFFFF  }
0xa5: {  	s26 =	simm.s32 $execute0_lowered;
	[smem:$0x3FD2] =	sst s25  }
0xa6: {  	s4 =	sshll.u32 s26, $0x1;
	_ =	strace $0x80000046;
	[dreg:$0x1] =	wrdreg $0xFFFFFFFF  }
0xa7: {  	s28 =	simm.s32 $_size_execute0_lowered;
	s2 =	sadd.s32 s2, s4;
	[dreg:$0x0] =	wrdreg $0x0  }
0xa8: {  	s4 =	sshll.u32 s28, $0x1;
	[dreg:$0x2] =	wrdreg s2  }
0xa9: {  	[dreg:$0x3] =	wrdreg s4  }
0xaa: {  	[dreg:$0x4] =	wrdreg $0xC0  }
0xab: {  	_ =	task [dreg:s6], $0x5FFFF  }
0xac: {  	[dreg:$0x1] =	wrdreg $0xFFFFFFFF  }
0xad: {  	[dreg:$0x0] =	wrdreg $0x60  }
0xae: {  	[dreg:$0x2] =	wrdreg s24  }
0xaf: {  	[dreg:$0x3] =	wrdreg $0x9  }
0xb0: {  	_ =	task.clear_ibuf [dreg:s6], $0x4FFFF;
	_ =	strace $0x90000046  }
0xb1: {  	s29 =	simm.s32 $0x9;
	_ =	strace $0x80000048  }
0xb2: {  	_ =	swait.ge [sflag:s29], $0x1  }
0xb3: {  	[sflag:s29] =	ssyncadd.s32 $0xFFFFFFFF  }
0xb4: {  	_ =	strace $0x90000048  }
0xb5: {  	_ =	sfence  }
0xb6: {  	s30 =	sld [smem:$0x0];
	_ =	sdelay $0x2  }
0xb7: {  	s31 =	sshll.u32 s1, $0xD;
	s1 =	sshrl.u32 s1, $0x2  }
0xb8: {  	s3 =	sand.u32 $0x4000, s31;
	s1 =	sadd.s32 s1, s30  }
0xb9: {  	s0 =	sor.u32 s3, s0;
	s1 =	sshll.u32 s1, $0x11  }
0xba: {  	s0 =	sor.u32 s1, s0  }
0xbb: {  	s0 =	sadd.s32 $0x8F2B, s0  }
0xbc: {  	[sflag:s0] =	ssyncadd.remote.s32 $0x1  }
0xbd: {  	_ =	sfence.sel $0xFFFF  }
0xbe: {  	[dreg:$0x0] =	wrdreg $0xFFFFFFFF;
	(pc) =	sbr.abs _section_cstart, $3  }
0xbf: {  	[dreg:$0x1] =	wrdreg $0xFFFFFFFF  }
0xc0: {  	_ =	task.clear_ibuf [dreg:s6], $0x2FFFF;
	_ =	strace $0x9FFFFFFF  }
0xc1: {  	(tm) =	ssettm $0x7FFFFFFF  }
tec
execute0_lowered:
.L_overlay_start_1:
0x0: {  	(tag) =	ssettag $0x1  }
0x1: {  	s1 =	srdreg.scid;
	s0 =	stileid.u32  }
0x2: {  	s5 =	rddreg [dreg:$0x0];
	s2 =	simm.s32 $0x0;
	s3 =	sand.u32 $0x1, s1  }
0x3: {  	s26 =	sshll.u32 s0, $0x1;
	s1 =	rddreg [dreg:$0x1];
	s9 =	smul.u32 $0x4E20, s0  }
0x4: {  	s4 =	sor.u32 s3, s26;
	s10 =	ssub.s32 $0x2, s3;
	s3 =	smul.u32 $0x2710, s3  }
0x5: {  	[smem:$0x7FF] =	sst s2;
	s6 =	smul.u32 $0x2710, s4  }
0x6: {  	_ =	strace $0x80000047;
	s7 =	smul.u32 $0x500, s4;
	s11 =	sshrl.u32 s10, $0x1  }
0x7: {  	s4 =	smul.u32 $0xF00, s4;
	s10 =	ssub.s32 s10, s11;
	s28 =	sadd.s32 s3, s9  }
0x8: {  	s9 =	simm.s32 $0x5000;
	s11 =	simm.s32 $0x0;
	s8 =	sshrl.u32 s6, $0x7  }
0x9: {  	s7 =	sadd.s32 s7, s5;
	s29 =	sadd.s32 $0x2710, s6;
	s8 =	smin.u32 s8, $0x974  }
0xa: {  	s30 =	sshrl.u32 s28, $0x7;
	v0 =	vmov s6;
	s6 =	smax.u32 s10, $0x1;
	s8 =	sshll.u32 s8, $0x5  }
0xb: {  	s10 =	simm.s32 $0x7800;
	s31 =	smin.u32 s30, $0x974;
	s8 =	sadd.s32 s8, s5  }
0xc: {  	s5 =	sadd.s32 s4, s5;
	s4 =	sadd.s32 $0x18000, s7;
	s7 =	sshll.u32 s31, $0x7  }
0xd: {  	v2 =	vimm.s32 $0x0;
	v3 =	vlaneseq.u32;
	v1 =	vmov s29;
	s3 =	sadd.s32 $0x4600, s8;
	s5 =	sadd.s32 $0x22000, s5;
	s8 =	simm.s32 $0x1  }
.LBB2_1:
0xe: {  	[tilespmem:s2], [sflag:$0x1] =	stream.linear.gather [hbm4b:s3+s2], $0x5000, $0x38;
	[tilespmem:$0xF000] =	vst v63  }
0xf: {  	_ =	swait.ge [sflag:s8], $0x5000  }
0x10: {  	[sflag:s8] =	ssyncset.done $0x0  }
0x11: {  	s12 =	simm.s32 $0x0;
	[sflag:s8] =	ssyncadd.s32 $0xFFFFB000  }
.LBB2_2:
0x12: {  	p0 =	sne.s32 s12, $0x9FC0  }
.Ltmp0:
0x13: {  	_ = 	snop;
	(pc) =	sbr.rel @p0 .LBB2_2-.Ltmp0, $3  }
0x14: {  	_ =	sdelay $0x1  }
0x15: {  	s13 =	sshra.s32 s12, $0x2  }
0x16: {  	s12 =	sadd.s32 $0x40, s12;
	[tilespmem:s13+$0x5000] =	vst v2  }
0x17: {  	s12 =	simm.s32 $0x0  }
0x18: {  	s12 =	sand.u32 $0x3FFFFF80, s12  }
0x19: {  	s12 =	sadd.s32 $0x0, s12  }
0x1a: {  	v4 =	vld [tilespmem:s12+$0x0];
	_ =	sdelay $0x1  }
0x1b: {  	v6 =	vor.u32 s7, v3  }
0x1c: {  	vm0 =	vge.u32 v6, v0;
	vm1 =	vlt.u32 v6, v1  }
0x1d: {  	vm0 =	vmand vm0, vm1  }
0x1e: {  	(xrf1) =	vunique.msk.u32 vm0, v4;
	_ =	sdelay $0x9  }
0x1f: {  	v5 =	vld.idx.msk [tilespmem:v4+s9+$0x0], $0xffff;
	_ =	sdelay $0x3  }
0x20: {  	_, v7, vm1 =	vpop (xrf1)  }
0x21: {  	v5 =	vadd.s32 v5, v7  }
0x22: {  	v7 =	vadd.s32 $0xFFFFFFFF, v5  }
0x23: {  	vm2 =	vgt.s32 v7, $0x0  }
0x24: {  	v8 =	vmul.u32 $0x3, v4;
	v9 =	vnsel vm2, $0x0, v7;
	vm2 =	vlt.s32 v7, $0x3  }
0x25: {  	v7 =	vmin.u32 v9, $0x2;
	vm2 =	vmand vm0, vm2  }
0x26: {  	vm0 =	vmand vm0, vm1;
	v7 =	vadd.s32 v8, v7;
	_ =	sdelay $0x3  }
0x27: {  	s31 =	simm.s32 $0x10;
	s13 =	simm.s32 $0x80  }
0x28: {  	s14 =	simm.s32 $0x10;
	s15 =	sand.u32 $0x3FFFFF80, s31;
	s12 =	smov.u32 s7;
	[tilespmem:v7+s10+$0x0] =	vst.idx.msk vm2, v6  }
.LBB2_4:
0x29: {  	p0 =	sne.s32 s13, $0x9FC0;
	s15 =	sadd.s32 s15, s14;
	[tilespmem:v4+s9+$0x0] =	vst.idx.msk vm0, v5  }
0x2a: {  	v4 =	vld [tilespmem:s15+$0x0]  }
0x2b: {  	s12 =	sadd.s32 $0x10, s12  }
0x2c: {  	v6 =	vor.u32 s12, v3  }
0x2d: {  	vm0 =	vge.u32 v6, v0;
	vm1 =	vlt.u32 v6, v1  }
0x2e: {  	vm1 =	vmand vm0, vm1  }
0x2f: {  	(xrf1) =	vunique.msk.u32 vm1, v4;
	_ =	sdelay $0x8  }
0x30: {  	v5 =	vld.idx.msk [tilespmem:v4+s9+$0x0], $0xffff;
	_ =	sdelay $0x4  }
0x31: {  	_, v7, vm0 =	vpop (xrf1)  }
0x32: {  	v5 =	vadd.s32 v5, v7;
	vm0 =	vmand vm1, vm0  }
0x33: {  	v7 =	vadd.s32 $0xFFFFFFFF, v5  }
0x34: {  	vm2 =	vgt.s32 v7, $0x0  }
0x35: {  	v8 =	vmul.u32 $0x3, v4;
	v9 =	vnsel vm2, $0x0, v7;
	vm2 =	vlt.s32 v7, $0x3  }
0x36: {  	v7 =	vmin.u32 v9, $0x2;
	vm1 =	vmand vm1, vm2  }
0x37: {  	v7 =	vadd.s32 v8, v7  }
.Ltmp1:
0x38: {  	(pc) =	sbr.rel @p0 .LBB2_4-.Ltmp1, $3  }
0x39: {  	_ =	sdelay $0x1  }
0x3a: {  	s15 =	sshrl.u32 s13, $0x2  }
0x3b: {  	s14 =	sadd.s32 $0x10, s14;
	s13 =	sadd.s32 $0x40, s13;
	s15 =	sand.u32 $0x3FFFFF80, s15;
	[tilespmem:v7+s10+$0x0] =	vst.idx.msk vm1, v6  }
0x3c: {  	_ =	sdelay $0x4  }
0x3d: {  	s13 =	sadd.s32 s15, s14;
	[tilespmem:v4+s9+$0x0] =	vst.idx.msk vm0, v5  }
0x3e: {  	v4 =	vld [tilespmem:s13+$0x0]  }
0x3f: {  	s12 =	sadd.s32 $0x10, s12  }
0x40: {  	v5 =	vor.u32 s12, v3  }
0x41: {  	vm13 =	vge.u32 v5, v0;
	vm1 =	vlt.u32 v5, v1  }
0x42: {  	vm0 =	vmand vm13, vm1  }
0x43: {  	(xrf1) =	vunique.msk.u32 vm0, v4;
	_ =	sdelay $0x9  }
0x44: {  	v6 =	vld.idx.msk [tilespmem:v4+s9+$0x0], $0xffff;
	_ =	sdelay $0x3  }
0x45: {  	_, v7, vm14 =	vpop (xrf1)  }
0x46: {  	v6 =	vadd.s32 v6, v7  }
0x47: {  	v7 =	vadd.s32 $0xFFFFFFFF, v6  }
0x48: {  	vm2 =	vgt.s32 v7, $0x0  }
0x49: {  	v8 =	vmul.u32 $0x3, v4;
	vm15 =	vlt.s32 v7, $0x3;
	v9 =	vnsel vm2, $0x0, v7  }
0x4a: {  	vm2 =	vmand vm0, vm15;
	v63 =	vmin.u32 v9, $0x2  }
0x4b: {  	vm0 =	vmand vm0, vm14;
	v7 =	vadd.s32 v8, v63;
	_ =	sdelay $0x4  }
0x4c: {  	[tilespmem:v7+s10+$0x0] =	vst.idx.msk vm2, v5  }
0x4d: {  	[tilespmem:v4+s9+$0x0] =	vst.idx.msk vm0, v6  }
0x4e: {  	[hbm4b:s4+s2] =	stream.linear.scatter [tilespmem:s9], [sflag:$0x1], $0x2800, $0x38;
	[tilespmem:$0xF000] =	vst v63  }
0x4f: {  	s11 =	sadd.s32 $0x1, s11;
	_ =	swait.ge [sflag:s8], $0x2800  }
0x50: {  	p0 =	sne.s32 s11, s6;
	[sflag:s8] =	ssyncset.done $0x0  }
.Ltmp2:
0x51: {  	[sflag:s8] =	ssyncadd.s32 $0xFFFFD800;
	(pc) =	sbr.rel @p0 .LBB2_1-.Ltmp2, $4  }
0x52: {  	[hbm4b:s5+s2] =	stream.linear.scatter [tilespmem:s10], [sflag:$0x1], $0x7800, $0x38;
	[tilespmem:$0xF000] =	vst v63  }
0x53: {  	_ =	swait.ge [sflag:s8], $0x7800  }
0x54: {  	[sflag:s8] =	ssyncset.done $0x0  }
0x55: {  	[sflag:s8] =	ssyncadd.s32 $0xFFFF8800  }
0x56: {  	_ =	sfence.sel $0x180000  }
0x57: {  	[bflag:$0x0] =	sbarrier.arrive $0xFFFF  }
0x58: {  	p0 =	sne.s32 s0, $0x0;
	_ =	strace $0x90000047  }
0x59: {  	s0 =	sadd.s32 @!p0 $0x100000, s1;
	[bflag:$0x2] =	sbarrier.arrive $0xFFFF  }
0x5a: {  	[sflag:s0] =	ssyncadd.tile.s32 @!p0 $0x1;
	_ =	shalt  }
.Lfunc_end2:
_tile_overlayer_lowered:
.L_overlay_start_2:
0x5b: {  	(tag) =	ssettag $0x2  }
0x5c: {  	s0 =	rddreg [dreg:$0x0];
	s2 =	stileid.u32  }
0x5d: {  	s1 =	rddreg [dreg:$0x1];
	p0 =	sne.s32 s2, $0x0  }
0x5e: {  	s3 =	rddreg [dreg:$0x2];
	[bflag:$0x3] =	sbarrier.arrive $0xFFFF;
	s2 =	simm.s32 @!p0 $0x1C01  }
0x5f: {  	[timem:s3], [sflag:s2] =	dma.local @!p0 [hbm:s0], s1  }
0x60: {  	s0 =	simm.s32 @!p0 $0x1  }
0x61: {  	_ =	swait.ge @!p0 [sflag:s0], s1  }
0x62: {  	s1 =	ssub.s32 @!p0 $0x0, s1;
	[sflag:s0] =	ssyncset.done @!p0 $0x0  }
0x63: {  	[sflag:s0] =	ssyncadd.s32 @!p0 s1  }
0x64: {  	[bflag:$0x3] =	sbarrier.arrive $0xFFFF  }
0x65: {  	_ =	shalt  }

// kernel: kernel.9.cloned.1.call-start
scs
__scs_entry_jumppad:
0x0: {  	(pc) =	sbr.rel $0x88, $3  }
0x1: {  	(tag) =	ssettag $0x0;
	lr =	simm.s32 $0x1  }
0x2: {  	[smem:$0x3F89] =	sst lr;
	_ =	strace $0xD0000000  }
0x3: {  	_ = 	snop  }
0x4: {  	_ = 	snop  }
0x5: {  	_ = 	snop  }
0x6: {  	_ = 	snop  }
0x7: {  	_ = 	snop  }
__scs_overlays_trampoline_lowered:
0x8: {  	[smem:$0x3F98] =	sst s0  }
0x9: {  	[smem:$0x3F99] =	sst s1  }
0xa: {  	[smem:$0x3F9A] =	sst s2  }
0xb: {  	[smem:$0x3F9B] =	sst s3  }
0xc: {  	[smem:$0x3F9C] =	sst s4  }
0xd: {  	[smem:$0x3F9D] =	sst s5  }
0xe: {  	[smem:$0x3F9E] =	sst s6  }
0xf: {  	[smem:$0x3F9F] =	sst s7  }
0x10: {  	[smem:$0x3FA0] =	sst s8  }
0x11: {  	[smem:$0x3FA1] =	sst s9;
	s0 =	simm.s32 @!p0 $0x0  }
0x12: {  	s1 =	sld [smem:$0x3F87];
	s0 =	simm.s32 @p0 $0x1  }
0x13: {  	[smem:$0x3FA2] =	sst s0;
	s0 =	simm.s32 @!p1 $0x0  }
0x14: {  	s2 =	sld [smem:$0x3F86];
	s0 =	simm.s32 @p1 $0x1  }
0x15: {  	[smem:$0x3FA3] =	sst s0;
	s0 =	simm.s32 @!p2 $0x0  }
0x16: {  	s3 =	sld [smem:$0x3FDB];
	s0 =	simm.s32 @p2 $0x1  }
0x17: {  	s4 =	simm.s32 $0x1BF5;
	[smem:$0x3FA5] =	sst s0  }
0x18: {  	s0 =	sld [smem:$0x3F88];
	_ =	swait.ge [sflag:s4], $0x0  }
0x19: {  	s7 =	sld [smem:$0x3F89]  }
0x1a: {  	s8 =	sadd.s32 $0xFFFFE003, lr  }
0x1b: {  	s9 =	sadd.s32 $0xFFFFFEF7, lr;
	s5 =	simm.s32 $0xFFFFFFFF;
	p2 =	slt.u32 s8, $0xFFFFF086  }
0x1c: {  	p1 =	slt.u32 s9, $0xF7A;
	s5 =	simm.s32 @!p2 $0x0  }
0x1d: {  	s5 =	simm.s32 @p1 $0x1;
	p0 =	seq.s32 s7, s2  }
0x1e: {  	s7 =	smul.u32 @!p0 $0xF7A, s2;
	p2 =	seq.s32 @!p0 s5, $0x0  }
0x1f: {  	s9 =	smul.u32 $0xF7A, s1;
	s8 =	simm.s32 @!p0 $0x1BF5;
	p2 =	por !p2, p0  }
0x20: {  	[sflag:s8] =	ssyncset.s32 @!p0 $0xFFFFF086;
	s6 =	sadd.s32 @!p0 s3, s7;
	s7 =	simm.s32 @!p0 $0x108  }
0x21: {  	s3 =	sadd.s32 s3, s9;
	s6 =	sadd.s32 @!p0 $0x88, s6;
	s7 =	simm.s32 @p2 $0x1082  }
0x22: {  	[simem:s7], [sflag:s8] =	dma.local @!p0 [hbm:s6], $0xF7A  }
0x23: {  	s9 =	sor.u32 $0xD0000000, s2;
	s6 =	simm.s32 $0x108;
	_ =	swait.ge @!p0 [sflag:s8], $0x0  }
0x24: {  	s3 =	sadd.s32 $0x88, s3;
	s6 =	simm.s32 @!p1 $0x1082;
	[sflag:s4] =	ssyncset.s32 $0xFFFFF086  }
0x25: {  	[simem:s6], [sflag:s4] =	dma.local [hbm:s3], $0xF7A  }
0x26: {  	[smem:$0x3F89] =	sst s1;
	(tag) =	ssettag s2;
	_ =	strace s9  }
0x27: {  	s1 =	sld [smem:$0x3F99]  }
0x28: {  	s2 =	sld [smem:$0x3F9A]  }
0x29: {  	s4 =	sld [smem:$0x3F9C]  }
0x2a: {  	p0 =	seq.s32 s5, $0x0;
	s5 =	sld [smem:$0x3F9D]  }
0x2b: {  	s6 =	sld [smem:$0x3F9E]  }
0x2c: {  	s7 =	sld [smem:$0x3F9F]  }
0x2d: {  	s3 =	simm.s32 $0x108;
	s8 =	sld [smem:$0x3FA0]  }
0x2e: {  	s3 =	simm.s32 @!p0 $0x1082;
	s9 =	sld [smem:$0x3FA1]  }
0x2f: {  	lr =	sadd.s32 s0, s3;
	s0 =	sld [smem:$0x3F98]  }
0x30: {  	s3 =	sld [smem:$0x3F9B]  }
0x31: {  	[smem:$0x3FA4] =	sst s10  }
0x32: {  	s10 =	sld [smem:$0x3FA2];
	_ =	sdelay $0x3  }
0x33: {  	p0 =	seq.s32 s10, $0x1;
	s10 =	sld [smem:$0x3FA4];
	_ =	sdelay $0x3  }
0x34: {  	[smem:$0x3FA4] =	sst s10  }
0x35: {  	s10 =	sld [smem:$0x3FA3];
	_ =	sdelay $0x3  }
0x36: {  	p1 =	seq.s32 s10, $0x1;
	s10 =	sld [smem:$0x3FA4];
	_ =	sdelay $0x3  }
0x37: {  	[smem:$0x3FA4] =	sst s10  }
0x38: {  	s10 =	sld [smem:$0x3FA5]  }
0x39: {  	_ = 	snop;
	(pc) =	sbr.ind lr, $3  }
0x3a: {  	_ = 	snop  }
0x3b: {  	_ = 	snop  }
0x3c: {  	p2 =	seq.s32 s10, $0x1;
	s10 =	sld [smem:$0x3FA4]  }
0x3d: {  	_ =	shalt  }
0x3e: {  	_ =	shalt  }
0x3f: {  	_ =	shalt  }
0x40: {  	_ =	shalt  }
0x41: {  	_ =	shalt  }
0x42: {  	_ =	shalt  }
0x43: {  	_ =	shalt  }
0x44: {  	_ =	shalt  }
0x45: {  	_ =	shalt  }
0x46: {  	_ =	shalt  }
0x47: {  	_ =	shalt  }
0x48: {  	_ =	shalt  }
0x49: {  	_ =	shalt  }
0x4a: {  	_ =	shalt  }
0x4b: {  	_ =	shalt  }
0x4c: {  	_ =	shalt  }
0x4d: {  	_ =	shalt  }
0x4e: {  	_ =	shalt  }
0x4f: {  	_ =	shalt  }
0x50: {  	_ =	shalt  }
0x51: {  	_ =	shalt  }
0x52: {  	_ =	shalt  }
0x53: {  	_ =	shalt  }
0x54: {  	_ =	shalt  }
0x55: {  	_ =	shalt  }
0x56: {  	_ =	shalt  }
0x57: {  	_ =	shalt  }
0x58: {  	_ =	shalt  }
0x59: {  	_ =	shalt  }
0x5a: {  	_ =	shalt  }
0x5b: {  	_ =	shalt  }
0x5c: {  	_ =	shalt  }
0x5d: {  	_ =	shalt  }
0x5e: {  	_ =	shalt  }
0x5f: {  	_ =	shalt  }
0x60: {  	_ =	shalt  }
0x61: {  	_ =	shalt  }
0x62: {  	_ =	shalt  }
0x63: {  	_ =	shalt  }
0x64: {  	_ =	shalt  }
0x65: {  	_ =	shalt  }
0x66: {  	_ =	shalt  }
0x67: {  	_ =	shalt  }
0x68: {  	_ =	shalt  }
0x69: {  	_ =	shalt  }
0x6a: {  	_ =	shalt  }
0x6b: {  	_ =	shalt  }
0x6c: {  	_ =	shalt  }
0x6d: {  	_ =	shalt  }
0x6e: {  	_ =	shalt  }
0x6f: {  	_ =	shalt  }
0x70: {  	_ =	shalt  }
0x71: {  	_ =	shalt  }
0x72: {  	_ =	shalt  }
0x73: {  	_ =	shalt  }
0x74: {  	_ =	shalt  }
0x75: {  	_ =	shalt  }
0x76: {  	_ =	shalt  }
0x77: {  	_ =	shalt  }
0x78: {  	_ =	shalt  }
0x79: {  	_ =	shalt  }
0x7a: {  	_ =	shalt  }
0x7b: {  	_ =	shalt  }
0x7c: {  	_ =	shalt  }
0x7d: {  	_ =	shalt  }
0x7e: {  	_ =	shalt  }
0x7f: {  	_ =	shalt  }
0x80: {  	_ =	shalt  }
0x81: {  	_ =	shalt  }
0x82: {  	_ =	shalt  }
0x83: {  	_ =	shalt  }
0x84: {  	_ =	shalt  }
0x85: {  	_ =	shalt  }
0x86: {  	_ =	shalt  }
0x87: {  	_ =	shalt  }
.Lfunc_end0:
.L_simem_size_0:
called_computation.1_lowered:
.L_overlay_start_0:
0x88: {  	s2 =	sld [smem:$0x3FD9]  }
0x89: {  	s3 =	sld [smem:$0x3FFE];
	_ =	sdelay $0x1  }
0x8a: {  	s1 =	srdreg.scid  }
0x8b: {  	s0 =	sand.u32 $0x1, s1  }
0x8c: {  	s17 =	sshll.u32 s0, $0xA;
	s2 =	sadd.s32 s3, s2  }
0x8d: {  	s2 =	sadd.s32 s2, s17  }
0x8e: {  	[smem:$0x3FB0] =	sst s2  }
0x8f: {  	_ = 	snop  }
0x90: {  	s2 =	sld [smem:$0x3FC8];
	(tm) =	ssettm $0x1  }
0x91: {  	s18 =	sld [smem:$0x3FFB];
	_ =	sdelay $0x3  }
0x92: {  	_ =	strace s18  }
0x93: {  	s3 =	sld [smem:$0x3FFC];
	_ =	sdelay $0x3  }
0x94: {  	_ =	strace s3  }
0x95: {  	s3 =	sld [smem:$0x3FFD];
	_ =	sdelay $0x3  }
0x96: {  	_ =	strace s3  }
0x97: {  	_ =	strace $0x8FFFFFFF  }
0x98: {  	s19 =	sld [smem:$0x3FDB];
	_ =	sdelay $0x1  }
0x99: {  	s4 =	simm.s32 $_scs_section_size  }
0x9a: {  	s5 =	simm.s32 $_size__tile_overlayer_lowered;
	s6 =	simm.s32 $_tile_overlayer_lowered  }
0x9b: {  	s22 =	simm.s32 $0x1BFF;
	s21 =	sshll.u32 s6, $0x1;
	s3 =	sadd.s32 s4, s19  }
0x9c: {  	s7 =	simm.s32 $0x0;
	s20 =	sshll.u32 s5, $0x1;
	s5 =	sadd.s32 s21, s3  }
0x9d: {  	[timem:s7], [sflag:s22] =	dma.local [hbm:s5], s20  }
0x9e: {  	_ =	swait.ge [sflag:s22], s20  }
0x9f: {  	s4 =	ssub.s32 $0x0, s20;
	[sflag:s22] =	ssyncset.done $0x0  }
0xa0: {  	[sflag:s22] =	ssyncadd.s32 s4;
	_ =	sdelay $0x1  }
0xa1: {  	s23 =	simm.s32 $0x1B8B  }
0xa2: {  	_ =	swait.ge [sflag:s23], $0x1  }
0xa3: {  	[sflag:s23] =	ssyncset.done $0x0  }
0xa4: {  	s25 =	simm.s32 $0x1B8E;
	s24 =	sld [smem:$0x3FFE];
	[sflag:s23] =	ssyncadd.s32 $0xFFFFFFFF  }
0xa5: {  	s26 =	simm.s32 $execute0_lowered;
	[smem:$0x3FD2] =	sst s25  }
0xa6: {  	s5 =	sshll.u32 s26, $0x1;
	_ =	strace $0x80000049;
	[dreg:$0x1] =	wrdreg $0xFFFFFFFF  }
0xa7: {  	s28 =	simm.s32 $_size_execute0_lowered;
	s3 =	sadd.s32 s3, s5;
	[dreg:$0x0] =	wrdreg $0x0  }
0xa8: {  	s5 =	sshll.u32 s28, $0x1;
	[dreg:$0x2] =	wrdreg s3  }
0xa9: {  	[dreg:$0x3] =	wrdreg s5  }
0xaa: {  	[dreg:$0x4] =	wrdreg $0xC0  }
0xab: {  	_ =	task [dreg:s7], $0x5FFFF  }
0xac: {  	[dreg:$0x1] =	wrdreg $0xFFFFFFFF  }
0xad: {  	[dreg:$0x0] =	wrdreg $0x60  }
0xae: {  	[dreg:$0x2] =	wrdreg s24  }
0xaf: {  	[dreg:$0x3] =	wrdreg s2  }
0xb0: {  	[dreg:$0x4] =	wrdreg $0x9  }
0xb1: {  	_ =	task.clear_ibuf [dreg:s7], $0x5FFFF;
	_ =	strace $0x90000049  }
0xb2: {  	s29 =	simm.s32 $0x9;
	_ =	strace $0x8000004B  }
0xb3: {  	_ =	swait.ge [sflag:s29], $0x1  }
0xb4: {  	[sflag:s29] =	ssyncadd.s32 $0xFFFFFFFF  }
0xb5: {  	_ =	strace $0x9000004B  }
0xb6: {  	_ =	sfence  }
0xb7: {  	s30 =	sld [smem:$0x0];
	_ =	sdelay $0x2  }
0xb8: {  	s31 =	sshll.u32 s1, $0xD;
	s1 =	sshrl.u32 s1, $0x2  }
0xb9: {  	s3 =	sand.u32 $0x4000, s31;
	s1 =	sadd.s32 s1, s30  }
0xba: {  	s0 =	sor.u32 s3, s0;
	s1 =	sshll.u32 s1, $0x11  }
0xbb: {  	s0 =	sor.u32 s1, s0  }
0xbc: {  	s0 =	sadd.s32 $0x8F2B, s0  }
0xbd: {  	[sflag:s0] =	ssyncadd.remote.s32 $0x1  }
0xbe: {  	_ =	sfence.sel $0xFFFF  }
0xbf: {  	[dreg:$0x0] =	wrdreg $0xFFFFFFFF;
	(pc) =	sbr.abs _section_cstart, $3  }
0xc0: {  	[dreg:$0x1] =	wrdreg $0xFFFFFFFF  }
0xc1: {  	_ =	task.clear_ibuf [dreg:s7], $0x2FFFF;
	_ =	strace $0x9FFFFFFF  }
0xc2: {  	(tm) =	ssettm $0x7FFFFFFF  }
0xc3: {  	_ =	shalt  }
tec
execute0_lowered:
.L_overlay_start_1:
0x0: {  	(tag) =	ssettag $0x1  }
0x1: {  	s2 =	simm.s32 $0x0  }
0x2: {  	[smem:$0x7FF] =	sst s2  }
0x3: {  	s0 =	rddreg [dreg:$0x0];
	v0 =	vimm.s32 $0x80000000;
	_ =	strace $0x8000004A  }
0x4: {  	(xrf0) =	vmin.scan.msk.u32 $0xffff, v0;
	_ =	sdelay $0x5  }
0x5: {  	v0, _, _ =	vpop (xrf0)  }
0x6: {  	(v2sf) =	vpush v0, $0xF;
	_ =	sdelay $0x2  }
0x7: {  	s1 =	srdreg.scid;
	s3 =	stileid.u32  }
0x8: {  	s13 =	simm.s32 $0x2800;
	s16 =	simm.s32 $0x1;
	s17 =	simm.s32 $0xA8C0  }
0x9: {  	s21 =	simm.s32 $0x140;
	s23 =	simm.s32 $0xA500;
	s25 =	simm.s32 $0xA640  }
0xa: {  	s28 =	simm.s32 $0xA780;
	s1 =	sand.u32 $0x1, s1;
	s3 =	sshll.u32 s3, $0x1  }
0xb: {  	s29 =	simm.s32 $0xBCC0;
	s30 =	simm.s32 $0xD0C0;
	s3 =	sor.u32 s1, s3  }
0xc: {  	s31 =	simm.s32 $0x2;
	s5 =	sadd.s32 $0x4600, s0;
	s4 =	smul.u32 $0x78, s3  }
0xd: {  	s6 =	sadd.s32 $0x40000, s0;
	s1 =	ssub.s32 $0x2, s1;
	s7 =	smul.u32 $0x1400, s3  }
0xe: {  	s9 =	sshrl.u32 s1, $0x1;
	s8 =	sadd.s32 s4, s0;
	s4 =	smul.u32 $0x140, s3  }
0xf: {  	v3 =	vimm.s32 $0x63052741;
	s1 =	ssub.s32 s1, s9;
	s10 =	sadd.s32 s7, s0;
	s3 =	smul.u32 $0x280, s3  }
0x10: {  	v1 =	vimm.s32 $0x52741630;
	v4 =	vunpack.c.l.s4.s8 v3;
	v3 =	vimm.s32 $0x74163052;
	s12 =	smax.u32 s1, $0x1;
	s1 =	simm.s32 $0xA000;
	s8 =	sadd.s32 $0x22000, s8  }
0x11: {  	v2 =	vunpack.c.l.s4.s8 v1;
	v6 =	vunpack.c.l.s4.s8 v3;
	s10 =	sadd.s32 $0x45600, s10;
	s26 =	sshrl.u32 s4, $0x3;
	s9 =	sadd.s32 s6, s3;
	v0 =	vlaneseq.u32  }
0x12: {  	v7 =	vimm.f32 $0.0e+00;
	s3 =	simm.s32 $0x3;
	s0 =	sadd.s32 s26, s0;
	s26 =	simm.s32 $0xA3C0;
	v1 =	vmul.u32 $0x3, v0  }
0x13: {  	v2 =	vunpack.c.0.s8.s32 v2;
	v4 =	vunpack.c.0.s8.s32 v4;
	v6 =	vunpack.c.0.s8.s32 v6;
	s7 =	sadd.s32 $0x18000, s0;
	s11 =	sadd.s32 $0x45000, s0;
	s14 =	spop (v2sf)  }
0x14: {  	s0 =	simm.s32 $0xE4C0;
	v8 =	vmul.u32 $0x80, v0;
	v3 =	vadd.s32 $0x1, v1;
	v5 =	vadd.s32 $0x2, v1;
	p0 =	sgt.u32 s14, $0x80000002;
	s14 =	simm.s32 $0x0  }
.LBB2_1:
0x15: {  	[tilespmem:s2], [sflag:$0x1] =	stream.strided.gather [hbm4b:s7+s21], $0x2800, s13, s21, $0x38;
	[tilespmem:$0x1FCC0] =	vst v63  }
0x16: {  	s15 =	simm.s32 $0x3C0;
	s18 =	simm.s32 $0x7800  }
0x17: {  	[tilespmem:s13], [sflag:$0x1] =	stream.strided.gather [hbm4b:s8+s15], $0x7800, s18, s15, $0x38;
	[tilespmem:$0x1FCC0] =	vst v63  }
0x18: {  	_ =	swait.ge [sflag:s16], $0x2800  }
.Ltmp0:
0x19: {  	[sflag:s16] =	ssyncset.done $0x0;
	(pc) =	sbr.rel .LBB2_2-.Ltmp0, $4  }
0x1a: {  	[sflag:s16] =	ssyncadd.s32 $0xFFFFD800  }
0x1b: {  	_ =	swait.ge [sflag:s16], $0x7800  }
0x1c: {  	[sflag:s16] =	ssyncset.done $0x0  }
0x1d: {  	s22 =	simm.s32 $0x140;
	s18 =	simm.s32 $0x0;
	[sflag:s16] =	ssyncadd.s32 $0xFFFF8800  }
.LBB2_5:
0x1e: {  	v9 =	vpsel p1, v12, v12  }
0x1f: {  	v12 =	vpsel p1, v13, v13;
	v11 =	vpsel p1, v15, v15;
	v10 =	vpsel p1, v14, v14  }
.LBB2_6:
0x20: {  	s18 =	sadd.s32 $0x1, s18  }
0x21: {  	s15 =	sadd.s32 s4, s19;
	p1 =	sne.s32 s18, $0x14  }
.Ltmp1:
0x22: {  	vm0 =	vgt.s32 v9, $0x0;
	v13 =	vor.u32 s15, v0;
	(pc) =	sbr.rel @!p1 .LBB2_7-.Ltmp1, $4  }
0x23: {  	vm14 =	vgt.s32 v9, $0x1;
	[tilespmem:s19+$0xA000] =	vst v9;
	v12 =	vsel vm0, v12, v13  }
0x24: {  	vm15 =	vgt.s32 v9, $0x2;
	v11 =	vsel vm14, v11, v13;
	[tilespmem:s19+$0xA140] =	vst v12  }
0x25: {  	v10 =	vsel vm15, v10, v13;
	[tilespmem:s19+$0xA280] =	vst v11  }
0x26: {  	s22 =	sadd.s32 $0x10, s22;
	[tilespmem:s19+$0xA3C0] =	vst v10  }
.LBB2_2:
.Ltmp2:
0x27: {  	(pc) =	sbr.rel @p0 .LBB2_6-.Ltmp2, $3  }
0x28: {  	_ =	sdelay $0x1  }
0x29: {  	v9 =	vimm.s32 $0x0  }
0x2a: {  	s19 =	sshll.u32 s18, $0x4;
	v12 =	vimm.s32 $0x0;
	v11 =	vimm.s32 $0x0;
	v10 =	vimm.s32 $0x0  }
0x2b: {  	v9 =	vmov s19  }
0x2c: {  	v9 =	vmul.u32 $0x3, v9;
	_ =	sdelay $0x1  }
0x2d: {  	v9 =	vbroadcast v9, $0x0  }
0x2e: {  	v14 =	vimm.s32 $0x0  }
0x2f: {  	v15 =	vimm.s32 $0x0;
	v13 =	vimm.s32 $0x0;
	v10 =	vadd.s32 v1, v9  }
0x30: {  	v11 =	vadd.s32 v3, v9;
	v12 =	vadd.s32 v5, v9;
	v10 =	vand.u32 $0xFFFFFFF8, v10  }
0x31: {  	v9 =	vor.u32 v2, v10;
	v10 =	vand.u32 $0xFFFFFFF8, v11;
	v11 =	vand.u32 $0xFFFFFFF8, v12  }
0x32: {  	s20 =	simm.s32 $0x0;
	s15 =	smov.u32 s22;
	v12 =	vimm.s32 $0x0;
	v10 =	vor.u32 v4, v10;
	v11 =	vor.u32 v6, v11  }
.LBB2_4:
0x33: {  	v16 =	vld [tilespmem:s15+$0xFFFFFEC0];
	_ =	sdelay $0x2  }
0x34: {  	v17 =	vld [tilespmem:s15+$0x0];
	_ =	sdelay $0x1  }
0x35: {  	vm0 =	vlt.s32 v16, $0x3  }
0x36: {  	v18 =	vnsel vm0, $0x3, v16  }
0x37: {  	v18 =	vadd.s32 v12, v18  }
0x38: {  	vm1 =	vlt.s32 v17, $0x3;
	vm12 =	vlt.s32 v18, $0x3  }
0x39: {  	v20 =	vnsel vm1, $0x3, v17;
	v19 =	vnsel vm12, $0x3, v18  }
0x3a: {  	v19 =	vadd.s32 v19, v20  }
0x3b: {  	vm13 =	veq.s32 v12, $0x0;
	vm3 =	vlt.s32 v19, $0x3  }
0x3c: {  	vm14 =	veq.s32 v12, $0x1;
	vm2 =	veq.s32 v12, $0x2;
	v12 =	vnsel vm3, $0x3, v19  }
0x3d: {  	v19 =	vxor.u32 $0x80000000, v12  }
0x3e: {  	(xrf0) =	vmin.scan.msk.u32 $0xffff, v19;
	_ =	sdelay $0x5  }
0x3f: {  	v21, _, _ =	vpop (xrf0)  }
0x40: {  	(v2sf) =	vpush v21, $0xF;
	_ =	sdelay $0x1  }
0x41: {  	v59 =	vmov s20  }
0x42: {  	v19 =	vmul.u32 $0x3C0, v59  }
0x43: {  	s24 =	sadd.s32 $0x1, s20  }
0x44: {  	v22 =	vmov s24;
	v19 =	vbroadcast v19, $0x0  }
0x45: {  	v22 =	vmul.u32 $0x3C0, v22  }
0x46: {  	v60 =	vadd.s32 v9, v19  }
0x47: {  	v22 =	vbroadcast v22, $0x0;
	v61 =	vadd.s32 v10, v19  }
0x48: {  	v19 =	vadd.s32 v11, v19  }
0x49: {  	v23 =	vadd.s32 v9, v22  }
0x4a: {  	vm15 =	vgt.s32 v16, $0x0;
	v24 =	vadd.s32 v10, v22  }
0x4b: {  	vm4 =	vgt.s32 v16, $0x1;
	vm6 =	vgt.s32 v16, $0x2;
	v22 =	vadd.s32 v11, v22;
	v20 =	vld.idx.msk [tilespmem:v60+s13+$0x0], $0xffff  }
0x4c: {  	vm10 =	vgt.s32 v17, $0x0;
	vm5 =	vmand vm14, vm15;
	vm2 =	vmand vm2, vm15;
	v21 =	vld.idx.msk [tilespmem:v61+s13+$0x0], $0xffff  }
0x4d: {  	vm7 =	vmand vm13, vm15;
	vm1 =	vmand vm14, vm4;
	vm8 =	vmand vm13, vm4;
	v19 =	vld.idx.msk [tilespmem:v19+s13+$0x0], $0xffff  }
0x4e: {  	p1 =	sgt.u32 s20, $0x1D;
	vm0 =	vmand vm13, vm6;
	vm13 =	vgt.s32 v17, $0x1;
	vm11 =	veq.s32 v18, $0x2;
	v16 =	vld.idx.msk [tilespmem:v23+s13+$0x0], $0xffff;
	s24 =	spop (v2sf)  }
0x4f: {  	vm15 =	vgt.s32 v17, $0x2;
	vm9 =	veq.s32 v18, $0x1;
	v62 =	vld.idx.msk [tilespmem:v24+s13+$0x0], $0xffff;
	vm3 =	vmand vm11, vm10;
	p2 =	slt.u32 @!p1 s24, $0x80000003  }
0x50: {  	v63 =	vld.idx.msk [tilespmem:v22+s13+$0x0], $0xffff;
	v15 =	vsel vm5, v20, v15;
	v14 =	vsel vm2, v20, v14;
	v13 =	vsel vm7, v20, v13;
	p2 =	por p1, !p2  }
.Ltmp3:
0x51: {  	vm2 =	vmand vm9, vm10;
	v14 =	vsel vm1, v21, v14;
	v15 =	vsel vm8, v21, v15;
	(pc) =	sbr.rel @!p2 .LBB2_4-.Ltmp3, $4  }
0x52: {  	vm1 =	vmand vm9, vm13;
	v14 =	vsel vm0, v19, v14;
	vm0 =	veq.s32 v18, $0x0  }
0x53: {  	v15 =	vsel vm2, v16, v15;
	vm12 =	vmand vm0, vm10;
	v14 =	vsel vm3, v16, v14  }
0x54: {  	vm14 =	vmand vm0, vm13;
	vm0 =	vmand vm0, vm15;
	v14 =	vsel vm1, v62, v14  }
0x55: {  	s15 =	sadd.s32 $0x280, s15;
	s20 =	sadd.s32 $0x2, s20;
	v13 =	vsel vm12, v16, v13;
	v15 =	vsel vm14, v62, v15;
	v14 =	vsel vm0, v63, v14  }
.Ltmp4:
0x56: {  	_ = 	snop;
	(pc) =	sbr.rel .LBB2_5-.Ltmp4, $1  }
0x57: {  	_ =	sdelay $0x3  }
.LBB2_7:
0x58: {  	s15 =	simm.s32 $0x0  }
0x59: {  	[tilespmem:s17], [sflag:$0x1] =	stream.linear.gather [hbm4b:s9+s15], $0x1400, $0x38;
	[tilespmem:$0x1FCC0] =	vst v63  }
0x5a: {  	s15 =	simm.s32 $0x0  }
0x5b: {  	v9 =	vld [tilespmem:s15+$0xA140];
	_ =	sdelay $0x4  }
0x5c: {  	v10 =	vshll.u32 v9, $0x3  }
0x5d: {  	v9 =	vand.u32 $0x7F, v9;
	v10 =	vand.u32 $0xFFFFFC00, v10  }
0x5e: {  	v17 =	vor.u32 v9, v10  }
0x5f: {  	[tilespmem:s15+$0x184C0] =	vst v17;
	v9 =	vadd.s32 $0x271380, v17  }
0x60: {  	v10 =	vadd.s32 $0x271300, v17;
	[tilespmem:s15+$0x19780] =	vst v9  }
0x61: {  	v11 =	vadd.s32 $0x271280, v17;
	[tilespmem:s15+$0x19640] =	vst v10  }
0x62: {  	v12 =	vadd.s32 $0x271200, v17;
	v15 =	vor.u32 $0x280, v17;
	v13 =	vadd.s32 $0x271180, v17;
	[tilespmem:s15+$0x19500] =	vst v11  }
0x63: {  	v14 =	vor.u32 $0x300, v17;
	v18 =	vadd.s32 $0x271100, v17;
	v16 =	vor.u32 $0x380, v17;
	[tilespmem:s15+$0x193C0] =	vst v12  }
0x64: {  	v10 =	vor.u32 $0x80, v17;
	v9 =	vadd.s32 $0x271000, v17;
	v11 =	vor.u32 $0x100, v17;
	[tilespmem:s15+$0x19280] =	vst v13  }
0x65: {  	s19 =	simm.s32 $0x40;
	s18 =	simm.s32 $0x0;
	v12 =	vor.u32 $0x180, v17;
	v13 =	vor.u32 $0x200, v17;
	v17 =	vadd.s32 $0x271080, v17;
	[tilespmem:s15+$0x19140] =	vst v18  }
.LBB2_8:
0x66: {  	s20 =	sshra.s32 s19, $0x2;
	p1 =	sne.s32 s19, $0x4C0;
	s19 =	sadd.s32 $0x40, s19;
	[tilespmem:s18+$0x19000] =	vst v17  }
0x67: {  	v17 =	vld [tilespmem:s20+$0xA140];
	[tilespmem:s18+$0x18B00] =	vst v15  }
0x68: {  	[tilespmem:s18+$0x18D80] =	vst v16  }
0x69: {  	[tilespmem:s18+$0x18600] =	vst v10  }
0x6a: {  	[tilespmem:s18+$0x18740] =	vst v11  }
0x6b: {  	[tilespmem:s18+$0x18C40] =	vst v14  }
0x6c: {  	v10 =	vshll.u32 v17, $0x3;
	v11 =	vand.u32 $0x7F, v17;
	[tilespmem:s18+$0x18880] =	vst v12  }
0x6d: {  	v10 =	vand.u32 $0xFFFFFC00, v10;
	[tilespmem:s18+$0x18EC0] =	vst v9  }
0x6e: {  	v18 =	vor.u32 v11, v10;
	[tilespmem:s18+$0x189C0] =	vst v13;
	s18 =	smov.u32 s20  }
0x6f: {  	[tilespmem:s18+$0x184C0] =	vst v18;
	v10 =	vor.u32 $0x80, v18;
	v9 =	vadd.s32 $0x271000, v18;
	v12 =	vadd.s32 $0x271380, v18  }
0x70: {  	v11 =	vor.u32 $0x100, v18;
	v15 =	vor.u32 $0x280, v18;
	v13 =	vadd.s32 $0x271300, v18;
	[tilespmem:s18+$0x19780] =	vst v12  }
.Ltmp5:
0x71: {  	v14 =	vor.u32 $0x300, v18;
	v17 =	vadd.s32 $0x271280, v18;
	v12 =	vor.u32 $0x180, v18;
	[tilespmem:s18+$0x19640] =	vst v13;
	(pc) =	sbr.rel @p1 .LBB2_8-.Ltmp5, $4  }
0x72: {  	v16 =	vor.u32 $0x380, v18;
	v19 =	vadd.s32 $0x271200, v18;
	v13 =	vor.u32 $0x200, v18;
	[tilespmem:s18+$0x19500] =	vst v17  }
0x73: {  	v20 =	vadd.s32 $0x271180, v18;
	v17 =	vadd.s32 $0x271080, v18;
	[tilespmem:s18+$0x193C0] =	vst v19  }
0x74: {  	v18 =	vadd.s32 $0x271100, v18;
	[tilespmem:s18+$0x19280] =	vst v20  }
0x75: {  	[tilespmem:s18+$0x19140] =	vst v18  }
0x76: {  	[tilespmem:s18+$0x19000] =	vst v17  }
0x77: {  	[tilespmem:s18+$0x18B00] =	vst v15  }
0x78: {  	[tilespmem:s18+$0x18D80] =	vst v16  }
0x79: {  	[tilespmem:s18+$0x18600] =	vst v10  }
0x7a: {  	[tilespmem:s18+$0x18740] =	vst v11  }
0x7b: {  	[tilespmem:s18+$0x18C40] =	vst v14  }
0x7c: {  	[tilespmem:s18+$0x18880] =	vst v12  }
0x7d: {  	[tilespmem:s18+$0x18EC0] =	vst v9  }
0x7e: {  	[tilespmem:s18+$0x189C0] =	vst v13  }
0x7f: {  	v9 =	vld [tilespmem:s15+$0xA280];
	_ =	sdelay $0x4  }
0x80: {  	v10 =	vshll.u32 v9, $0x3  }
0x81: {  	v9 =	vand.u32 $0x7F, v9;
	v10 =	vand.u32 $0xFFFFFC00, v10  }
0x82: {  	v17 =	vor.u32 v9, v10  }
0x83: {  	[tilespmem:s15+$0x198C0] =	vst v17;
	v9 =	vadd.s32 $0x271380, v17  }
0x84: {  	v10 =	vadd.s32 $0x271300, v17;
	[tilespmem:s15+$0x1AB80] =	vst v9  }
0x85: {  	v11 =	vadd.s32 $0x271280, v17;
	[tilespmem:s15+$0x1AA40] =	vst v10  }
0x86: {  	v12 =	vadd.s32 $0x271200, v17;
	v15 =	vor.u32 $0x280, v17;
	v13 =	vadd.s32 $0x271180, v17;
	[tilespmem:s15+$0x1A900] =	vst v11  }
0x87: {  	v14 =	vor.u32 $0x300, v17;
	v18 =	vadd.s32 $0x271100, v17;
	v16 =	vor.u32 $0x380, v17;
	[tilespmem:s15+$0x1A7C0] =	vst v12  }
0x88: {  	v10 =	vor.u32 $0x80, v17;
	v9 =	vadd.s32 $0x271000, v17;
	v11 =	vor.u32 $0x100, v17;
	[tilespmem:s15+$0x1A680] =	vst v13  }
0x89: {  	s18 =	simm.s32 $0x40;
	v12 =	vor.u32 $0x180, v17;
	v13 =	vor.u32 $0x200, v17;
	v17 =	vadd.s32 $0x271080, v17;
	[tilespmem:s15+$0x1A540] =	vst v18  }
.LBB2_10:
0x8a: {  	s19 =	sshra.s32 s18, $0x2;
	p1 =	sne.s32 s18, $0x4C0;
	s18 =	sadd.s32 $0x40, s18;
	[tilespmem:s15+$0x1A400] =	vst v17  }
0x8b: {  	v17 =	vld [tilespmem:s19+$0xA280];
	[tilespmem:s15+$0x19F00] =	vst v15  }
0x8c: {  	[tilespmem:s15+$0x1A180] =	vst v16  }
0x8d: {  	[tilespmem:s15+$0x19A00] =	vst v10  }
0x8e: {  	[tilespmem:s15+$0x19B40] =	vst v11  }
0x8f: {  	[tilespmem:s15+$0x1A040] =	vst v14  }
0x90: {  	v10 =	vshll.u32 v17, $0x3;
	v11 =	vand.u32 $0x7F, v17;
	[tilespmem:s15+$0x19C80] =	vst v12  }
0x91: {  	v10 =	vand.u32 $0xFFFFFC00, v10;
	[tilespmem:s15+$0x1A2C0] =	vst v9  }
0x92: {  	v18 =	vor.u32 v11, v10;
	[tilespmem:s15+$0x19DC0] =	vst v13;
	s15 =	smov.u32 s19  }
0x93: {  	[tilespmem:s15+$0x198C0] =	vst v18;
	v10 =	vor.u32 $0x80, v18;
	v9 =	vadd.s32 $0x271000, v18;
	v12 =	vadd.s32 $0x271380, v18  }
0x94: {  	v11 =	vor.u32 $0x100, v18;
	v15 =	vor.u32 $0x280, v18;
	v13 =	vadd.s32 $0x271300, v18;
	[tilespmem:s15+$0x1AB80] =	vst v12  }
.Ltmp6:
0x95: {  	v14 =	vor.u32 $0x300, v18;
	v17 =	vadd.s32 $0x271280, v18;
	v12 =	vor.u32 $0x180, v18;
	[tilespmem:s15+$0x1AA40] =	vst v13;
	(pc) =	sbr.rel @p1 .LBB2_10-.Ltmp6, $4  }
0x96: {  	v16 =	vor.u32 $0x380, v18;
	v19 =	vadd.s32 $0x271200, v18;
	v13 =	vor.u32 $0x200, v18;
	[tilespmem:s15+$0x1A900] =	vst v17  }
0x97: {  	v20 =	vadd.s32 $0x271180, v18;
	v17 =	vadd.s32 $0x271080, v18;
	[tilespmem:s15+$0x1A7C0] =	vst v19  }
0x98: {  	v18 =	vadd.s32 $0x271100, v18;
	[tilespmem:s15+$0x1A680] =	vst v20  }
0x99: {  	[tilespmem:s15+$0x1A540] =	vst v18  }
0x9a: {  	[tilespmem:s15+$0x1A400] =	vst v17  }
0x9b: {  	[tilespmem:s15+$0x19F00] =	vst v15  }
0x9c: {  	[tilespmem:s15+$0x1A180] =	vst v16  }
0x9d: {  	[tilespmem:s15+$0x19A00] =	vst v10  }
0x9e: {  	[tilespmem:s15+$0x19B40] =	vst v11  }
0x9f: {  	[tilespmem:s15+$0x1A040] =	vst v14  }
0xa0: {  	[tilespmem:s15+$0x19C80] =	vst v12  }
0xa1: {  	[tilespmem:s15+$0x1A2C0] =	vst v9  }
0xa2: {  	[tilespmem:s15+$0x19DC0] =	vst v13;
	s15 =	simm.s32 $0x0  }
0xa3: {  	v9 =	vld [tilespmem:s15+$0xA3C0];
	_ =	sdelay $0x4  }
0xa4: {  	v10 =	vshll.u32 v9, $0x3  }
0xa5: {  	v9 =	vand.u32 $0x7F, v9;
	v10 =	vand.u32 $0xFFFFFC00, v10  }
0xa6: {  	v17 =	vor.u32 v9, v10  }
0xa7: {  	[tilespmem:s15+$0x1ACC0] =	vst v17;
	v9 =	vadd.s32 $0x271380, v17  }
0xa8: {  	v10 =	vadd.s32 $0x271300, v17;
	[tilespmem:s15+$0x1BF80] =	vst v9  }
0xa9: {  	v11 =	vadd.s32 $0x271280, v17;
	[tilespmem:s15+$0x1BE40] =	vst v10  }
0xaa: {  	v12 =	vadd.s32 $0x271200, v17;
	v15 =	vor.u32 $0x280, v17;
	v13 =	vadd.s32 $0x271180, v17;
	[tilespmem:s15+$0x1BD00] =	vst v11  }
0xab: {  	v14 =	vor.u32 $0x300, v17;
	v18 =	vadd.s32 $0x271100, v17;
	v16 =	vor.u32 $0x380, v17;
	[tilespmem:s15+$0x1BBC0] =	vst v12  }
0xac: {  	v10 =	vor.u32 $0x80, v17;
	v9 =	vadd.s32 $0x271000, v17;
	v11 =	vor.u32 $0x100, v17;
	[tilespmem:s15+$0x1BA80] =	vst v13  }
0xad: {  	s18 =	simm.s32 $0x40;
	v12 =	vor.u32 $0x180, v17;
	v13 =	vor.u32 $0x200, v17;
	v17 =	vadd.s32 $0x271080, v17;
	[tilespmem:s15+$0x1B940] =	vst v18  }
.LBB2_12:
0xae: {  	s19 =	sshra.s32 s18, $0x2;
	p1 =	sne.s32 s18, $0x4C0;
	s18 =	sadd.s32 $0x40, s18;
	[tilespmem:s15+$0x1B800] =	vst v17  }
0xaf: {  	v17 =	vld [tilespmem:s19+$0xA3C0];
	[tilespmem:s15+$0x1B300] =	vst v15  }
0xb0: {  	[tilespmem:s15+$0x1B580] =	vst v16  }
0xb1: {  	[tilespmem:s15+$0x1AE00] =	vst v10  }
0xb2: {  	[tilespmem:s15+$0x1AF40] =	vst v11  }
0xb3: {  	[tilespmem:s15+$0x1B440] =	vst v14  }
0xb4: {  	v10 =	vshll.u32 v17, $0x3;
	v11 =	vand.u32 $0x7F, v17;
	[tilespmem:s15+$0x1B080] =	vst v12  }
0xb5: {  	v10 =	vand.u32 $0xFFFFFC00, v10;
	[tilespmem:s15+$0x1B6C0] =	vst v9  }
0xb6: {  	v18 =	vor.u32 v11, v10;
	[tilespmem:s15+$0x1B1C0] =	vst v13;
	s15 =	smov.u32 s19  }
0xb7: {  	[tilespmem:s15+$0x1ACC0] =	vst v18;
	v10 =	vor.u32 $0x80, v18;
	v9 =	vadd.s32 $0x271000, v18;
	v12 =	vadd.s32 $0x271380, v18  }
0xb8: {  	v11 =	vor.u32 $0x100, v18;
	v15 =	vor.u32 $0x280, v18;
	v13 =	vadd.s32 $0x271300, v18;
	[tilespmem:s15+$0x1BF80] =	vst v12  }
.Ltmp7:
0xb9: {  	v14 =	vor.u32 $0x300, v18;
	v17 =	vadd.s32 $0x271280, v18;
	v12 =	vor.u32 $0x180, v18;
	[tilespmem:s15+$0x1BE40] =	vst v13;
	(pc) =	sbr.rel @p1 .LBB2_12-.Ltmp7, $4  }
0xba: {  	v16 =	vor.u32 $0x380, v18;
	v19 =	vadd.s32 $0x271200, v18;
	v13 =	vor.u32 $0x200, v18;
	[tilespmem:s15+$0x1BD00] =	vst v17  }
0xbb: {  	v20 =	vadd.s32 $0x271180, v18;
	v17 =	vadd.s32 $0x271080, v18;
	[tilespmem:s15+$0x1BBC0] =	vst v19  }
0xbc: {  	v18 =	vadd.s32 $0x271100, v18;
	[tilespmem:s15+$0x1BA80] =	vst v20  }
0xbd: {  	[tilespmem:s15+$0x1B940] =	vst v18  }
0xbe: {  	[tilespmem:s15+$0x1B800] =	vst v17  }
0xbf: {  	[tilespmem:s15+$0x1B300] =	vst v15  }
0xc0: {  	[tilespmem:s15+$0x1B580] =	vst v16  }
0xc1: {  	[tilespmem:s15+$0x1AE00] =	vst v10  }
0xc2: {  	[tilespmem:s15+$0x1AF40] =	vst v11  }
0xc3: {  	[tilespmem:s15+$0x1B440] =	vst v14  }
0xc4: {  	[tilespmem:s15+$0x1B080] =	vst v12  }
0xc5: {  	[tilespmem:s15+$0x1B6C0] =	vst v9;
	s24 =	rddreg [dreg:$0x1]  }
0xc6: {  	[tilespmem:s15+$0x1B1C0] =	vst v13;
	s18 =	simm.s32 $0x3C00;
	s19 =	simm.s32 $0x184C0;
	s20 =	simm.s32 $0x1C0C0  }
0xc7: {  	[tilespmem:s20], [sflag:$0x2] =	stream.indirect.gather [hbm4b:s24+s18], $0x1, s19, s18, $0xb8;
	[tilespmem:$0x1FCC0] =	vst v63  }
0xc8: {  	s15 =	simm.s32 $0x0;
	s18 =	simm.s32 $0x40  }
.LBB2_14:
0xc9: {  	p1 =	sne.s32 s18, $0x4C0;
	v9 =	vld [tilespmem:s15+$0xA140];
	_ =	sdelay $0x4  }
.Ltmp8:
0xca: {  	v10 =	vshll.u32 v9, $0x1;
	(pc) =	sbr.rel @p1 .LBB2_14-.Ltmp8, $4  }
0xcb: {  	v9 =	vand.u32 $0x7F, v9;
	v10 =	vand.u32 $0xFFFFFF00, v10  }
0xcc: {  	v9 =	vor.u32 v10, v9  }
0xcd: {  	v9 =	vor.u32 $0x80, v9  }
0xce: {  	[tilespmem:s15+$0xA140] =	vst v9;
	s15 =	sshra.s32 s18, $0x2;
	s18 =	sadd.s32 $0x40, s18  }
0xcf: {  	v9 =	vld [tilespmem:s15+$0xA140];
	_ =	sdelay $0x4  }
0xd0: {  	v10 =	vshll.u32 v9, $0x1  }
0xd1: {  	v9 =	vand.u32 $0x7F, v9;
	v10 =	vand.u32 $0xFFFFFF00, v10  }
0xd2: {  	v9 =	vor.u32 v10, v9  }
0xd3: {  	v9 =	vor.u32 $0x80, v9  }
0xd4: {  	s24 =	simm.s32 $0xA140;
	s18 =	simm.s32 $0x40;
	[tilespmem:s15+$0xA140] =	vst v9;
	s15 =	simm.s32 $0x0  }
0xd5: {  	[tilespmem:s23], [sflag:$0x1] =	stream.indirect.gather [hbm4b:s5+s21], $0x1, s24, s21, $0xb8;
	[tilespmem:$0x1FCC0] =	vst v63  }
.LBB2_16:
0xd6: {  	p1 =	sne.s32 s18, $0x4C0;
	v9 =	vld [tilespmem:s15+$0xA280];
	_ =	sdelay $0x4  }
.Ltmp9:
0xd7: {  	v10 =	vshll.u32 v9, $0x1;
	(pc) =	sbr.rel @p1 .LBB2_16-.Ltmp9, $4  }
0xd8: {  	v9 =	vand.u32 $0x7F, v9;
	v10 =	vand.u32 $0xFFFFFF00, v10  }
0xd9: {  	v9 =	vor.u32 v10, v9  }
0xda: {  	v9 =	vor.u32 $0x80, v9  }
0xdb: {  	[tilespmem:s15+$0xA280] =	vst v9;
	s15 =	sshra.s32 s18, $0x2;
	s18 =	sadd.s32 $0x40, s18  }
0xdc: {  	v9 =	vld [tilespmem:s15+$0xA280];
	_ =	sdelay $0x4  }
0xdd: {  	v10 =	vshll.u32 v9, $0x1  }
0xde: {  	v9 =	vand.u32 $0x7F, v9;
	v10 =	vand.u32 $0xFFFFFF00, v10  }
0xdf: {  	v9 =	vor.u32 v10, v9  }
0xe0: {  	v9 =	vor.u32 $0x80, v9  }
0xe1: {  	s24 =	simm.s32 $0xA280;
	s18 =	simm.s32 $0x40;
	[tilespmem:s15+$0xA280] =	vst v9;
	s15 =	simm.s32 $0x0  }
0xe2: {  	[tilespmem:s25], [sflag:$0x1] =	stream.indirect.gather [hbm4b:s5+s21], $0x1, s24, s21, $0xb8;
	[tilespmem:$0x1FCC0] =	vst v63  }
.LBB2_18:
0xe3: {  	p1 =	sne.s32 s18, $0x4C0;
	v9 =	vld [tilespmem:s15+$0xA3C0];
	_ =	sdelay $0x4  }
.Ltmp10:
0xe4: {  	v10 =	vshll.u32 v9, $0x1;
	(pc) =	sbr.rel @p1 .LBB2_18-.Ltmp10, $4  }
0xe5: {  	v9 =	vand.u32 $0x7F, v9;
	v10 =	vand.u32 $0xFFFFFF00, v10  }
0xe6: {  	v9 =	vor.u32 v10, v9  }
0xe7: {  	v9 =	vor.u32 $0x80, v9  }
0xe8: {  	[tilespmem:s15+$0xA3C0] =	vst v9;
	s15 =	sshra.s32 s18, $0x2;
	s18 =	sadd.s32 $0x40, s18  }
0xe9: {  	v9 =	vld [tilespmem:s15+$0xA3C0];
	_ =	sdelay $0x4  }
0xea: {  	v10 =	vshll.u32 v9, $0x1  }
0xeb: {  	v9 =	vand.u32 $0x7F, v9;
	v10 =	vand.u32 $0xFFFFFF00, v10  }
0xec: {  	v9 =	vor.u32 v10, v9  }
0xed: {  	v9 =	vor.u32 $0x80, v9  }
0xee: {  	[tilespmem:s15+$0xA3C0] =	vst v9  }
0xef: {  	[tilespmem:s28], [sflag:$0x1] =	stream.indirect.gather [hbm4b:s5+s21], $0x1, s26, s21, $0xb8;
	[tilespmem:$0x1FCC0] =	vst v63  }
0xf0: {  	_ =	swait.ge [sflag:s16], $0x1400  }
0xf1: {  	s18 =	simm.s32 $0x70;
	[sflag:s16] =	ssyncset.done $0x0  }
0xf2: {  	s19 =	simm.s32 $0x3C0;
	s15 =	simm.s32 $0xE720;
	[sflag:s16] =	ssyncadd.s32 $0xFFFFEC00  }
.LBB2_20:
0xf3: {  	p1 =	sne.s32 s19, $0x4FC0;
	v9 =	vld [tilespmem:s18+$0xA850];
	[tilespmem:s15+$0xFFFFFE10] =	vst v7;
	_ =	sdelay $0x4  }
0xf4: {  	[tilespmem:s15+$0xFFFFFE00] =	vst v9  }
0xf5: {  	v9 =	vld [tilespmem:s18+$0xA860];
	_ =	sdelay $0x3  }
0xf6: {  	[tilespmem:s15+$0xFFFFFE90] =	vst v7  }
0xf7: {  	[tilespmem:s15+$0xFFFFFE80] =	vst v9  }
0xf8: {  	v9 =	vld [tilespmem:s18+$0xA870];
	_ =	sdelay $0x3  }
0xf9: {  	[tilespmem:s15+$0xFFFFFF10] =	vst v7  }
0xfa: {  	[tilespmem:s15+$0xFFFFFF00] =	vst v9  }
0xfb: {  	v9 =	vld [tilespmem:s18+$0xA880];
	_ =	sdelay $0x3  }
0xfc: {  	[tilespmem:s15+$0xFFFFFF90] =	vst v7  }
0xfd: {  	[tilespmem:s15+$0xFFFFFF80] =	vst v9  }
0xfe: {  	v9 =	vld [tilespmem:s18+$0xA890];
	_ =	sdelay $0x3  }
0xff: {  	[tilespmem:s15+$0x10] =	vst v7  }
0x100: {  	[tilespmem:s15+$0x0] =	vst v9  }
0x101: {  	v9 =	vld [tilespmem:s18+$0xA8A0];
	_ =	sdelay $0x3  }
0x102: {  	[tilespmem:s15+$0x90] =	vst v7  }
0x103: {  	[tilespmem:s15+$0x80] =	vst v9  }
0x104: {  	v9 =	vld [tilespmem:s18+$0xA8B0];
	_ =	sdelay $0x3  }
0x105: {  	[tilespmem:s15+$0x110] =	vst v7  }
0x106: {  	[tilespmem:s15+$0x100] =	vst v9  }
0x107: {  	v9 =	vld [tilespmem:s18+$0xA8C0];
	[tilespmem:s15+$0x190] =	vst v7  }
.Ltmp11:
0x108: {  	(pc) =	sbr.rel @p1 .LBB2_20-.Ltmp11, $2  }
0x109: {  	_ =	sdelay $0x2  }
0x10a: {  	s18 =	sshra.s32 s19, $0x2;
	s19 =	sadd.s32 $0x200, s19;
	[tilespmem:s15+$0x180] =	vst v9;
	s15 =	sadd.s32 $0x400, s15  }
0x10b: {  	v9 =	vld [tilespmem:s18+$0xA850];
	_ =	sdelay $0x3  }
0x10c: {  	[tilespmem:s15+$0xFFFFFE10] =	vst v7  }
0x10d: {  	[tilespmem:s15+$0xFFFFFE00] =	vst v9  }
0x10e: {  	v9 =	vld [tilespmem:s18+$0xA860];
	_ =	sdelay $0x3  }
0x10f: {  	[tilespmem:s15+$0xFFFFFE90] =	vst v7  }
0x110: {  	[tilespmem:s15+$0xFFFFFE80] =	vst v9  }
0x111: {  	v9 =	vld [tilespmem:s18+$0xA870];
	_ =	sdelay $0x3  }
0x112: {  	[tilespmem:s15+$0xFFFFFF10] =	vst v7  }
0x113: {  	[tilespmem:s15+$0xFFFFFF00] =	vst v9  }
0x114: {  	v9 =	vld [tilespmem:s18+$0xA880];
	_ =	sdelay $0x3  }
0x115: {  	[tilespmem:s15+$0xFFFFFF90] =	vst v7  }
0x116: {  	[tilespmem:s15+$0xFFFFFF80] =	vst v9  }
0x117: {  	v9 =	vld [tilespmem:s18+$0xA890];
	_ =	sdelay $0x3  }
0x118: {  	[tilespmem:s15+$0x10] =	vst v7  }
0x119: {  	[tilespmem:s15+$0x0] =	vst v9  }
0x11a: {  	v9 =	vld [tilespmem:s18+$0xA8A0];
	_ =	sdelay $0x3  }
0x11b: {  	[tilespmem:s15+$0x90] =	vst v7  }
0x11c: {  	[tilespmem:s15+$0x80] =	vst v9  }
0x11d: {  	v9 =	vld [tilespmem:s18+$0xA8B0];
	_ =	sdelay $0x3  }
0x11e: {  	[tilespmem:s15+$0x110] =	vst v7  }
0x11f: {  	[tilespmem:s15+$0x100] =	vst v9  }
0x120: {  	v9 =	vld [tilespmem:s18+$0xA8C0];
	_ =	sdelay $0x3  }
0x121: {  	[tilespmem:s15+$0x190] =	vst v7  }
0x122: {  	[tilespmem:s15+$0x180] =	vst v9  }
0x123: {  	_ =	swait.ge [sflag:s16], $0x140  }
0x124: {  	[sflag:s16] =	ssyncset.done $0x0  }
0x125: {  	[sflag:s16] =	ssyncadd.s32 $0xFFFFFEC0  }
0x126: {  	[tilespmem:s17], [sflag:$0x1] =	stream.indirect.gather [hbm4b:s6+s21], $0x10, s23, s21, $0xb8;
	[tilespmem:$0x1FCC0] =	vst v63  }
0x127: {  	_ =	swait.ge [sflag:s16], $0x140  }
0x128: {  	[sflag:s16] =	ssyncset.done $0x0  }
0x129: {  	[sflag:s16] =	ssyncadd.s32 $0xFFFFFEC0  }
0x12a: {  	[tilespmem:s29], [sflag:$0x1] =	stream.indirect.gather [hbm4b:s6+s21], $0x10, s25, s21, $0xb8;
	[tilespmem:$0x1FCC0] =	vst v63  }
0x12b: {  	_ =	swait.ge [sflag:s16], $0x140  }
0x12c: {  	[sflag:s16] =	ssyncset.done $0x0  }
0x12d: {  	[sflag:s16] =	ssyncadd.s32 $0xFFFFFEC0  }
0x12e: {  	[tilespmem:s30], [sflag:$0x1] =	stream.indirect.gather [hbm4b:s6+s21], $0x10, s28, s21, $0xb8;
	[tilespmem:$0x1FCC0] =	vst v63  }
0x12f: {  	s24 =	simm.s32 $0x0;
	_ =	swait.ge [sflag:s31], $0x3C00  }
0x130: {  	v9 =	vmov s24;
	[sflag:s31] =	ssyncset.done $0x0  }
0x131: {  	s18 =	simm.s32 $0x1CAC0;
	v9 =	vshll.u32 v9, $0x7;
	[sflag:s31] =	ssyncadd.s32 $0xFFFFC400  }
0x132: {  	v9 =	vor.u32 v8, v9;
	v10 =	vld [tilespmem:s18+$0xFFFFF600];
	_ =	sdelay $0x4  }
0x133: {  	[tilespmem:v9+s0+$0x0] =	vst.idx.msk $0xffff, v10  }
0x134: {  	v11 =	vor.u32 $0x1, v9;
	v10 =	vld [tilespmem:s18+$0xFFFFF740];
	_ =	sdelay $0x4  }
0x135: {  	[tilespmem:v11+s0+$0x0] =	vst.idx.msk $0xffff, v10  }
0x136: {  	v11 =	vor.u32 $0x2, v9;
	v10 =	vld [tilespmem:s18+$0xFFFFF880];
	_ =	sdelay $0x4  }
0x137: {  	[tilespmem:v11+s0+$0x0] =	vst.idx.msk $0xffff, v10  }
0x138: {  	v11 =	vor.u32 $0x3, v9;
	v10 =	vld [tilespmem:s18+$0xFFFFF9C0];
	_ =	sdelay $0x4  }
0x139: {  	[tilespmem:v11+s0+$0x0] =	vst.idx.msk $0xffff, v10  }
0x13a: {  	v11 =	vor.u32 $0x4, v9;
	v10 =	vld [tilespmem:s18+$0xFFFFFB00];
	_ =	sdelay $0x4  }
0x13b: {  	[tilespmem:v11+s0+$0x0] =	vst.idx.msk $0xffff, v10  }
0x13c: {  	v11 =	vor.u32 $0x5, v9;
	v10 =	vld [tilespmem:s18+$0xFFFFFC40];
	_ =	sdelay $0x4  }
0x13d: {  	[tilespmem:v11+s0+$0x0] =	vst.idx.msk $0xffff, v10  }
0x13e: {  	v11 =	vor.u32 $0x6, v9;
	v10 =	vld [tilespmem:s18+$0xFFFFFD80];
	_ =	sdelay $0x4  }
0x13f: {  	[tilespmem:v11+s0+$0x0] =	vst.idx.msk $0xffff, v10  }
0x140: {  	v11 =	vor.u32 $0x7, v9;
	v10 =	vld [tilespmem:s18+$0xFFFFFEC0];
	_ =	sdelay $0x4  }
0x141: {  	[tilespmem:v11+s0+$0x0] =	vst.idx.msk $0xffff, v10  }
0x142: {  	v11 =	vor.u32 $0x8, v9;
	v10 =	vld [tilespmem:s18+$0x0];
	_ =	sdelay $0x4  }
0x143: {  	[tilespmem:v11+s0+$0x0] =	vst.idx.msk $0xffff, v10  }
0x144: {  	v11 =	vor.u32 $0x9, v9;
	v10 =	vld [tilespmem:s18+$0x140];
	_ =	sdelay $0x4  }
0x145: {  	[tilespmem:v11+s0+$0x0] =	vst.idx.msk $0xffff, v10  }
0x146: {  	v11 =	vor.u32 $0xA, v9;
	v10 =	vld [tilespmem:s18+$0x280];
	_ =	sdelay $0x4  }
0x147: {  	[tilespmem:v11+s0+$0x0] =	vst.idx.msk $0xffff, v10  }
0x148: {  	v11 =	vor.u32 $0xB, v9;
	v10 =	vld [tilespmem:s18+$0x3C0];
	_ =	sdelay $0x4  }
0x149: {  	[tilespmem:v11+s0+$0x0] =	vst.idx.msk $0xffff, v10  }
0x14a: {  	v11 =	vor.u32 $0xC, v9;
	v10 =	vld [tilespmem:s18+$0x500];
	_ =	sdelay $0x4  }
0x14b: {  	[tilespmem:v11+s0+$0x0] =	vst.idx.msk $0xffff, v10  }
0x14c: {  	v11 =	vor.u32 $0xD, v9;
	v10 =	vld [tilespmem:s18+$0x640];
	_ =	sdelay $0x4  }
0x14d: {  	[tilespmem:v11+s0+$0x0] =	vst.idx.msk $0xffff, v10  }
0x14e: {  	v11 =	vor.u32 $0xE, v9;
	v10 =	vld [tilespmem:s18+$0x780];
	_ =	sdelay $0x4  }
0x14f: {  	[tilespmem:v11+s0+$0x0] =	vst.idx.msk $0xffff, v10  }
0x150: {  	v10 =	vor.u32 $0xF, v9;
	v11 =	vld [tilespmem:s18+$0x8C0];
	_ =	sdelay $0x2  }
0x151: {  	s15 =	simm.s32 $0x10  }
0x152: {  	s19 =	simm.s32 $0x20;
	v12 =	vmov s15  }
.LBB2_22:
0x153: {  	p1 =	sne.s32 s19, $0x130;
	v12 =	vshll.u32 v12, $0x7;
	[tilespmem:v10+s0+$0x0] =	vst.idx.msk $0xffff, v11;
	s18 =	sadd.s32 $0x10, s18  }
0x154: {  	v11 =	vld [tilespmem:s18+$0xFFFFF600];
	v10 =	vor.u32 v8, v12;
	_ =	sdelay $0x4  }
0x155: {  	[tilespmem:v10+s0+$0x0] =	vst.idx.msk $0xffff, v11  }
0x156: {  	v12 =	vor.u32 $0x1, v10;
	v11 =	vld [tilespmem:s18+$0xFFFFF740];
	_ =	sdelay $0x4  }
0x157: {  	[tilespmem:v12+s0+$0x0] =	vst.idx.msk $0xffff, v11  }
0x158: {  	v12 =	vor.u32 $0x2, v10;
	v11 =	vld [tilespmem:s18+$0xFFFFF880];
	_ =	sdelay $0x4  }
0x159: {  	[tilespmem:v12+s0+$0x0] =	vst.idx.msk $0xffff, v11  }
0x15a: {  	v12 =	vor.u32 $0x3, v10;
	v11 =	vld [tilespmem:s18+$0xFFFFF9C0];
	_ =	sdelay $0x4  }
0x15b: {  	[tilespmem:v12+s0+$0x0] =	vst.idx.msk $0xffff, v11  }
0x15c: {  	v12 =	vor.u32 $0x4, v10;
	v11 =	vld [tilespmem:s18+$0xFFFFFB00];
	_ =	sdelay $0x4  }
0x15d: {  	[tilespmem:v12+s0+$0x0] =	vst.idx.msk $0xffff, v11  }
0x15e: {  	v12 =	vor.u32 $0x5, v10;
	v11 =	vld [tilespmem:s18+$0xFFFFFC40];
	_ =	sdelay $0x4  }
0x15f: {  	[tilespmem:v12+s0+$0x0] =	vst.idx.msk $0xffff, v11  }
0x160: {  	v12 =	vor.u32 $0x6, v10;
	v11 =	vld [tilespmem:s18+$0xFFFFFD80];
	_ =	sdelay $0x4  }
0x161: {  	[tilespmem:v12+s0+$0x0] =	vst.idx.msk $0xffff, v11  }
0x162: {  	v12 =	vor.u32 $0x7, v10;
	v11 =	vld [tilespmem:s18+$0xFFFFFEC0];
	_ =	sdelay $0x4  }
0x163: {  	[tilespmem:v12+s0+$0x0] =	vst.idx.msk $0xffff, v11  }
0x164: {  	v12 =	vor.u32 $0x8, v10;
	v11 =	vld [tilespmem:s18+$0x0];
	_ =	sdelay $0x4  }
0x165: {  	[tilespmem:v12+s0+$0x0] =	vst.idx.msk $0xffff, v11  }
0x166: {  	v12 =	vor.u32 $0x9, v10;
	v11 =	vld [tilespmem:s18+$0x140];
	_ =	sdelay $0x4  }
0x167: {  	[tilespmem:v12+s0+$0x0] =	vst.idx.msk $0xffff, v11  }
0x168: {  	v12 =	vor.u32 $0xA, v10;
	v11 =	vld [tilespmem:s18+$0x280];
	_ =	sdelay $0x4  }
0x169: {  	[tilespmem:v12+s0+$0x0] =	vst.idx.msk $0xffff, v11  }
0x16a: {  	v12 =	vor.u32 $0xB, v10;
	v11 =	vld [tilespmem:s18+$0x3C0];
	_ =	sdelay $0x4  }
0x16b: {  	[tilespmem:v12+s0+$0x0] =	vst.idx.msk $0xffff, v11  }
0x16c: {  	v12 =	vor.u32 $0xC, v10;
	v11 =	vld [tilespmem:s18+$0x500];
	_ =	sdelay $0x4  }
0x16d: {  	[tilespmem:v12+s0+$0x0] =	vst.idx.msk $0xffff, v11  }
0x16e: {  	v12 =	vor.u32 $0xD, v10;
	v11 =	vld [tilespmem:s18+$0x640];
	_ =	sdelay $0x4  }
0x16f: {  	[tilespmem:v12+s0+$0x0] =	vst.idx.msk $0xffff, v11  }
0x170: {  	v12 =	vor.u32 $0xE, v10;
	v11 =	vld [tilespmem:s18+$0x780];
	_ =	sdelay $0x4  }
0x171: {  	[tilespmem:v12+s0+$0x0] =	vst.idx.msk $0xffff, v11  }
.Ltmp12:
0x172: {  	v10 =	vor.u32 $0xF, v10;
	v11 =	vld [tilespmem:s18+$0x8C0];
	(pc) =	sbr.rel @p1 .LBB2_22-.Ltmp12, $2  }
0x173: {  	_ =	sdelay $0x2  }
0x174: {  	v12 =	vmov s19;
	s19 =	sadd.s32 $0x10, s19  }
0x175: {  	_ =	sdelay $0x3  }
0x176: {  	v12 =	vshll.u32 v12, $0x7;
	[tilespmem:v10+s0+$0x0] =	vst.idx.msk $0xffff, v11;
	s18 =	sadd.s32 $0x10, s18  }
0x177: {  	v10 =	vld [tilespmem:s18+$0xFFFFF600];
	v11 =	vor.u32 v8, v12;
	_ =	sdelay $0x4  }
0x178: {  	[tilespmem:v11+s0+$0x0] =	vst.idx.msk $0xffff, v10  }
0x179: {  	v12 =	vor.u32 $0x1, v11;
	v10 =	vld [tilespmem:s18+$0xFFFFF740];
	_ =	sdelay $0x4  }
0x17a: {  	[tilespmem:v12+s0+$0x0] =	vst.idx.msk $0xffff, v10  }
0x17b: {  	v51 =	vor.u32 $0x2, v11;
	v10 =	vld [tilespmem:s18+$0xFFFFF880];
	_ =	sdelay $0x4  }
0x17c: {  	[tilespmem:v51+s0+$0x0] =	vst.idx.msk $0xffff, v10  }
0x17d: {  	v52 =	vor.u32 $0x3, v11;
	v10 =	vld [tilespmem:s18+$0xFFFFF9C0];
	_ =	sdelay $0x4  }
0x17e: {  	[tilespmem:v52+s0+$0x0] =	vst.idx.msk $0xffff, v10  }
0x17f: {  	v53 =	vor.u32 $0x4, v11;
	v10 =	vld [tilespmem:s18+$0xFFFFFB00];
	_ =	sdelay $0x4  }
0x180: {  	[tilespmem:v53+s0+$0x0] =	vst.idx.msk $0xffff, v10  }
0x181: {  	v54 =	vor.u32 $0x5, v11;
	v10 =	vld [tilespmem:s18+$0xFFFFFC40];
	_ =	sdelay $0x4  }
0x182: {  	[tilespmem:v54+s0+$0x0] =	vst.idx.msk $0xffff, v10  }
0x183: {  	v55 =	vor.u32 $0x6, v11;
	v10 =	vld [tilespmem:s18+$0xFFFFFD80];
	_ =	sdelay $0x4  }
0x184: {  	[tilespmem:v55+s0+$0x0] =	vst.idx.msk $0xffff, v10  }
0x185: {  	v56 =	vor.u32 $0x7, v11;
	v10 =	vld [tilespmem:s18+$0xFFFFFEC0];
	_ =	sdelay $0x4  }
0x186: {  	[tilespmem:v56+s0+$0x0] =	vst.idx.msk $0xffff, v10  }
0x187: {  	v57 =	vor.u32 $0x8, v11;
	v10 =	vld [tilespmem:s18+$0x0];
	_ =	sdelay $0x4  }
0x188: {  	[tilespmem:v57+s0+$0x0] =	vst.idx.msk $0xffff, v10  }
0x189: {  	v58 =	vor.u32 $0x9, v11;
	v10 =	vld [tilespmem:s18+$0x140];
	_ =	sdelay $0x4  }
0x18a: {  	[tilespmem:v58+s0+$0x0] =	vst.idx.msk $0xffff, v10  }
0x18b: {  	v59 =	vor.u32 $0xA, v11;
	v10 =	vld [tilespmem:s18+$0x280];
	_ =	sdelay $0x4  }
0x18c: {  	[tilespmem:v59+s0+$0x0] =	vst.idx.msk $0xffff, v10  }
0x18d: {  	v60 =	vor.u32 $0xB, v11;
	v10 =	vld [tilespmem:s18+$0x3C0];
	_ =	sdelay $0x4  }
0x18e: {  	[tilespmem:v60+s0+$0x0] =	vst.idx.msk $0xffff, v10  }
0x18f: {  	v61 =	vor.u32 $0xC, v11;
	v10 =	vld [tilespmem:s18+$0x500];
	_ =	sdelay $0x4  }
0x190: {  	[tilespmem:v61+s0+$0x0] =	vst.idx.msk $0xffff, v10  }
0x191: {  	v62 =	vor.u32 $0xD, v11;
	v10 =	vld [tilespmem:s18+$0x640];
	_ =	sdelay $0x4  }
0x192: {  	[tilespmem:v62+s0+$0x0] =	vst.idx.msk $0xffff, v10  }
0x193: {  	v63 =	vor.u32 $0xE, v11;
	v10 =	vld [tilespmem:s18+$0x780];
	_ =	sdelay $0x4  }
0x194: {  	[tilespmem:v63+s0+$0x0] =	vst.idx.msk $0xffff, v10  }
0x195: {  	v11 =	vor.u32 $0xF, v11;
	v10 =	vld [tilespmem:s18+$0x8C0];
	_ =	sdelay $0x4  }
0x196: {  	s18 =	simm.s32 $0x1D4C0;
	[tilespmem:v11+s0+$0x0] =	vst.idx.msk $0xffff, v10  }
0x197: {  	v11 =	vor.u32 $0x10, v9;
	v10 =	vld [tilespmem:s18+$0x0];
	_ =	sdelay $0x4  }
0x198: {  	[tilespmem:v11+s0+$0x0] =	vst.idx.msk $0xffff, v10  }
0x199: {  	v11 =	vor.u32 $0x11, v9;
	v10 =	vld [tilespmem:s18+$0x140];
	_ =	sdelay $0x4  }
0x19a: {  	[tilespmem:v11+s0+$0x0] =	vst.idx.msk $0xffff, v10  }
0x19b: {  	v11 =	vor.u32 $0x12, v9;
	v10 =	vld [tilespmem:s18+$0x280];
	_ =	sdelay $0x4  }
0x19c: {  	[tilespmem:v11+s0+$0x0] =	vst.idx.msk $0xffff, v10  }
0x19d: {  	v11 =	vor.u32 $0x13, v9;
	v10 =	vld [tilespmem:s18+$0x3C0];
	_ =	sdelay $0x4  }
0x19e: {  	[tilespmem:v11+s0+$0x0] =	vst.idx.msk $0xffff, v10  }
0x19f: {  	v11 =	vor.u32 $0x14, v9;
	v10 =	vld [tilespmem:s18+$0x500];
	_ =	sdelay $0x4  }
0x1a0: {  	[tilespmem:v11+s0+$0x0] =	vst.idx.msk $0xffff, v10  }
0x1a1: {  	v11 =	vor.u32 $0x15, v9;
	v10 =	vld [tilespmem:s18+$0x640];
	_ =	sdelay $0x4  }
0x1a2: {  	[tilespmem:v11+s0+$0x0] =	vst.idx.msk $0xffff, v10  }
0x1a3: {  	v11 =	vor.u32 $0x16, v9;
	v10 =	vld [tilespmem:s18+$0x780];
	_ =	sdelay $0x4  }
0x1a4: {  	[tilespmem:v11+s0+$0x0] =	vst.idx.msk $0xffff, v10  }
0x1a5: {  	v11 =	vor.u32 $0x17, v9;
	v10 =	vld [tilespmem:s18+$0x8C0];
	_ =	sdelay $0x4  }
0x1a6: {  	[tilespmem:v11+s0+$0x0] =	vst.idx.msk $0xffff, v10  }
0x1a7: {  	v11 =	vor.u32 $0x18, v9;
	v10 =	vld [tilespmem:s18+$0xA00];
	_ =	sdelay $0x4  }
0x1a8: {  	[tilespmem:v11+s0+$0x0] =	vst.idx.msk $0xffff, v10  }
0x1a9: {  	v11 =	vor.u32 $0x19, v9;
	v10 =	vld [tilespmem:s18+$0xB40];
	_ =	sdelay $0x4  }
0x1aa: {  	[tilespmem:v11+s0+$0x0] =	vst.idx.msk $0xffff, v10  }
0x1ab: {  	v11 =	vor.u32 $0x1A, v9;
	v10 =	vld [tilespmem:s18+$0xC80];
	_ =	sdelay $0x4  }
0x1ac: {  	[tilespmem:v11+s0+$0x0] =	vst.idx.msk $0xffff, v10  }
0x1ad: {  	v11 =	vor.u32 $0x1B, v9;
	v10 =	vld [tilespmem:s18+$0xDC0];
	_ =	sdelay $0x4  }
0x1ae: {  	[tilespmem:v11+s0+$0x0] =	vst.idx.msk $0xffff, v10  }
0x1af: {  	v11 =	vor.u32 $0x1C, v9;
	v10 =	vld [tilespmem:s18+$0xF00];
	_ =	sdelay $0x4  }
0x1b0: {  	[tilespmem:v11+s0+$0x0] =	vst.idx.msk $0xffff, v10  }
0x1b1: {  	v11 =	vor.u32 $0x1D, v9;
	v10 =	vld [tilespmem:s18+$0x1040];
	_ =	sdelay $0x4  }
0x1b2: {  	[tilespmem:v11+s0+$0x0] =	vst.idx.msk $0xffff, v10  }
0x1b3: {  	v11 =	vor.u32 $0x1E, v9;
	v10 =	vld [tilespmem:s18+$0x1180];
	_ =	sdelay $0x4  }
0x1b4: {  	[tilespmem:v11+s0+$0x0] =	vst.idx.msk $0xffff, v10  }
0x1b5: {  	v11 =	vor.u32 $0x1F, v9;
	v10 =	vld [tilespmem:s18+$0x12C0];
	_ =	sdelay $0x2  }
0x1b6: {  	v9 =	vmov s15;
	s15 =	simm.s32 $0x20  }
.LBB2_24:
0x1b7: {  	p1 =	sne.s32 s15, $0x130;
	v9 =	vshll.u32 v9, $0x7  }
0x1b8: {  	s18 =	sadd.s32 $0x10, s18;
	v9 =	vor.u32 v8, v9;
	[tilespmem:v11+s0+$0x0] =	vst.idx.msk $0xffff, v10  }
0x1b9: {  	v10 =	vld [tilespmem:s18+$0x0];
	v11 =	vor.u32 $0x10, v9;
	_ =	sdelay $0x4  }
0x1ba: {  	[tilespmem:v11+s0+$0x0] =	vst.idx.msk $0xffff, v10  }
0x1bb: {  	v11 =	vor.u32 $0x11, v9;
	v10 =	vld [tilespmem:s18+$0x140];
	_ =	sdelay $0x4  }
0x1bc: {  	[tilespmem:v11+s0+$0x0] =	vst.idx.msk $0xffff, v10  }
0x1bd: {  	v11 =	vor.u32 $0x12, v9;
	v10 =	vld [tilespmem:s18+$0x280];
	_ =	sdelay $0x4  }
0x1be: {  	[tilespmem:v11+s0+$0x0] =	vst.idx.msk $0xffff, v10  }
0x1bf: {  	v11 =	vor.u32 $0x13, v9;
	v10 =	vld [tilespmem:s18+$0x3C0];
	_ =	sdelay $0x4  }
0x1c0: {  	[tilespmem:v11+s0+$0x0] =	vst.idx.msk $0xffff, v10  }
0x1c1: {  	v11 =	vor.u32 $0x14, v9;
	v10 =	vld [tilespmem:s18+$0x500];
	_ =	sdelay $0x4  }
0x1c2: {  	[tilespmem:v11+s0+$0x0] =	vst.idx.msk $0xffff, v10  }
0x1c3: {  	v11 =	vor.u32 $0x15, v9;
	v10 =	vld [tilespmem:s18+$0x640];
	_ =	sdelay $0x4  }
0x1c4: {  	[tilespmem:v11+s0+$0x0] =	vst.idx.msk $0xffff, v10  }
0x1c5: {  	v11 =	vor.u32 $0x16, v9;
	v10 =	vld [tilespmem:s18+$0x780];
	_ =	sdelay $0x4  }
0x1c6: {  	[tilespmem:v11+s0+$0x0] =	vst.idx.msk $0xffff, v10  }
0x1c7: {  	v11 =	vor.u32 $0x17, v9;
	v10 =	vld [tilespmem:s18+$0x8C0];
	_ =	sdelay $0x4  }
0x1c8: {  	[tilespmem:v11+s0+$0x0] =	vst.idx.msk $0xffff, v10  }
0x1c9: {  	v11 =	vor.u32 $0x18, v9;
	v10 =	vld [tilespmem:s18+$0xA00];
	_ =	sdelay $0x4  }
0x1ca: {  	[tilespmem:v11+s0+$0x0] =	vst.idx.msk $0xffff, v10  }
0x1cb: {  	v11 =	vor.u32 $0x19, v9;
	v10 =	vld [tilespmem:s18+$0xB40];
	_ =	sdelay $0x4  }
0x1cc: {  	[tilespmem:v11+s0+$0x0] =	vst.idx.msk $0xffff, v10  }
0x1cd: {  	v11 =	vor.u32 $0x1A, v9;
	v10 =	vld [tilespmem:s18+$0xC80];
	_ =	sdelay $0x4  }
0x1ce: {  	[tilespmem:v11+s0+$0x0] =	vst.idx.msk $0xffff, v10  }
0x1cf: {  	v11 =	vor.u32 $0x1B, v9;
	v10 =	vld [tilespmem:s18+$0xDC0];
	_ =	sdelay $0x4  }
0x1d0: {  	[tilespmem:v11+s0+$0x0] =	vst.idx.msk $0xffff, v10  }
0x1d1: {  	v11 =	vor.u32 $0x1C, v9;
	v10 =	vld [tilespmem:s18+$0xF00];
	_ =	sdelay $0x4  }
0x1d2: {  	[tilespmem:v11+s0+$0x0] =	vst.idx.msk $0xffff, v10  }
0x1d3: {  	v11 =	vor.u32 $0x1D, v9;
	v10 =	vld [tilespmem:s18+$0x1040];
	_ =	sdelay $0x4  }
0x1d4: {  	[tilespmem:v11+s0+$0x0] =	vst.idx.msk $0xffff, v10  }
0x1d5: {  	v11 =	vor.u32 $0x1E, v9;
	v10 =	vld [tilespmem:s18+$0x1180];
	_ =	sdelay $0x4  }
.Ltmp13:
0x1d6: {  	[tilespmem:v11+s0+$0x0] =	vst.idx.msk $0xffff, v10;
	(pc) =	sbr.rel @p1 .LBB2_24-.Ltmp13, $2  }
0x1d7: {  	v11 =	vor.u32 $0x1F, v9;
	v10 =	vld [tilespmem:s18+$0x12C0];
	_ =	sdelay $0x2  }
0x1d8: {  	v9 =	vmov s15;
	s15 =	sadd.s32 $0x10, s15  }
0x1d9: {  	_ =	sdelay $0x2  }
0x1da: {  	v9 =	vshll.u32 v9, $0x7  }
0x1db: {  	s15 =	sadd.s32 $0x10, s18;
	v9 =	vor.u32 v8, v9;
	[tilespmem:v11+s0+$0x0] =	vst.idx.msk $0xffff, v10  }
0x1dc: {  	v10 =	vld [tilespmem:s15+$0x0];
	v11 =	vor.u32 $0x10, v9;
	_ =	sdelay $0x4  }
0x1dd: {  	[tilespmem:v11+s0+$0x0] =	vst.idx.msk $0xffff, v10  }
0x1de: {  	v11 =	vor.u32 $0x11, v9;
	v10 =	vld [tilespmem:s15+$0x140];
	_ =	sdelay $0x4  }
0x1df: {  	[tilespmem:v11+s0+$0x0] =	vst.idx.msk $0xffff, v10  }
0x1e0: {  	v11 =	vor.u32 $0x12, v9;
	v10 =	vld [tilespmem:s15+$0x280];
	_ =	sdelay $0x4  }
0x1e1: {  	[tilespmem:v11+s0+$0x0] =	vst.idx.msk $0xffff, v10  }
0x1e2: {  	v11 =	vor.u32 $0x13, v9;
	v10 =	vld [tilespmem:s15+$0x3C0];
	_ =	sdelay $0x4  }
0x1e3: {  	[tilespmem:v11+s0+$0x0] =	vst.idx.msk $0xffff, v10  }
0x1e4: {  	v11 =	vor.u32 $0x14, v9;
	v10 =	vld [tilespmem:s15+$0x500];
	_ =	sdelay $0x4  }
0x1e5: {  	[tilespmem:v11+s0+$0x0] =	vst.idx.msk $0xffff, v10  }
0x1e6: {  	v11 =	vor.u32 $0x15, v9;
	v10 =	vld [tilespmem:s15+$0x640];
	_ =	sdelay $0x4  }
0x1e7: {  	[tilespmem:v11+s0+$0x0] =	vst.idx.msk $0xffff, v10  }
0x1e8: {  	v11 =	vor.u32 $0x16, v9;
	v10 =	vld [tilespmem:s15+$0x780];
	_ =	sdelay $0x4  }
0x1e9: {  	[tilespmem:v11+s0+$0x0] =	vst.idx.msk $0xffff, v10  }
0x1ea: {  	v11 =	vor.u32 $0x17, v9;
	v10 =	vld [tilespmem:s15+$0x8C0];
	_ =	sdelay $0x4  }
0x1eb: {  	[tilespmem:v11+s0+$0x0] =	vst.idx.msk $0xffff, v10  }
0x1ec: {  	v11 =	vor.u32 $0x18, v9;
	v10 =	vld [tilespmem:s15+$0xA00];
	_ =	sdelay $0x4  }
0x1ed: {  	[tilespmem:v11+s0+$0x0] =	vst.idx.msk $0xffff, v10  }
0x1ee: {  	v11 =	vor.u32 $0x19, v9;
	v10 =	vld [tilespmem:s15+$0xB40];
	_ =	sdelay $0x4  }
0x1ef: {  	[tilespmem:v11+s0+$0x0] =	vst.idx.msk $0xffff, v10  }
0x1f0: {  	v11 =	vor.u32 $0x1A, v9;
	v10 =	vld [tilespmem:s15+$0xC80];
	_ =	sdelay $0x4  }
0x1f1: {  	[tilespmem:v11+s0+$0x0] =	vst.idx.msk $0xffff, v10  }
0x1f2: {  	v11 =	vor.u32 $0x1B, v9;
	v10 =	vld [tilespmem:s15+$0xDC0];
	_ =	sdelay $0x4  }
0x1f3: {  	[tilespmem:v11+s0+$0x0] =	vst.idx.msk $0xffff, v10  }
0x1f4: {  	v11 =	vor.u32 $0x1C, v9;
	v10 =	vld [tilespmem:s15+$0xF00];
	_ =	sdelay $0x4  }
0x1f5: {  	[tilespmem:v11+s0+$0x0] =	vst.idx.msk $0xffff, v10  }
0x1f6: {  	v11 =	vor.u32 $0x1D, v9;
	v10 =	vld [tilespmem:s15+$0x1040];
	_ =	sdelay $0x4  }
0x1f7: {  	[tilespmem:v11+s0+$0x0] =	vst.idx.msk $0xffff, v10  }
0x1f8: {  	v11 =	vor.u32 $0x1E, v9;
	v10 =	vld [tilespmem:s15+$0x1180];
	_ =	sdelay $0x4  }
0x1f9: {  	[tilespmem:v11+s0+$0x0] =	vst.idx.msk $0xffff, v10  }
0x1fa: {  	v9 =	vor.u32 $0x1F, v9;
	v10 =	vld [tilespmem:s15+$0x12C0];
	_ =	sdelay $0x1  }
0x1fb: {  	s22 =	simm.s32 $0x0  }
0x1fc: {  	v11 =	vmov s22  }
0x1fd: {  	v11 =	vshll.u32 v11, $0x7  }
0x1fe: {  	s15 =	simm.s32 $0x1E8C0;
	[tilespmem:v9+s0+$0x0] =	vst.idx.msk $0xffff, v10;
	v9 =	vor.u32 v8, v11  }
0x1ff: {  	v10 =	vld [tilespmem:s15+$0x0];
	v11 =	vor.u32 $0x20, v9;
	_ =	sdelay $0x4  }
0x200: {  	[tilespmem:v11+s0+$0x0] =	vst.idx.msk $0xffff, v10  }
0x201: {  	v11 =	vor.u32 $0x21, v9;
	v10 =	vld [tilespmem:s15+$0x140];
	_ =	sdelay $0x4  }
0x202: {  	[tilespmem:v11+s0+$0x0] =	vst.idx.msk $0xffff, v10  }
0x203: {  	v11 =	vor.u32 $0x22, v9;
	v10 =	vld [tilespmem:s15+$0x280];
	_ =	sdelay $0x4  }
0x204: {  	[tilespmem:v11+s0+$0x0] =	vst.idx.msk $0xffff, v10  }
0x205: {  	v11 =	vor.u32 $0x23, v9;
	v10 =	vld [tilespmem:s15+$0x3C0];
	_ =	sdelay $0x4  }
0x206: {  	[tilespmem:v11+s0+$0x0] =	vst.idx.msk $0xffff, v10  }
0x207: {  	v11 =	vor.u32 $0x24, v9;
	v10 =	vld [tilespmem:s15+$0x500];
	_ =	sdelay $0x4  }
0x208: {  	[tilespmem:v11+s0+$0x0] =	vst.idx.msk $0xffff, v10  }
0x209: {  	v11 =	vor.u32 $0x25, v9;
	v10 =	vld [tilespmem:s15+$0x640];
	_ =	sdelay $0x4  }
0x20a: {  	[tilespmem:v11+s0+$0x0] =	vst.idx.msk $0xffff, v10  }
0x20b: {  	v11 =	vor.u32 $0x26, v9;
	v10 =	vld [tilespmem:s15+$0x780];
	_ =	sdelay $0x4  }
0x20c: {  	[tilespmem:v11+s0+$0x0] =	vst.idx.msk $0xffff, v10  }
0x20d: {  	v11 =	vor.u32 $0x27, v9;
	v10 =	vld [tilespmem:s15+$0x8C0];
	_ =	sdelay $0x4  }
0x20e: {  	[tilespmem:v11+s0+$0x0] =	vst.idx.msk $0xffff, v10  }
0x20f: {  	v11 =	vor.u32 $0x28, v9;
	v10 =	vld [tilespmem:s15+$0xA00];
	_ =	sdelay $0x4  }
0x210: {  	[tilespmem:v11+s0+$0x0] =	vst.idx.msk $0xffff, v10  }
0x211: {  	v11 =	vor.u32 $0x29, v9;
	v10 =	vld [tilespmem:s15+$0xB40];
	_ =	sdelay $0x4  }
0x212: {  	[tilespmem:v11+s0+$0x0] =	vst.idx.msk $0xffff, v10  }
0x213: {  	v11 =	vor.u32 $0x2A, v9;
	v10 =	vld [tilespmem:s15+$0xC80];
	_ =	sdelay $0x4  }
0x214: {  	[tilespmem:v11+s0+$0x0] =	vst.idx.msk $0xffff, v10  }
0x215: {  	v11 =	vor.u32 $0x2B, v9;
	v10 =	vld [tilespmem:s15+$0xDC0];
	_ =	sdelay $0x4  }
0x216: {  	[tilespmem:v11+s0+$0x0] =	vst.idx.msk $0xffff, v10  }
0x217: {  	v11 =	vor.u32 $0x2C, v9;
	v10 =	vld [tilespmem:s15+$0xF00];
	_ =	sdelay $0x4  }
0x218: {  	[tilespmem:v11+s0+$0x0] =	vst.idx.msk $0xffff, v10  }
0x219: {  	v11 =	vor.u32 $0x2D, v9;
	v10 =	vld [tilespmem:s15+$0x1040];
	_ =	sdelay $0x4  }
0x21a: {  	[tilespmem:v11+s0+$0x0] =	vst.idx.msk $0xffff, v10  }
0x21b: {  	v11 =	vor.u32 $0x2E, v9;
	v10 =	vld [tilespmem:s15+$0x1180];
	_ =	sdelay $0x4  }
0x21c: {  	[tilespmem:v11+s0+$0x0] =	vst.idx.msk $0xffff, v10  }
0x21d: {  	v11 =	vor.u32 $0x2F, v9;
	v10 =	vld [tilespmem:s15+$0x12C0];
	_ =	sdelay $0x1  }
0x21e: {  	s24 =	simm.s32 $0x10  }
0x21f: {  	s18 =	simm.s32 $0x20;
	v9 =	vmov s24  }
.LBB2_26:
0x220: {  	p1 =	sne.s32 s18, $0x130;
	v9 =	vshll.u32 v9, $0x7  }
0x221: {  	s15 =	sadd.s32 $0x10, s15;
	v9 =	vor.u32 v8, v9;
	[tilespmem:v11+s0+$0x0] =	vst.idx.msk $0xffff, v10  }
0x222: {  	v10 =	vld [tilespmem:s15+$0x0];
	v11 =	vor.u32 $0x20, v9;
	_ =	sdelay $0x4  }
0x223: {  	[tilespmem:v11+s0+$0x0] =	vst.idx.msk $0xffff, v10  }
0x224: {  	v11 =	vor.u32 $0x21, v9;
	v10 =	vld [tilespmem:s15+$0x140];
	_ =	sdelay $0x4  }
0x225: {  	[tilespmem:v11+s0+$0x0] =	vst.idx.msk $0xffff, v10  }
0x226: {  	v11 =	vor.u32 $0x22, v9;
	v10 =	vld [tilespmem:s15+$0x280];
	_ =	sdelay $0x4  }
0x227: {  	[tilespmem:v11+s0+$0x0] =	vst.idx.msk $0xffff, v10  }
0x228: {  	v11 =	vor.u32 $0x23, v9;
	v10 =	vld [tilespmem:s15+$0x3C0];
	_ =	sdelay $0x4  }
0x229: {  	[tilespmem:v11+s0+$0x0] =	vst.idx.msk $0xffff, v10  }
0x22a: {  	v11 =	vor.u32 $0x24, v9;
	v10 =	vld [tilespmem:s15+$0x500];
	_ =	sdelay $0x4  }
0x22b: {  	[tilespmem:v11+s0+$0x0] =	vst.idx.msk $0xffff, v10  }
0x22c: {  	v11 =	vor.u32 $0x25, v9;
	v10 =	vld [tilespmem:s15+$0x640];
	_ =	sdelay $0x4  }
0x22d: {  	[tilespmem:v11+s0+$0x0] =	vst.idx.msk $0xffff, v10  }
0x22e: {  	v11 =	vor.u32 $0x26, v9;
	v10 =	vld [tilespmem:s15+$0x780];
	_ =	sdelay $0x4  }
0x22f: {  	[tilespmem:v11+s0+$0x0] =	vst.idx.msk $0xffff, v10  }
0x230: {  	v11 =	vor.u32 $0x27, v9;
	v10 =	vld [tilespmem:s15+$0x8C0];
	_ =	sdelay $0x4  }
0x231: {  	[tilespmem:v11+s0+$0x0] =	vst.idx.msk $0xffff, v10  }
0x232: {  	v11 =	vor.u32 $0x28, v9;
	v10 =	vld [tilespmem:s15+$0xA00];
	_ =	sdelay $0x4  }
0x233: {  	[tilespmem:v11+s0+$0x0] =	vst.idx.msk $0xffff, v10  }
0x234: {  	v11 =	vor.u32 $0x29, v9;
	v10 =	vld [tilespmem:s15+$0xB40];
	_ =	sdelay $0x4  }
0x235: {  	[tilespmem:v11+s0+$0x0] =	vst.idx.msk $0xffff, v10  }
0x236: {  	v11 =	vor.u32 $0x2A, v9;
	v10 =	vld [tilespmem:s15+$0xC80];
	_ =	sdelay $0x4  }
0x237: {  	[tilespmem:v11+s0+$0x0] =	vst.idx.msk $0xffff, v10  }
0x238: {  	v11 =	vor.u32 $0x2B, v9;
	v10 =	vld [tilespmem:s15+$0xDC0];
	_ =	sdelay $0x4  }
0x239: {  	[tilespmem:v11+s0+$0x0] =	vst.idx.msk $0xffff, v10  }
0x23a: {  	v11 =	vor.u32 $0x2C, v9;
	v10 =	vld [tilespmem:s15+$0xF00];
	_ =	sdelay $0x4  }
0x23b: {  	[tilespmem:v11+s0+$0x0] =	vst.idx.msk $0xffff, v10  }
0x23c: {  	v11 =	vor.u32 $0x2D, v9;
	v10 =	vld [tilespmem:s15+$0x1040];
	_ =	sdelay $0x4  }
0x23d: {  	[tilespmem:v11+s0+$0x0] =	vst.idx.msk $0xffff, v10  }
0x23e: {  	v11 =	vor.u32 $0x2E, v9;
	v10 =	vld [tilespmem:s15+$0x1180];
	_ =	sdelay $0x4  }
.Ltmp14:
0x23f: {  	[tilespmem:v11+s0+$0x0] =	vst.idx.msk $0xffff, v10;
	(pc) =	sbr.rel @p1 .LBB2_26-.Ltmp14, $2  }
0x240: {  	v11 =	vor.u32 $0x2F, v9;
	v10 =	vld [tilespmem:s15+$0x12C0];
	_ =	sdelay $0x2  }
0x241: {  	v9 =	vmov s18;
	s18 =	sadd.s32 $0x10, s18  }
0x242: {  	_ =	sdelay $0x2  }
0x243: {  	v9 =	vshll.u32 v9, $0x7  }
0x244: {  	s15 =	sadd.s32 $0x10, s15;
	v9 =	vor.u32 v8, v9;
	[tilespmem:v11+s0+$0x0] =	vst.idx.msk $0xffff, v10  }
0x245: {  	v10 =	vld [tilespmem:s15+$0x0];
	v11 =	vor.u32 $0x20, v9;
	_ =	sdelay $0x4  }
0x246: {  	[tilespmem:v11+s0+$0x0] =	vst.idx.msk $0xffff, v10  }
0x247: {  	v11 =	vor.u32 $0x21, v9;
	v10 =	vld [tilespmem:s15+$0x140];
	_ =	sdelay $0x4  }
0x248: {  	[tilespmem:v11+s0+$0x0] =	vst.idx.msk $0xffff, v10  }
0x249: {  	v11 =	vor.u32 $0x22, v9;
	v10 =	vld [tilespmem:s15+$0x280];
	_ =	sdelay $0x4  }
0x24a: {  	[tilespmem:v11+s0+$0x0] =	vst.idx.msk $0xffff, v10  }
0x24b: {  	v11 =	vor.u32 $0x23, v9;
	v10 =	vld [tilespmem:s15+$0x3C0];
	_ =	sdelay $0x4  }
0x24c: {  	[tilespmem:v11+s0+$0x0] =	vst.idx.msk $0xffff, v10  }
0x24d: {  	v11 =	vor.u32 $0x24, v9;
	v10 =	vld [tilespmem:s15+$0x500];
	_ =	sdelay $0x4  }
0x24e: {  	[tilespmem:v11+s0+$0x0] =	vst.idx.msk $0xffff, v10  }
0x24f: {  	v11 =	vor.u32 $0x25, v9;
	v10 =	vld [tilespmem:s15+$0x640];
	_ =	sdelay $0x4  }
0x250: {  	[tilespmem:v11+s0+$0x0] =	vst.idx.msk $0xffff, v10  }
0x251: {  	v11 =	vor.u32 $0x26, v9;
	v10 =	vld [tilespmem:s15+$0x780];
	_ =	sdelay $0x4  }
0x252: {  	[tilespmem:v11+s0+$0x0] =	vst.idx.msk $0xffff, v10  }
0x253: {  	v11 =	vor.u32 $0x27, v9;
	v10 =	vld [tilespmem:s15+$0x8C0];
	_ =	sdelay $0x4  }
0x254: {  	[tilespmem:v11+s0+$0x0] =	vst.idx.msk $0xffff, v10  }
0x255: {  	v11 =	vor.u32 $0x28, v9;
	v10 =	vld [tilespmem:s15+$0xA00];
	_ =	sdelay $0x4  }
0x256: {  	[tilespmem:v11+s0+$0x0] =	vst.idx.msk $0xffff, v10  }
0x257: {  	v11 =	vor.u32 $0x29, v9;
	v10 =	vld [tilespmem:s15+$0xB40];
	_ =	sdelay $0x4  }
0x258: {  	[tilespmem:v11+s0+$0x0] =	vst.idx.msk $0xffff, v10  }
0x259: {  	v11 =	vor.u32 $0x2A, v9;
	v10 =	vld [tilespmem:s15+$0xC80];
	_ =	sdelay $0x4  }
0x25a: {  	[tilespmem:v11+s0+$0x0] =	vst.idx.msk $0xffff, v10  }
0x25b: {  	v11 =	vor.u32 $0x2B, v9;
	v10 =	vld [tilespmem:s15+$0xDC0];
	_ =	sdelay $0x4  }
0x25c: {  	[tilespmem:v11+s0+$0x0] =	vst.idx.msk $0xffff, v10  }
0x25d: {  	v11 =	vor.u32 $0x2C, v9;
	v10 =	vld [tilespmem:s15+$0xF00];
	_ =	sdelay $0x4  }
0x25e: {  	[tilespmem:v11+s0+$0x0] =	vst.idx.msk $0xffff, v10  }
0x25f: {  	v11 =	vor.u32 $0x2D, v9;
	v10 =	vld [tilespmem:s15+$0x1040];
	_ =	sdelay $0x4  }
0x260: {  	[tilespmem:v11+s0+$0x0] =	vst.idx.msk $0xffff, v10  }
0x261: {  	v11 =	vor.u32 $0x2E, v9;
	v10 =	vld [tilespmem:s15+$0x1180];
	_ =	sdelay $0x4  }
0x262: {  	[tilespmem:v11+s0+$0x0] =	vst.idx.msk $0xffff, v10  }
0x263: {  	v9 =	vor.u32 $0x2F, v9;
	v10 =	vld [tilespmem:s15+$0x12C0];
	_ =	sdelay $0x4  }
0x264: {  	[tilespmem:v9+s0+$0x0] =	vst.idx.msk $0xffff, v10  }
0x265: {  	_ =	swait.ge [sflag:s16], $0x1400  }
0x266: {  	[sflag:s16] =	ssyncset.done $0x0  }
0x267: {  	s15 =	simm.s32 $0xA900;
	[sflag:s16] =	ssyncadd.s32 $0xFFFFEC00  }
0x268: {  	s18 =	simm.s32 $0xEC0;
	s19 =	simm.s32 $0x1EC0;
	v9 =	vld [tilespmem:s15+$0xFFFFFFC0]  }
.LBB2_28:
0x269: {  	p1 =	sne.s32 s19, $0x27EC0;
	_ =	sdelay $0x2  }
0x26a: {  	s20 =	sshra.s32 s18, $0x2;
	s18 =	smov.u32 s19  }
0x26b: {  	[tilespmem:s20+$0xE140] =	vst v9  }
0x26c: {  	v9 =	vld [tilespmem:s15+$0xFFFFFFD0];
	_ =	sdelay $0x4  }
0x26d: {  	[tilespmem:s20+$0xE1C0] =	vst v9  }
0x26e: {  	v9 =	vld [tilespmem:s15+$0xFFFFFFE0];
	_ =	sdelay $0x4  }
0x26f: {  	[tilespmem:s20+$0xE240] =	vst v9  }
0x270: {  	v9 =	vld [tilespmem:s15+$0xFFFFFFF0];
	_ =	sdelay $0x4  }
0x271: {  	[tilespmem:s20+$0xE2C0] =	vst v9  }
0x272: {  	v9 =	vld [tilespmem:s15+$0x0];
	_ =	sdelay $0x4  }
0x273: {  	[tilespmem:s20+$0xE340] =	vst v9  }
0x274: {  	v9 =	vld [tilespmem:s15+$0x10];
	_ =	sdelay $0x4  }
0x275: {  	[tilespmem:s20+$0xE3C0] =	vst v9  }
0x276: {  	v9 =	vld [tilespmem:s15+$0x20];
	_ =	sdelay $0x4  }
0x277: {  	[tilespmem:s20+$0xE440] =	vst v9  }
0x278: {  	v9 =	vld [tilespmem:s15+$0x30];
	_ =	sdelay $0x1  }
.Ltmp15:
0x279: {  	(pc) =	sbr.rel @p1 .LBB2_28-.Ltmp15, $3  }
0x27a: {  	_ =	sdelay $0x1  }
0x27b: {  	s15 =	sadd.s32 $0x80, s15;
	[tilespmem:s20+$0xE4C0] =	vst v9  }
0x27c: {  	s19 =	sadd.s32 $0x1000, s19;
	v9 =	vld [tilespmem:s15+$0xFFFFFFC0]  }
0x27d: {  	_ =	sdelay $0x2  }
0x27e: {  	s18 =	sshra.s32 s18, $0x2  }
0x27f: {  	[tilespmem:s18+$0xE140] =	vst v9  }
0x280: {  	v9 =	vld [tilespmem:s15+$0xFFFFFFD0];
	_ =	sdelay $0x4  }
0x281: {  	[tilespmem:s18+$0xE1C0] =	vst v9  }
0x282: {  	v9 =	vld [tilespmem:s15+$0xFFFFFFE0];
	_ =	sdelay $0x4  }
0x283: {  	[tilespmem:s18+$0xE240] =	vst v9  }
0x284: {  	v9 =	vld [tilespmem:s15+$0xFFFFFFF0];
	_ =	sdelay $0x4  }
0x285: {  	[tilespmem:s18+$0xE2C0] =	vst v9  }
0x286: {  	v9 =	vld [tilespmem:s15+$0x0];
	_ =	sdelay $0x4  }
0x287: {  	[tilespmem:s18+$0xE340] =	vst v9  }
0x288: {  	v9 =	vld [tilespmem:s15+$0x10];
	_ =	sdelay $0x4  }
0x289: {  	[tilespmem:s18+$0xE3C0] =	vst v9  }
0x28a: {  	v9 =	vld [tilespmem:s15+$0x20];
	_ =	sdelay $0x4  }
0x28b: {  	[tilespmem:s18+$0xE440] =	vst v9  }
0x28c: {  	v9 =	vld [tilespmem:s15+$0x30];
	_ =	sdelay $0x4  }
0x28d: {  	[tilespmem:s18+$0xE4C0] =	vst v9  }
0x28e: {  	_ =	swait.ge [sflag:s16], $0x1400  }
0x28f: {  	[sflag:s16] =	ssyncset.done $0x0  }
0x290: {  	s24 =	simm.s32 $0x0;
	[sflag:s16] =	ssyncadd.s32 $0xFFFFEC00  }
0x291: {  	v9 =	vld [tilespmem:s24+$0xBCC0];
	_ =	sdelay $0x3  }
0x292: {  	s15 =	simm.s32 $0xE700  }
0x293: {  	[tilespmem:s15+$0xFFFFFE00] =	vst v9  }
0x294: {  	v9 =	vld [tilespmem:s24+$0xBCD0];
	_ =	sdelay $0x4  }
0x295: {  	[tilespmem:s15+$0xFFFFFE80] =	vst v9  }
0x296: {  	v9 =	vld [tilespmem:s24+$0xBCE0];
	_ =	sdelay $0x4  }
0x297: {  	[tilespmem:s15+$0xFFFFFF00] =	vst v9  }
0x298: {  	v9 =	vld [tilespmem:s24+$0xBCF0];
	_ =	sdelay $0x4  }
0x299: {  	[tilespmem:s15+$0xFFFFFF80] =	vst v9  }
0x29a: {  	v9 =	vld [tilespmem:s24+$0xBD00];
	_ =	sdelay $0x4  }
0x29b: {  	[tilespmem:s15+$0x0] =	vst v9  }
0x29c: {  	v9 =	vld [tilespmem:s24+$0xBD10];
	_ =	sdelay $0x4  }
0x29d: {  	[tilespmem:s15+$0x80] =	vst v9  }
0x29e: {  	v9 =	vld [tilespmem:s24+$0xBD20];
	_ =	sdelay $0x4  }
0x29f: {  	[tilespmem:s15+$0x100] =	vst v9  }
0x2a0: {  	v9 =	vld [tilespmem:s24+$0xBD30];
	_ =	sdelay $0x4  }
0x2a1: {  	s19 =	simm.s32 $0x400;
	s18 =	simm.s32 $0x80;
	[tilespmem:s15+$0x180] =	vst v9  }
.LBB2_30:
0x2a2: {  	p1 =	sne.s32 s19, $0x4E00;
	v9 =	vld [tilespmem:s18+$0xBCC0];
	_ =	sdelay $0x3  }
0x2a3: {  	s15 =	sadd.s32 $0x400, s15  }
0x2a4: {  	[tilespmem:s15+$0xFFFFFE00] =	vst v9  }
0x2a5: {  	v9 =	vld [tilespmem:s18+$0xBCD0];
	_ =	sdelay $0x4  }
0x2a6: {  	[tilespmem:s15+$0xFFFFFE80] =	vst v9  }
0x2a7: {  	v9 =	vld [tilespmem:s18+$0xBCE0];
	_ =	sdelay $0x4  }
0x2a8: {  	[tilespmem:s15+$0xFFFFFF00] =	vst v9  }
0x2a9: {  	v9 =	vld [tilespmem:s18+$0xBCF0];
	_ =	sdelay $0x4  }
0x2aa: {  	[tilespmem:s15+$0xFFFFFF80] =	vst v9  }
0x2ab: {  	v9 =	vld [tilespmem:s18+$0xBD00];
	_ =	sdelay $0x4  }
0x2ac: {  	[tilespmem:s15+$0x0] =	vst v9  }
0x2ad: {  	v9 =	vld [tilespmem:s18+$0xBD10];
	_ =	sdelay $0x4  }
0x2ae: {  	[tilespmem:s15+$0x80] =	vst v9  }
0x2af: {  	v9 =	vld [tilespmem:s18+$0xBD20];
	_ =	sdelay $0x4  }
0x2b0: {  	[tilespmem:s15+$0x100] =	vst v9  }
0x2b1: {  	v9 =	vld [tilespmem:s18+$0xBD30]  }
.Ltmp16:
0x2b2: {  	(pc) =	sbr.rel @p1 .LBB2_30-.Ltmp16, $2  }
0x2b3: {  	_ =	sdelay $0x2  }
0x2b4: {  	s18 =	sshra.s32 s19, $0x2;
	s19 =	sadd.s32 $0x200, s19;
	[tilespmem:s15+$0x180] =	vst v9  }
0x2b5: {  	v9 =	vld [tilespmem:s18+$0xBCC0];
	_ =	sdelay $0x3  }
0x2b6: {  	s15 =	sadd.s32 $0x400, s15  }
0x2b7: {  	[tilespmem:s15+$0xFFFFFE00] =	vst v9  }
0x2b8: {  	v9 =	vld [tilespmem:s18+$0xBCD0];
	_ =	sdelay $0x4  }
0x2b9: {  	[tilespmem:s15+$0xFFFFFE80] =	vst v9  }
0x2ba: {  	v9 =	vld [tilespmem:s18+$0xBCE0];
	_ =	sdelay $0x4  }
0x2bb: {  	[tilespmem:s15+$0xFFFFFF00] =	vst v9  }
0x2bc: {  	v9 =	vld [tilespmem:s18+$0xBCF0];
	_ =	sdelay $0x4  }
0x2bd: {  	[tilespmem:s15+$0xFFFFFF80] =	vst v9  }
0x2be: {  	v9 =	vld [tilespmem:s18+$0xBD00];
	_ =	sdelay $0x4  }
0x2bf: {  	[tilespmem:s15+$0x0] =	vst v9  }
0x2c0: {  	v9 =	vld [tilespmem:s18+$0xBD10];
	_ =	sdelay $0x4  }
0x2c1: {  	[tilespmem:s15+$0x80] =	vst v9  }
0x2c2: {  	v9 =	vld [tilespmem:s18+$0xBD20];
	_ =	sdelay $0x4  }
0x2c3: {  	[tilespmem:s15+$0x100] =	vst v9  }
0x2c4: {  	v9 =	vld [tilespmem:s18+$0xBD30];
	_ =	sdelay $0x4  }
0x2c5: {  	[tilespmem:s15+$0x180] =	vst v9  }
0x2c6: {  	_ =	swait.ge [sflag:s16], $0x1400  }
0x2c7: {  	[sflag:s16] =	ssyncset.done $0x0  }
0x2c8: {  	s24 =	simm.s32 $0x0;
	[sflag:s16] =	ssyncadd.s32 $0xFFFFEC00  }
0x2c9: {  	v9 =	vld [tilespmem:s24+$0xD0C0];
	_ =	sdelay $0x3  }
0x2ca: {  	s15 =	simm.s32 $0xE710  }
0x2cb: {  	[tilespmem:s15+$0xFFFFFE00] =	vst v9  }
0x2cc: {  	v9 =	vld [tilespmem:s24+$0xD0D0];
	_ =	sdelay $0x4  }
0x2cd: {  	[tilespmem:s15+$0xFFFFFE80] =	vst v9  }
0x2ce: {  	v9 =	vld [tilespmem:s24+$0xD0E0];
	_ =	sdelay $0x4  }
0x2cf: {  	[tilespmem:s15+$0xFFFFFF00] =	vst v9  }
0x2d0: {  	v9 =	vld [tilespmem:s24+$0xD0F0];
	_ =	sdelay $0x4  }
0x2d1: {  	[tilespmem:s15+$0xFFFFFF80] =	vst v9  }
0x2d2: {  	v9 =	vld [tilespmem:s24+$0xD100];
	_ =	sdelay $0x4  }
0x2d3: {  	[tilespmem:s15+$0x0] =	vst v9  }
0x2d4: {  	v9 =	vld [tilespmem:s24+$0xD110];
	_ =	sdelay $0x4  }
0x2d5: {  	[tilespmem:s15+$0x80] =	vst v9  }
0x2d6: {  	v9 =	vld [tilespmem:s24+$0xD120];
	_ =	sdelay $0x4  }
0x2d7: {  	[tilespmem:s15+$0x100] =	vst v9  }
0x2d8: {  	v9 =	vld [tilespmem:s24+$0xD130];
	_ =	sdelay $0x4  }
0x2d9: {  	s19 =	simm.s32 $0x400;
	s18 =	simm.s32 $0x80;
	[tilespmem:s15+$0x180] =	vst v9  }
.LBB2_32:
0x2da: {  	p1 =	sne.s32 s19, $0x4E00;
	v9 =	vld [tilespmem:s18+$0xD0C0];
	_ =	sdelay $0x3  }
0x2db: {  	s15 =	sadd.s32 $0x400, s15  }
0x2dc: {  	[tilespmem:s15+$0xFFFFFE00] =	vst v9  }
0x2dd: {  	v9 =	vld [tilespmem:s18+$0xD0D0];
	_ =	sdelay $0x4  }
0x2de: {  	[tilespmem:s15+$0xFFFFFE80] =	vst v9  }
0x2df: {  	v9 =	vld [tilespmem:s18+$0xD0E0];
	_ =	sdelay $0x4  }
0x2e0: {  	[tilespmem:s15+$0xFFFFFF00] =	vst v9  }
0x2e1: {  	v9 =	vld [tilespmem:s18+$0xD0F0];
	_ =	sdelay $0x4  }
0x2e2: {  	[tilespmem:s15+$0xFFFFFF80] =	vst v9  }
0x2e3: {  	v9 =	vld [tilespmem:s18+$0xD100];
	_ =	sdelay $0x4  }
0x2e4: {  	[tilespmem:s15+$0x0] =	vst v9  }
0x2e5: {  	v9 =	vld [tilespmem:s18+$0xD110];
	_ =	sdelay $0x4  }
0x2e6: {  	[tilespmem:s15+$0x80] =	vst v9  }
0x2e7: {  	v9 =	vld [tilespmem:s18+$0xD120];
	_ =	sdelay $0x4  }
0x2e8: {  	[tilespmem:s15+$0x100] =	vst v9  }
0x2e9: {  	v9 =	vld [tilespmem:s18+$0xD130]  }
.Ltmp17:
0x2ea: {  	(pc) =	sbr.rel @p1 .LBB2_32-.Ltmp17, $2  }
0x2eb: {  	_ =	sdelay $0x2  }
0x2ec: {  	s18 =	sshra.s32 s19, $0x2;
	s19 =	sadd.s32 $0x200, s19;
	[tilespmem:s15+$0x180] =	vst v9  }
0x2ed: {  	v9 =	vld [tilespmem:s18+$0xD0C0];
	_ =	sdelay $0x3  }
0x2ee: {  	s15 =	sadd.s32 $0x400, s15  }
0x2ef: {  	[tilespmem:s15+$0xFFFFFE00] =	vst v9  }
0x2f0: {  	v9 =	vld [tilespmem:s18+$0xD0D0];
	_ =	sdelay $0x4  }
0x2f1: {  	[tilespmem:s15+$0xFFFFFE80] =	vst v9  }
0x2f2: {  	v9 =	vld [tilespmem:s18+$0xD0E0];
	_ =	sdelay $0x4  }
0x2f3: {  	[tilespmem:s15+$0xFFFFFF00] =	vst v9  }
0x2f4: {  	v9 =	vld [tilespmem:s18+$0xD0F0];
	_ =	sdelay $0x4  }
0x2f5: {  	[tilespmem:s15+$0xFFFFFF80] =	vst v9  }
0x2f6: {  	v9 =	vld [tilespmem:s18+$0xD100];
	_ =	sdelay $0x4  }
0x2f7: {  	[tilespmem:s15+$0x0] =	vst v9  }
0x2f8: {  	v9 =	vld [tilespmem:s18+$0xD110];
	_ =	sdelay $0x4  }
0x2f9: {  	[tilespmem:s15+$0x80] =	vst v9  }
0x2fa: {  	v9 =	vld [tilespmem:s18+$0xD120];
	_ =	sdelay $0x4  }
0x2fb: {  	[tilespmem:s15+$0x100] =	vst v9  }
0x2fc: {  	v9 =	vld [tilespmem:s18+$0xD130];
	_ =	sdelay $0x4  }
0x2fd: {  	[tilespmem:s15+$0x180] =	vst v9  }
0x2fe: {  	[hbm4b:s10+s2] =	stream.linear.scatter [tilespmem:s0], [sflag:$0x3], $0xA000, $0x38;
	[tilespmem:$0x1FCC0] =	vst v63  }
0x2ff: {  	s14 =	sadd.s32 $0x1, s14;
	_ =	swait.ge [sflag:s3], $0xA000  }
0x300: {  	p1 =	sne.s32 s14, s12;
	[sflag:s3] =	ssyncset.done $0x0  }
.Ltmp18:
0x301: {  	[sflag:s3] =	ssyncadd.s32 $0xFFFF6000;
	(pc) =	sbr.rel @p1 .LBB2_1-.Ltmp18, $4  }
0x302: {  	[hbm4b:s11+s2] =	stream.linear.scatter [tilespmem:s1], [sflag:$0x3], $0x140, $0x38;
	[tilespmem:$0x1FCC0] =	vst v63  }
0x303: {  	_ =	swait.ge [sflag:s3], $0x140  }
0x304: {  	[sflag:s3] =	ssyncset.done $0x0  }
0x305: {  	[sflag:s3] =	ssyncadd.s32 $0xFFFFFEC0  }
0x306: {  	_ =	sfence.sel $0x180000  }
0x307: {  	[bflag:$0x0] =	sbarrier.arrive $0xFFFF  }
0x308: {  	_ =	strace $0x9000004A  }
0x309: {  	s0 =	stileid.u32;
	[bflag:$0x2] =	sbarrier.arrive $0xFFFF  }
0x30a: {  	p0 =	sne.s32 s0, $0x0;
	s0 =	rddreg [dreg:$0x2]  }
0x30b: {  	s0 =	sadd.s32 @!p0 $0x100000, s0  }
0x30c: {  	[sflag:s0] =	ssyncadd.tile.s32 @!p0 $0x1;
	_ =	shalt  }
.Lfunc_end2:
_tile_overlayer_lowered:
.L_overlay_start_2:
0x30d: {  	(tag) =	ssettag $0x2  }
0x30e: {  	s0 =	rddreg [dreg:$0x0];
	s2 =	stileid.u32  }
0x30f: {  	s1 =	rddreg [dreg:$0x1];
	p0 =	sne.s32 s2, $0x0  }
0x310: {  	s3 =	rddreg [dreg:$0x2];
	[bflag:$0x3] =	sbarrier.arrive $0xFFFF;
	s2 =	simm.s32 @!p0 $0x1C03  }
0x311: {  	[timem:s3], [sflag:s2] =	dma.local @!p0 [hbm:s0], s1  }
0x312: {  	s0 =	simm.s32 @!p0 $0x3  }
0x313: {  	_ =	swait.ge @!p0 [sflag:s0], s1  }
0x314: {  	s1 =	ssub.s32 @!p0 $0x0, s1;
	[sflag:s0] =	ssyncset.done @!p0 $0x0  }
0x315: {  	[sflag:s0] =	ssyncadd.s32 @!p0 s1  }
0x316: {  	[bflag:$0x3] =	sbarrier.arrive $0xFFFF  }
0x317: {  	_ =	shalt  }

</sc_bundles>
